<compile_context>
chip_gen: v7x
topology: tpu7x:2x2x1
jax: 0.10.2.dev20260603
libtpu: 0.0.44.dev20260713+nightly
codegen_flags: <defaults>
</compile_context>

<pallas_src>
import functools
import jax
import jax.numpy as jnp
from jax import lax
from jax.experimental import pallas as pl
from jax.experimental.pallas import tpu as pltpu, tpu_sc as plsc

B = 2048
C = 128
NC = 2
NS = 16
NW = NC * NS
SC_ROWS = 256
SC_PER = SC_ROWS // NW
RB = 4
NBLK = C // 16


def _tc_body(x_ref, keep_ref, mix_ref, o_ref):
    xb = x_ref[...]
    y = jax.lax.dot_general(
        xb, mix_ref[...], (((1,), (1,)), ((), ())),
        preferred_element_type=jnp.float32,
    )
    o_ref[...] = xb * (keep_ref[...] + 0.5 * y)


def _sc_body(x_hbm, keep_hbm, mt_hbm, out_hbm, x_v, mt_v, keep_v, out_v):
    cid = lax.axis_index("c")
    sid = lax.axis_index("s")
    wid = sid * NC + cid
    base = wid * SC_PER
    pltpu.sync_copy(x_hbm.at[pl.ds(base, SC_PER)], x_v)
    pltpu.sync_copy(mt_hbm, mt_v)
    pltpu.sync_copy(keep_hbm, keep_v)

    def row_block(rb, _):
        r0 = rb * RB

        def j_step(jb, acc):
            j0 = jb * 16
            xv = [x_v[r0 + r, pl.ds(j0, 16)] for r in range(RB)]
            acc = list(acc)
            for l in range(16):
                mrow = [mt_v[j0 + l, pl.ds(16 * b, 16)] for b in range(NBLK)]
                for r in range(RB):
                    xj = xv[r][l]
                    for b in range(NBLK):
                        acc[r * NBLK + b] = acc[r * NBLK + b] + xj * mrow[b]
            return tuple(acc)

        zero = jnp.zeros((16,), jnp.float32)
        acc = lax.fori_loop(0, C // 16, j_step,
                            tuple(zero for _ in range(RB * NBLK)))
        for r in range(RB):
            for b in range(NBLK):
                sl = pl.ds(16 * b, 16)
                out_v[r0 + r, sl] = x_v[r0 + r, sl] * (
                    keep_v[sl] + 0.5 * acc[r * NBLK + b])
        return 0

    lax.fori_loop(0, SC_PER // RB, row_block, 0)
    pltpu.sync_copy(out_v, out_hbm.at[pl.ds(base, SC_PER)])


def kernel(x, keep_coeff, mix_coeff):
    n, c = x.shape
    mix = mix_coeff.reshape(c, c)
    keep2d = keep_coeff.reshape(1, c)
    tc_rows = n - SC_ROWS

    tc_out = pl.pallas_call(
        _tc_body,
        out_shape=jax.ShapeDtypeStruct((tc_rows, c), x.dtype),
        grid=(1,),
        in_specs=[
            pl.BlockSpec((tc_rows, c), lambda i: (0, 0)),
            pl.BlockSpec((1, c), lambda i: (0, 0)),
            pl.BlockSpec((c, c), lambda i: (0, 0)),
        ],
        out_specs=pl.BlockSpec((tc_rows, c), lambda i: (0, 0)),
    )(x[:tc_rows], keep2d, mix)

    mesh = plsc.VectorSubcoreMesh(core_axis_name="c", subcore_axis_name="s")
    sc_k = functools.partial(
        pl.kernel,
        mesh=mesh,
        out_type=jax.ShapeDtypeStruct((SC_ROWS, c), jnp.float32),
        scratch_types=[
            pltpu.VMEM((SC_PER, C), jnp.float32),
            pltpu.VMEM((C, C), jnp.float32),
            pltpu.VMEM((C,), jnp.float32),
            pltpu.VMEM((SC_PER, C), jnp.float32),
        ],
    )(_sc_body)
    sc_out = sc_k(x[tc_rows:], keep_coeff, mix.T)

    return jnp.concatenate([tc_out, sc_out], axis=0)

# --- scband reference (transcript-rebuilt; emitter-appended) ---
"""Pipeline reference for scband-self-mixing-31791347925868 (READ-ONLY COPY).

The authoritative reference and input builder live on the scoring server;
editing this copy changes nothing except your own understanding.
"""

import jax, jax.numpy as jnp
import numpy as np

# SelfMixing with metadata=[128] (single l=0 order), order_out forced to metadata.shape[0]=1, group='so3'.
# For an all-scalar (l=0) SphericalTensor, the CG tensor product x (x) x reduces to the full outer
# product over the C channels (CG coefficient <00|00;00> = 1), giving C*C coupled channels
# (overlap_out=False). The overlap (dummy) coupler layout sums each block of C products back into
# one of the C output channels (repids_cp_out = flat_idx // C), and the 'keep' path adds
# keep_coeff * x into the matching channels via repids_in / repids_out = arange(C).
# out[:, i] = keep_coeff[i] * x[:, i] + 0.5 * sum_j mix_coeff[i*C + j] * x[:, i] * x[:, j]

B = 2048
C = 128

def setup_inputs(seed: int = 0) -> dict:
    key = jax.random.key(seed)
    k1, k2, k3 = jax.random.split(key, 3)
    x = jax.random.normal(k1, (B, C), dtype=jnp.float32)
    s3 = float(np.sqrt(3.0))
    keep_coeff = jax.random.uniform(k2, (C,), dtype=jnp.float32, minval=-s3, maxval=s3)
    mix_coeff = jax.random.uniform(k3, (C * C,), dtype=jnp.float32, minval=-s3, maxval=s3)
    return {"x": x, "keep_coeff": keep_coeff, "mix_coeff": mix_coeff}


def reference(x, keep_coeff, mix_coeff):
    n, c = x.shape
    # static index buffers (registered buffers in the torch module)
    repids_cp_out = jnp.arange(c * c, dtype=jnp.int32) // c
    repids_in = jnp.arange(c, dtype=jnp.int32)
    repids_out = jnp.arange(c, dtype=jnp.int32)
    # keep path: scalar_mul by keep_coeff (broadcast over batch)
    tmp_x = x * keep_coeff[None, :]
    # CG coupling path: full outer product over channels, * 0.5, * mix_coeff
    cat_tp_out = (x[:, :, None] * x[:, None, :]).reshape(n, c * c)
    cat_tp_out = cat_tp_out * 0.5 * mix_coeff[None, :]
    # index_add into output layout along the coupling dim
    out = jnp.zeros((n, c), dtype=x.dtype)
    out = out.at[:, repids_cp_out].add(cat_tp_out)
    # add the kept (rescaled) input channels via index_select / index_add
    out = out.at[:, repids_out].add(jnp.take(tmp_x, repids_in, axis=1))
    return out

if __name__ == "__main__":
    import jax
    _d = setup_inputs()
    print(jax.jit(kernel)(*tuple(_d.values())))

</pallas_src>

<mosaic_0001>
#map = affine_map<(d0, d1) -> (0, 0)>
#map1 = affine_map<(d0, d1) -> (0)>
module attributes {stable_mosaic.version = 14 : i64} {
  func.func @_sc_body(%arg0: i32, %arg1: i32, %arg2: memref<256x128xf32, #tpu.memory_space<hbm>>, %arg3: memref<128xf32, #tpu.memory_space<hbm>>, %arg4: memref<128x128xf32, #tpu.memory_space<hbm>>, %arg5: memref<256x128xf32, #tpu.memory_space<hbm>>, %arg6: memref<8x128xf32, #tpu.memory_space<vmem>>, %arg7: memref<128x128xf32, #tpu.memory_space<vmem>>, %arg8: memref<128xf32, #tpu.memory_space<vmem>>, %arg9: memref<8x128xf32, #tpu.memory_space<vmem>>) attributes {dimension_semantics = [#tpu.dimension_semantics<core_parallel>, #tpu.dimension_semantics<subcore_parallel>], iteration_bounds = array<i64: 2, 16>, scalar_prefetch = 0 : i64, scratch_operands = 4 : i64, tpu.core_type = #tpu.core_type<sc_vector_subcore>, window_params = [{transform_indices = #map}, {transform_indices = #map1}, {transform_indices = #map}, {transform_indices = #map}]} {
    %mul3A = arith.constant 2 : i32
    %mul3A_0 = arith.muli %arg1, %mul3A : i32
    %add3A = arith.addi %mul3A_0, %arg0 : i32
    %mul3A_1 = arith.constant 8 : i32
    %mul3A_2 = arith.muli %add3A, %mul3A_1 : i32
    "tpu.region"() ({
      %run_scoped3A = tpu.sem_alloc : memref<!tpu.dma_semaphore, #tpu.memory_space<semaphore_mem>>
      %dma_start3A = arith.constant 0 : i32
      %dma_start3A_9 = tpu.memref_slice %arg2[%mul3A_2, %dma_start3A] : memref<256x128xf32, #tpu.memory_space<hbm>> -> memref<8x128xf32, #tpu.memory_space<hbm>>
      %dma_start3A_10 = arith.constant 0 : i32
      %dma_start3A_11 = tpu.memref_slice %arg2[%mul3A_2, %dma_start3A_10] : memref<256x128xf32, #tpu.memory_space<hbm>> -> memref<8x128xf32, #tpu.memory_space<hbm>>
      tpu.enqueue_dma source(%dma_start3A_11 : memref<8x128xf32, #tpu.memory_space<hbm>>) target(%arg6 : memref<8x128xf32, #tpu.memory_space<vmem>>) target_semaphore(%run_scoped3A : memref<!tpu.dma_semaphore, #tpu.memory_space<semaphore_mem>>)
      %dma_wait3A = arith.constant 0 : i32
      %dma_wait3A_12 = tpu.memref_slice %arg2[%mul3A_2, %dma_wait3A] : memref<256x128xf32, #tpu.memory_space<hbm>> -> memref<8x128xf32, #tpu.memory_space<hbm>>
      %dma_wait3A_13 = arith.constant 0 : i32
      %dma_wait3A_14 = tpu.memref_slice %arg2[%mul3A_2, %dma_wait3A_13] : memref<256x128xf32, #tpu.memory_space<hbm>> -> memref<8x128xf32, #tpu.memory_space<hbm>>
      tpu.wait_dma2 semaphore(%run_scoped3A : memref<!tpu.dma_semaphore, #tpu.memory_space<semaphore_mem>>) src(%dma_wait3A_14 : memref<8x128xf32, #tpu.memory_space<hbm>>) dst(%arg6 : memref<8x128xf32, #tpu.memory_space<vmem>>)
      tpu.yield
    }) : () -> ()
    "tpu.region"() ({
      %run_scoped3A = tpu.sem_alloc : memref<!tpu.dma_semaphore, #tpu.memory_space<semaphore_mem>>
      tpu.enqueue_dma source(%arg4 : memref<128x128xf32, #tpu.memory_space<hbm>>) target(%arg7 : memref<128x128xf32, #tpu.memory_space<vmem>>) target_semaphore(%run_scoped3A : memref<!tpu.dma_semaphore, #tpu.memory_space<semaphore_mem>>)
      tpu.wait_dma2 semaphore(%run_scoped3A : memref<!tpu.dma_semaphore, #tpu.memory_space<semaphore_mem>>) src(%arg4 : memref<128x128xf32, #tpu.memory_space<hbm>>) dst(%arg7 : memref<128x128xf32, #tpu.memory_space<vmem>>)
      tpu.yield
    }) : () -> ()
    "tpu.region"() ({
      %run_scoped3A = tpu.sem_alloc : memref<!tpu.dma_semaphore, #tpu.memory_space<semaphore_mem>>
      tpu.enqueue_dma source(%arg3 : memref<128xf32, #tpu.memory_space<hbm>>) target(%arg8 : memref<128xf32, #tpu.memory_space<vmem>>) target_semaphore(%run_scoped3A : memref<!tpu.dma_semaphore, #tpu.memory_space<semaphore_mem>>)
      tpu.wait_dma2 semaphore(%run_scoped3A : memref<!tpu.dma_semaphore, #tpu.memory_space<semaphore_mem>>) src(%arg3 : memref<128xf32, #tpu.memory_space<hbm>>) dst(%arg8 : memref<128xf32, #tpu.memory_space<vmem>>)
      tpu.yield
    }) : () -> ()
    %scan3A = arith.constant 0 : i32
    %scan3A_3 = arith.constant 0 : i32
    %scan3A_4 = arith.constant 2 : i32
    %scan3A_5 = arith.addi %scan3A_3, %scan3A_4 : i32
    %scan3A_6 = arith.constant 1 : i32
    %scan3A_7 = scf.for %scan3A_9 = %scan3A_3 to %scan3A_5 step %scan3A_6 iter_args(%scan3A_10 = %scan3A) -> (i32)  : i32 {
      %mul3A_11 = arith.constant 4 : i32
      %mul3A_12 = arith.muli %scan3A_9, %mul3A_11 : i32
      %broadcast_in_dim3A = arith.constant 0.000000e+00 : f32
      %broadcast_in_dim3A_13 = vector.broadcast %broadcast_in_dim3A : f32 to vector<16xf32>
      %scan3A_14 = arith.constant 0 : i32
      %scan3A_15 = arith.constant 8 : i32
      %scan3A_16 = arith.addi %scan3A_14, %scan3A_15 : i32
      %scan3A_17 = arith.constant 1 : i32
      %scan3A_18:32 = scf.for %scan3A_691 = %scan3A_14 to %scan3A_16 step %scan3A_17 iter_args(%scan3A_692 = %broadcast_in_dim3A_13, %scan3A_693 = %broadcast_in_dim3A_13, %scan3A_694 = %broadcast_in_dim3A_13, %scan3A_695 = %broadcast_in_dim3A_13, %scan3A_696 = %broadcast_in_dim3A_13, %scan3A_697 = %broadcast_in_dim3A_13, %scan3A_698 = %broadcast_in_dim3A_13, %scan3A_699 = %broadcast_in_dim3A_13, %scan3A_700 = %broadcast_in_dim3A_13, %scan3A_701 = %broadcast_in_dim3A_13, %scan3A_702 = %broadcast_in_dim3A_13, %scan3A_703 = %broadcast_in_dim3A_13, %scan3A_704 = %broadcast_in_dim3A_13, %scan3A_705 = %broadcast_in_dim3A_13, %scan3A_706 = %broadcast_in_dim3A_13, %scan3A_707 = %broadcast_in_dim3A_13, %scan3A_708 = %broadcast_in_dim3A_13, %scan3A_709 = %broadcast_in_dim3A_13, %scan3A_710 = %broadcast_in_dim3A_13, %scan3A_711 = %broadcast_in_dim3A_13, %scan3A_712 = %broadcast_in_dim3A_13, %scan3A_713 = %broadcast_in_dim3A_13, %scan3A_714 = %broadcast_in_dim3A_13, %scan3A_715 = %broadcast_in_dim3A_13, %scan3A_716 = %broadcast_in_dim3A_13, %scan3A_717 = %broadcast_in_dim3A_13, %scan3A_718 = %broadcast_in_dim3A_13, %scan3A_719 = %broadcast_in_dim3A_13, %scan3A_720 = %broadcast_in_dim3A_13, %scan3A_721 = %broadcast_in_dim3A_13, %scan3A_722 = %broadcast_in_dim3A_13, %scan3A_723 = %broadcast_in_dim3A_13) -> (vector<16xf32>, vector<16xf32>, vector<16xf32>, vector<16xf32>, vector<16xf32>, vector<16xf32>, vector<16xf32>, vector<16xf32>, vector<16xf32>, vector<16xf32>, vector<16xf32>, vector<16xf32>, vector<16xf32>, vector<16xf32>, vector<16xf32>, vector<16xf32>, vector<16xf32>, vector<16xf32>, vector<16xf32>, vector<16xf32>, vector<16xf32>, vector<16xf32>, vector<16xf32>, vector<16xf32>, vector<16xf32>, vector<16xf32>, vector<16xf32>, vector<16xf32>, vector<16xf32>, vector<16xf32>, vector<16xf32>, vector<16xf32>)  : i32 {
        %mul3A_724 = arith.constant 16 : i32
        %mul3A_725 = arith.muli %scan3A_691, %mul3A_724 : i32
        %add3A_726 = arith.constant 0 : i32
        %add3A_727 = arith.addi %mul3A_12, %add3A_726 : i32
        %get3A_728 = arith.index_cast %add3A_727 : i32 to index
        %get3A_729 = arith.index_cast %mul3A_725 : i32 to index
        %get3A_730 = tpu.vector_load %arg6[%get3A_728, %get3A_729] {strides = array<i32>} : memref<8x128xf32, #tpu.memory_space<vmem>>, vector<1x16xf32>,
        %get3A_731 = vector.shape_cast %get3A_730 : vector<1x16xf32> to vector<16xf32>
        %add3A_732 = arith.constant 1 : i32
        %add3A_733 = arith.addi %mul3A_12, %add3A_732 : i32
        %get3A_734 = arith.index_cast %add3A_733 : i32 to index
        %get3A_735 = arith.index_cast %mul3A_725 : i32 to index
        %get3A_736 = tpu.vector_load %arg6[%get3A_734, %get3A_735] {strides = array<i32>} : memref<8x128xf32, #tpu.memory_space<vmem>>, vector<1x16xf32>,
        %get3A_737 = vector.shape_cast %get3A_736 : vector<1x16xf32> to vector<16xf32>
        %add3A_738 = arith.constant 2 : i32
        %add3A_739 = arith.addi %mul3A_12, %add3A_738 : i32
        %get3A_740 = arith.index_cast %add3A_739 : i32 to index
        %get3A_741 = arith.index_cast %mul3A_725 : i32 to index
        %get3A_742 = tpu.vector_load %arg6[%get3A_740, %get3A_741] {strides = array<i32>} : memref<8x128xf32, #tpu.memory_space<vmem>>, vector<1x16xf32>,
        %get3A_743 = vector.shape_cast %get3A_742 : vector<1x16xf32> to vector<16xf32>
        %add3A_744 = arith.constant 3 : i32
        %add3A_745 = arith.addi %mul3A_12, %add3A_744 : i32
        %get3A_746 = arith.index_cast %add3A_745 : i32 to index
        %get3A_747 = arith.index_cast %mul3A_725 : i32 to index
        %get3A_748 = tpu.vector_load %arg6[%get3A_746, %get3A_747] {strides = array<i32>} : memref<8x128xf32, #tpu.memory_space<vmem>>, vector<1x16xf32>,
        %get3A_749 = vector.shape_cast %get3A_748 : vector<1x16xf32> to vector<16xf32>
        %add3A_750 = arith.constant 0 : i32
        %add3A_751 = arith.addi %mul3A_725, %add3A_750 : i32
        %get3A_752 = arith.index_cast %add3A_751 : i32 to index
        %get3A_753 = arith.constant 0 : index
        %get3A_754 = tpu.vector_load %arg7[%get3A_752, %get3A_753] {strides = array<i32>} : memref<128x128xf32, #tpu.memory_space<vmem>>, vector<1x16xf32>,
        %get3A_755 = vector.shape_cast %get3A_754 : vector<1x16xf32> to vector<16xf32>
        %add3A_756 = arith.constant 0 : i32
        %add3A_757 = arith.addi %mul3A_725, %add3A_756 : i32
        %get3A_758 = arith.index_cast %add3A_757 : i32 to index
        %get3A_759 = arith.constant 16 : index
        %get3A_760 = tpu.vector_load %arg7[%get3A_758, %get3A_759] {strides = array<i32>} : memref<128x128xf32, #tpu.memory_space<vmem>>, vector<1x16xf32>,
        %get3A_761 = vector.shape_cast %get3A_760 : vector<1x16xf32> to vector<16xf32>
        %add3A_762 = arith.constant 0 : i32
        %add3A_763 = arith.addi %mul3A_725, %add3A_762 : i32
        %get3A_764 = arith.index_cast %add3A_763 : i32 to index
        %get3A_765 = arith.constant 32 : index
        %get3A_766 = tpu.vector_load %arg7[%get3A_764, %get3A_765] {strides = array<i32>} : memref<128x128xf32, #tpu.memory_space<vmem>>, vector<1x16xf32>,
        %get3A_767 = vector.shape_cast %get3A_766 : vector<1x16xf32> to vector<16xf32>
        %add3A_768 = arith.constant 0 : i32
        %add3A_769 = arith.addi %mul3A_725, %add3A_768 : i32
        %get3A_770 = arith.index_cast %add3A_769 : i32 to index
        %get3A_771 = arith.constant 48 : index
        %get3A_772 = tpu.vector_load %arg7[%get3A_770, %get3A_771] {strides = array<i32>} : memref<128x128xf32, #tpu.memory_space<vmem>>, vector<1x16xf32>,
        %get3A_773 = vector.shape_cast %get3A_772 : vector<1x16xf32> to vector<16xf32>
        %add3A_774 = arith.constant 0 : i32
        %add3A_775 = arith.addi %mul3A_725, %add3A_774 : i32
        %get3A_776 = arith.index_cast %add3A_775 : i32 to index
        %get3A_777 = arith.constant 64 : index
        %get3A_778 = tpu.vector_load %arg7[%get3A_776, %get3A_777] {strides = array<i32>} : memref<128x128xf32, #tpu.memory_space<vmem>>, vector<1x16xf32>,
        %get3A_779 = vector.shape_cast %get3A_778 : vector<1x16xf32> to vector<16xf32>
        %add3A_780 = arith.constant 0 : i32
        %add3A_781 = arith.addi %mul3A_725, %add3A_780 : i32
        %get3A_782 = arith.index_cast %add3A_781 : i32 to index
        %get3A_783 = arith.constant 80 : index
        %get3A_784 = tpu.vector_load %arg7[%get3A_782, %get3A_783] {strides = array<i32>} : memref<128x128xf32, #tpu.memory_space<vmem>>, vector<1x16xf32>,
        %get3A_785 = vector.shape_cast %get3A_784 : vector<1x16xf32> to vector<16xf32>
        %add3A_786 = arith.constant 0 : i32
        %add3A_787 = arith.addi %mul3A_725, %add3A_786 : i32
        %get3A_788 = arith.index_cast %add3A_787 : i32 to index
        %get3A_789 = arith.constant 96 : index
        %get3A_790 = tpu.vector_load %arg7[%get3A_788, %get3A_789] {strides = array<i32>} : memref<128x128xf32, #tpu.memory_space<vmem>>, vector<1x16xf32>,
        %get3A_791 = vector.shape_cast %get3A_790 : vector<1x16xf32> to vector<16xf32>
        %add3A_792 = arith.constant 0 : i32
        %add3A_793 = arith.addi %mul3A_725, %add3A_792 : i32
        %get3A_794 = arith.index_cast %add3A_793 : i32 to index
        %get3A_795 = arith.constant 112 : index
        %get3A_796 = tpu.vector_load %arg7[%get3A_794, %get3A_795] {strides = array<i32>} : memref<128x128xf32, #tpu.memory_space<vmem>>, vector<1x16xf32>,
        %get3A_797 = vector.shape_cast %get3A_796 : vector<1x16xf32> to vector<16xf32>
        %slice3A = vector.extract_strided_slice %get3A_731 {offsets = [0], sizes = [1], strides = [1]} : vector<16xf32> to vector<1xf32>
        %squeeze3A = vector.extract %slice3A[0] : f32 from vector<1xf32>
        %mul3A_798 = vector.broadcast %squeeze3A : f32 to vector<16xf32>
        %mul3A_799 = arith.mulf %mul3A_798, %get3A_755 : vector<16xf32>
        %add3A_800 = arith.addf %scan3A_692, %mul3A_799 : vector<16xf32>
        %mul3A_801 = vector.broadcast %squeeze3A : f32 to vector<16xf32>
        %mul3A_802 = arith.mulf %mul3A_801, %get3A_761 : vector<16xf32>
        %add3A_803 = arith.addf %scan3A_693, %mul3A_802 : vector<16xf32>
        %mul3A_804 = vector.broadcast %squeeze3A : f32 to vector<16xf32>
        %mul3A_805 = arith.mulf %mul3A_804, %get3A_767 : vector<16xf32>
        %add3A_806 = arith.addf %scan3A_694, %mul3A_805 : vector<16xf32>
        %mul3A_807 = vector.broadcast %squeeze3A : f32 to vector<16xf32>
        %mul3A_808 = arith.mulf %mul3A_807, %get3A_773 : vector<16xf32>
        %add3A_809 = arith.addf %scan3A_695, %mul3A_808 : vector<16xf32>
        %mul3A_810 = vector.broadcast %squeeze3A : f32 to vector<16xf32>
        %mul3A_811 = arith.mulf %mul3A_810, %get3A_779 : vector<16xf32>
        %add3A_812 = arith.addf %scan3A_696, %mul3A_811 : vector<16xf32>
        %mul3A_813 = vector.broadcast %squeeze3A : f32 to vector<16xf32>
        %mul3A_814 = arith.mulf %mul3A_813, %get3A_785 : vector<16xf32>
        %add3A_815 = arith.addf %scan3A_697, %mul3A_814 : vector<16xf32>
        %mul3A_816 = vector.broadcast %squeeze3A : f32 to vector<16xf32>
        %mul3A_817 = arith.mulf %mul3A_816, %get3A_791 : vector<16xf32>
        %add3A_818 = arith.addf %scan3A_698, %mul3A_817 : vector<16xf32>
        %mul3A_819 = vector.broadcast %squeeze3A : f32 to vector<16xf32>
        %mul3A_820 = arith.mulf %mul3A_819, %get3A_797 : vector<16xf32>
        %add3A_821 = arith.addf %scan3A_699, %mul3A_820 : vector<16xf32>
        %slice3A_822 = vector.extract_strided_slice %get3A_737 {offsets = [0], sizes = [1], strides = [1]} : vector<16xf32> to vector<1xf32>
        %squeeze3A_823 = vector.extract %slice3A_822[0] : f32 from vector<1xf32>
        %mul3A_824 = vector.broadcast %squeeze3A_823 : f32 to vector<16xf32>
        %mul3A_825 = arith.mulf %mul3A_824, %get3A_755 : vector<16xf32>
        %add3A_826 = arith.addf %scan3A_700, %mul3A_825 : vector<16xf32>
        %mul3A_827 = vector.broadcast %squeeze3A_823 : f32 to vector<16xf32>
        %mul3A_828 = arith.mulf %mul3A_827, %get3A_761 : vector<16xf32>
        %add3A_829 = arith.addf %scan3A_701, %mul3A_828 : vector<16xf32>
        %mul3A_830 = vector.broadcast %squeeze3A_823 : f32 to vector<16xf32>
        %mul3A_831 = arith.mulf %mul3A_830, %get3A_767 : vector<16xf32>
        %add3A_832 = arith.addf %scan3A_702, %mul3A_831 : vector<16xf32>
        %mul3A_833 = vector.broadcast %squeeze3A_823 : f32 to vector<16xf32>
        %mul3A_834 = arith.mulf %mul3A_833, %get3A_773 : vector<16xf32>
        %add3A_835 = arith.addf %scan3A_703, %mul3A_834 : vector<16xf32>
        %mul3A_836 = vector.broadcast %squeeze3A_823 : f32 to vector<16xf32>
        %mul3A_837 = arith.mulf %mul3A_836, %get3A_779 : vector<16xf32>
        %add3A_838 = arith.addf %scan3A_704, %mul3A_837 : vector<16xf32>
        %mul3A_839 = vector.broadcast %squeeze3A_823 : f32 to vector<16xf32>
        %mul3A_840 = arith.mulf %mul3A_839, %get3A_785 : vector<16xf32>
        %add3A_841 = arith.addf %scan3A_705, %mul3A_840 : vector<16xf32>
        %mul3A_842 = vector.broadcast %squeeze3A_823 : f32 to vector<16xf32>
        %mul3A_843 = arith.mulf %mul3A_842, %get3A_791 : vector<16xf32>
        %add3A_844 = arith.addf %scan3A_706, %mul3A_843 : vector<16xf32>
        %mul3A_845 = vector.broadcast %squeeze3A_823 : f32 to vector<16xf32>
        %mul3A_846 = arith.mulf %mul3A_845, %get3A_797 : vector<16xf32>
        %add3A_847 = arith.addf %scan3A_707, %mul3A_846 : vector<16xf32>
        %slice3A_848 = vector.extract_strided_slice %get3A_743 {offsets = [0], sizes = [1], strides = [1]} : vector<16xf32> to vector<1xf32>
        %squeeze3A_849 = vector.extract %slice3A_848[0] : f32 from vector<1xf32>
        %mul3A_850 = vector.broadcast %squeeze3A_849 : f32 to vector<16xf32>
        %mul3A_851 = arith.mulf %mul3A_850, %get3A_755 : vector<16xf32>
        %add3A_852 = arith.addf %scan3A_708, %mul3A_851 : vector<16xf32>
        %mul3A_853 = vector.broadcast %squeeze3A_849 : f32 to vector<16xf32>
        %mul3A_854 = arith.mulf %mul3A_853, %get3A_761 : vector<16xf32>
        %add3A_855 = arith.addf %scan3A_709, %mul3A_854 : vector<16xf32>
        %mul3A_856 = vector.broadcast %squeeze3A_849 : f32 to vector<16xf32>
        %mul3A_857 = arith.mulf %mul3A_856, %get3A_767 : vector<16xf32>
        %add3A_858 = arith.addf %scan3A_710, %mul3A_857 : vector<16xf32>
        %mul3A_859 = vector.broadcast %squeeze3A_849 : f32 to vector<16xf32>
        %mul3A_860 = arith.mulf %mul3A_859, %get3A_773 : vector<16xf32>
        %add3A_861 = arith.addf %scan3A_711, %mul3A_860 : vector<16xf32>
        %mul3A_862 = vector.broadcast %squeeze3A_849 : f32 to vector<16xf32>
        %mul3A_863 = arith.mulf %mul3A_862, %get3A_779 : vector<16xf32>
        %add3A_864 = arith.addf %scan3A_712, %mul3A_863 : vector<16xf32>
        %mul3A_865 = vector.broadcast %squeeze3A_849 : f32 to vector<16xf32>
        %mul3A_866 = arith.mulf %mul3A_865, %get3A_785 : vector<16xf32>
        %add3A_867 = arith.addf %scan3A_713, %mul3A_866 : vector<16xf32>
        %mul3A_868 = vector.broadcast %squeeze3A_849 : f32 to vector<16xf32>
        %mul3A_869 = arith.mulf %mul3A_868, %get3A_791 : vector<16xf32>
        %add3A_870 = arith.addf %scan3A_714, %mul3A_869 : vector<16xf32>
        %mul3A_871 = vector.broadcast %squeeze3A_849 : f32 to vector<16xf32>
        %mul3A_872 = arith.mulf %mul3A_871, %get3A_797 : vector<16xf32>
        %add3A_873 = arith.addf %scan3A_715, %mul3A_872 : vector<16xf32>
        %slice3A_874 = vector.extract_strided_slice %get3A_749 {offsets = [0], sizes = [1], strides = [1]} : vector<16xf32> to vector<1xf32>
        %squeeze3A_875 = vector.extract %slice3A_874[0] : f32 from vector<1xf32>
        %mul3A_876 = vector.broadcast %squeeze3A_875 : f32 to vector<16xf32>
        %mul3A_877 = arith.mulf %mul3A_876, %get3A_755 : vector<16xf32>
        %add3A_878 = arith.addf %scan3A_716, %mul3A_877 : vector<16xf32>
        %mul3A_879 = vector.broadcast %squeeze3A_875 : f32 to vector<16xf32>
        %mul3A_880 = arith.mulf %mul3A_879, %get3A_761 : vector<16xf32>
        %add3A_881 = arith.addf %scan3A_717, %mul3A_880 : vector<16xf32>
        %mul3A_882 = vector.broadcast %squeeze3A_875 : f32 to vector<16xf32>
        %mul3A_883 = arith.mulf %mul3A_882, %get3A_767 : vector<16xf32>
        %add3A_884 = arith.addf %scan3A_718, %mul3A_883 : vector<16xf32>
        %mul3A_885 = vector.broadcast %squeeze3A_875 : f32 to vector<16xf32>
        %mul3A_886 = arith.mulf %mul3A_885, %get3A_773 : vector<16xf32>
        %add3A_887 = arith.addf %scan3A_719, %mul3A_886 : vector<16xf32>
        %mul3A_888 = vector.broadcast %squeeze3A_875 : f32 to vector<16xf32>
        %mul3A_889 = arith.mulf %mul3A_888, %get3A_779 : vector<16xf32>
        %add3A_890 = arith.addf %scan3A_720, %mul3A_889 : vector<16xf32>
        %mul3A_891 = vector.broadcast %squeeze3A_875 : f32 to vector<16xf32>
        %mul3A_892 = arith.mulf %mul3A_891, %get3A_785 : vector<16xf32>
        %add3A_893 = arith.addf %scan3A_721, %mul3A_892 : vector<16xf32>
        %mul3A_894 = vector.broadcast %squeeze3A_875 : f32 to vector<16xf32>
        %mul3A_895 = arith.mulf %mul3A_894, %get3A_791 : vector<16xf32>
        %add3A_896 = arith.addf %scan3A_722, %mul3A_895 : vector<16xf32>
        %mul3A_897 = vector.broadcast %squeeze3A_875 : f32 to vector<16xf32>
        %mul3A_898 = arith.mulf %mul3A_897, %get3A_797 : vector<16xf32>
        %add3A_899 = arith.addf %scan3A_723, %mul3A_898 : vector<16xf32>
        %add3A_900 = arith.constant 1 : i32
        %add3A_901 = arith.addi %mul3A_725, %add3A_900 : i32
        %get3A_902 = arith.index_cast %add3A_901 : i32 to index
        %get3A_903 = arith.constant 0 : index
        %get3A_904 = tpu.vector_load %arg7[%get3A_902, %get3A_903] {strides = array<i32>} : memref<128x128xf32, #tpu.memory_space<vmem>>, vector<1x16xf32>,
        %get3A_905 = vector.shape_cast %get3A_904 : vector<1x16xf32> to vector<16xf32>
        %add3A_906 = arith.constant 1 : i32
        %add3A_907 = arith.addi %mul3A_725, %add3A_906 : i32
        %get3A_908 = arith.index_cast %add3A_907 : i32 to index
        %get3A_909 = arith.constant 16 : index
        %get3A_910 = tpu.vector_load %arg7[%get3A_908, %get3A_909] {strides = array<i32>} : memref<128x128xf32, #tpu.memory_space<vmem>>, vector<1x16xf32>,
        %get3A_911 = vector.shape_cast %get3A_910 : vector<1x16xf32> to vector<16xf32>
        %add3A_912 = arith.constant 1 : i32
        %add3A_913 = arith.addi %mul3A_725, %add3A_912 : i32
        %get3A_914 = arith.index_cast %add3A_913 : i32 to index
        %get3A_915 = arith.constant 32 : index
        %get3A_916 = tpu.vector_load %arg7[%get3A_914, %get3A_915] {strides = array<i32>} : memref<128x128xf32, #tpu.memory_space<vmem>>, vector<1x16xf32>,
        %get3A_917 = vector.shape_cast %get3A_916 : vector<1x16xf32> to vector<16xf32>
        %add3A_918 = arith.constant 1 : i32
        %add3A_919 = arith.addi %mul3A_725, %add3A_918 : i32
        %get3A_920 = arith.index_cast %add3A_919 : i32 to index
        %get3A_921 = arith.constant 48 : index
        %get3A_922 = tpu.vector_load %arg7[%get3A_920, %get3A_921] {strides = array<i32>} : memref<128x128xf32, #tpu.memory_space<vmem>>, vector<1x16xf32>,
        %get3A_923 = vector.shape_cast %get3A_922 : vector<1x16xf32> to vector<16xf32>
        %add3A_924 = arith.constant 1 : i32
        %add3A_925 = arith.addi %mul3A_725, %add3A_924 : i32
        %get3A_926 = arith.index_cast %add3A_925 : i32 to index
        %get3A_927 = arith.constant 64 : index
        %get3A_928 = tpu.vector_load %arg7[%get3A_926, %get3A_927] {strides = array<i32>} : memref<128x128xf32, #tpu.memory_space<vmem>>, vector<1x16xf32>,
        %get3A_929 = vector.shape_cast %get3A_928 : vector<1x16xf32> to vector<16xf32>
        %add3A_930 = arith.constant 1 : i32
        %add3A_931 = arith.addi %mul3A_725, %add3A_930 : i32
        %get3A_932 = arith.index_cast %add3A_931 : i32 to index
        %get3A_933 = arith.constant 80 : index
        %get3A_934 = tpu.vector_load %arg7[%get3A_932, %get3A_933] {strides = array<i32>} : memref<128x128xf32, #tpu.memory_space<vmem>>, vector<1x16xf32>,
        %get3A_935 = vector.shape_cast %get3A_934 : vector<1x16xf32> to vector<16xf32>
        %add3A_936 = arith.constant 1 : i32
        %add3A_937 = arith.addi %mul3A_725, %add3A_936 : i32
        %get3A_938 = arith.index_cast %add3A_937 : i32 to index
        %get3A_939 = arith.constant 96 : index
        %get3A_940 = tpu.vector_load %arg7[%get3A_938, %get3A_939] {strides = array<i32>} : memref<128x128xf32, #tpu.memory_space<vmem>>, vector<1x16xf32>,
        %get3A_941 = vector.shape_cast %get3A_940 : vector<1x16xf32> to vector<16xf32>
        %add3A_942 = arith.constant 1 : i32
        %add3A_943 = arith.addi %mul3A_725, %add3A_942 : i32
        %get3A_944 = arith.index_cast %add3A_943 : i32 to index
        %get3A_945 = arith.constant 112 : index
        %get3A_946 = tpu.vector_load %arg7[%get3A_944, %get3A_945] {strides = array<i32>} : memref<128x128xf32, #tpu.memory_space<vmem>>, vector<1x16xf32>,
        %get3A_947 = vector.shape_cast %get3A_946 : vector<1x16xf32> to vector<16xf32>
        %slice3A_948 = vector.extract_strided_slice %get3A_731 {offsets = [1], sizes = [1], strides = [1]} : vector<16xf32> to vector<1xf32>
        %squeeze3A_949 = vector.extract %slice3A_948[0] : f32 from vector<1xf32>
        %mul3A_950 = vector.broadcast %squeeze3A_949 : f32 to vector<16xf32>
        %mul3A_951 = arith.mulf %mul3A_950, %get3A_905 : vector<16xf32>
        %add3A_952 = arith.addf %add3A_800, %mul3A_951 : vector<16xf32>
        %mul3A_953 = vector.broadcast %squeeze3A_949 : f32 to vector<16xf32>
        %mul3A_954 = arith.mulf %mul3A_953, %get3A_911 : vector<16xf32>
        %add3A_955 = arith.addf %add3A_803, %mul3A_954 : vector<16xf32>
        %mul3A_956 = vector.broadcast %squeeze3A_949 : f32 to vector<16xf32>
        %mul3A_957 = arith.mulf %mul3A_956, %get3A_917 : vector<16xf32>
        %add3A_958 = arith.addf %add3A_806, %mul3A_957 : vector<16xf32>
        %mul3A_959 = vector.broadcast %squeeze3A_949 : f32 to vector<16xf32>
        %mul3A_960 = arith.mulf %mul3A_959, %get3A_923 : vector<16xf32>
        %add3A_961 = arith.addf %add3A_809, %mul3A_960 : vector<16xf32>
        %mul3A_962 = vector.broadcast %squeeze3A_949 : f32 to vector<16xf32>
        %mul3A_963 = arith.mulf %mul3A_962, %get3A_929 : vector<16xf32>
        %add3A_964 = arith.addf %add3A_812, %mul3A_963 : vector<16xf32>
        %mul3A_965 = vector.broadcast %squeeze3A_949 : f32 to vector<16xf32>
        %mul3A_966 = arith.mulf %mul3A_965, %get3A_935 : vector<16xf32>
        %add3A_967 = arith.addf %add3A_815, %mul3A_966 : vector<16xf32>
        %mul3A_968 = vector.broadcast %squeeze3A_949 : f32 to vector<16xf32>
        %mul3A_969 = arith.mulf %mul3A_968, %get3A_941 : vector<16xf32>
        %add3A_970 = arith.addf %add3A_818, %mul3A_969 : vector<16xf32>
        %mul3A_971 = vector.broadcast %squeeze3A_949 : f32 to vector<16xf32>
        %mul3A_972 = arith.mulf %mul3A_971, %get3A_947 : vector<16xf32>
        %add3A_973 = arith.addf %add3A_821, %mul3A_972 : vector<16xf32>
        %slice3A_974 = vector.extract_strided_slice %get3A_737 {offsets = [1], sizes = [1], strides = [1]} : vector<16xf32> to vector<1xf32>
        %squeeze3A_975 = vector.extract %slice3A_974[0] : f32 from vector<1xf32>
        %mul3A_976 = vector.broadcast %squeeze3A_975 : f32 to vector<16xf32>
        %mul3A_977 = arith.mulf %mul3A_976, %get3A_905 : vector<16xf32>
        %add3A_978 = arith.addf %add3A_826, %mul3A_977 : vector<16xf32>
        %mul3A_979 = vector.broadcast %squeeze3A_975 : f32 to vector<16xf32>
        %mul3A_980 = arith.mulf %mul3A_979, %get3A_911 : vector<16xf32>
        %add3A_981 = arith.addf %add3A_829, %mul3A_980 : vector<16xf32>
        %mul3A_982 = vector.broadcast %squeeze3A_975 : f32 to vector<16xf32>
        %mul3A_983 = arith.mulf %mul3A_982, %get3A_917 : vector<16xf32>
        %add3A_984 = arith.addf %add3A_832, %mul3A_983 : vector<16xf32>
        %mul3A_985 = vector.broadcast %squeeze3A_975 : f32 to vector<16xf32>
        %mul3A_986 = arith.mulf %mul3A_985, %get3A_923 : vector<16xf32>
        %add3A_987 = arith.addf %add3A_835, %mul3A_986 : vector<16xf32>
        %mul3A_988 = vector.broadcast %squeeze3A_975 : f32 to vector<16xf32>
        %mul3A_989 = arith.mulf %mul3A_988, %get3A_929 : vector<16xf32>
        %add3A_990 = arith.addf %add3A_838, %mul3A_989 : vector<16xf32>
        %mul3A_991 = vector.broadcast %squeeze3A_975 : f32 to vector<16xf32>
        %mul3A_992 = arith.mulf %mul3A_991, %get3A_935 : vector<16xf32>
        %add3A_993 = arith.addf %add3A_841, %mul3A_992 : vector<16xf32>
        %mul3A_994 = vector.broadcast %squeeze3A_975 : f32 to vector<16xf32>
        %mul3A_995 = arith.mulf %mul3A_994, %get3A_941 : vector<16xf32>
        %add3A_996 = arith.addf %add3A_844, %mul3A_995 : vector<16xf32>
        %mul3A_997 = vector.broadcast %squeeze3A_975 : f32 to vector<16xf32>
        %mul3A_998 = arith.mulf %mul3A_997, %get3A_947 : vector<16xf32>
        %add3A_999 = arith.addf %add3A_847, %mul3A_998 : vector<16xf32>
        %slice3A_1000 = vector.extract_strided_slice %get3A_743 {offsets = [1], sizes = [1], strides = [1]} : vector<16xf32> to vector<1xf32>
        %squeeze3A_1001 = vector.extract %slice3A_1000[0] : f32 from vector<1xf32>
        %mul3A_1002 = vector.broadcast %squeeze3A_1001 : f32 to vector<16xf32>
        %mul3A_1003 = arith.mulf %mul3A_1002, %get3A_905 : vector<16xf32>
        %add3A_1004 = arith.addf %add3A_852, %mul3A_1003 : vector<16xf32>
        %mul3A_1005 = vector.broadcast %squeeze3A_1001 : f32 to vector<16xf32>
        %mul3A_1006 = arith.mulf %mul3A_1005, %get3A_911 : vector<16xf32>
        %add3A_1007 = arith.addf %add3A_855, %mul3A_1006 : vector<16xf32>
        %mul3A_1008 = vector.broadcast %squeeze3A_1001 : f32 to vector<16xf32>
        %mul3A_1009 = arith.mulf %mul3A_1008, %get3A_917 : vector<16xf32>
        %add3A_1010 = arith.addf %add3A_858, %mul3A_1009 : vector<16xf32>
        %mul3A_1011 = vector.broadcast %squeeze3A_1001 : f32 to vector<16xf32>
        %mul3A_1012 = arith.mulf %mul3A_1011, %get3A_923 : vector<16xf32>
        %add3A_1013 = arith.addf %add3A_861, %mul3A_1012 : vector<16xf32>
        %mul3A_1014 = vector.broadcast %squeeze3A_1001 : f32 to vector<16xf32>
        %mul3A_1015 = arith.mulf %mul3A_1014, %get3A_929 : vector<16xf32>
        %add3A_1016 = arith.addf %add3A_864, %mul3A_1015 : vector<16xf32>
        %mul3A_1017 = vector.broadcast %squeeze3A_1001 : f32 to vector<16xf32>
        %mul3A_1018 = arith.mulf %mul3A_1017, %get3A_935 : vector<16xf32>
        %add3A_1019 = arith.addf %add3A_867, %mul3A_1018 : vector<16xf32>
        %mul3A_1020 = vector.broadcast %squeeze3A_1001 : f32 to vector<16xf32>
        %mul3A_1021 = arith.mulf %mul3A_1020, %get3A_941 : vector<16xf32>
        %add3A_1022 = arith.addf %add3A_870, %mul3A_1021 : vector<16xf32>
        %mul3A_1023 = vector.broadcast %squeeze3A_1001 : f32 to vector<16xf32>
        %mul3A_1024 = arith.mulf %mul3A_1023, %get3A_947 : vector<16xf32>
        %add3A_1025 = arith.addf %add3A_873, %mul3A_1024 : vector<16xf32>
        %slice3A_1026 = vector.extract_strided_slice %get3A_749 {offsets = [1], sizes = [1], strides = [1]} : vector<16xf32> to vector<1xf32>
        %squeeze3A_1027 = vector.extract %slice3A_1026[0] : f32 from vector<1xf32>
        %mul3A_1028 = vector.broadcast %squeeze3A_1027 : f32 to vector<16xf32>
        %mul3A_1029 = arith.mulf %mul3A_1028, %get3A_905 : vector<16xf32>
        %add3A_1030 = arith.addf %add3A_878, %mul3A_1029 : vector<16xf32>
        %mul3A_1031 = vector.broadcast %squeeze3A_1027 : f32 to vector<16xf32>
        %mul3A_1032 = arith.mulf %mul3A_1031, %get3A_911 : vector<16xf32>
        %add3A_1033 = arith.addf %add3A_881, %mul3A_1032 : vector<16xf32>
        %mul3A_1034 = vector.broadcast %squeeze3A_1027 : f32 to vector<16xf32>
        %mul3A_1035 = arith.mulf %mul3A_1034, %get3A_917 : vector<16xf32>
        %add3A_1036 = arith.addf %add3A_884, %mul3A_1035 : vector<16xf32>
        %mul3A_1037 = vector.broadcast %squeeze3A_1027 : f32 to vector<16xf32>
        %mul3A_1038 = arith.mulf %mul3A_1037, %get3A_923 : vector<16xf32>
        %add3A_1039 = arith.addf %add3A_887, %mul3A_1038 : vector<16xf32>
        %mul3A_1040 = vector.broadcast %squeeze3A_1027 : f32 to vector<16xf32>
        %mul3A_1041 = arith.mulf %mul3A_1040, %get3A_929 : vector<16xf32>
        %add3A_1042 = arith.addf %add3A_890, %mul3A_1041 : vector<16xf32>
        %mul3A_1043 = vector.broadcast %squeeze3A_1027 : f32 to vector<16xf32>
        %mul3A_1044 = arith.mulf %mul3A_1043, %get3A_935 : vector<16xf32>
        %add3A_1045 = arith.addf %add3A_893, %mul3A_1044 : vector<16xf32>
        %mul3A_1046 = vector.broadcast %squeeze3A_1027 : f32 to vector<16xf32>
        %mul3A_1047 = arith.mulf %mul3A_1046, %get3A_941 : vector<16xf32>
        %add3A_1048 = arith.addf %add3A_896, %mul3A_1047 : vector<16xf32>
        %mul3A_1049 = vector.broadcast %squeeze3A_1027 : f32 to vector<16xf32>
        %mul3A_1050 = arith.mulf %mul3A_1049, %get3A_947 : vector<16xf32>
        %add3A_1051 = arith.addf %add3A_899, %mul3A_1050 : vector<16xf32>
        %add3A_1052 = arith.constant 2 : i32
        %add3A_1053 = arith.addi %mul3A_725, %add3A_1052 : i32
        %get3A_1054 = arith.index_cast %add3A_1053 : i32 to index
        %get3A_1055 = arith.constant 0 : index
        %get3A_1056 = tpu.vector_load %arg7[%get3A_1054, %get3A_1055] {strides = array<i32>} : memref<128x128xf32, #tpu.memory_space<vmem>>, vector<1x16xf32>,
        %get3A_1057 = vector.shape_cast %get3A_1056 : vector<1x16xf32> to vector<16xf32>
        %add3A_1058 = arith.constant 2 : i32
        %add3A_1059 = arith.addi %mul3A_725, %add3A_1058 : i32
        %get3A_1060 = arith.index_cast %add3A_1059 : i32 to index
        %get3A_1061 = arith.constant 16 : index
        %get3A_1062 = tpu.vector_load %arg7[%get3A_1060, %get3A_1061] {strides = array<i32>} : memref<128x128xf32, #tpu.memory_space<vmem>>, vector<1x16xf32>,
        %get3A_1063 = vector.shape_cast %get3A_1062 : vector<1x16xf32> to vector<16xf32>
        %add3A_1064 = arith.constant 2 : i32
        %add3A_1065 = arith.addi %mul3A_725, %add3A_1064 : i32
        %get3A_1066 = arith.index_cast %add3A_1065 : i32 to index
        %get3A_1067 = arith.constant 32 : index
        %get3A_1068 = tpu.vector_load %arg7[%get3A_1066, %get3A_1067] {strides = array<i32>} : memref<128x128xf32, #tpu.memory_space<vmem>>, vector<1x16xf32>,
        %get3A_1069 = vector.shape_cast %get3A_1068 : vector<1x16xf32> to vector<16xf32>
        %add3A_1070 = arith.constant 2 : i32
        %add3A_1071 = arith.addi %mul3A_725, %add3A_1070 : i32
        %get3A_1072 = arith.index_cast %add3A_1071 : i32 to index
        %get3A_1073 = arith.constant 48 : index
        %get3A_1074 = tpu.vector_load %arg7[%get3A_1072, %get3A_1073] {strides = array<i32>} : memref<128x128xf32, #tpu.memory_space<vmem>>, vector<1x16xf32>,
        %get3A_1075 = vector.shape_cast %get3A_1074 : vector<1x16xf32> to vector<16xf32>
        %add3A_1076 = arith.constant 2 : i32
        %add3A_1077 = arith.addi %mul3A_725, %add3A_1076 : i32
        %get3A_1078 = arith.index_cast %add3A_1077 : i32 to index
        %get3A_1079 = arith.constant 64 : index
        %get3A_1080 = tpu.vector_load %arg7[%get3A_1078, %get3A_1079] {strides = array<i32>} : memref<128x128xf32, #tpu.memory_space<vmem>>, vector<1x16xf32>,
        %get3A_1081 = vector.shape_cast %get3A_1080 : vector<1x16xf32> to vector<16xf32>
        %add3A_1082 = arith.constant 2 : i32
        %add3A_1083 = arith.addi %mul3A_725, %add3A_1082 : i32
        %get3A_1084 = arith.index_cast %add3A_1083 : i32 to index
        %get3A_1085 = arith.constant 80 : index
        %get3A_1086 = tpu.vector_load %arg7[%get3A_1084, %get3A_1085] {strides = array<i32>} : memref<128x128xf32, #tpu.memory_space<vmem>>, vector<1x16xf32>,
        %get3A_1087 = vector.shape_cast %get3A_1086 : vector<1x16xf32> to vector<16xf32>
        %add3A_1088 = arith.constant 2 : i32
        %add3A_1089 = arith.addi %mul3A_725, %add3A_1088 : i32
        %get3A_1090 = arith.index_cast %add3A_1089 : i32 to index
        %get3A_1091 = arith.constant 96 : index
        %get3A_1092 = tpu.vector_load %arg7[%get3A_1090, %get3A_1091] {strides = array<i32>} : memref<128x128xf32, #tpu.memory_space<vmem>>, vector<1x16xf32>,
        %get3A_1093 = vector.shape_cast %get3A_1092 : vector<1x16xf32> to vector<16xf32>
        %add3A_1094 = arith.constant 2 : i32
        %add3A_1095 = arith.addi %mul3A_725, %add3A_1094 : i32
        %get3A_1096 = arith.index_cast %add3A_1095 : i32 to index
        %get3A_1097 = arith.constant 112 : index
        %get3A_1098 = tpu.vector_load %arg7[%get3A_1096, %get3A_1097] {strides = array<i32>} : memref<128x128xf32, #tpu.memory_space<vmem>>, vector<1x16xf32>,
        %get3A_1099 = vector.shape_cast %get3A_1098 : vector<1x16xf32> to vector<16xf32>
        %slice3A_1100 = vector.extract_strided_slice %get3A_731 {offsets = [2], sizes = [1], strides = [1]} : vector<16xf32> to vector<1xf32>
        %squeeze3A_1101 = vector.extract %slice3A_1100[0] : f32 from vector<1xf32>
        %mul3A_1102 = vector.broadcast %squeeze3A_1101 : f32 to vector<16xf32>
        %mul3A_1103 = arith.mulf %mul3A_1102, %get3A_1057 : vector<16xf32>
        %add3A_1104 = arith.addf %add3A_952, %mul3A_1103 : vector<16xf32>
        %mul3A_1105 = vector.broadcast %squeeze3A_1101 : f32 to vector<16xf32>
        %mul3A_1106 = arith.mulf %mul3A_1105, %get3A_1063 : vector<16xf32>
        %add3A_1107 = arith.addf %add3A_955, %mul3A_1106 : vector<16xf32>
        %mul3A_1108 = vector.broadcast %squeeze3A_1101 : f32 to vector<16xf32>
        %mul3A_1109 = arith.mulf %mul3A_1108, %get3A_1069 : vector<16xf32>
        %add3A_1110 = arith.addf %add3A_958, %mul3A_1109 : vector<16xf32>
        %mul3A_1111 = vector.broadcast %squeeze3A_1101 : f32 to vector<16xf32>
        %mul3A_1112 = arith.mulf %mul3A_1111, %get3A_1075 : vector<16xf32>
        %add3A_1113 = arith.addf %add3A_961, %mul3A_1112 : vector<16xf32>
        %mul3A_1114 = vector.broadcast %squeeze3A_1101 : f32 to vector<16xf32>
        %mul3A_1115 = arith.mulf %mul3A_1114, %get3A_1081 : vector<16xf32>
        %add3A_1116 = arith.addf %add3A_964, %mul3A_1115 : vector<16xf32>
        %mul3A_1117 = vector.broadcast %squeeze3A_1101 : f32 to vector<16xf32>
        %mul3A_1118 = arith.mulf %mul3A_1117, %get3A_1087 : vector<16xf32>
        %add3A_1119 = arith.addf %add3A_967, %mul3A_1118 : vector<16xf32>
        %mul3A_1120 = vector.broadcast %squeeze3A_1101 : f32 to vector<16xf32>
        %mul3A_1121 = arith.mulf %mul3A_1120, %get3A_1093 : vector<16xf32>
        %add3A_1122 = arith.addf %add3A_970, %mul3A_1121 : vector<16xf32>
        %mul3A_1123 = vector.broadcast %squeeze3A_1101 : f32 to vector<16xf32>
        %mul3A_1124 = arith.mulf %mul3A_1123, %get3A_1099 : vector<16xf32>
        %add3A_1125 = arith.addf %add3A_973, %mul3A_1124 : vector<16xf32>
        %slice3A_1126 = vector.extract_strided_slice %get3A_737 {offsets = [2], sizes = [1], strides = [1]} : vector<16xf32> to vector<1xf32>
        %squeeze3A_1127 = vector.extract %slice3A_1126[0] : f32 from vector<1xf32>
        %mul3A_1128 = vector.broadcast %squeeze3A_1127 : f32 to vector<16xf32>
        %mul3A_1129 = arith.mulf %mul3A_1128, %get3A_1057 : vector<16xf32>
        %add3A_1130 = arith.addf %add3A_978, %mul3A_1129 : vector<16xf32>
        %mul3A_1131 = vector.broadcast %squeeze3A_1127 : f32 to vector<16xf32>
        %mul3A_1132 = arith.mulf %mul3A_1131, %get3A_1063 : vector<16xf32>
        %add3A_1133 = arith.addf %add3A_981, %mul3A_1132 : vector<16xf32>
        %mul3A_1134 = vector.broadcast %squeeze3A_1127 : f32 to vector<16xf32>
        %mul3A_1135 = arith.mulf %mul3A_1134, %get3A_1069 : vector<16xf32>
        %add3A_1136 = arith.addf %add3A_984, %mul3A_1135 : vector<16xf32>
        %mul3A_1137 = vector.broadcast %squeeze3A_1127 : f32 to vector<16xf32>
        %mul3A_1138 = arith.mulf %mul3A_1137, %get3A_1075 : vector<16xf32>
        %add3A_1139 = arith.addf %add3A_987, %mul3A_1138 : vector<16xf32>
        %mul3A_1140 = vector.broadcast %squeeze3A_1127 : f32 to vector<16xf32>
        %mul3A_1141 = arith.mulf %mul3A_1140, %get3A_1081 : vector<16xf32>
        %add3A_1142 = arith.addf %add3A_990, %mul3A_1141 : vector<16xf32>
        %mul3A_1143 = vector.broadcast %squeeze3A_1127 : f32 to vector<16xf32>
        %mul3A_1144 = arith.mulf %mul3A_1143, %get3A_1087 : vector<16xf32>
        %add3A_1145 = arith.addf %add3A_993, %mul3A_1144 : vector<16xf32>
        %mul3A_1146 = vector.broadcast %squeeze3A_1127 : f32 to vector<16xf32>
        %mul3A_1147 = arith.mulf %mul3A_1146, %get3A_1093 : vector<16xf32>
        %add3A_1148 = arith.addf %add3A_996, %mul3A_1147 : vector<16xf32>
        %mul3A_1149 = vector.broadcast %squeeze3A_1127 : f32 to vector<16xf32>
        %mul3A_1150 = arith.mulf %mul3A_1149, %get3A_1099 : vector<16xf32>
        %add3A_1151 = arith.addf %add3A_999, %mul3A_1150 : vector<16xf32>
        %slice3A_1152 = vector.extract_strided_slice %get3A_743 {offsets = [2], sizes = [1], strides = [1]} : vector<16xf32> to vector<1xf32>
        %squeeze3A_1153 = vector.extract %slice3A_1152[0] : f32 from vector<1xf32>
        %mul3A_1154 = vector.broadcast %squeeze3A_1153 : f32 to vector<16xf32>
        %mul3A_1155 = arith.mulf %mul3A_1154, %get3A_1057 : vector<16xf32>
        %add3A_1156 = arith.addf %add3A_1004, %mul3A_1155 : vector<16xf32>
        %mul3A_1157 = vector.broadcast %squeeze3A_1153 : f32 to vector<16xf32>
        %mul3A_1158 = arith.mulf %mul3A_1157, %get3A_1063 : vector<16xf32>
        %add3A_1159 = arith.addf %add3A_1007, %mul3A_1158 : vector<16xf32>
        %mul3A_1160 = vector.broadcast %squeeze3A_1153 : f32 to vector<16xf32>
        %mul3A_1161 = arith.mulf %mul3A_1160, %get3A_1069 : vector<16xf32>
        %add3A_1162 = arith.addf %add3A_1010, %mul3A_1161 : vector<16xf32>
        %mul3A_1163 = vector.broadcast %squeeze3A_1153 : f32 to vector<16xf32>
        %mul3A_1164 = arith.mulf %mul3A_1163, %get3A_1075 : vector<16xf32>
        %add3A_1165 = arith.addf %add3A_1013, %mul3A_1164 : vector<16xf32>
        %mul3A_1166 = vector.broadcast %squeeze3A_1153 : f32 to vector<16xf32>
        %mul3A_1167 = arith.mulf %mul3A_1166, %get3A_1081 : vector<16xf32>
        %add3A_1168 = arith.addf %add3A_1016, %mul3A_1167 : vector<16xf32>
        %mul3A_1169 = vector.broadcast %squeeze3A_1153 : f32 to vector<16xf32>
        %mul3A_1170 = arith.mulf %mul3A_1169, %get3A_1087 : vector<16xf32>
        %add3A_1171 = arith.addf %add3A_1019, %mul3A_1170 : vector<16xf32>
        %mul3A_1172 = vector.broadcast %squeeze3A_1153 : f32 to vector<16xf32>
        %mul3A_1173 = arith.mulf %mul3A_1172, %get3A_1093 : vector<16xf32>
        %add3A_1174 = arith.addf %add3A_1022, %mul3A_1173 : vector<16xf32>
        %mul3A_1175 = vector.broadcast %squeeze3A_1153 : f32 to vector<16xf32>
        %mul3A_1176 = arith.mulf %mul3A_1175, %get3A_1099 : vector<16xf32>
        %add3A_1177 = arith.addf %add3A_1025, %mul3A_1176 : vector<16xf32>
        %slice3A_1178 = vector.extract_strided_slice %get3A_749 {offsets = [2], sizes = [1], strides = [1]} : vector<16xf32> to vector<1xf32>
        %squeeze3A_1179 = vector.extract %slice3A_1178[0] : f32 from vector<1xf32>
        %mul3A_1180 = vector.broadcast %squeeze3A_1179 : f32 to vector<16xf32>
        %mul3A_1181 = arith.mulf %mul3A_1180, %get3A_1057 : vector<16xf32>
        %add3A_1182 = arith.addf %add3A_1030, %mul3A_1181 : vector<16xf32>
        %mul3A_1183 = vector.broadcast %squeeze3A_1179 : f32 to vector<16xf32>
        %mul3A_1184 = arith.mulf %mul3A_1183, %get3A_1063 : vector<16xf32>
        %add3A_1185 = arith.addf %add3A_1033, %mul3A_1184 : vector<16xf32>
        %mul3A_1186 = vector.broadcast %squeeze3A_1179 : f32 to vector<16xf32>
        %mul3A_1187 = arith.mulf %mul3A_1186, %get3A_1069 : vector<16xf32>
        %add3A_1188 = arith.addf %add3A_1036, %mul3A_1187 : vector<16xf32>
        %mul3A_1189 = vector.broadcast %squeeze3A_1179 : f32 to vector<16xf32>
        %mul3A_1190 = arith.mulf %mul3A_1189, %get3A_1075 : vector<16xf32>
        %add3A_1191 = arith.addf %add3A_1039, %mul3A_1190 : vector<16xf32>
        %mul3A_1192 = vector.broadcast %squeeze3A_1179 : f32 to vector<16xf32>
        %mul3A_1193 = arith.mulf %mul3A_1192, %get3A_1081 : vector<16xf32>
        %add3A_1194 = arith.addf %add3A_1042, %mul3A_1193 : vector<16xf32>
        %mul3A_1195 = vector.broadcast %squeeze3A_1179 : f32 to vector<16xf32>
        %mul3A_1196 = arith.mulf %mul3A_1195, %get3A_1087 : vector<16xf32>
        %add3A_1197 = arith.addf %add3A_1045, %mul3A_1196 : vector<16xf32>
        %mul3A_1198 = vector.broadcast %squeeze3A_1179 : f32 to vector<16xf32>
        %mul3A_1199 = arith.mulf %mul3A_1198, %get3A_1093 : vector<16xf32>
        %add3A_1200 = arith.addf %add3A_1048, %mul3A_1199 : vector<16xf32>
        %mul3A_1201 = vector.broadcast %squeeze3A_1179 : f32 to vector<16xf32>
        %mul3A_1202 = arith.mulf %mul3A_1201, %get3A_1099 : vector<16xf32>
        %add3A_1203 = arith.addf %add3A_1051, %mul3A_1202 : vector<16xf32>
        %add3A_1204 = arith.constant 3 : i32
        %add3A_1205 = arith.addi %mul3A_725, %add3A_1204 : i32
        %get3A_1206 = arith.index_cast %add3A_1205 : i32 to index
        %get3A_1207 = arith.constant 0 : index
        %get3A_1208 = tpu.vector_load %arg7[%get3A_1206, %get3A_1207] {strides = array<i32>} : memref<128x128xf32, #tpu.memory_space<vmem>>, vector<1x16xf32>,
        %get3A_1209 = vector.shape_cast %get3A_1208 : vector<1x16xf32> to vector<16xf32>
        %add3A_1210 = arith.constant 3 : i32
        %add3A_1211 = arith.addi %mul3A_725, %add3A_1210 : i32
        %get3A_1212 = arith.index_cast %add3A_1211 : i32 to index
        %get3A_1213 = arith.constant 16 : index
        %get3A_1214 = tpu.vector_load %arg7[%get3A_1212, %get3A_1213] {strides = array<i32>} : memref<128x128xf32, #tpu.memory_space<vmem>>, vector<1x16xf32>,
        %get3A_1215 = vector.shape_cast %get3A_1214 : vector<1x16xf32> to vector<16xf32>
        %add3A_1216 = arith.constant 3 : i32
        %add3A_1217 = arith.addi %mul3A_725, %add3A_1216 : i32
        %get3A_1218 = arith.index_cast %add3A_1217 : i32 to index
        %get3A_1219 = arith.constant 32 : index
        %get3A_1220 = tpu.vector_load %arg7[%get3A_1218, %get3A_1219] {strides = array<i32>} : memref<128x128xf32, #tpu.memory_space<vmem>>, vector<1x16xf32>,
        %get3A_1221 = vector.shape_cast %get3A_1220 : vector<1x16xf32> to vector<16xf32>
        %add3A_1222 = arith.constant 3 : i32
        %add3A_1223 = arith.addi %mul3A_725, %add3A_1222 : i32
        %get3A_1224 = arith.index_cast %add3A_1223 : i32 to index
        %get3A_1225 = arith.constant 48 : index
        %get3A_1226 = tpu.vector_load %arg7[%get3A_1224, %get3A_1225] {strides = array<i32>} : memref<128x128xf32, #tpu.memory_space<vmem>>, vector<1x16xf32>,
        %get3A_1227 = vector.shape_cast %get3A_1226 : vector<1x16xf32> to vector<16xf32>
        %add3A_1228 = arith.constant 3 : i32
        %add3A_1229 = arith.addi %mul3A_725, %add3A_1228 : i32
        %get3A_1230 = arith.index_cast %add3A_1229 : i32 to index
        %get3A_1231 = arith.constant 64 : index
        %get3A_1232 = tpu.vector_load %arg7[%get3A_1230, %get3A_1231] {strides = array<i32>} : memref<128x128xf32, #tpu.memory_space<vmem>>, vector<1x16xf32>,
        %get3A_1233 = vector.shape_cast %get3A_1232 : vector<1x16xf32> to vector<16xf32>
        %add3A_1234 = arith.constant 3 : i32
        %add3A_1235 = arith.addi %mul3A_725, %add3A_1234 : i32
        %get3A_1236 = arith.index_cast %add3A_1235 : i32 to index
        %get3A_1237 = arith.constant 80 : index
        %get3A_1238 = tpu.vector_load %arg7[%get3A_1236, %get3A_1237] {strides = array<i32>} : memref<128x128xf32, #tpu.memory_space<vmem>>, vector<1x16xf32>,
        %get3A_1239 = vector.shape_cast %get3A_1238 : vector<1x16xf32> to vector<16xf32>
        %add3A_1240 = arith.constant 3 : i32
        %add3A_1241 = arith.addi %mul3A_725, %add3A_1240 : i32
        %get3A_1242 = arith.index_cast %add3A_1241 : i32 to index
        %get3A_1243 = arith.constant 96 : index
        %get3A_1244 = tpu.vector_load %arg7[%get3A_1242, %get3A_1243] {strides = array<i32>} : memref<128x128xf32, #tpu.memory_space<vmem>>, vector<1x16xf32>,
        %get3A_1245 = vector.shape_cast %get3A_1244 : vector<1x16xf32> to vector<16xf32>
        %add3A_1246 = arith.constant 3 : i32
        %add3A_1247 = arith.addi %mul3A_725, %add3A_1246 : i32
        %get3A_1248 = arith.index_cast %add3A_1247 : i32 to index
        %get3A_1249 = arith.constant 112 : index
        %get3A_1250 = tpu.vector_load %arg7[%get3A_1248, %get3A_1249] {strides = array<i32>} : memref<128x128xf32, #tpu.memory_space<vmem>>, vector<1x16xf32>,
        %get3A_1251 = vector.shape_cast %get3A_1250 : vector<1x16xf32> to vector<16xf32>
        %slice3A_1252 = vector.extract_strided_slice %get3A_731 {offsets = [3], sizes = [1], strides = [1]} : vector<16xf32> to vector<1xf32>
        %squeeze3A_1253 = vector.extract %slice3A_1252[0] : f32 from vector<1xf32>
        %mul3A_1254 = vector.broadcast %squeeze3A_1253 : f32 to vector<16xf32>
        %mul3A_1255 = arith.mulf %mul3A_1254, %get3A_1209 : vector<16xf32>
        %add3A_1256 = arith.addf %add3A_1104, %mul3A_1255 : vector<16xf32>
        %mul3A_1257 = vector.broadcast %squeeze3A_1253 : f32 to vector<16xf32>
        %mul3A_1258 = arith.mulf %mul3A_1257, %get3A_1215 : vector<16xf32>
        %add3A_1259 = arith.addf %add3A_1107, %mul3A_1258 : vector<16xf32>
        %mul3A_1260 = vector.broadcast %squeeze3A_1253 : f32 to vector<16xf32>
        %mul3A_1261 = arith.mulf %mul3A_1260, %get3A_1221 : vector<16xf32>
        %add3A_1262 = arith.addf %add3A_1110, %mul3A_1261 : vector<16xf32>
        %mul3A_1263 = vector.broadcast %squeeze3A_1253 : f32 to vector<16xf32>
        %mul3A_1264 = arith.mulf %mul3A_1263, %get3A_1227 : vector<16xf32>
        %add3A_1265 = arith.addf %add3A_1113, %mul3A_1264 : vector<16xf32>
        %mul3A_1266 = vector.broadcast %squeeze3A_1253 : f32 to vector<16xf32>
        %mul3A_1267 = arith.mulf %mul3A_1266, %get3A_1233 : vector<16xf32>
        %add3A_1268 = arith.addf %add3A_1116, %mul3A_1267 : vector<16xf32>
        %mul3A_1269 = vector.broadcast %squeeze3A_1253 : f32 to vector<16xf32>
        %mul3A_1270 = arith.mulf %mul3A_1269, %get3A_1239 : vector<16xf32>
        %add3A_1271 = arith.addf %add3A_1119, %mul3A_1270 : vector<16xf32>
        %mul3A_1272 = vector.broadcast %squeeze3A_1253 : f32 to vector<16xf32>
        %mul3A_1273 = arith.mulf %mul3A_1272, %get3A_1245 : vector<16xf32>
        %add3A_1274 = arith.addf %add3A_1122, %mul3A_1273 : vector<16xf32>
        %mul3A_1275 = vector.broadcast %squeeze3A_1253 : f32 to vector<16xf32>
        %mul3A_1276 = arith.mulf %mul3A_1275, %get3A_1251 : vector<16xf32>
        %add3A_1277 = arith.addf %add3A_1125, %mul3A_1276 : vector<16xf32>
        %slice3A_1278 = vector.extract_strided_slice %get3A_737 {offsets = [3], sizes = [1], strides = [1]} : vector<16xf32> to vector<1xf32>
        %squeeze3A_1279 = vector.extract %slice3A_1278[0] : f32 from vector<1xf32>
        %mul3A_1280 = vector.broadcast %squeeze3A_1279 : f32 to vector<16xf32>
        %mul3A_1281 = arith.mulf %mul3A_1280, %get3A_1209 : vector<16xf32>
        %add3A_1282 = arith.addf %add3A_1130, %mul3A_1281 : vector<16xf32>
        %mul3A_1283 = vector.broadcast %squeeze3A_1279 : f32 to vector<16xf32>
        %mul3A_1284 = arith.mulf %mul3A_1283, %get3A_1215 : vector<16xf32>
        %add3A_1285 = arith.addf %add3A_1133, %mul3A_1284 : vector<16xf32>
        %mul3A_1286 = vector.broadcast %squeeze3A_1279 : f32 to vector<16xf32>
        %mul3A_1287 = arith.mulf %mul3A_1286, %get3A_1221 : vector<16xf32>
        %add3A_1288 = arith.addf %add3A_1136, %mul3A_1287 : vector<16xf32>
        %mul3A_1289 = vector.broadcast %squeeze3A_1279 : f32 to vector<16xf32>
        %mul3A_1290 = arith.mulf %mul3A_1289, %get3A_1227 : vector<16xf32>
        %add3A_1291 = arith.addf %add3A_1139, %mul3A_1290 : vector<16xf32>
        %mul3A_1292 = vector.broadcast %squeeze3A_1279 : f32 to vector<16xf32>
        %mul3A_1293 = arith.mulf %mul3A_1292, %get3A_1233 : vector<16xf32>
        %add3A_1294 = arith.addf %add3A_1142, %mul3A_1293 : vector<16xf32>
        %mul3A_1295 = vector.broadcast %squeeze3A_1279 : f32 to vector<16xf32>
        %mul3A_1296 = arith.mulf %mul3A_1295, %get3A_1239 : vector<16xf32>
        %add3A_1297 = arith.addf %add3A_1145, %mul3A_1296 : vector<16xf32>
        %mul3A_1298 = vector.broadcast %squeeze3A_1279 : f32 to vector<16xf32>
        %mul3A_1299 = arith.mulf %mul3A_1298, %get3A_1245 : vector<16xf32>
        %add3A_1300 = arith.addf %add3A_1148, %mul3A_1299 : vector<16xf32>
        %mul3A_1301 = vector.broadcast %squeeze3A_1279 : f32 to vector<16xf32>
        %mul3A_1302 = arith.mulf %mul3A_1301, %get3A_1251 : vector<16xf32>
        %add3A_1303 = arith.addf %add3A_1151, %mul3A_1302 : vector<16xf32>
        %slice3A_1304 = vector.extract_strided_slice %get3A_743 {offsets = [3], sizes = [1], strides = [1]} : vector<16xf32> to vector<1xf32>
        %squeeze3A_1305 = vector.extract %slice3A_1304[0] : f32 from vector<1xf32>
        %mul3A_1306 = vector.broadcast %squeeze3A_1305 : f32 to vector<16xf32>
        %mul3A_1307 = arith.mulf %mul3A_1306, %get3A_1209 : vector<16xf32>
        %add3A_1308 = arith.addf %add3A_1156, %mul3A_1307 : vector<16xf32>
        %mul3A_1309 = vector.broadcast %squeeze3A_1305 : f32 to vector<16xf32>
        %mul3A_1310 = arith.mulf %mul3A_1309, %get3A_1215 : vector<16xf32>
        %add3A_1311 = arith.addf %add3A_1159, %mul3A_1310 : vector<16xf32>
        %mul3A_1312 = vector.broadcast %squeeze3A_1305 : f32 to vector<16xf32>
        %mul3A_1313 = arith.mulf %mul3A_1312, %get3A_1221 : vector<16xf32>
        %add3A_1314 = arith.addf %add3A_1162, %mul3A_1313 : vector<16xf32>
        %mul3A_1315 = vector.broadcast %squeeze3A_1305 : f32 to vector<16xf32>
        %mul3A_1316 = arith.mulf %mul3A_1315, %get3A_1227 : vector<16xf32>
        %add3A_1317 = arith.addf %add3A_1165, %mul3A_1316 : vector<16xf32>
        %mul3A_1318 = vector.broadcast %squeeze3A_1305 : f32 to vector<16xf32>
        %mul3A_1319 = arith.mulf %mul3A_1318, %get3A_1233 : vector<16xf32>
        %add3A_1320 = arith.addf %add3A_1168, %mul3A_1319 : vector<16xf32>
        %mul3A_1321 = vector.broadcast %squeeze3A_1305 : f32 to vector<16xf32>
        %mul3A_1322 = arith.mulf %mul3A_1321, %get3A_1239 : vector<16xf32>
        %add3A_1323 = arith.addf %add3A_1171, %mul3A_1322 : vector<16xf32>
        %mul3A_1324 = vector.broadcast %squeeze3A_1305 : f32 to vector<16xf32>
        %mul3A_1325 = arith.mulf %mul3A_1324, %get3A_1245 : vector<16xf32>
        %add3A_1326 = arith.addf %add3A_1174, %mul3A_1325 : vector<16xf32>
        %mul3A_1327 = vector.broadcast %squeeze3A_1305 : f32 to vector<16xf32>
        %mul3A_1328 = arith.mulf %mul3A_1327, %get3A_1251 : vector<16xf32>
        %add3A_1329 = arith.addf %add3A_1177, %mul3A_1328 : vector<16xf32>
        %slice3A_1330 = vector.extract_strided_slice %get3A_749 {offsets = [3], sizes = [1], strides = [1]} : vector<16xf32> to vector<1xf32>
        %squeeze3A_1331 = vector.extract %slice3A_1330[0] : f32 from vector<1xf32>
        %mul3A_1332 = vector.broadcast %squeeze3A_1331 : f32 to vector<16xf32>
        %mul3A_1333 = arith.mulf %mul3A_1332, %get3A_1209 : vector<16xf32>
        %add3A_1334 = arith.addf %add3A_1182, %mul3A_1333 : vector<16xf32>
        %mul3A_1335 = vector.broadcast %squeeze3A_1331 : f32 to vector<16xf32>
        %mul3A_1336 = arith.mulf %mul3A_1335, %get3A_1215 : vector<16xf32>
        %add3A_1337 = arith.addf %add3A_1185, %mul3A_1336 : vector<16xf32>
        %mul3A_1338 = vector.broadcast %squeeze3A_1331 : f32 to vector<16xf32>
        %mul3A_1339 = arith.mulf %mul3A_1338, %get3A_1221 : vector<16xf32>
        %add3A_1340 = arith.addf %add3A_1188, %mul3A_1339 : vector<16xf32>
        %mul3A_1341 = vector.broadcast %squeeze3A_1331 : f32 to vector<16xf32>
        %mul3A_1342 = arith.mulf %mul3A_1341, %get3A_1227 : vector<16xf32>
        %add3A_1343 = arith.addf %add3A_1191, %mul3A_1342 : vector<16xf32>
        %mul3A_1344 = vector.broadcast %squeeze3A_1331 : f32 to vector<16xf32>
        %mul3A_1345 = arith.mulf %mul3A_1344, %get3A_1233 : vector<16xf32>
        %add3A_1346 = arith.addf %add3A_1194, %mul3A_1345 : vector<16xf32>
        %mul3A_1347 = vector.broadcast %squeeze3A_1331 : f32 to vector<16xf32>
        %mul3A_1348 = arith.mulf %mul3A_1347, %get3A_1239 : vector<16xf32>
        %add3A_1349 = arith.addf %add3A_1197, %mul3A_1348 : vector<16xf32>
        %mul3A_1350 = vector.broadcast %squeeze3A_1331 : f32 to vector<16xf32>
        %mul3A_1351 = arith.mulf %mul3A_1350, %get3A_1245 : vector<16xf32>
        %add3A_1352 = arith.addf %add3A_1200, %mul3A_1351 : vector<16xf32>
        %mul3A_1353 = vector.broadcast %squeeze3A_1331 : f32 to vector<16xf32>
        %mul3A_1354 = arith.mulf %mul3A_1353, %get3A_1251 : vector<16xf32>
        %add3A_1355 = arith.addf %add3A_1203, %mul3A_1354 : vector<16xf32>
        %add3A_1356 = arith.constant 4 : i32
        %add3A_1357 = arith.addi %mul3A_725, %add3A_1356 : i32
        %get3A_1358 = arith.index_cast %add3A_1357 : i32 to index
        %get3A_1359 = arith.constant 0 : index
        %get3A_1360 = tpu.vector_load %arg7[%get3A_1358, %get3A_1359] {strides = array<i32>} : memref<128x128xf32, #tpu.memory_space<vmem>>, vector<1x16xf32>,
        %get3A_1361 = vector.shape_cast %get3A_1360 : vector<1x16xf32> to vector<16xf32>
        %add3A_1362 = arith.constant 4 : i32
        %add3A_1363 = arith.addi %mul3A_725, %add3A_1362 : i32
        %get3A_1364 = arith.index_cast %add3A_1363 : i32 to index
        %get3A_1365 = arith.constant 16 : index
        %get3A_1366 = tpu.vector_load %arg7[%get3A_1364, %get3A_1365] {strides = array<i32>} : memref<128x128xf32, #tpu.memory_space<vmem>>, vector<1x16xf32>,
        %get3A_1367 = vector.shape_cast %get3A_1366 : vector<1x16xf32> to vector<16xf32>
        %add3A_1368 = arith.constant 4 : i32
        %add3A_1369 = arith.addi %mul3A_725, %add3A_1368 : i32
        %get3A_1370 = arith.index_cast %add3A_1369 : i32 to index
        %get3A_1371 = arith.constant 32 : index
        %get3A_1372 = tpu.vector_load %arg7[%get3A_1370, %get3A_1371] {strides = array<i32>} : memref<128x128xf32, #tpu.memory_space<vmem>>, vector<1x16xf32>,
        %get3A_1373 = vector.shape_cast %get3A_1372 : vector<1x16xf32> to vector<16xf32>
        %add3A_1374 = arith.constant 4 : i32
        %add3A_1375 = arith.addi %mul3A_725, %add3A_1374 : i32
        %get3A_1376 = arith.index_cast %add3A_1375 : i32 to index
        %get3A_1377 = arith.constant 48 : index
        %get3A_1378 = tpu.vector_load %arg7[%get3A_1376, %get3A_1377] {strides = array<i32>} : memref<128x128xf32, #tpu.memory_space<vmem>>, vector<1x16xf32>,
        %get3A_1379 = vector.shape_cast %get3A_1378 : vector<1x16xf32> to vector<16xf32>
        %add3A_1380 = arith.constant 4 : i32
        %add3A_1381 = arith.addi %mul3A_725, %add3A_1380 : i32
        %get3A_1382 = arith.index_cast %add3A_1381 : i32 to index
        %get3A_1383 = arith.constant 64 : index
        %get3A_1384 = tpu.vector_load %arg7[%get3A_1382, %get3A_1383] {strides = array<i32>} : memref<128x128xf32, #tpu.memory_space<vmem>>, vector<1x16xf32>,
        %get3A_1385 = vector.shape_cast %get3A_1384 : vector<1x16xf32> to vector<16xf32>
        %add3A_1386 = arith.constant 4 : i32
        %add3A_1387 = arith.addi %mul3A_725, %add3A_1386 : i32
        %get3A_1388 = arith.index_cast %add3A_1387 : i32 to index
        %get3A_1389 = arith.constant 80 : index
        %get3A_1390 = tpu.vector_load %arg7[%get3A_1388, %get3A_1389] {strides = array<i32>} : memref<128x128xf32, #tpu.memory_space<vmem>>, vector<1x16xf32>,
        %get3A_1391 = vector.shape_cast %get3A_1390 : vector<1x16xf32> to vector<16xf32>
        %add3A_1392 = arith.constant 4 : i32
        %add3A_1393 = arith.addi %mul3A_725, %add3A_1392 : i32
        %get3A_1394 = arith.index_cast %add3A_1393 : i32 to index
        %get3A_1395 = arith.constant 96 : index
        %get3A_1396 = tpu.vector_load %arg7[%get3A_1394, %get3A_1395] {strides = array<i32>} : memref<128x128xf32, #tpu.memory_space<vmem>>, vector<1x16xf32>,
        %get3A_1397 = vector.shape_cast %get3A_1396 : vector<1x16xf32> to vector<16xf32>
        %add3A_1398 = arith.constant 4 : i32
        %add3A_1399 = arith.addi %mul3A_725, %add3A_1398 : i32
        %get3A_1400 = arith.index_cast %add3A_1399 : i32 to index
        %get3A_1401 = arith.constant 112 : index
        %get3A_1402 = tpu.vector_load %arg7[%get3A_1400, %get3A_1401] {strides = array<i32>} : memref<128x128xf32, #tpu.memory_space<vmem>>, vector<1x16xf32>,
        %get3A_1403 = vector.shape_cast %get3A_1402 : vector<1x16xf32> to vector<16xf32>
        %slice3A_1404 = vector.extract_strided_slice %get3A_731 {offsets = [4], sizes = [1], strides = [1]} : vector<16xf32> to vector<1xf32>
        %squeeze3A_1405 = vector.extract %slice3A_1404[0] : f32 from vector<1xf32>
        %mul3A_1406 = vector.broadcast %squeeze3A_1405 : f32 to vector<16xf32>
        %mul3A_1407 = arith.mulf %mul3A_1406, %get3A_1361 : vector<16xf32>
        %add3A_1408 = arith.addf %add3A_1256, %mul3A_1407 : vector<16xf32>
        %mul3A_1409 = vector.broadcast %squeeze3A_1405 : f32 to vector<16xf32>
        %mul3A_1410 = arith.mulf %mul3A_1409, %get3A_1367 : vector<16xf32>
        %add3A_1411 = arith.addf %add3A_1259, %mul3A_1410 : vector<16xf32>
        %mul3A_1412 = vector.broadcast %squeeze3A_1405 : f32 to vector<16xf32>
        %mul3A_1413 = arith.mulf %mul3A_1412, %get3A_1373 : vector<16xf32>
        %add3A_1414 = arith.addf %add3A_1262, %mul3A_1413 : vector<16xf32>
        %mul3A_1415 = vector.broadcast %squeeze3A_1405 : f32 to vector<16xf32>
        %mul3A_1416 = arith.mulf %mul3A_1415, %get3A_1379 : vector<16xf32>
        %add3A_1417 = arith.addf %add3A_1265, %mul3A_1416 : vector<16xf32>
        %mul3A_1418 = vector.broadcast %squeeze3A_1405 : f32 to vector<16xf32>
        %mul3A_1419 = arith.mulf %mul3A_1418, %get3A_1385 : vector<16xf32>
        %add3A_1420 = arith.addf %add3A_1268, %mul3A_1419 : vector<16xf32>
        %mul3A_1421 = vector.broadcast %squeeze3A_1405 : f32 to vector<16xf32>
        %mul3A_1422 = arith.mulf %mul3A_1421, %get3A_1391 : vector<16xf32>
        %add3A_1423 = arith.addf %add3A_1271, %mul3A_1422 : vector<16xf32>
        %mul3A_1424 = vector.broadcast %squeeze3A_1405 : f32 to vector<16xf32>
        %mul3A_1425 = arith.mulf %mul3A_1424, %get3A_1397 : vector<16xf32>
        %add3A_1426 = arith.addf %add3A_1274, %mul3A_1425 : vector<16xf32>
        %mul3A_1427 = vector.broadcast %squeeze3A_1405 : f32 to vector<16xf32>
        %mul3A_1428 = arith.mulf %mul3A_1427, %get3A_1403 : vector<16xf32>
        %add3A_1429 = arith.addf %add3A_1277, %mul3A_1428 : vector<16xf32>
        %slice3A_1430 = vector.extract_strided_slice %get3A_737 {offsets = [4], sizes = [1], strides = [1]} : vector<16xf32> to vector<1xf32>
        %squeeze3A_1431 = vector.extract %slice3A_1430[0] : f32 from vector<1xf32>
        %mul3A_1432 = vector.broadcast %squeeze3A_1431 : f32 to vector<16xf32>
        %mul3A_1433 = arith.mulf %mul3A_1432, %get3A_1361 : vector<16xf32>
        %add3A_1434 = arith.addf %add3A_1282, %mul3A_1433 : vector<16xf32>
        %mul3A_1435 = vector.broadcast %squeeze3A_1431 : f32 to vector<16xf32>
        %mul3A_1436 = arith.mulf %mul3A_1435, %get3A_1367 : vector<16xf32>
        %add3A_1437 = arith.addf %add3A_1285, %mul3A_1436 : vector<16xf32>
        %mul3A_1438 = vector.broadcast %squeeze3A_1431 : f32 to vector<16xf32>
        %mul3A_1439 = arith.mulf %mul3A_1438, %get3A_1373 : vector<16xf32>
        %add3A_1440 = arith.addf %add3A_1288, %mul3A_1439 : vector<16xf32>
        %mul3A_1441 = vector.broadcast %squeeze3A_1431 : f32 to vector<16xf32>
        %mul3A_1442 = arith.mulf %mul3A_1441, %get3A_1379 : vector<16xf32>
        %add3A_1443 = arith.addf %add3A_1291, %mul3A_1442 : vector<16xf32>
        %mul3A_1444 = vector.broadcast %squeeze3A_1431 : f32 to vector<16xf32>
        %mul3A_1445 = arith.mulf %mul3A_1444, %get3A_1385 : vector<16xf32>
        %add3A_1446 = arith.addf %add3A_1294, %mul3A_1445 : vector<16xf32>
        %mul3A_1447 = vector.broadcast %squeeze3A_1431 : f32 to vector<16xf32>
        %mul3A_1448 = arith.mulf %mul3A_1447, %get3A_1391 : vector<16xf32>
        %add3A_1449 = arith.addf %add3A_1297, %mul3A_1448 : vector<16xf32>
        %mul3A_1450 = vector.broadcast %squeeze3A_1431 : f32 to vector<16xf32>
        %mul3A_1451 = arith.mulf %mul3A_1450, %get3A_1397 : vector<16xf32>
        %add3A_1452 = arith.addf %add3A_1300, %mul3A_1451 : vector<16xf32>
        %mul3A_1453 = vector.broadcast %squeeze3A_1431 : f32 to vector<16xf32>
        %mul3A_1454 = arith.mulf %mul3A_1453, %get3A_1403 : vector<16xf32>
        %add3A_1455 = arith.addf %add3A_1303, %mul3A_1454 : vector<16xf32>
        %slice3A_1456 = vector.extract_strided_slice %get3A_743 {offsets = [4], sizes = [1], strides = [1]} : vector<16xf32> to vector<1xf32>
        %squeeze3A_1457 = vector.extract %slice3A_1456[0] : f32 from vector<1xf32>
        %mul3A_1458 = vector.broadcast %squeeze3A_1457 : f32 to vector<16xf32>
        %mul3A_1459 = arith.mulf %mul3A_1458, %get3A_1361 : vector<16xf32>
        %add3A_1460 = arith.addf %add3A_1308, %mul3A_1459 : vector<16xf32>
        %mul3A_1461 = vector.broadcast %squeeze3A_1457 : f32 to vector<16xf32>
        %mul3A_1462 = arith.mulf %mul3A_1461, %get3A_1367 : vector<16xf32>
        %add3A_1463 = arith.addf %add3A_1311, %mul3A_1462 : vector<16xf32>
        %mul3A_1464 = vector.broadcast %squeeze3A_1457 : f32 to vector<16xf32>
        %mul3A_1465 = arith.mulf %mul3A_1464, %get3A_1373 : vector<16xf32>
        %add3A_1466 = arith.addf %add3A_1314, %mul3A_1465 : vector<16xf32>
        %mul3A_1467 = vector.broadcast %squeeze3A_1457 : f32 to vector<16xf32>
        %mul3A_1468 = arith.mulf %mul3A_1467, %get3A_1379 : vector<16xf32>
        %add3A_1469 = arith.addf %add3A_1317, %mul3A_1468 : vector<16xf32>
        %mul3A_1470 = vector.broadcast %squeeze3A_1457 : f32 to vector<16xf32>
        %mul3A_1471 = arith.mulf %mul3A_1470, %get3A_1385 : vector<16xf32>
        %add3A_1472 = arith.addf %add3A_1320, %mul3A_1471 : vector<16xf32>
        %mul3A_1473 = vector.broadcast %squeeze3A_1457 : f32 to vector<16xf32>
        %mul3A_1474 = arith.mulf %mul3A_1473, %get3A_1391 : vector<16xf32>
        %add3A_1475 = arith.addf %add3A_1323, %mul3A_1474 : vector<16xf32>
        %mul3A_1476 = vector.broadcast %squeeze3A_1457 : f32 to vector<16xf32>
        %mul3A_1477 = arith.mulf %mul3A_1476, %get3A_1397 : vector<16xf32>
        %add3A_1478 = arith.addf %add3A_1326, %mul3A_1477 : vector<16xf32>
        %mul3A_1479 = vector.broadcast %squeeze3A_1457 : f32 to vector<16xf32>
        %mul3A_1480 = arith.mulf %mul3A_1479, %get3A_1403 : vector<16xf32>
        %add3A_1481 = arith.addf %add3A_1329, %mul3A_1480 : vector<16xf32>
        %slice3A_1482 = vector.extract_strided_slice %get3A_749 {offsets = [4], sizes = [1], strides = [1]} : vector<16xf32> to vector<1xf32>
        %squeeze3A_1483 = vector.extract %slice3A_1482[0] : f32 from vector<1xf32>
        %mul3A_1484 = vector.broadcast %squeeze3A_1483 : f32 to vector<16xf32>
        %mul3A_1485 = arith.mulf %mul3A_1484, %get3A_1361 : vector<16xf32>
        %add3A_1486 = arith.addf %add3A_1334, %mul3A_1485 : vector<16xf32>
        %mul3A_1487 = vector.broadcast %squeeze3A_1483 : f32 to vector<16xf32>
        %mul3A_1488 = arith.mulf %mul3A_1487, %get3A_1367 : vector<16xf32>
        %add3A_1489 = arith.addf %add3A_1337, %mul3A_1488 : vector<16xf32>
        %mul3A_1490 = vector.broadcast %squeeze3A_1483 : f32 to vector<16xf32>
        %mul3A_1491 = arith.mulf %mul3A_1490, %get3A_1373 : vector<16xf32>
        %add3A_1492 = arith.addf %add3A_1340, %mul3A_1491 : vector<16xf32>
        %mul3A_1493 = vector.broadcast %squeeze3A_1483 : f32 to vector<16xf32>
        %mul3A_1494 = arith.mulf %mul3A_1493, %get3A_1379 : vector<16xf32>
        %add3A_1495 = arith.addf %add3A_1343, %mul3A_1494 : vector<16xf32>
        %mul3A_1496 = vector.broadcast %squeeze3A_1483 : f32 to vector<16xf32>
        %mul3A_1497 = arith.mulf %mul3A_1496, %get3A_1385 : vector<16xf32>
        %add3A_1498 = arith.addf %add3A_1346, %mul3A_1497 : vector<16xf32>
        %mul3A_1499 = vector.broadcast %squeeze3A_1483 : f32 to vector<16xf32>
        %mul3A_1500 = arith.mulf %mul3A_1499, %get3A_1391 : vector<16xf32>
        %add3A_1501 = arith.addf %add3A_1349, %mul3A_1500 : vector<16xf32>
        %mul3A_1502 = vector.broadcast %squeeze3A_1483 : f32 to vector<16xf32>
        %mul3A_1503 = arith.mulf %mul3A_1502, %get3A_1397 : vector<16xf32>
        %add3A_1504 = arith.addf %add3A_1352, %mul3A_1503 : vector<16xf32>
        %mul3A_1505 = vector.broadcast %squeeze3A_1483 : f32 to vector<16xf32>
        %mul3A_1506 = arith.mulf %mul3A_1505, %get3A_1403 : vector<16xf32>
        %add3A_1507 = arith.addf %add3A_1355, %mul3A_1506 : vector<16xf32>
        %add3A_1508 = arith.constant 5 : i32
        %add3A_1509 = arith.addi %mul3A_725, %add3A_1508 : i32
        %get3A_1510 = arith.index_cast %add3A_1509 : i32 to index
        %get3A_1511 = arith.constant 0 : index
        %get3A_1512 = tpu.vector_load %arg7[%get3A_1510, %get3A_1511] {strides = array<i32>} : memref<128x128xf32, #tpu.memory_space<vmem>>, vector<1x16xf32>,
        %get3A_1513 = vector.shape_cast %get3A_1512 : vector<1x16xf32> to vector<16xf32>
        %add3A_1514 = arith.constant 5 : i32
        %add3A_1515 = arith.addi %mul3A_725, %add3A_1514 : i32
        %get3A_1516 = arith.index_cast %add3A_1515 : i32 to index
        %get3A_1517 = arith.constant 16 : index
        %get3A_1518 = tpu.vector_load %arg7[%get3A_1516, %get3A_1517] {strides = array<i32>} : memref<128x128xf32, #tpu.memory_space<vmem>>, vector<1x16xf32>,
        %get3A_1519 = vector.shape_cast %get3A_1518 : vector<1x16xf32> to vector<16xf32>
        %add3A_1520 = arith.constant 5 : i32
        %add3A_1521 = arith.addi %mul3A_725, %add3A_1520 : i32
        %get3A_1522 = arith.index_cast %add3A_1521 : i32 to index
        %get3A_1523 = arith.constant 32 : index
        %get3A_1524 = tpu.vector_load %arg7[%get3A_1522, %get3A_1523] {strides = array<i32>} : memref<128x128xf32, #tpu.memory_space<vmem>>, vector<1x16xf32>,
        %get3A_1525 = vector.shape_cast %get3A_1524 : vector<1x16xf32> to vector<16xf32>
        %add3A_1526 = arith.constant 5 : i32
        %add3A_1527 = arith.addi %mul3A_725, %add3A_1526 : i32
        %get3A_1528 = arith.index_cast %add3A_1527 : i32 to index
        %get3A_1529 = arith.constant 48 : index
        %get3A_1530 = tpu.vector_load %arg7[%get3A_1528, %get3A_1529] {strides = array<i32>} : memref<128x128xf32, #tpu.memory_space<vmem>>, vector<1x16xf32>,
        %get3A_1531 = vector.shape_cast %get3A_1530 : vector<1x16xf32> to vector<16xf32>
        %add3A_1532 = arith.constant 5 : i32
        %add3A_1533 = arith.addi %mul3A_725, %add3A_1532 : i32
        %get3A_1534 = arith.index_cast %add3A_1533 : i32 to index
        %get3A_1535 = arith.constant 64 : index
        %get3A_1536 = tpu.vector_load %arg7[%get3A_1534, %get3A_1535] {strides = array<i32>} : memref<128x128xf32, #tpu.memory_space<vmem>>, vector<1x16xf32>,
        %get3A_1537 = vector.shape_cast %get3A_1536 : vector<1x16xf32> to vector<16xf32>
        %add3A_1538 = arith.constant 5 : i32
        %add3A_1539 = arith.addi %mul3A_725, %add3A_1538 : i32
        %get3A_1540 = arith.index_cast %add3A_1539 : i32 to index
        %get3A_1541 = arith.constant 80 : index
        %get3A_1542 = tpu.vector_load %arg7[%get3A_1540, %get3A_1541] {strides = array<i32>} : memref<128x128xf32, #tpu.memory_space<vmem>>, vector<1x16xf32>,
        %get3A_1543 = vector.shape_cast %get3A_1542 : vector<1x16xf32> to vector<16xf32>
        %add3A_1544 = arith.constant 5 : i32
        %add3A_1545 = arith.addi %mul3A_725, %add3A_1544 : i32
        %get3A_1546 = arith.index_cast %add3A_1545 : i32 to index
        %get3A_1547 = arith.constant 96 : index
        %get3A_1548 = tpu.vector_load %arg7[%get3A_1546, %get3A_1547] {strides = array<i32>} : memref<128x128xf32, #tpu.memory_space<vmem>>, vector<1x16xf32>,
        %get3A_1549 = vector.shape_cast %get3A_1548 : vector<1x16xf32> to vector<16xf32>
        %add3A_1550 = arith.constant 5 : i32
        %add3A_1551 = arith.addi %mul3A_725, %add3A_1550 : i32
        %get3A_1552 = arith.index_cast %add3A_1551 : i32 to index
        %get3A_1553 = arith.constant 112 : index
        %get3A_1554 = tpu.vector_load %arg7[%get3A_1552, %get3A_1553] {strides = array<i32>} : memref<128x128xf32, #tpu.memory_space<vmem>>, vector<1x16xf32>,
        %get3A_1555 = vector.shape_cast %get3A_1554 : vector<1x16xf32> to vector<16xf32>
        %slice3A_1556 = vector.extract_strided_slice %get3A_731 {offsets = [5], sizes = [1], strides = [1]} : vector<16xf32> to vector<1xf32>
        %squeeze3A_1557 = vector.extract %slice3A_1556[0] : f32 from vector<1xf32>
        %mul3A_1558 = vector.broadcast %squeeze3A_1557 : f32 to vector<16xf32>
        %mul3A_1559 = arith.mulf %mul3A_1558, %get3A_1513 : vector<16xf32>
        %add3A_1560 = arith.addf %add3A_1408, %mul3A_1559 : vector<16xf32>
        %mul3A_1561 = vector.broadcast %squeeze3A_1557 : f32 to vector<16xf32>
        %mul3A_1562 = arith.mulf %mul3A_1561, %get3A_1519 : vector<16xf32>
        %add3A_1563 = arith.addf %add3A_1411, %mul3A_1562 : vector<16xf32>
        %mul3A_1564 = vector.broadcast %squeeze3A_1557 : f32 to vector<16xf32>
        %mul3A_1565 = arith.mulf %mul3A_1564, %get3A_1525 : vector<16xf32>
        %add3A_1566 = arith.addf %add3A_1414, %mul3A_1565 : vector<16xf32>
        %mul3A_1567 = vector.broadcast %squeeze3A_1557 : f32 to vector<16xf32>
        %mul3A_1568 = arith.mulf %mul3A_1567, %get3A_1531 : vector<16xf32>
        %add3A_1569 = arith.addf %add3A_1417, %mul3A_1568 : vector<16xf32>
        %mul3A_1570 = vector.broadcast %squeeze3A_1557 : f32 to vector<16xf32>
        %mul3A_1571 = arith.mulf %mul3A_1570, %get3A_1537 : vector<16xf32>
        %add3A_1572 = arith.addf %add3A_1420, %mul3A_1571 : vector<16xf32>
        %mul3A_1573 = vector.broadcast %squeeze3A_1557 : f32 to vector<16xf32>
        %mul3A_1574 = arith.mulf %mul3A_1573, %get3A_1543 : vector<16xf32>
        %add3A_1575 = arith.addf %add3A_1423, %mul3A_1574 : vector<16xf32>
        %mul3A_1576 = vector.broadcast %squeeze3A_1557 : f32 to vector<16xf32>
        %mul3A_1577 = arith.mulf %mul3A_1576, %get3A_1549 : vector<16xf32>
        %add3A_1578 = arith.addf %add3A_1426, %mul3A_1577 : vector<16xf32>
        %mul3A_1579 = vector.broadcast %squeeze3A_1557 : f32 to vector<16xf32>
        %mul3A_1580 = arith.mulf %mul3A_1579, %get3A_1555 : vector<16xf32>
        %add3A_1581 = arith.addf %add3A_1429, %mul3A_1580 : vector<16xf32>
        %slice3A_1582 = vector.extract_strided_slice %get3A_737 {offsets = [5], sizes = [1], strides = [1]} : vector<16xf32> to vector<1xf32>
        %squeeze3A_1583 = vector.extract %slice3A_1582[0] : f32 from vector<1xf32>
        %mul3A_1584 = vector.broadcast %squeeze3A_1583 : f32 to vector<16xf32>
        %mul3A_1585 = arith.mulf %mul3A_1584, %get3A_1513 : vector<16xf32>
        %add3A_1586 = arith.addf %add3A_1434, %mul3A_1585 : vector<16xf32>
        %mul3A_1587 = vector.broadcast %squeeze3A_1583 : f32 to vector<16xf32>
        %mul3A_1588 = arith.mulf %mul3A_1587, %get3A_1519 : vector<16xf32>
        %add3A_1589 = arith.addf %add3A_1437, %mul3A_1588 : vector<16xf32>
        %mul3A_1590 = vector.broadcast %squeeze3A_1583 : f32 to vector<16xf32>
        %mul3A_1591 = arith.mulf %mul3A_1590, %get3A_1525 : vector<16xf32>
        %add3A_1592 = arith.addf %add3A_1440, %mul3A_1591 : vector<16xf32>
        %mul3A_1593 = vector.broadcast %squeeze3A_1583 : f32 to vector<16xf32>
        %mul3A_1594 = arith.mulf %mul3A_1593, %get3A_1531 : vector<16xf32>
        %add3A_1595 = arith.addf %add3A_1443, %mul3A_1594 : vector<16xf32>
        %mul3A_1596 = vector.broadcast %squeeze3A_1583 : f32 to vector<16xf32>
        %mul3A_1597 = arith.mulf %mul3A_1596, %get3A_1537 : vector<16xf32>
        %add3A_1598 = arith.addf %add3A_1446, %mul3A_1597 : vector<16xf32>
        %mul3A_1599 = vector.broadcast %squeeze3A_1583 : f32 to vector<16xf32>
        %mul3A_1600 = arith.mulf %mul3A_1599, %get3A_1543 : vector<16xf32>
        %add3A_1601 = arith.addf %add3A_1449, %mul3A_1600 : vector<16xf32>
        %mul3A_1602 = vector.broadcast %squeeze3A_1583 : f32 to vector<16xf32>
        %mul3A_1603 = arith.mulf %mul3A_1602, %get3A_1549 : vector<16xf32>
        %add3A_1604 = arith.addf %add3A_1452, %mul3A_1603 : vector<16xf32>
        %mul3A_1605 = vector.broadcast %squeeze3A_1583 : f32 to vector<16xf32>
        %mul3A_1606 = arith.mulf %mul3A_1605, %get3A_1555 : vector<16xf32>
        %add3A_1607 = arith.addf %add3A_1455, %mul3A_1606 : vector<16xf32>
        %slice3A_1608 = vector.extract_strided_slice %get3A_743 {offsets = [5], sizes = [1], strides = [1]} : vector<16xf32> to vector<1xf32>
        %squeeze3A_1609 = vector.extract %slice3A_1608[0] : f32 from vector<1xf32>
        %mul3A_1610 = vector.broadcast %squeeze3A_1609 : f32 to vector<16xf32>
        %mul3A_1611 = arith.mulf %mul3A_1610, %get3A_1513 : vector<16xf32>
        %add3A_1612 = arith.addf %add3A_1460, %mul3A_1611 : vector<16xf32>
        %mul3A_1613 = vector.broadcast %squeeze3A_1609 : f32 to vector<16xf32>
        %mul3A_1614 = arith.mulf %mul3A_1613, %get3A_1519 : vector<16xf32>
        %add3A_1615 = arith.addf %add3A_1463, %mul3A_1614 : vector<16xf32>
        %mul3A_1616 = vector.broadcast %squeeze3A_1609 : f32 to vector<16xf32>
        %mul3A_1617 = arith.mulf %mul3A_1616, %get3A_1525 : vector<16xf32>
        %add3A_1618 = arith.addf %add3A_1466, %mul3A_1617 : vector<16xf32>
        %mul3A_1619 = vector.broadcast %squeeze3A_1609 : f32 to vector<16xf32>
        %mul3A_1620 = arith.mulf %mul3A_1619, %get3A_1531 : vector<16xf32>
        %add3A_1621 = arith.addf %add3A_1469, %mul3A_1620 : vector<16xf32>
        %mul3A_1622 = vector.broadcast %squeeze3A_1609 : f32 to vector<16xf32>
        %mul3A_1623 = arith.mulf %mul3A_1622, %get3A_1537 : vector<16xf32>
        %add3A_1624 = arith.addf %add3A_1472, %mul3A_1623 : vector<16xf32>
        %mul3A_1625 = vector.broadcast %squeeze3A_1609 : f32 to vector<16xf32>
        %mul3A_1626 = arith.mulf %mul3A_1625, %get3A_1543 : vector<16xf32>
        %add3A_1627 = arith.addf %add3A_1475, %mul3A_1626 : vector<16xf32>
        %mul3A_1628 = vector.broadcast %squeeze3A_1609 : f32 to vector<16xf32>
        %mul3A_1629 = arith.mulf %mul3A_1628, %get3A_1549 : vector<16xf32>
        %add3A_1630 = arith.addf %add3A_1478, %mul3A_1629 : vector<16xf32>
        %mul3A_1631 = vector.broadcast %squeeze3A_1609 : f32 to vector<16xf32>
        %mul3A_1632 = arith.mulf %mul3A_1631, %get3A_1555 : vector<16xf32>
        %add3A_1633 = arith.addf %add3A_1481, %mul3A_1632 : vector<16xf32>
        %slice3A_1634 = vector.extract_strided_slice %get3A_749 {offsets = [5], sizes = [1], strides = [1]} : vector<16xf32> to vector<1xf32>
        %squeeze3A_1635 = vector.extract %slice3A_1634[0] : f32 from vector<1xf32>
        %mul3A_1636 = vector.broadcast %squeeze3A_1635 : f32 to vector<16xf32>
        %mul3A_1637 = arith.mulf %mul3A_1636, %get3A_1513 : vector<16xf32>
        %add3A_1638 = arith.addf %add3A_1486, %mul3A_1637 : vector<16xf32>
        %mul3A_1639 = vector.broadcast %squeeze3A_1635 : f32 to vector<16xf32>
        %mul3A_1640 = arith.mulf %mul3A_1639, %get3A_1519 : vector<16xf32>
        %add3A_1641 = arith.addf %add3A_1489, %mul3A_1640 : vector<16xf32>
        %mul3A_1642 = vector.broadcast %squeeze3A_1635 : f32 to vector<16xf32>
        %mul3A_1643 = arith.mulf %mul3A_1642, %get3A_1525 : vector<16xf32>
        %add3A_1644 = arith.addf %add3A_1492, %mul3A_1643 : vector<16xf32>
        %mul3A_1645 = vector.broadcast %squeeze3A_1635 : f32 to vector<16xf32>
        %mul3A_1646 = arith.mulf %mul3A_1645, %get3A_1531 : vector<16xf32>
        %add3A_1647 = arith.addf %add3A_1495, %mul3A_1646 : vector<16xf32>
        %mul3A_1648 = vector.broadcast %squeeze3A_1635 : f32 to vector<16xf32>
        %mul3A_1649 = arith.mulf %mul3A_1648, %get3A_1537 : vector<16xf32>
        %add3A_1650 = arith.addf %add3A_1498, %mul3A_1649 : vector<16xf32>
        %mul3A_1651 = vector.broadcast %squeeze3A_1635 : f32 to vector<16xf32>
        %mul3A_1652 = arith.mulf %mul3A_1651, %get3A_1543 : vector<16xf32>
        %add3A_1653 = arith.addf %add3A_1501, %mul3A_1652 : vector<16xf32>
        %mul3A_1654 = vector.broadcast %squeeze3A_1635 : f32 to vector<16xf32>
        %mul3A_1655 = arith.mulf %mul3A_1654, %get3A_1549 : vector<16xf32>
        %add3A_1656 = arith.addf %add3A_1504, %mul3A_1655 : vector<16xf32>
        %mul3A_1657 = vector.broadcast %squeeze3A_1635 : f32 to vector<16xf32>
        %mul3A_1658 = arith.mulf %mul3A_1657, %get3A_1555 : vector<16xf32>
        %add3A_1659 = arith.addf %add3A_1507, %mul3A_1658 : vector<16xf32>
        %add3A_1660 = arith.constant 6 : i32
        %add3A_1661 = arith.addi %mul3A_725, %add3A_1660 : i32
        %get3A_1662 = arith.index_cast %add3A_1661 : i32 to index
        %get3A_1663 = arith.constant 0 : index
        %get3A_1664 = tpu.vector_load %arg7[%get3A_1662, %get3A_1663] {strides = array<i32>} : memref<128x128xf32, #tpu.memory_space<vmem>>, vector<1x16xf32>,
        %get3A_1665 = vector.shape_cast %get3A_1664 : vector<1x16xf32> to vector<16xf32>
        %add3A_1666 = arith.constant 6 : i32
        %add3A_1667 = arith.addi %mul3A_725, %add3A_1666 : i32
        %get3A_1668 = arith.index_cast %add3A_1667 : i32 to index
        %get3A_1669 = arith.constant 16 : index
        %get3A_1670 = tpu.vector_load %arg7[%get3A_1668, %get3A_1669] {strides = array<i32>} : memref<128x128xf32, #tpu.memory_space<vmem>>, vector<1x16xf32>,
        %get3A_1671 = vector.shape_cast %get3A_1670 : vector<1x16xf32> to vector<16xf32>
        %add3A_1672 = arith.constant 6 : i32
        %add3A_1673 = arith.addi %mul3A_725, %add3A_1672 : i32
        %get3A_1674 = arith.index_cast %add3A_1673 : i32 to index
        %get3A_1675 = arith.constant 32 : index
        %get3A_1676 = tpu.vector_load %arg7[%get3A_1674, %get3A_1675] {strides = array<i32>} : memref<128x128xf32, #tpu.memory_space<vmem>>, vector<1x16xf32>,
        %get3A_1677 = vector.shape_cast %get3A_1676 : vector<1x16xf32> to vector<16xf32>
        %add3A_1678 = arith.constant 6 : i32
        %add3A_1679 = arith.addi %mul3A_725, %add3A_1678 : i32
        %get3A_1680 = arith.index_cast %add3A_1679 : i32 to index
        %get3A_1681 = arith.constant 48 : index
        %get3A_1682 = tpu.vector_load %arg7[%get3A_1680, %get3A_1681] {strides = array<i32>} : memref<128x128xf32, #tpu.memory_space<vmem>>, vector<1x16xf32>,
        %get3A_1683 = vector.shape_cast %get3A_1682 : vector<1x16xf32> to vector<16xf32>
        %add3A_1684 = arith.constant 6 : i32
        %add3A_1685 = arith.addi %mul3A_725, %add3A_1684 : i32
        %get3A_1686 = arith.index_cast %add3A_1685 : i32 to index
        %get3A_1687 = arith.constant 64 : index
        %get3A_1688 = tpu.vector_load %arg7[%get3A_1686, %get3A_1687] {strides = array<i32>} : memref<128x128xf32, #tpu.memory_space<vmem>>, vector<1x16xf32>,
        %get3A_1689 = vector.shape_cast %get3A_1688 : vector<1x16xf32> to vector<16xf32>
        %add3A_1690 = arith.constant 6 : i32
        %add3A_1691 = arith.addi %mul3A_725, %add3A_1690 : i32
        %get3A_1692 = arith.index_cast %add3A_1691 : i32 to index
        %get3A_1693 = arith.constant 80 : index
        %get3A_1694 = tpu.vector_load %arg7[%get3A_1692, %get3A_1693] {strides = array<i32>} : memref<128x128xf32, #tpu.memory_space<vmem>>, vector<1x16xf32>,
        %get3A_1695 = vector.shape_cast %get3A_1694 : vector<1x16xf32> to vector<16xf32>
        %add3A_1696 = arith.constant 6 : i32
        %add3A_1697 = arith.addi %mul3A_725, %add3A_1696 : i32
        %get3A_1698 = arith.index_cast %add3A_1697 : i32 to index
        %get3A_1699 = arith.constant 96 : index
        %get3A_1700 = tpu.vector_load %arg7[%get3A_1698, %get3A_1699] {strides = array<i32>} : memref<128x128xf32, #tpu.memory_space<vmem>>, vector<1x16xf32>,
        %get3A_1701 = vector.shape_cast %get3A_1700 : vector<1x16xf32> to vector<16xf32>
        %add3A_1702 = arith.constant 6 : i32
        %add3A_1703 = arith.addi %mul3A_725, %add3A_1702 : i32
        %get3A_1704 = arith.index_cast %add3A_1703 : i32 to index
        %get3A_1705 = arith.constant 112 : index
        %get3A_1706 = tpu.vector_load %arg7[%get3A_1704, %get3A_1705] {strides = array<i32>} : memref<128x128xf32, #tpu.memory_space<vmem>>, vector<1x16xf32>,
        %get3A_1707 = vector.shape_cast %get3A_1706 : vector<1x16xf32> to vector<16xf32>
        %slice3A_1708 = vector.extract_strided_slice %get3A_731 {offsets = [6], sizes = [1], strides = [1]} : vector<16xf32> to vector<1xf32>
        %squeeze3A_1709 = vector.extract %slice3A_1708[0] : f32 from vector<1xf32>
        %mul3A_1710 = vector.broadcast %squeeze3A_1709 : f32 to vector<16xf32>
        %mul3A_1711 = arith.mulf %mul3A_1710, %get3A_1665 : vector<16xf32>
        %add3A_1712 = arith.addf %add3A_1560, %mul3A_1711 : vector<16xf32>
        %mul3A_1713 = vector.broadcast %squeeze3A_1709 : f32 to vector<16xf32>
        %mul3A_1714 = arith.mulf %mul3A_1713, %get3A_1671 : vector<16xf32>
        %add3A_1715 = arith.addf %add3A_1563, %mul3A_1714 : vector<16xf32>
        %mul3A_1716 = vector.broadcast %squeeze3A_1709 : f32 to vector<16xf32>
        %mul3A_1717 = arith.mulf %mul3A_1716, %get3A_1677 : vector<16xf32>
        %add3A_1718 = arith.addf %add3A_1566, %mul3A_1717 : vector<16xf32>
        %mul3A_1719 = vector.broadcast %squeeze3A_1709 : f32 to vector<16xf32>
        %mul3A_1720 = arith.mulf %mul3A_1719, %get3A_1683 : vector<16xf32>
        %add3A_1721 = arith.addf %add3A_1569, %mul3A_1720 : vector<16xf32>
        %mul3A_1722 = vector.broadcast %squeeze3A_1709 : f32 to vector<16xf32>
        %mul3A_1723 = arith.mulf %mul3A_1722, %get3A_1689 : vector<16xf32>
        %add3A_1724 = arith.addf %add3A_1572, %mul3A_1723 : vector<16xf32>
        %mul3A_1725 = vector.broadcast %squeeze3A_1709 : f32 to vector<16xf32>
        %mul3A_1726 = arith.mulf %mul3A_1725, %get3A_1695 : vector<16xf32>
        %add3A_1727 = arith.addf %add3A_1575, %mul3A_1726 : vector<16xf32>
        %mul3A_1728 = vector.broadcast %squeeze3A_1709 : f32 to vector<16xf32>
        %mul3A_1729 = arith.mulf %mul3A_1728, %get3A_1701 : vector<16xf32>
        %add3A_1730 = arith.addf %add3A_1578, %mul3A_1729 : vector<16xf32>
        %mul3A_1731 = vector.broadcast %squeeze3A_1709 : f32 to vector<16xf32>
        %mul3A_1732 = arith.mulf %mul3A_1731, %get3A_1707 : vector<16xf32>
        %add3A_1733 = arith.addf %add3A_1581, %mul3A_1732 : vector<16xf32>
        %slice3A_1734 = vector.extract_strided_slice %get3A_737 {offsets = [6], sizes = [1], strides = [1]} : vector<16xf32> to vector<1xf32>
        %squeeze3A_1735 = vector.extract %slice3A_1734[0] : f32 from vector<1xf32>
        %mul3A_1736 = vector.broadcast %squeeze3A_1735 : f32 to vector<16xf32>
        %mul3A_1737 = arith.mulf %mul3A_1736, %get3A_1665 : vector<16xf32>
        %add3A_1738 = arith.addf %add3A_1586, %mul3A_1737 : vector<16xf32>
        %mul3A_1739 = vector.broadcast %squeeze3A_1735 : f32 to vector<16xf32>
        %mul3A_1740 = arith.mulf %mul3A_1739, %get3A_1671 : vector<16xf32>
        %add3A_1741 = arith.addf %add3A_1589, %mul3A_1740 : vector<16xf32>
        %mul3A_1742 = vector.broadcast %squeeze3A_1735 : f32 to vector<16xf32>
        %mul3A_1743 = arith.mulf %mul3A_1742, %get3A_1677 : vector<16xf32>
        %add3A_1744 = arith.addf %add3A_1592, %mul3A_1743 : vector<16xf32>
        %mul3A_1745 = vector.broadcast %squeeze3A_1735 : f32 to vector<16xf32>
        %mul3A_1746 = arith.mulf %mul3A_1745, %get3A_1683 : vector<16xf32>
        %add3A_1747 = arith.addf %add3A_1595, %mul3A_1746 : vector<16xf32>
        %mul3A_1748 = vector.broadcast %squeeze3A_1735 : f32 to vector<16xf32>
        %mul3A_1749 = arith.mulf %mul3A_1748, %get3A_1689 : vector<16xf32>
        %add3A_1750 = arith.addf %add3A_1598, %mul3A_1749 : vector<16xf32>
        %mul3A_1751 = vector.broadcast %squeeze3A_1735 : f32 to vector<16xf32>
        %mul3A_1752 = arith.mulf %mul3A_1751, %get3A_1695 : vector<16xf32>
        %add3A_1753 = arith.addf %add3A_1601, %mul3A_1752 : vector<16xf32>
        %mul3A_1754 = vector.broadcast %squeeze3A_1735 : f32 to vector<16xf32>
        %mul3A_1755 = arith.mulf %mul3A_1754, %get3A_1701 : vector<16xf32>
        %add3A_1756 = arith.addf %add3A_1604, %mul3A_1755 : vector<16xf32>
        %mul3A_1757 = vector.broadcast %squeeze3A_1735 : f32 to vector<16xf32>
        %mul3A_1758 = arith.mulf %mul3A_1757, %get3A_1707 : vector<16xf32>
        %add3A_1759 = arith.addf %add3A_1607, %mul3A_1758 : vector<16xf32>
        %slice3A_1760 = vector.extract_strided_slice %get3A_743 {offsets = [6], sizes = [1], strides = [1]} : vector<16xf32> to vector<1xf32>
        %squeeze3A_1761 = vector.extract %slice3A_1760[0] : f32 from vector<1xf32>
        %mul3A_1762 = vector.broadcast %squeeze3A_1761 : f32 to vector<16xf32>
        %mul3A_1763 = arith.mulf %mul3A_1762, %get3A_1665 : vector<16xf32>
        %add3A_1764 = arith.addf %add3A_1612, %mul3A_1763 : vector<16xf32>
        %mul3A_1765 = vector.broadcast %squeeze3A_1761 : f32 to vector<16xf32>
        %mul3A_1766 = arith.mulf %mul3A_1765, %get3A_1671 : vector<16xf32>
        %add3A_1767 = arith.addf %add3A_1615, %mul3A_1766 : vector<16xf32>
        %mul3A_1768 = vector.broadcast %squeeze3A_1761 : f32 to vector<16xf32>
        %mul3A_1769 = arith.mulf %mul3A_1768, %get3A_1677 : vector<16xf32>
        %add3A_1770 = arith.addf %add3A_1618, %mul3A_1769 : vector<16xf32>
        %mul3A_1771 = vector.broadcast %squeeze3A_1761 : f32 to vector<16xf32>
        %mul3A_1772 = arith.mulf %mul3A_1771, %get3A_1683 : vector<16xf32>
        %add3A_1773 = arith.addf %add3A_1621, %mul3A_1772 : vector<16xf32>
        %mul3A_1774 = vector.broadcast %squeeze3A_1761 : f32 to vector<16xf32>
        %mul3A_1775 = arith.mulf %mul3A_1774, %get3A_1689 : vector<16xf32>
        %add3A_1776 = arith.addf %add3A_1624, %mul3A_1775 : vector<16xf32>
        %mul3A_1777 = vector.broadcast %squeeze3A_1761 : f32 to vector<16xf32>
        %mul3A_1778 = arith.mulf %mul3A_1777, %get3A_1695 : vector<16xf32>
        %add3A_1779 = arith.addf %add3A_1627, %mul3A_1778 : vector<16xf32>
        %mul3A_1780 = vector.broadcast %squeeze3A_1761 : f32 to vector<16xf32>
        %mul3A_1781 = arith.mulf %mul3A_1780, %get3A_1701 : vector<16xf32>
        %add3A_1782 = arith.addf %add3A_1630, %mul3A_1781 : vector<16xf32>
        %mul3A_1783 = vector.broadcast %squeeze3A_1761 : f32 to vector<16xf32>
        %mul3A_1784 = arith.mulf %mul3A_1783, %get3A_1707 : vector<16xf32>
        %add3A_1785 = arith.addf %add3A_1633, %mul3A_1784 : vector<16xf32>
        %slice3A_1786 = vector.extract_strided_slice %get3A_749 {offsets = [6], sizes = [1], strides = [1]} : vector<16xf32> to vector<1xf32>
        %squeeze3A_1787 = vector.extract %slice3A_1786[0] : f32 from vector<1xf32>
        %mul3A_1788 = vector.broadcast %squeeze3A_1787 : f32 to vector<16xf32>
        %mul3A_1789 = arith.mulf %mul3A_1788, %get3A_1665 : vector<16xf32>
        %add3A_1790 = arith.addf %add3A_1638, %mul3A_1789 : vector<16xf32>
        %mul3A_1791 = vector.broadcast %squeeze3A_1787 : f32 to vector<16xf32>
        %mul3A_1792 = arith.mulf %mul3A_1791, %get3A_1671 : vector<16xf32>
        %add3A_1793 = arith.addf %add3A_1641, %mul3A_1792 : vector<16xf32>
        %mul3A_1794 = vector.broadcast %squeeze3A_1787 : f32 to vector<16xf32>
        %mul3A_1795 = arith.mulf %mul3A_1794, %get3A_1677 : vector<16xf32>
        %add3A_1796 = arith.addf %add3A_1644, %mul3A_1795 : vector<16xf32>
        %mul3A_1797 = vector.broadcast %squeeze3A_1787 : f32 to vector<16xf32>
        %mul3A_1798 = arith.mulf %mul3A_1797, %get3A_1683 : vector<16xf32>
        %add3A_1799 = arith.addf %add3A_1647, %mul3A_1798 : vector<16xf32>
        %mul3A_1800 = vector.broadcast %squeeze3A_1787 : f32 to vector<16xf32>
        %mul3A_1801 = arith.mulf %mul3A_1800, %get3A_1689 : vector<16xf32>
        %add3A_1802 = arith.addf %add3A_1650, %mul3A_1801 : vector<16xf32>
        %mul3A_1803 = vector.broadcast %squeeze3A_1787 : f32 to vector<16xf32>
        %mul3A_1804 = arith.mulf %mul3A_1803, %get3A_1695 : vector<16xf32>
        %add3A_1805 = arith.addf %add3A_1653, %mul3A_1804 : vector<16xf32>
        %mul3A_1806 = vector.broadcast %squeeze3A_1787 : f32 to vector<16xf32>
        %mul3A_1807 = arith.mulf %mul3A_1806, %get3A_1701 : vector<16xf32>
        %add3A_1808 = arith.addf %add3A_1656, %mul3A_1807 : vector<16xf32>
        %mul3A_1809 = vector.broadcast %squeeze3A_1787 : f32 to vector<16xf32>
        %mul3A_1810 = arith.mulf %mul3A_1809, %get3A_1707 : vector<16xf32>
        %add3A_1811 = arith.addf %add3A_1659, %mul3A_1810 : vector<16xf32>
        %add3A_1812 = arith.constant 7 : i32
        %add3A_1813 = arith.addi %mul3A_725, %add3A_1812 : i32
        %get3A_1814 = arith.index_cast %add3A_1813 : i32 to index
        %get3A_1815 = arith.constant 0 : index
        %get3A_1816 = tpu.vector_load %arg7[%get3A_1814, %get3A_1815] {strides = array<i32>} : memref<128x128xf32, #tpu.memory_space<vmem>>, vector<1x16xf32>,
        %get3A_1817 = vector.shape_cast %get3A_1816 : vector<1x16xf32> to vector<16xf32>
        %add3A_1818 = arith.constant 7 : i32
        %add3A_1819 = arith.addi %mul3A_725, %add3A_1818 : i32
        %get3A_1820 = arith.index_cast %add3A_1819 : i32 to index
        %get3A_1821 = arith.constant 16 : index
        %get3A_1822 = tpu.vector_load %arg7[%get3A_1820, %get3A_1821] {strides = array<i32>} : memref<128x128xf32, #tpu.memory_space<vmem>>, vector<1x16xf32>,
        %get3A_1823 = vector.shape_cast %get3A_1822 : vector<1x16xf32> to vector<16xf32>
        %add3A_1824 = arith.constant 7 : i32
        %add3A_1825 = arith.addi %mul3A_725, %add3A_1824 : i32
        %get3A_1826 = arith.index_cast %add3A_1825 : i32 to index
        %get3A_1827 = arith.constant 32 : index
        %get3A_1828 = tpu.vector_load %arg7[%get3A_1826, %get3A_1827] {strides = array<i32>} : memref<128x128xf32, #tpu.memory_space<vmem>>, vector<1x16xf32>,
        %get3A_1829 = vector.shape_cast %get3A_1828 : vector<1x16xf32> to vector<16xf32>
        %add3A_1830 = arith.constant 7 : i32
        %add3A_1831 = arith.addi %mul3A_725, %add3A_1830 : i32
        %get3A_1832 = arith.index_cast %add3A_1831 : i32 to index
        %get3A_1833 = arith.constant 48 : index
        %get3A_1834 = tpu.vector_load %arg7[%get3A_1832, %get3A_1833] {strides = array<i32>} : memref<128x128xf32, #tpu.memory_space<vmem>>, vector<1x16xf32>,
        %get3A_1835 = vector.shape_cast %get3A_1834 : vector<1x16xf32> to vector<16xf32>
        %add3A_1836 = arith.constant 7 : i32
        %add3A_1837 = arith.addi %mul3A_725, %add3A_1836 : i32
        %get3A_1838 = arith.index_cast %add3A_1837 : i32 to index
        %get3A_1839 = arith.constant 64 : index
        %get3A_1840 = tpu.vector_load %arg7[%get3A_1838, %get3A_1839] {strides = array<i32>} : memref<128x128xf32, #tpu.memory_space<vmem>>, vector<1x16xf32>,
        %get3A_1841 = vector.shape_cast %get3A_1840 : vector<1x16xf32> to vector<16xf32>
        %add3A_1842 = arith.constant 7 : i32
        %add3A_1843 = arith.addi %mul3A_725, %add3A_1842 : i32
        %get3A_1844 = arith.index_cast %add3A_1843 : i32 to index
        %get3A_1845 = arith.constant 80 : index
        %get3A_1846 = tpu.vector_load %arg7[%get3A_1844, %get3A_1845] {strides = array<i32>} : memref<128x128xf32, #tpu.memory_space<vmem>>, vector<1x16xf32>,
        %get3A_1847 = vector.shape_cast %get3A_1846 : vector<1x16xf32> to vector<16xf32>
        %add3A_1848 = arith.constant 7 : i32
        %add3A_1849 = arith.addi %mul3A_725, %add3A_1848 : i32
        %get3A_1850 = arith.index_cast %add3A_1849 : i32 to index
        %get3A_1851 = arith.constant 96 : index
        %get3A_1852 = tpu.vector_load %arg7[%get3A_1850, %get3A_1851] {strides = array<i32>} : memref<128x128xf32, #tpu.memory_space<vmem>>, vector<1x16xf32>,
        %get3A_1853 = vector.shape_cast %get3A_1852 : vector<1x16xf32> to vector<16xf32>
        %add3A_1854 = arith.constant 7 : i32
        %add3A_1855 = arith.addi %mul3A_725, %add3A_1854 : i32
        %get3A_1856 = arith.index_cast %add3A_1855 : i32 to index
        %get3A_1857 = arith.constant 112 : index
        %get3A_1858 = tpu.vector_load %arg7[%get3A_1856, %get3A_1857] {strides = array<i32>} : memref<128x128xf32, #tpu.memory_space<vmem>>, vector<1x16xf32>,
        %get3A_1859 = vector.shape_cast %get3A_1858 : vector<1x16xf32> to vector<16xf32>
        %slice3A_1860 = vector.extract_strided_slice %get3A_731 {offsets = [7], sizes = [1], strides = [1]} : vector<16xf32> to vector<1xf32>
        %squeeze3A_1861 = vector.extract %slice3A_1860[0] : f32 from vector<1xf32>
        %mul3A_1862 = vector.broadcast %squeeze3A_1861 : f32 to vector<16xf32>
        %mul3A_1863 = arith.mulf %mul3A_1862, %get3A_1817 : vector<16xf32>
        %add3A_1864 = arith.addf %add3A_1712, %mul3A_1863 : vector<16xf32>
        %mul3A_1865 = vector.broadcast %squeeze3A_1861 : f32 to vector<16xf32>
        %mul3A_1866 = arith.mulf %mul3A_1865, %get3A_1823 : vector<16xf32>
        %add3A_1867 = arith.addf %add3A_1715, %mul3A_1866 : vector<16xf32>
        %mul3A_1868 = vector.broadcast %squeeze3A_1861 : f32 to vector<16xf32>
        %mul3A_1869 = arith.mulf %mul3A_1868, %get3A_1829 : vector<16xf32>
        %add3A_1870 = arith.addf %add3A_1718, %mul3A_1869 : vector<16xf32>
        %mul3A_1871 = vector.broadcast %squeeze3A_1861 : f32 to vector<16xf32>
        %mul3A_1872 = arith.mulf %mul3A_1871, %get3A_1835 : vector<16xf32>
        %add3A_1873 = arith.addf %add3A_1721, %mul3A_1872 : vector<16xf32>
        %mul3A_1874 = vector.broadcast %squeeze3A_1861 : f32 to vector<16xf32>
        %mul3A_1875 = arith.mulf %mul3A_1874, %get3A_1841 : vector<16xf32>
        %add3A_1876 = arith.addf %add3A_1724, %mul3A_1875 : vector<16xf32>
        %mul3A_1877 = vector.broadcast %squeeze3A_1861 : f32 to vector<16xf32>
        %mul3A_1878 = arith.mulf %mul3A_1877, %get3A_1847 : vector<16xf32>
        %add3A_1879 = arith.addf %add3A_1727, %mul3A_1878 : vector<16xf32>
        %mul3A_1880 = vector.broadcast %squeeze3A_1861 : f32 to vector<16xf32>
        %mul3A_1881 = arith.mulf %mul3A_1880, %get3A_1853 : vector<16xf32>
        %add3A_1882 = arith.addf %add3A_1730, %mul3A_1881 : vector<16xf32>
        %mul3A_1883 = vector.broadcast %squeeze3A_1861 : f32 to vector<16xf32>
        %mul3A_1884 = arith.mulf %mul3A_1883, %get3A_1859 : vector<16xf32>
        %add3A_1885 = arith.addf %add3A_1733, %mul3A_1884 : vector<16xf32>
        %slice3A_1886 = vector.extract_strided_slice %get3A_737 {offsets = [7], sizes = [1], strides = [1]} : vector<16xf32> to vector<1xf32>
        %squeeze3A_1887 = vector.extract %slice3A_1886[0] : f32 from vector<1xf32>
        %mul3A_1888 = vector.broadcast %squeeze3A_1887 : f32 to vector<16xf32>
        %mul3A_1889 = arith.mulf %mul3A_1888, %get3A_1817 : vector<16xf32>
        %add3A_1890 = arith.addf %add3A_1738, %mul3A_1889 : vector<16xf32>
        %mul3A_1891 = vector.broadcast %squeeze3A_1887 : f32 to vector<16xf32>
        %mul3A_1892 = arith.mulf %mul3A_1891, %get3A_1823 : vector<16xf32>
        %add3A_1893 = arith.addf %add3A_1741, %mul3A_1892 : vector<16xf32>
        %mul3A_1894 = vector.broadcast %squeeze3A_1887 : f32 to vector<16xf32>
        %mul3A_1895 = arith.mulf %mul3A_1894, %get3A_1829 : vector<16xf32>
        %add3A_1896 = arith.addf %add3A_1744, %mul3A_1895 : vector<16xf32>
        %mul3A_1897 = vector.broadcast %squeeze3A_1887 : f32 to vector<16xf32>
        %mul3A_1898 = arith.mulf %mul3A_1897, %get3A_1835 : vector<16xf32>
        %add3A_1899 = arith.addf %add3A_1747, %mul3A_1898 : vector<16xf32>
        %mul3A_1900 = vector.broadcast %squeeze3A_1887 : f32 to vector<16xf32>
        %mul3A_1901 = arith.mulf %mul3A_1900, %get3A_1841 : vector<16xf32>
        %add3A_1902 = arith.addf %add3A_1750, %mul3A_1901 : vector<16xf32>
        %mul3A_1903 = vector.broadcast %squeeze3A_1887 : f32 to vector<16xf32>
        %mul3A_1904 = arith.mulf %mul3A_1903, %get3A_1847 : vector<16xf32>
        %add3A_1905 = arith.addf %add3A_1753, %mul3A_1904 : vector<16xf32>
        %mul3A_1906 = vector.broadcast %squeeze3A_1887 : f32 to vector<16xf32>
        %mul3A_1907 = arith.mulf %mul3A_1906, %get3A_1853 : vector<16xf32>
        %add3A_1908 = arith.addf %add3A_1756, %mul3A_1907 : vector<16xf32>
        %mul3A_1909 = vector.broadcast %squeeze3A_1887 : f32 to vector<16xf32>
        %mul3A_1910 = arith.mulf %mul3A_1909, %get3A_1859 : vector<16xf32>
        %add3A_1911 = arith.addf %add3A_1759, %mul3A_1910 : vector<16xf32>
        %slice3A_1912 = vector.extract_strided_slice %get3A_743 {offsets = [7], sizes = [1], strides = [1]} : vector<16xf32> to vector<1xf32>
        %squeeze3A_1913 = vector.extract %slice3A_1912[0] : f32 from vector<1xf32>
        %mul3A_1914 = vector.broadcast %squeeze3A_1913 : f32 to vector<16xf32>
        %mul3A_1915 = arith.mulf %mul3A_1914, %get3A_1817 : vector<16xf32>
        %add3A_1916 = arith.addf %add3A_1764, %mul3A_1915 : vector<16xf32>
        %mul3A_1917 = vector.broadcast %squeeze3A_1913 : f32 to vector<16xf32>
        %mul3A_1918 = arith.mulf %mul3A_1917, %get3A_1823 : vector<16xf32>
        %add3A_1919 = arith.addf %add3A_1767, %mul3A_1918 : vector<16xf32>
        %mul3A_1920 = vector.broadcast %squeeze3A_1913 : f32 to vector<16xf32>
        %mul3A_1921 = arith.mulf %mul3A_1920, %get3A_1829 : vector<16xf32>
        %add3A_1922 = arith.addf %add3A_1770, %mul3A_1921 : vector<16xf32>
        %mul3A_1923 = vector.broadcast %squeeze3A_1913 : f32 to vector<16xf32>
        %mul3A_1924 = arith.mulf %mul3A_1923, %get3A_1835 : vector<16xf32>
        %add3A_1925 = arith.addf %add3A_1773, %mul3A_1924 : vector<16xf32>
        %mul3A_1926 = vector.broadcast %squeeze3A_1913 : f32 to vector<16xf32>
        %mul3A_1927 = arith.mulf %mul3A_1926, %get3A_1841 : vector<16xf32>
        %add3A_1928 = arith.addf %add3A_1776, %mul3A_1927 : vector<16xf32>
        %mul3A_1929 = vector.broadcast %squeeze3A_1913 : f32 to vector<16xf32>
        %mul3A_1930 = arith.mulf %mul3A_1929, %get3A_1847 : vector<16xf32>
        %add3A_1931 = arith.addf %add3A_1779, %mul3A_1930 : vector<16xf32>
        %mul3A_1932 = vector.broadcast %squeeze3A_1913 : f32 to vector<16xf32>
        %mul3A_1933 = arith.mulf %mul3A_1932, %get3A_1853 : vector<16xf32>
        %add3A_1934 = arith.addf %add3A_1782, %mul3A_1933 : vector<16xf32>
        %mul3A_1935 = vector.broadcast %squeeze3A_1913 : f32 to vector<16xf32>
        %mul3A_1936 = arith.mulf %mul3A_1935, %get3A_1859 : vector<16xf32>
        %add3A_1937 = arith.addf %add3A_1785, %mul3A_1936 : vector<16xf32>
        %slice3A_1938 = vector.extract_strided_slice %get3A_749 {offsets = [7], sizes = [1], strides = [1]} : vector<16xf32> to vector<1xf32>
        %squeeze3A_1939 = vector.extract %slice3A_1938[0] : f32 from vector<1xf32>
        %mul3A_1940 = vector.broadcast %squeeze3A_1939 : f32 to vector<16xf32>
        %mul3A_1941 = arith.mulf %mul3A_1940, %get3A_1817 : vector<16xf32>
        %add3A_1942 = arith.addf %add3A_1790, %mul3A_1941 : vector<16xf32>
        %mul3A_1943 = vector.broadcast %squeeze3A_1939 : f32 to vector<16xf32>
        %mul3A_1944 = arith.mulf %mul3A_1943, %get3A_1823 : vector<16xf32>
        %add3A_1945 = arith.addf %add3A_1793, %mul3A_1944 : vector<16xf32>
        %mul3A_1946 = vector.broadcast %squeeze3A_1939 : f32 to vector<16xf32>
        %mul3A_1947 = arith.mulf %mul3A_1946, %get3A_1829 : vector<16xf32>
        %add3A_1948 = arith.addf %add3A_1796, %mul3A_1947 : vector<16xf32>
        %mul3A_1949 = vector.broadcast %squeeze3A_1939 : f32 to vector<16xf32>
        %mul3A_1950 = arith.mulf %mul3A_1949, %get3A_1835 : vector<16xf32>
        %add3A_1951 = arith.addf %add3A_1799, %mul3A_1950 : vector<16xf32>
        %mul3A_1952 = vector.broadcast %squeeze3A_1939 : f32 to vector<16xf32>
        %mul3A_1953 = arith.mulf %mul3A_1952, %get3A_1841 : vector<16xf32>
        %add3A_1954 = arith.addf %add3A_1802, %mul3A_1953 : vector<16xf32>
        %mul3A_1955 = vector.broadcast %squeeze3A_1939 : f32 to vector<16xf32>
        %mul3A_1956 = arith.mulf %mul3A_1955, %get3A_1847 : vector<16xf32>
        %add3A_1957 = arith.addf %add3A_1805, %mul3A_1956 : vector<16xf32>
        %mul3A_1958 = vector.broadcast %squeeze3A_1939 : f32 to vector<16xf32>
        %mul3A_1959 = arith.mulf %mul3A_1958, %get3A_1853 : vector<16xf32>
        %add3A_1960 = arith.addf %add3A_1808, %mul3A_1959 : vector<16xf32>
        %mul3A_1961 = vector.broadcast %squeeze3A_1939 : f32 to vector<16xf32>
        %mul3A_1962 = arith.mulf %mul3A_1961, %get3A_1859 : vector<16xf32>
        %add3A_1963 = arith.addf %add3A_1811, %mul3A_1962 : vector<16xf32>
        %add3A_1964 = arith.constant 8 : i32
        %add3A_1965 = arith.addi %mul3A_725, %add3A_1964 : i32
        %get3A_1966 = arith.index_cast %add3A_1965 : i32 to index
        %get3A_1967 = arith.constant 0 : index
        %get3A_1968 = tpu.vector_load %arg7[%get3A_1966, %get3A_1967] {strides = array<i32>} : memref<128x128xf32, #tpu.memory_space<vmem>>, vector<1x16xf32>,
        %get3A_1969 = vector.shape_cast %get3A_1968 : vector<1x16xf32> to vector<16xf32>
        %add3A_1970 = arith.constant 8 : i32
        %add3A_1971 = arith.addi %mul3A_725, %add3A_1970 : i32
        %get3A_1972 = arith.index_cast %add3A_1971 : i32 to index
        %get3A_1973 = arith.constant 16 : index
        %get3A_1974 = tpu.vector_load %arg7[%get3A_1972, %get3A_1973] {strides = array<i32>} : memref<128x128xf32, #tpu.memory_space<vmem>>, vector<1x16xf32>,
        %get3A_1975 = vector.shape_cast %get3A_1974 : vector<1x16xf32> to vector<16xf32>
        %add3A_1976 = arith.constant 8 : i32
        %add3A_1977 = arith.addi %mul3A_725, %add3A_1976 : i32
        %get3A_1978 = arith.index_cast %add3A_1977 : i32 to index
        %get3A_1979 = arith.constant 32 : index
        %get3A_1980 = tpu.vector_load %arg7[%get3A_1978, %get3A_1979] {strides = array<i32>} : memref<128x128xf32, #tpu.memory_space<vmem>>, vector<1x16xf32>,
        %get3A_1981 = vector.shape_cast %get3A_1980 : vector<1x16xf32> to vector<16xf32>
        %add3A_1982 = arith.constant 8 : i32
        %add3A_1983 = arith.addi %mul3A_725, %add3A_1982 : i32
        %get3A_1984 = arith.index_cast %add3A_1983 : i32 to index
        %get3A_1985 = arith.constant 48 : index
        %get3A_1986 = tpu.vector_load %arg7[%get3A_1984, %get3A_1985] {strides = array<i32>} : memref<128x128xf32, #tpu.memory_space<vmem>>, vector<1x16xf32>,
        %get3A_1987 = vector.shape_cast %get3A_1986 : vector<1x16xf32> to vector<16xf32>
        %add3A_1988 = arith.constant 8 : i32
        %add3A_1989 = arith.addi %mul3A_725, %add3A_1988 : i32
        %get3A_1990 = arith.index_cast %add3A_1989 : i32 to index
        %get3A_1991 = arith.constant 64 : index
        %get3A_1992 = tpu.vector_load %arg7[%get3A_1990, %get3A_1991] {strides = array<i32>} : memref<128x128xf32, #tpu.memory_space<vmem>>, vector<1x16xf32>,
        %get3A_1993 = vector.shape_cast %get3A_1992 : vector<1x16xf32> to vector<16xf32>
        %add3A_1994 = arith.constant 8 : i32
        %add3A_1995 = arith.addi %mul3A_725, %add3A_1994 : i32
        %get3A_1996 = arith.index_cast %add3A_1995 : i32 to index
        %get3A_1997 = arith.constant 80 : index
        %get3A_1998 = tpu.vector_load %arg7[%get3A_1996, %get3A_1997] {strides = array<i32>} : memref<128x128xf32, #tpu.memory_space<vmem>>, vector<1x16xf32>,
        %get3A_1999 = vector.shape_cast %get3A_1998 : vector<1x16xf32> to vector<16xf32>
        %add3A_2000 = arith.constant 8 : i32
        %add3A_2001 = arith.addi %mul3A_725, %add3A_2000 : i32
        %get3A_2002 = arith.index_cast %add3A_2001 : i32 to index
        %get3A_2003 = arith.constant 96 : index
        %get3A_2004 = tpu.vector_load %arg7[%get3A_2002, %get3A_2003] {strides = array<i32>} : memref<128x128xf32, #tpu.memory_space<vmem>>, vector<1x16xf32>,
        %get3A_2005 = vector.shape_cast %get3A_2004 : vector<1x16xf32> to vector<16xf32>
        %add3A_2006 = arith.constant 8 : i32
        %add3A_2007 = arith.addi %mul3A_725, %add3A_2006 : i32
        %get3A_2008 = arith.index_cast %add3A_2007 : i32 to index
        %get3A_2009 = arith.constant 112 : index
        %get3A_2010 = tpu.vector_load %arg7[%get3A_2008, %get3A_2009] {strides = array<i32>} : memref<128x128xf32, #tpu.memory_space<vmem>>, vector<1x16xf32>,
        %get3A_2011 = vector.shape_cast %get3A_2010 : vector<1x16xf32> to vector<16xf32>
        %slice3A_2012 = vector.extract_strided_slice %get3A_731 {offsets = [8], sizes = [1], strides = [1]} : vector<16xf32> to vector<1xf32>
        %squeeze3A_2013 = vector.extract %slice3A_2012[0] : f32 from vector<1xf32>
        %mul3A_2014 = vector.broadcast %squeeze3A_2013 : f32 to vector<16xf32>
        %mul3A_2015 = arith.mulf %mul3A_2014, %get3A_1969 : vector<16xf32>
        %add3A_2016 = arith.addf %add3A_1864, %mul3A_2015 : vector<16xf32>
        %mul3A_2017 = vector.broadcast %squeeze3A_2013 : f32 to vector<16xf32>
        %mul3A_2018 = arith.mulf %mul3A_2017, %get3A_1975 : vector<16xf32>
        %add3A_2019 = arith.addf %add3A_1867, %mul3A_2018 : vector<16xf32>
        %mul3A_2020 = vector.broadcast %squeeze3A_2013 : f32 to vector<16xf32>
        %mul3A_2021 = arith.mulf %mul3A_2020, %get3A_1981 : vector<16xf32>
        %add3A_2022 = arith.addf %add3A_1870, %mul3A_2021 : vector<16xf32>
        %mul3A_2023 = vector.broadcast %squeeze3A_2013 : f32 to vector<16xf32>
        %mul3A_2024 = arith.mulf %mul3A_2023, %get3A_1987 : vector<16xf32>
        %add3A_2025 = arith.addf %add3A_1873, %mul3A_2024 : vector<16xf32>
        %mul3A_2026 = vector.broadcast %squeeze3A_2013 : f32 to vector<16xf32>
        %mul3A_2027 = arith.mulf %mul3A_2026, %get3A_1993 : vector<16xf32>
        %add3A_2028 = arith.addf %add3A_1876, %mul3A_2027 : vector<16xf32>
        %mul3A_2029 = vector.broadcast %squeeze3A_2013 : f32 to vector<16xf32>
        %mul3A_2030 = arith.mulf %mul3A_2029, %get3A_1999 : vector<16xf32>
        %add3A_2031 = arith.addf %add3A_1879, %mul3A_2030 : vector<16xf32>
        %mul3A_2032 = vector.broadcast %squeeze3A_2013 : f32 to vector<16xf32>
        %mul3A_2033 = arith.mulf %mul3A_2032, %get3A_2005 : vector<16xf32>
        %add3A_2034 = arith.addf %add3A_1882, %mul3A_2033 : vector<16xf32>
        %mul3A_2035 = vector.broadcast %squeeze3A_2013 : f32 to vector<16xf32>
        %mul3A_2036 = arith.mulf %mul3A_2035, %get3A_2011 : vector<16xf32>
        %add3A_2037 = arith.addf %add3A_1885, %mul3A_2036 : vector<16xf32>
        %slice3A_2038 = vector.extract_strided_slice %get3A_737 {offsets = [8], sizes = [1], strides = [1]} : vector<16xf32> to vector<1xf32>
        %squeeze3A_2039 = vector.extract %slice3A_2038[0] : f32 from vector<1xf32>
        %mul3A_2040 = vector.broadcast %squeeze3A_2039 : f32 to vector<16xf32>
        %mul3A_2041 = arith.mulf %mul3A_2040, %get3A_1969 : vector<16xf32>
        %add3A_2042 = arith.addf %add3A_1890, %mul3A_2041 : vector<16xf32>
        %mul3A_2043 = vector.broadcast %squeeze3A_2039 : f32 to vector<16xf32>
        %mul3A_2044 = arith.mulf %mul3A_2043, %get3A_1975 : vector<16xf32>
        %add3A_2045 = arith.addf %add3A_1893, %mul3A_2044 : vector<16xf32>
        %mul3A_2046 = vector.broadcast %squeeze3A_2039 : f32 to vector<16xf32>
        %mul3A_2047 = arith.mulf %mul3A_2046, %get3A_1981 : vector<16xf32>
        %add3A_2048 = arith.addf %add3A_1896, %mul3A_2047 : vector<16xf32>
        %mul3A_2049 = vector.broadcast %squeeze3A_2039 : f32 to vector<16xf32>
        %mul3A_2050 = arith.mulf %mul3A_2049, %get3A_1987 : vector<16xf32>
        %add3A_2051 = arith.addf %add3A_1899, %mul3A_2050 : vector<16xf32>
        %mul3A_2052 = vector.broadcast %squeeze3A_2039 : f32 to vector<16xf32>
        %mul3A_2053 = arith.mulf %mul3A_2052, %get3A_1993 : vector<16xf32>
        %add3A_2054 = arith.addf %add3A_1902, %mul3A_2053 : vector<16xf32>
        %mul3A_2055 = vector.broadcast %squeeze3A_2039 : f32 to vector<16xf32>
        %mul3A_2056 = arith.mulf %mul3A_2055, %get3A_1999 : vector<16xf32>
        %add3A_2057 = arith.addf %add3A_1905, %mul3A_2056 : vector<16xf32>
        %mul3A_2058 = vector.broadcast %squeeze3A_2039 : f32 to vector<16xf32>
        %mul3A_2059 = arith.mulf %mul3A_2058, %get3A_2005 : vector<16xf32>
        %add3A_2060 = arith.addf %add3A_1908, %mul3A_2059 : vector<16xf32>
        %mul3A_2061 = vector.broadcast %squeeze3A_2039 : f32 to vector<16xf32>
        %mul3A_2062 = arith.mulf %mul3A_2061, %get3A_2011 : vector<16xf32>
        %add3A_2063 = arith.addf %add3A_1911, %mul3A_2062 : vector<16xf32>
        %slice3A_2064 = vector.extract_strided_slice %get3A_743 {offsets = [8], sizes = [1], strides = [1]} : vector<16xf32> to vector<1xf32>
        %squeeze3A_2065 = vector.extract %slice3A_2064[0] : f32 from vector<1xf32>
        %mul3A_2066 = vector.broadcast %squeeze3A_2065 : f32 to vector<16xf32>
        %mul3A_2067 = arith.mulf %mul3A_2066, %get3A_1969 : vector<16xf32>
        %add3A_2068 = arith.addf %add3A_1916, %mul3A_2067 : vector<16xf32>
        %mul3A_2069 = vector.broadcast %squeeze3A_2065 : f32 to vector<16xf32>
        %mul3A_2070 = arith.mulf %mul3A_2069, %get3A_1975 : vector<16xf32>
        %add3A_2071 = arith.addf %add3A_1919, %mul3A_2070 : vector<16xf32>
        %mul3A_2072 = vector.broadcast %squeeze3A_2065 : f32 to vector<16xf32>
        %mul3A_2073 = arith.mulf %mul3A_2072, %get3A_1981 : vector<16xf32>
        %add3A_2074 = arith.addf %add3A_1922, %mul3A_2073 : vector<16xf32>
        %mul3A_2075 = vector.broadcast %squeeze3A_2065 : f32 to vector<16xf32>
        %mul3A_2076 = arith.mulf %mul3A_2075, %get3A_1987 : vector<16xf32>
        %add3A_2077 = arith.addf %add3A_1925, %mul3A_2076 : vector<16xf32>
        %mul3A_2078 = vector.broadcast %squeeze3A_2065 : f32 to vector<16xf32>
        %mul3A_2079 = arith.mulf %mul3A_2078, %get3A_1993 : vector<16xf32>
        %add3A_2080 = arith.addf %add3A_1928, %mul3A_2079 : vector<16xf32>
        %mul3A_2081 = vector.broadcast %squeeze3A_2065 : f32 to vector<16xf32>
        %mul3A_2082 = arith.mulf %mul3A_2081, %get3A_1999 : vector<16xf32>
        %add3A_2083 = arith.addf %add3A_1931, %mul3A_2082 : vector<16xf32>
        %mul3A_2084 = vector.broadcast %squeeze3A_2065 : f32 to vector<16xf32>
        %mul3A_2085 = arith.mulf %mul3A_2084, %get3A_2005 : vector<16xf32>
        %add3A_2086 = arith.addf %add3A_1934, %mul3A_2085 : vector<16xf32>
        %mul3A_2087 = vector.broadcast %squeeze3A_2065 : f32 to vector<16xf32>
        %mul3A_2088 = arith.mulf %mul3A_2087, %get3A_2011 : vector<16xf32>
        %add3A_2089 = arith.addf %add3A_1937, %mul3A_2088 : vector<16xf32>
        %slice3A_2090 = vector.extract_strided_slice %get3A_749 {offsets = [8], sizes = [1], strides = [1]} : vector<16xf32> to vector<1xf32>
        %squeeze3A_2091 = vector.extract %slice3A_2090[0] : f32 from vector<1xf32>
        %mul3A_2092 = vector.broadcast %squeeze3A_2091 : f32 to vector<16xf32>
        %mul3A_2093 = arith.mulf %mul3A_2092, %get3A_1969 : vector<16xf32>
        %add3A_2094 = arith.addf %add3A_1942, %mul3A_2093 : vector<16xf32>
        %mul3A_2095 = vector.broadcast %squeeze3A_2091 : f32 to vector<16xf32>
        %mul3A_2096 = arith.mulf %mul3A_2095, %get3A_1975 : vector<16xf32>
        %add3A_2097 = arith.addf %add3A_1945, %mul3A_2096 : vector<16xf32>
        %mul3A_2098 = vector.broadcast %squeeze3A_2091 : f32 to vector<16xf32>
        %mul3A_2099 = arith.mulf %mul3A_2098, %get3A_1981 : vector<16xf32>
        %add3A_2100 = arith.addf %add3A_1948, %mul3A_2099 : vector<16xf32>
        %mul3A_2101 = vector.broadcast %squeeze3A_2091 : f32 to vector<16xf32>
        %mul3A_2102 = arith.mulf %mul3A_2101, %get3A_1987 : vector<16xf32>
        %add3A_2103 = arith.addf %add3A_1951, %mul3A_2102 : vector<16xf32>
        %mul3A_2104 = vector.broadcast %squeeze3A_2091 : f32 to vector<16xf32>
        %mul3A_2105 = arith.mulf %mul3A_2104, %get3A_1993 : vector<16xf32>
        %add3A_2106 = arith.addf %add3A_1954, %mul3A_2105 : vector<16xf32>
        %mul3A_2107 = vector.broadcast %squeeze3A_2091 : f32 to vector<16xf32>
        %mul3A_2108 = arith.mulf %mul3A_2107, %get3A_1999 : vector<16xf32>
        %add3A_2109 = arith.addf %add3A_1957, %mul3A_2108 : vector<16xf32>
        %mul3A_2110 = vector.broadcast %squeeze3A_2091 : f32 to vector<16xf32>
        %mul3A_2111 = arith.mulf %mul3A_2110, %get3A_2005 : vector<16xf32>
        %add3A_2112 = arith.addf %add3A_1960, %mul3A_2111 : vector<16xf32>
        %mul3A_2113 = vector.broadcast %squeeze3A_2091 : f32 to vector<16xf32>
        %mul3A_2114 = arith.mulf %mul3A_2113, %get3A_2011 : vector<16xf32>
        %add3A_2115 = arith.addf %add3A_1963, %mul3A_2114 : vector<16xf32>
        %add3A_2116 = arith.constant 9 : i32
        %add3A_2117 = arith.addi %mul3A_725, %add3A_2116 : i32
        %get3A_2118 = arith.index_cast %add3A_2117 : i32 to index
        %get3A_2119 = arith.constant 0 : index
        %get3A_2120 = tpu.vector_load %arg7[%get3A_2118, %get3A_2119] {strides = array<i32>} : memref<128x128xf32, #tpu.memory_space<vmem>>, vector<1x16xf32>,
        %get3A_2121 = vector.shape_cast %get3A_2120 : vector<1x16xf32> to vector<16xf32>
        %add3A_2122 = arith.constant 9 : i32
        %add3A_2123 = arith.addi %mul3A_725, %add3A_2122 : i32
        %get3A_2124 = arith.index_cast %add3A_2123 : i32 to index
        %get3A_2125 = arith.constant 16 : index
        %get3A_2126 = tpu.vector_load %arg7[%get3A_2124, %get3A_2125] {strides = array<i32>} : memref<128x128xf32, #tpu.memory_space<vmem>>, vector<1x16xf32>,
        %get3A_2127 = vector.shape_cast %get3A_2126 : vector<1x16xf32> to vector<16xf32>
        %add3A_2128 = arith.constant 9 : i32
        %add3A_2129 = arith.addi %mul3A_725, %add3A_2128 : i32
        %get3A_2130 = arith.index_cast %add3A_2129 : i32 to index
        %get3A_2131 = arith.constant 32 : index
        %get3A_2132 = tpu.vector_load %arg7[%get3A_2130, %get3A_2131] {strides = array<i32>} : memref<128x128xf32, #tpu.memory_space<vmem>>, vector<1x16xf32>,
        %get3A_2133 = vector.shape_cast %get3A_2132 : vector<1x16xf32> to vector<16xf32>
        %add3A_2134 = arith.constant 9 : i32
        %add3A_2135 = arith.addi %mul3A_725, %add3A_2134 : i32
        %get3A_2136 = arith.index_cast %add3A_2135 : i32 to index
        %get3A_2137 = arith.constant 48 : index
        %get3A_2138 = tpu.vector_load %arg7[%get3A_2136, %get3A_2137] {strides = array<i32>} : memref<128x128xf32, #tpu.memory_space<vmem>>, vector<1x16xf32>,
        %get3A_2139 = vector.shape_cast %get3A_2138 : vector<1x16xf32> to vector<16xf32>
        %add3A_2140 = arith.constant 9 : i32
        %add3A_2141 = arith.addi %mul3A_725, %add3A_2140 : i32
        %get3A_2142 = arith.index_cast %add3A_2141 : i32 to index
        %get3A_2143 = arith.constant 64 : index
        %get3A_2144 = tpu.vector_load %arg7[%get3A_2142, %get3A_2143] {strides = array<i32>} : memref<128x128xf32, #tpu.memory_space<vmem>>, vector<1x16xf32>,
        %get3A_2145 = vector.shape_cast %get3A_2144 : vector<1x16xf32> to vector<16xf32>
        %add3A_2146 = arith.constant 9 : i32
        %add3A_2147 = arith.addi %mul3A_725, %add3A_2146 : i32
        %get3A_2148 = arith.index_cast %add3A_2147 : i32 to index
        %get3A_2149 = arith.constant 80 : index
        %get3A_2150 = tpu.vector_load %arg7[%get3A_2148, %get3A_2149] {strides = array<i32>} : memref<128x128xf32, #tpu.memory_space<vmem>>, vector<1x16xf32>,
        %get3A_2151 = vector.shape_cast %get3A_2150 : vector<1x16xf32> to vector<16xf32>
        %add3A_2152 = arith.constant 9 : i32
        %add3A_2153 = arith.addi %mul3A_725, %add3A_2152 : i32
        %get3A_2154 = arith.index_cast %add3A_2153 : i32 to index
        %get3A_2155 = arith.constant 96 : index
        %get3A_2156 = tpu.vector_load %arg7[%get3A_2154, %get3A_2155] {strides = array<i32>} : memref<128x128xf32, #tpu.memory_space<vmem>>, vector<1x16xf32>,
        %get3A_2157 = vector.shape_cast %get3A_2156 : vector<1x16xf32> to vector<16xf32>
        %add3A_2158 = arith.constant 9 : i32
        %add3A_2159 = arith.addi %mul3A_725, %add3A_2158 : i32
        %get3A_2160 = arith.index_cast %add3A_2159 : i32 to index
        %get3A_2161 = arith.constant 112 : index
        %get3A_2162 = tpu.vector_load %arg7[%get3A_2160, %get3A_2161] {strides = array<i32>} : memref<128x128xf32, #tpu.memory_space<vmem>>, vector<1x16xf32>,
        %get3A_2163 = vector.shape_cast %get3A_2162 : vector<1x16xf32> to vector<16xf32>
        %slice3A_2164 = vector.extract_strided_slice %get3A_731 {offsets = [9], sizes = [1], strides = [1]} : vector<16xf32> to vector<1xf32>
        %squeeze3A_2165 = vector.extract %slice3A_2164[0] : f32 from vector<1xf32>
        %mul3A_2166 = vector.broadcast %squeeze3A_2165 : f32 to vector<16xf32>
        %mul3A_2167 = arith.mulf %mul3A_2166, %get3A_2121 : vector<16xf32>
        %add3A_2168 = arith.addf %add3A_2016, %mul3A_2167 : vector<16xf32>
        %mul3A_2169 = vector.broadcast %squeeze3A_2165 : f32 to vector<16xf32>
        %mul3A_2170 = arith.mulf %mul3A_2169, %get3A_2127 : vector<16xf32>
        %add3A_2171 = arith.addf %add3A_2019, %mul3A_2170 : vector<16xf32>
        %mul3A_2172 = vector.broadcast %squeeze3A_2165 : f32 to vector<16xf32>
        %mul3A_2173 = arith.mulf %mul3A_2172, %get3A_2133 : vector<16xf32>
        %add3A_2174 = arith.addf %add3A_2022, %mul3A_2173 : vector<16xf32>
        %mul3A_2175 = vector.broadcast %squeeze3A_2165 : f32 to vector<16xf32>
        %mul3A_2176 = arith.mulf %mul3A_2175, %get3A_2139 : vector<16xf32>
        %add3A_2177 = arith.addf %add3A_2025, %mul3A_2176 : vector<16xf32>
        %mul3A_2178 = vector.broadcast %squeeze3A_2165 : f32 to vector<16xf32>
        %mul3A_2179 = arith.mulf %mul3A_2178, %get3A_2145 : vector<16xf32>
        %add3A_2180 = arith.addf %add3A_2028, %mul3A_2179 : vector<16xf32>
        %mul3A_2181 = vector.broadcast %squeeze3A_2165 : f32 to vector<16xf32>
        %mul3A_2182 = arith.mulf %mul3A_2181, %get3A_2151 : vector<16xf32>
        %add3A_2183 = arith.addf %add3A_2031, %mul3A_2182 : vector<16xf32>
        %mul3A_2184 = vector.broadcast %squeeze3A_2165 : f32 to vector<16xf32>
        %mul3A_2185 = arith.mulf %mul3A_2184, %get3A_2157 : vector<16xf32>
        %add3A_2186 = arith.addf %add3A_2034, %mul3A_2185 : vector<16xf32>
        %mul3A_2187 = vector.broadcast %squeeze3A_2165 : f32 to vector<16xf32>
        %mul3A_2188 = arith.mulf %mul3A_2187, %get3A_2163 : vector<16xf32>
        %add3A_2189 = arith.addf %add3A_2037, %mul3A_2188 : vector<16xf32>
        %slice3A_2190 = vector.extract_strided_slice %get3A_737 {offsets = [9], sizes = [1], strides = [1]} : vector<16xf32> to vector<1xf32>
        %squeeze3A_2191 = vector.extract %slice3A_2190[0] : f32 from vector<1xf32>
        %mul3A_2192 = vector.broadcast %squeeze3A_2191 : f32 to vector<16xf32>
        %mul3A_2193 = arith.mulf %mul3A_2192, %get3A_2121 : vector<16xf32>
        %add3A_2194 = arith.addf %add3A_2042, %mul3A_2193 : vector<16xf32>
        %mul3A_2195 = vector.broadcast %squeeze3A_2191 : f32 to vector<16xf32>
        %mul3A_2196 = arith.mulf %mul3A_2195, %get3A_2127 : vector<16xf32>
        %add3A_2197 = arith.addf %add3A_2045, %mul3A_2196 : vector<16xf32>
        %mul3A_2198 = vector.broadcast %squeeze3A_2191 : f32 to vector<16xf32>
        %mul3A_2199 = arith.mulf %mul3A_2198, %get3A_2133 : vector<16xf32>
        %add3A_2200 = arith.addf %add3A_2048, %mul3A_2199 : vector<16xf32>
        %mul3A_2201 = vector.broadcast %squeeze3A_2191 : f32 to vector<16xf32>
        %mul3A_2202 = arith.mulf %mul3A_2201, %get3A_2139 : vector<16xf32>
        %add3A_2203 = arith.addf %add3A_2051, %mul3A_2202 : vector<16xf32>
        %mul3A_2204 = vector.broadcast %squeeze3A_2191 : f32 to vector<16xf32>
        %mul3A_2205 = arith.mulf %mul3A_2204, %get3A_2145 : vector<16xf32>
        %add3A_2206 = arith.addf %add3A_2054, %mul3A_2205 : vector<16xf32>
        %mul3A_2207 = vector.broadcast %squeeze3A_2191 : f32 to vector<16xf32>
        %mul3A_2208 = arith.mulf %mul3A_2207, %get3A_2151 : vector<16xf32>
        %add3A_2209 = arith.addf %add3A_2057, %mul3A_2208 : vector<16xf32>
        %mul3A_2210 = vector.broadcast %squeeze3A_2191 : f32 to vector<16xf32>
        %mul3A_2211 = arith.mulf %mul3A_2210, %get3A_2157 : vector<16xf32>
        %add3A_2212 = arith.addf %add3A_2060, %mul3A_2211 : vector<16xf32>
        %mul3A_2213 = vector.broadcast %squeeze3A_2191 : f32 to vector<16xf32>
        %mul3A_2214 = arith.mulf %mul3A_2213, %get3A_2163 : vector<16xf32>
        %add3A_2215 = arith.addf %add3A_2063, %mul3A_2214 : vector<16xf32>
        %slice3A_2216 = vector.extract_strided_slice %get3A_743 {offsets = [9], sizes = [1], strides = [1]} : vector<16xf32> to vector<1xf32>
        %squeeze3A_2217 = vector.extract %slice3A_2216[0] : f32 from vector<1xf32>
        %mul3A_2218 = vector.broadcast %squeeze3A_2217 : f32 to vector<16xf32>
        %mul3A_2219 = arith.mulf %mul3A_2218, %get3A_2121 : vector<16xf32>
        %add3A_2220 = arith.addf %add3A_2068, %mul3A_2219 : vector<16xf32>
        %mul3A_2221 = vector.broadcast %squeeze3A_2217 : f32 to vector<16xf32>
        %mul3A_2222 = arith.mulf %mul3A_2221, %get3A_2127 : vector<16xf32>
        %add3A_2223 = arith.addf %add3A_2071, %mul3A_2222 : vector<16xf32>
        %mul3A_2224 = vector.broadcast %squeeze3A_2217 : f32 to vector<16xf32>
        %mul3A_2225 = arith.mulf %mul3A_2224, %get3A_2133 : vector<16xf32>
        %add3A_2226 = arith.addf %add3A_2074, %mul3A_2225 : vector<16xf32>
        %mul3A_2227 = vector.broadcast %squeeze3A_2217 : f32 to vector<16xf32>
        %mul3A_2228 = arith.mulf %mul3A_2227, %get3A_2139 : vector<16xf32>
        %add3A_2229 = arith.addf %add3A_2077, %mul3A_2228 : vector<16xf32>
        %mul3A_2230 = vector.broadcast %squeeze3A_2217 : f32 to vector<16xf32>
        %mul3A_2231 = arith.mulf %mul3A_2230, %get3A_2145 : vector<16xf32>
        %add3A_2232 = arith.addf %add3A_2080, %mul3A_2231 : vector<16xf32>
        %mul3A_2233 = vector.broadcast %squeeze3A_2217 : f32 to vector<16xf32>
        %mul3A_2234 = arith.mulf %mul3A_2233, %get3A_2151 : vector<16xf32>
        %add3A_2235 = arith.addf %add3A_2083, %mul3A_2234 : vector<16xf32>
        %mul3A_2236 = vector.broadcast %squeeze3A_2217 : f32 to vector<16xf32>
        %mul3A_2237 = arith.mulf %mul3A_2236, %get3A_2157 : vector<16xf32>
        %add3A_2238 = arith.addf %add3A_2086, %mul3A_2237 : vector<16xf32>
        %mul3A_2239 = vector.broadcast %squeeze3A_2217 : f32 to vector<16xf32>
        %mul3A_2240 = arith.mulf %mul3A_2239, %get3A_2163 : vector<16xf32>
        %add3A_2241 = arith.addf %add3A_2089, %mul3A_2240 : vector<16xf32>
        %slice3A_2242 = vector.extract_strided_slice %get3A_749 {offsets = [9], sizes = [1], strides = [1]} : vector<16xf32> to vector<1xf32>
        %squeeze3A_2243 = vector.extract %slice3A_2242[0] : f32 from vector<1xf32>
        %mul3A_2244 = vector.broadcast %squeeze3A_2243 : f32 to vector<16xf32>
        %mul3A_2245 = arith.mulf %mul3A_2244, %get3A_2121 : vector<16xf32>
        %add3A_2246 = arith.addf %add3A_2094, %mul3A_2245 : vector<16xf32>
        %mul3A_2247 = vector.broadcast %squeeze3A_2243 : f32 to vector<16xf32>
        %mul3A_2248 = arith.mulf %mul3A_2247, %get3A_2127 : vector<16xf32>
        %add3A_2249 = arith.addf %add3A_2097, %mul3A_2248 : vector<16xf32>
        %mul3A_2250 = vector.broadcast %squeeze3A_2243 : f32 to vector<16xf32>
        %mul3A_2251 = arith.mulf %mul3A_2250, %get3A_2133 : vector<16xf32>
        %add3A_2252 = arith.addf %add3A_2100, %mul3A_2251 : vector<16xf32>
        %mul3A_2253 = vector.broadcast %squeeze3A_2243 : f32 to vector<16xf32>
        %mul3A_2254 = arith.mulf %mul3A_2253, %get3A_2139 : vector<16xf32>
        %add3A_2255 = arith.addf %add3A_2103, %mul3A_2254 : vector<16xf32>
        %mul3A_2256 = vector.broadcast %squeeze3A_2243 : f32 to vector<16xf32>
        %mul3A_2257 = arith.mulf %mul3A_2256, %get3A_2145 : vector<16xf32>
        %add3A_2258 = arith.addf %add3A_2106, %mul3A_2257 : vector<16xf32>
        %mul3A_2259 = vector.broadcast %squeeze3A_2243 : f32 to vector<16xf32>
        %mul3A_2260 = arith.mulf %mul3A_2259, %get3A_2151 : vector<16xf32>
        %add3A_2261 = arith.addf %add3A_2109, %mul3A_2260 : vector<16xf32>
        %mul3A_2262 = vector.broadcast %squeeze3A_2243 : f32 to vector<16xf32>
        %mul3A_2263 = arith.mulf %mul3A_2262, %get3A_2157 : vector<16xf32>
        %add3A_2264 = arith.addf %add3A_2112, %mul3A_2263 : vector<16xf32>
        %mul3A_2265 = vector.broadcast %squeeze3A_2243 : f32 to vector<16xf32>
        %mul3A_2266 = arith.mulf %mul3A_2265, %get3A_2163 : vector<16xf32>
        %add3A_2267 = arith.addf %add3A_2115, %mul3A_2266 : vector<16xf32>
        %add3A_2268 = arith.constant 10 : i32
        %add3A_2269 = arith.addi %mul3A_725, %add3A_2268 : i32
        %get3A_2270 = arith.index_cast %add3A_2269 : i32 to index
        %get3A_2271 = arith.constant 0 : index
        %get3A_2272 = tpu.vector_load %arg7[%get3A_2270, %get3A_2271] {strides = array<i32>} : memref<128x128xf32, #tpu.memory_space<vmem>>, vector<1x16xf32>,
        %get3A_2273 = vector.shape_cast %get3A_2272 : vector<1x16xf32> to vector<16xf32>
        %add3A_2274 = arith.constant 10 : i32
        %add3A_2275 = arith.addi %mul3A_725, %add3A_2274 : i32
        %get3A_2276 = arith.index_cast %add3A_2275 : i32 to index
        %get3A_2277 = arith.constant 16 : index
        %get3A_2278 = tpu.vector_load %arg7[%get3A_2276, %get3A_2277] {strides = array<i32>} : memref<128x128xf32, #tpu.memory_space<vmem>>, vector<1x16xf32>,
        %get3A_2279 = vector.shape_cast %get3A_2278 : vector<1x16xf32> to vector<16xf32>
        %add3A_2280 = arith.constant 10 : i32
        %add3A_2281 = arith.addi %mul3A_725, %add3A_2280 : i32
        %get3A_2282 = arith.index_cast %add3A_2281 : i32 to index
        %get3A_2283 = arith.constant 32 : index
        %get3A_2284 = tpu.vector_load %arg7[%get3A_2282, %get3A_2283] {strides = array<i32>} : memref<128x128xf32, #tpu.memory_space<vmem>>, vector<1x16xf32>,
        %get3A_2285 = vector.shape_cast %get3A_2284 : vector<1x16xf32> to vector<16xf32>
        %add3A_2286 = arith.constant 10 : i32
        %add3A_2287 = arith.addi %mul3A_725, %add3A_2286 : i32
        %get3A_2288 = arith.index_cast %add3A_2287 : i32 to index
        %get3A_2289 = arith.constant 48 : index
        %get3A_2290 = tpu.vector_load %arg7[%get3A_2288, %get3A_2289] {strides = array<i32>} : memref<128x128xf32, #tpu.memory_space<vmem>>, vector<1x16xf32>,
        %get3A_2291 = vector.shape_cast %get3A_2290 : vector<1x16xf32> to vector<16xf32>
        %add3A_2292 = arith.constant 10 : i32
        %add3A_2293 = arith.addi %mul3A_725, %add3A_2292 : i32
        %get3A_2294 = arith.index_cast %add3A_2293 : i32 to index
        %get3A_2295 = arith.constant 64 : index
        %get3A_2296 = tpu.vector_load %arg7[%get3A_2294, %get3A_2295] {strides = array<i32>} : memref<128x128xf32, #tpu.memory_space<vmem>>, vector<1x16xf32>,
        %get3A_2297 = vector.shape_cast %get3A_2296 : vector<1x16xf32> to vector<16xf32>
        %add3A_2298 = arith.constant 10 : i32
        %add3A_2299 = arith.addi %mul3A_725, %add3A_2298 : i32
        %get3A_2300 = arith.index_cast %add3A_2299 : i32 to index
        %get3A_2301 = arith.constant 80 : index
        %get3A_2302 = tpu.vector_load %arg7[%get3A_2300, %get3A_2301] {strides = array<i32>} : memref<128x128xf32, #tpu.memory_space<vmem>>, vector<1x16xf32>,
        %get3A_2303 = vector.shape_cast %get3A_2302 : vector<1x16xf32> to vector<16xf32>
        %add3A_2304 = arith.constant 10 : i32
        %add3A_2305 = arith.addi %mul3A_725, %add3A_2304 : i32
        %get3A_2306 = arith.index_cast %add3A_2305 : i32 to index
        %get3A_2307 = arith.constant 96 : index
        %get3A_2308 = tpu.vector_load %arg7[%get3A_2306, %get3A_2307] {strides = array<i32>} : memref<128x128xf32, #tpu.memory_space<vmem>>, vector<1x16xf32>,
        %get3A_2309 = vector.shape_cast %get3A_2308 : vector<1x16xf32> to vector<16xf32>
        %add3A_2310 = arith.constant 10 : i32
        %add3A_2311 = arith.addi %mul3A_725, %add3A_2310 : i32
        %get3A_2312 = arith.index_cast %add3A_2311 : i32 to index
        %get3A_2313 = arith.constant 112 : index
        %get3A_2314 = tpu.vector_load %arg7[%get3A_2312, %get3A_2313] {strides = array<i32>} : memref<128x128xf32, #tpu.memory_space<vmem>>, vector<1x16xf32>,
        %get3A_2315 = vector.shape_cast %get3A_2314 : vector<1x16xf32> to vector<16xf32>
        %slice3A_2316 = vector.extract_strided_slice %get3A_731 {offsets = [10], sizes = [1], strides = [1]} : vector<16xf32> to vector<1xf32>
        %squeeze3A_2317 = vector.extract %slice3A_2316[0] : f32 from vector<1xf32>
        %mul3A_2318 = vector.broadcast %squeeze3A_2317 : f32 to vector<16xf32>
        %mul3A_2319 = arith.mulf %mul3A_2318, %get3A_2273 : vector<16xf32>
        %add3A_2320 = arith.addf %add3A_2168, %mul3A_2319 : vector<16xf32>
        %mul3A_2321 = vector.broadcast %squeeze3A_2317 : f32 to vector<16xf32>
        %mul3A_2322 = arith.mulf %mul3A_2321, %get3A_2279 : vector<16xf32>
        %add3A_2323 = arith.addf %add3A_2171, %mul3A_2322 : vector<16xf32>
        %mul3A_2324 = vector.broadcast %squeeze3A_2317 : f32 to vector<16xf32>
        %mul3A_2325 = arith.mulf %mul3A_2324, %get3A_2285 : vector<16xf32>
        %add3A_2326 = arith.addf %add3A_2174, %mul3A_2325 : vector<16xf32>
        %mul3A_2327 = vector.broadcast %squeeze3A_2317 : f32 to vector<16xf32>
        %mul3A_2328 = arith.mulf %mul3A_2327, %get3A_2291 : vector<16xf32>
        %add3A_2329 = arith.addf %add3A_2177, %mul3A_2328 : vector<16xf32>
        %mul3A_2330 = vector.broadcast %squeeze3A_2317 : f32 to vector<16xf32>
        %mul3A_2331 = arith.mulf %mul3A_2330, %get3A_2297 : vector<16xf32>
        %add3A_2332 = arith.addf %add3A_2180, %mul3A_2331 : vector<16xf32>
        %mul3A_2333 = vector.broadcast %squeeze3A_2317 : f32 to vector<16xf32>
        %mul3A_2334 = arith.mulf %mul3A_2333, %get3A_2303 : vector<16xf32>
        %add3A_2335 = arith.addf %add3A_2183, %mul3A_2334 : vector<16xf32>
        %mul3A_2336 = vector.broadcast %squeeze3A_2317 : f32 to vector<16xf32>
        %mul3A_2337 = arith.mulf %mul3A_2336, %get3A_2309 : vector<16xf32>
        %add3A_2338 = arith.addf %add3A_2186, %mul3A_2337 : vector<16xf32>
        %mul3A_2339 = vector.broadcast %squeeze3A_2317 : f32 to vector<16xf32>
        %mul3A_2340 = arith.mulf %mul3A_2339, %get3A_2315 : vector<16xf32>
        %add3A_2341 = arith.addf %add3A_2189, %mul3A_2340 : vector<16xf32>
        %slice3A_2342 = vector.extract_strided_slice %get3A_737 {offsets = [10], sizes = [1], strides = [1]} : vector<16xf32> to vector<1xf32>
        %squeeze3A_2343 = vector.extract %slice3A_2342[0] : f32 from vector<1xf32>
        %mul3A_2344 = vector.broadcast %squeeze3A_2343 : f32 to vector<16xf32>
        %mul3A_2345 = arith.mulf %mul3A_2344, %get3A_2273 : vector<16xf32>
        %add3A_2346 = arith.addf %add3A_2194, %mul3A_2345 : vector<16xf32>
        %mul3A_2347 = vector.broadcast %squeeze3A_2343 : f32 to vector<16xf32>
        %mul3A_2348 = arith.mulf %mul3A_2347, %get3A_2279 : vector<16xf32>
        %add3A_2349 = arith.addf %add3A_2197, %mul3A_2348 : vector<16xf32>
        %mul3A_2350 = vector.broadcast %squeeze3A_2343 : f32 to vector<16xf32>
        %mul3A_2351 = arith.mulf %mul3A_2350, %get3A_2285 : vector<16xf32>
        %add3A_2352 = arith.addf %add3A_2200, %mul3A_2351 : vector<16xf32>
        %mul3A_2353 = vector.broadcast %squeeze3A_2343 : f32 to vector<16xf32>
        %mul3A_2354 = arith.mulf %mul3A_2353, %get3A_2291 : vector<16xf32>
        %add3A_2355 = arith.addf %add3A_2203, %mul3A_2354 : vector<16xf32>
        %mul3A_2356 = vector.broadcast %squeeze3A_2343 : f32 to vector<16xf32>
        %mul3A_2357 = arith.mulf %mul3A_2356, %get3A_2297 : vector<16xf32>
        %add3A_2358 = arith.addf %add3A_2206, %mul3A_2357 : vector<16xf32>
        %mul3A_2359 = vector.broadcast %squeeze3A_2343 : f32 to vector<16xf32>
        %mul3A_2360 = arith.mulf %mul3A_2359, %get3A_2303 : vector<16xf32>
        %add3A_2361 = arith.addf %add3A_2209, %mul3A_2360 : vector<16xf32>
        %mul3A_2362 = vector.broadcast %squeeze3A_2343 : f32 to vector<16xf32>
        %mul3A_2363 = arith.mulf %mul3A_2362, %get3A_2309 : vector<16xf32>
        %add3A_2364 = arith.addf %add3A_2212, %mul3A_2363 : vector<16xf32>
        %mul3A_2365 = vector.broadcast %squeeze3A_2343 : f32 to vector<16xf32>
        %mul3A_2366 = arith.mulf %mul3A_2365, %get3A_2315 : vector<16xf32>
        %add3A_2367 = arith.addf %add3A_2215, %mul3A_2366 : vector<16xf32>
        %slice3A_2368 = vector.extract_strided_slice %get3A_743 {offsets = [10], sizes = [1], strides = [1]} : vector<16xf32> to vector<1xf32>
        %squeeze3A_2369 = vector.extract %slice3A_2368[0] : f32 from vector<1xf32>
        %mul3A_2370 = vector.broadcast %squeeze3A_2369 : f32 to vector<16xf32>
        %mul3A_2371 = arith.mulf %mul3A_2370, %get3A_2273 : vector<16xf32>
        %add3A_2372 = arith.addf %add3A_2220, %mul3A_2371 : vector<16xf32>
        %mul3A_2373 = vector.broadcast %squeeze3A_2369 : f32 to vector<16xf32>
        %mul3A_2374 = arith.mulf %mul3A_2373, %get3A_2279 : vector<16xf32>
        %add3A_2375 = arith.addf %add3A_2223, %mul3A_2374 : vector<16xf32>
        %mul3A_2376 = vector.broadcast %squeeze3A_2369 : f32 to vector<16xf32>
        %mul3A_2377 = arith.mulf %mul3A_2376, %get3A_2285 : vector<16xf32>
        %add3A_2378 = arith.addf %add3A_2226, %mul3A_2377 : vector<16xf32>
        %mul3A_2379 = vector.broadcast %squeeze3A_2369 : f32 to vector<16xf32>
        %mul3A_2380 = arith.mulf %mul3A_2379, %get3A_2291 : vector<16xf32>
        %add3A_2381 = arith.addf %add3A_2229, %mul3A_2380 : vector<16xf32>
        %mul3A_2382 = vector.broadcast %squeeze3A_2369 : f32 to vector<16xf32>
        %mul3A_2383 = arith.mulf %mul3A_2382, %get3A_2297 : vector<16xf32>
        %add3A_2384 = arith.addf %add3A_2232, %mul3A_2383 : vector<16xf32>
        %mul3A_2385 = vector.broadcast %squeeze3A_2369 : f32 to vector<16xf32>
        %mul3A_2386 = arith.mulf %mul3A_2385, %get3A_2303 : vector<16xf32>
        %add3A_2387 = arith.addf %add3A_2235, %mul3A_2386 : vector<16xf32>
        %mul3A_2388 = vector.broadcast %squeeze3A_2369 : f32 to vector<16xf32>
        %mul3A_2389 = arith.mulf %mul3A_2388, %get3A_2309 : vector<16xf32>
        %add3A_2390 = arith.addf %add3A_2238, %mul3A_2389 : vector<16xf32>
        %mul3A_2391 = vector.broadcast %squeeze3A_2369 : f32 to vector<16xf32>
        %mul3A_2392 = arith.mulf %mul3A_2391, %get3A_2315 : vector<16xf32>
        %add3A_2393 = arith.addf %add3A_2241, %mul3A_2392 : vector<16xf32>
        %slice3A_2394 = vector.extract_strided_slice %get3A_749 {offsets = [10], sizes = [1], strides = [1]} : vector<16xf32> to vector<1xf32>
        %squeeze3A_2395 = vector.extract %slice3A_2394[0] : f32 from vector<1xf32>
        %mul3A_2396 = vector.broadcast %squeeze3A_2395 : f32 to vector<16xf32>
        %mul3A_2397 = arith.mulf %mul3A_2396, %get3A_2273 : vector<16xf32>
        %add3A_2398 = arith.addf %add3A_2246, %mul3A_2397 : vector<16xf32>
        %mul3A_2399 = vector.broadcast %squeeze3A_2395 : f32 to vector<16xf32>
        %mul3A_2400 = arith.mulf %mul3A_2399, %get3A_2279 : vector<16xf32>
        %add3A_2401 = arith.addf %add3A_2249, %mul3A_2400 : vector<16xf32>
        %mul3A_2402 = vector.broadcast %squeeze3A_2395 : f32 to vector<16xf32>
        %mul3A_2403 = arith.mulf %mul3A_2402, %get3A_2285 : vector<16xf32>
        %add3A_2404 = arith.addf %add3A_2252, %mul3A_2403 : vector<16xf32>
        %mul3A_2405 = vector.broadcast %squeeze3A_2395 : f32 to vector<16xf32>
        %mul3A_2406 = arith.mulf %mul3A_2405, %get3A_2291 : vector<16xf32>
        %add3A_2407 = arith.addf %add3A_2255, %mul3A_2406 : vector<16xf32>
        %mul3A_2408 = vector.broadcast %squeeze3A_2395 : f32 to vector<16xf32>
        %mul3A_2409 = arith.mulf %mul3A_2408, %get3A_2297 : vector<16xf32>
        %add3A_2410 = arith.addf %add3A_2258, %mul3A_2409 : vector<16xf32>
        %mul3A_2411 = vector.broadcast %squeeze3A_2395 : f32 to vector<16xf32>
        %mul3A_2412 = arith.mulf %mul3A_2411, %get3A_2303 : vector<16xf32>
        %add3A_2413 = arith.addf %add3A_2261, %mul3A_2412 : vector<16xf32>
        %mul3A_2414 = vector.broadcast %squeeze3A_2395 : f32 to vector<16xf32>
        %mul3A_2415 = arith.mulf %mul3A_2414, %get3A_2309 : vector<16xf32>
        %add3A_2416 = arith.addf %add3A_2264, %mul3A_2415 : vector<16xf32>
        %mul3A_2417 = vector.broadcast %squeeze3A_2395 : f32 to vector<16xf32>
        %mul3A_2418 = arith.mulf %mul3A_2417, %get3A_2315 : vector<16xf32>
        %add3A_2419 = arith.addf %add3A_2267, %mul3A_2418 : vector<16xf32>
        %add3A_2420 = arith.constant 11 : i32
        %add3A_2421 = arith.addi %mul3A_725, %add3A_2420 : i32
        %get3A_2422 = arith.index_cast %add3A_2421 : i32 to index
        %get3A_2423 = arith.constant 0 : index
        %get3A_2424 = tpu.vector_load %arg7[%get3A_2422, %get3A_2423] {strides = array<i32>} : memref<128x128xf32, #tpu.memory_space<vmem>>, vector<1x16xf32>,
        %get3A_2425 = vector.shape_cast %get3A_2424 : vector<1x16xf32> to vector<16xf32>
        %add3A_2426 = arith.constant 11 : i32
        %add3A_2427 = arith.addi %mul3A_725, %add3A_2426 : i32
        %get3A_2428 = arith.index_cast %add3A_2427 : i32 to index
        %get3A_2429 = arith.constant 16 : index
        %get3A_2430 = tpu.vector_load %arg7[%get3A_2428, %get3A_2429] {strides = array<i32>} : memref<128x128xf32, #tpu.memory_space<vmem>>, vector<1x16xf32>,
        %get3A_2431 = vector.shape_cast %get3A_2430 : vector<1x16xf32> to vector<16xf32>
        %add3A_2432 = arith.constant 11 : i32
        %add3A_2433 = arith.addi %mul3A_725, %add3A_2432 : i32
        %get3A_2434 = arith.index_cast %add3A_2433 : i32 to index
        %get3A_2435 = arith.constant 32 : index
        %get3A_2436 = tpu.vector_load %arg7[%get3A_2434, %get3A_2435] {strides = array<i32>} : memref<128x128xf32, #tpu.memory_space<vmem>>, vector<1x16xf32>,
        %get3A_2437 = vector.shape_cast %get3A_2436 : vector<1x16xf32> to vector<16xf32>
        %add3A_2438 = arith.constant 11 : i32
        %add3A_2439 = arith.addi %mul3A_725, %add3A_2438 : i32
        %get3A_2440 = arith.index_cast %add3A_2439 : i32 to index
        %get3A_2441 = arith.constant 48 : index
        %get3A_2442 = tpu.vector_load %arg7[%get3A_2440, %get3A_2441] {strides = array<i32>} : memref<128x128xf32, #tpu.memory_space<vmem>>, vector<1x16xf32>,
        %get3A_2443 = vector.shape_cast %get3A_2442 : vector<1x16xf32> to vector<16xf32>
        %add3A_2444 = arith.constant 11 : i32
        %add3A_2445 = arith.addi %mul3A_725, %add3A_2444 : i32
        %get3A_2446 = arith.index_cast %add3A_2445 : i32 to index
        %get3A_2447 = arith.constant 64 : index
        %get3A_2448 = tpu.vector_load %arg7[%get3A_2446, %get3A_2447] {strides = array<i32>} : memref<128x128xf32, #tpu.memory_space<vmem>>, vector<1x16xf32>,
        %get3A_2449 = vector.shape_cast %get3A_2448 : vector<1x16xf32> to vector<16xf32>
        %add3A_2450 = arith.constant 11 : i32
        %add3A_2451 = arith.addi %mul3A_725, %add3A_2450 : i32
        %get3A_2452 = arith.index_cast %add3A_2451 : i32 to index
        %get3A_2453 = arith.constant 80 : index
        %get3A_2454 = tpu.vector_load %arg7[%get3A_2452, %get3A_2453] {strides = array<i32>} : memref<128x128xf32, #tpu.memory_space<vmem>>, vector<1x16xf32>,
        %get3A_2455 = vector.shape_cast %get3A_2454 : vector<1x16xf32> to vector<16xf32>
        %add3A_2456 = arith.constant 11 : i32
        %add3A_2457 = arith.addi %mul3A_725, %add3A_2456 : i32
        %get3A_2458 = arith.index_cast %add3A_2457 : i32 to index
        %get3A_2459 = arith.constant 96 : index
        %get3A_2460 = tpu.vector_load %arg7[%get3A_2458, %get3A_2459] {strides = array<i32>} : memref<128x128xf32, #tpu.memory_space<vmem>>, vector<1x16xf32>,
        %get3A_2461 = vector.shape_cast %get3A_2460 : vector<1x16xf32> to vector<16xf32>
        %add3A_2462 = arith.constant 11 : i32
        %add3A_2463 = arith.addi %mul3A_725, %add3A_2462 : i32
        %get3A_2464 = arith.index_cast %add3A_2463 : i32 to index
        %get3A_2465 = arith.constant 112 : index
        %get3A_2466 = tpu.vector_load %arg7[%get3A_2464, %get3A_2465] {strides = array<i32>} : memref<128x128xf32, #tpu.memory_space<vmem>>, vector<1x16xf32>,
        %get3A_2467 = vector.shape_cast %get3A_2466 : vector<1x16xf32> to vector<16xf32>
        %slice3A_2468 = vector.extract_strided_slice %get3A_731 {offsets = [11], sizes = [1], strides = [1]} : vector<16xf32> to vector<1xf32>
        %squeeze3A_2469 = vector.extract %slice3A_2468[0] : f32 from vector<1xf32>
        %mul3A_2470 = vector.broadcast %squeeze3A_2469 : f32 to vector<16xf32>
        %mul3A_2471 = arith.mulf %mul3A_2470, %get3A_2425 : vector<16xf32>
        %add3A_2472 = arith.addf %add3A_2320, %mul3A_2471 : vector<16xf32>
        %mul3A_2473 = vector.broadcast %squeeze3A_2469 : f32 to vector<16xf32>
        %mul3A_2474 = arith.mulf %mul3A_2473, %get3A_2431 : vector<16xf32>
        %add3A_2475 = arith.addf %add3A_2323, %mul3A_2474 : vector<16xf32>
        %mul3A_2476 = vector.broadcast %squeeze3A_2469 : f32 to vector<16xf32>
        %mul3A_2477 = arith.mulf %mul3A_2476, %get3A_2437 : vector<16xf32>
        %add3A_2478 = arith.addf %add3A_2326, %mul3A_2477 : vector<16xf32>
        %mul3A_2479 = vector.broadcast %squeeze3A_2469 : f32 to vector<16xf32>
        %mul3A_2480 = arith.mulf %mul3A_2479, %get3A_2443 : vector<16xf32>
        %add3A_2481 = arith.addf %add3A_2329, %mul3A_2480 : vector<16xf32>
        %mul3A_2482 = vector.broadcast %squeeze3A_2469 : f32 to vector<16xf32>
        %mul3A_2483 = arith.mulf %mul3A_2482, %get3A_2449 : vector<16xf32>
        %add3A_2484 = arith.addf %add3A_2332, %mul3A_2483 : vector<16xf32>
        %mul3A_2485 = vector.broadcast %squeeze3A_2469 : f32 to vector<16xf32>
        %mul3A_2486 = arith.mulf %mul3A_2485, %get3A_2455 : vector<16xf32>
        %add3A_2487 = arith.addf %add3A_2335, %mul3A_2486 : vector<16xf32>
        %mul3A_2488 = vector.broadcast %squeeze3A_2469 : f32 to vector<16xf32>
        %mul3A_2489 = arith.mulf %mul3A_2488, %get3A_2461 : vector<16xf32>
        %add3A_2490 = arith.addf %add3A_2338, %mul3A_2489 : vector<16xf32>
        %mul3A_2491 = vector.broadcast %squeeze3A_2469 : f32 to vector<16xf32>
        %mul3A_2492 = arith.mulf %mul3A_2491, %get3A_2467 : vector<16xf32>
        %add3A_2493 = arith.addf %add3A_2341, %mul3A_2492 : vector<16xf32>
        %slice3A_2494 = vector.extract_strided_slice %get3A_737 {offsets = [11], sizes = [1], strides = [1]} : vector<16xf32> to vector<1xf32>
        %squeeze3A_2495 = vector.extract %slice3A_2494[0] : f32 from vector<1xf32>
        %mul3A_2496 = vector.broadcast %squeeze3A_2495 : f32 to vector<16xf32>
        %mul3A_2497 = arith.mulf %mul3A_2496, %get3A_2425 : vector<16xf32>
        %add3A_2498 = arith.addf %add3A_2346, %mul3A_2497 : vector<16xf32>
        %mul3A_2499 = vector.broadcast %squeeze3A_2495 : f32 to vector<16xf32>
        %mul3A_2500 = arith.mulf %mul3A_2499, %get3A_2431 : vector<16xf32>
        %add3A_2501 = arith.addf %add3A_2349, %mul3A_2500 : vector<16xf32>
        %mul3A_2502 = vector.broadcast %squeeze3A_2495 : f32 to vector<16xf32>
        %mul3A_2503 = arith.mulf %mul3A_2502, %get3A_2437 : vector<16xf32>
        %add3A_2504 = arith.addf %add3A_2352, %mul3A_2503 : vector<16xf32>
        %mul3A_2505 = vector.broadcast %squeeze3A_2495 : f32 to vector<16xf32>
        %mul3A_2506 = arith.mulf %mul3A_2505, %get3A_2443 : vector<16xf32>
        %add3A_2507 = arith.addf %add3A_2355, %mul3A_2506 : vector<16xf32>
        %mul3A_2508 = vector.broadcast %squeeze3A_2495 : f32 to vector<16xf32>
        %mul3A_2509 = arith.mulf %mul3A_2508, %get3A_2449 : vector<16xf32>
        %add3A_2510 = arith.addf %add3A_2358, %mul3A_2509 : vector<16xf32>
        %mul3A_2511 = vector.broadcast %squeeze3A_2495 : f32 to vector<16xf32>
        %mul3A_2512 = arith.mulf %mul3A_2511, %get3A_2455 : vector<16xf32>
        %add3A_2513 = arith.addf %add3A_2361, %mul3A_2512 : vector<16xf32>
        %mul3A_2514 = vector.broadcast %squeeze3A_2495 : f32 to vector<16xf32>
        %mul3A_2515 = arith.mulf %mul3A_2514, %get3A_2461 : vector<16xf32>
        %add3A_2516 = arith.addf %add3A_2364, %mul3A_2515 : vector<16xf32>
        %mul3A_2517 = vector.broadcast %squeeze3A_2495 : f32 to vector<16xf32>
        %mul3A_2518 = arith.mulf %mul3A_2517, %get3A_2467 : vector<16xf32>
        %add3A_2519 = arith.addf %add3A_2367, %mul3A_2518 : vector<16xf32>
        %slice3A_2520 = vector.extract_strided_slice %get3A_743 {offsets = [11], sizes = [1], strides = [1]} : vector<16xf32> to vector<1xf32>
        %squeeze3A_2521 = vector.extract %slice3A_2520[0] : f32 from vector<1xf32>
        %mul3A_2522 = vector.broadcast %squeeze3A_2521 : f32 to vector<16xf32>
        %mul3A_2523 = arith.mulf %mul3A_2522, %get3A_2425 : vector<16xf32>
        %add3A_2524 = arith.addf %add3A_2372, %mul3A_2523 : vector<16xf32>
        %mul3A_2525 = vector.broadcast %squeeze3A_2521 : f32 to vector<16xf32>
        %mul3A_2526 = arith.mulf %mul3A_2525, %get3A_2431 : vector<16xf32>
        %add3A_2527 = arith.addf %add3A_2375, %mul3A_2526 : vector<16xf32>
        %mul3A_2528 = vector.broadcast %squeeze3A_2521 : f32 to vector<16xf32>
        %mul3A_2529 = arith.mulf %mul3A_2528, %get3A_2437 : vector<16xf32>
        %add3A_2530 = arith.addf %add3A_2378, %mul3A_2529 : vector<16xf32>
        %mul3A_2531 = vector.broadcast %squeeze3A_2521 : f32 to vector<16xf32>
        %mul3A_2532 = arith.mulf %mul3A_2531, %get3A_2443 : vector<16xf32>
        %add3A_2533 = arith.addf %add3A_2381, %mul3A_2532 : vector<16xf32>
        %mul3A_2534 = vector.broadcast %squeeze3A_2521 : f32 to vector<16xf32>
        %mul3A_2535 = arith.mulf %mul3A_2534, %get3A_2449 : vector<16xf32>
        %add3A_2536 = arith.addf %add3A_2384, %mul3A_2535 : vector<16xf32>
        %mul3A_2537 = vector.broadcast %squeeze3A_2521 : f32 to vector<16xf32>
        %mul3A_2538 = arith.mulf %mul3A_2537, %get3A_2455 : vector<16xf32>
        %add3A_2539 = arith.addf %add3A_2387, %mul3A_2538 : vector<16xf32>
        %mul3A_2540 = vector.broadcast %squeeze3A_2521 : f32 to vector<16xf32>
        %mul3A_2541 = arith.mulf %mul3A_2540, %get3A_2461 : vector<16xf32>
        %add3A_2542 = arith.addf %add3A_2390, %mul3A_2541 : vector<16xf32>
        %mul3A_2543 = vector.broadcast %squeeze3A_2521 : f32 to vector<16xf32>
        %mul3A_2544 = arith.mulf %mul3A_2543, %get3A_2467 : vector<16xf32>
        %add3A_2545 = arith.addf %add3A_2393, %mul3A_2544 : vector<16xf32>
        %slice3A_2546 = vector.extract_strided_slice %get3A_749 {offsets = [11], sizes = [1], strides = [1]} : vector<16xf32> to vector<1xf32>
        %squeeze3A_2547 = vector.extract %slice3A_2546[0] : f32 from vector<1xf32>
        %mul3A_2548 = vector.broadcast %squeeze3A_2547 : f32 to vector<16xf32>
        %mul3A_2549 = arith.mulf %mul3A_2548, %get3A_2425 : vector<16xf32>
        %add3A_2550 = arith.addf %add3A_2398, %mul3A_2549 : vector<16xf32>
        %mul3A_2551 = vector.broadcast %squeeze3A_2547 : f32 to vector<16xf32>
        %mul3A_2552 = arith.mulf %mul3A_2551, %get3A_2431 : vector<16xf32>
        %add3A_2553 = arith.addf %add3A_2401, %mul3A_2552 : vector<16xf32>
        %mul3A_2554 = vector.broadcast %squeeze3A_2547 : f32 to vector<16xf32>
        %mul3A_2555 = arith.mulf %mul3A_2554, %get3A_2437 : vector<16xf32>
        %add3A_2556 = arith.addf %add3A_2404, %mul3A_2555 : vector<16xf32>
        %mul3A_2557 = vector.broadcast %squeeze3A_2547 : f32 to vector<16xf32>
        %mul3A_2558 = arith.mulf %mul3A_2557, %get3A_2443 : vector<16xf32>
        %add3A_2559 = arith.addf %add3A_2407, %mul3A_2558 : vector<16xf32>
        %mul3A_2560 = vector.broadcast %squeeze3A_2547 : f32 to vector<16xf32>
        %mul3A_2561 = arith.mulf %mul3A_2560, %get3A_2449 : vector<16xf32>
        %add3A_2562 = arith.addf %add3A_2410, %mul3A_2561 : vector<16xf32>
        %mul3A_2563 = vector.broadcast %squeeze3A_2547 : f32 to vector<16xf32>
        %mul3A_2564 = arith.mulf %mul3A_2563, %get3A_2455 : vector<16xf32>
        %add3A_2565 = arith.addf %add3A_2413, %mul3A_2564 : vector<16xf32>
        %mul3A_2566 = vector.broadcast %squeeze3A_2547 : f32 to vector<16xf32>
        %mul3A_2567 = arith.mulf %mul3A_2566, %get3A_2461 : vector<16xf32>
        %add3A_2568 = arith.addf %add3A_2416, %mul3A_2567 : vector<16xf32>
        %mul3A_2569 = vector.broadcast %squeeze3A_2547 : f32 to vector<16xf32>
        %mul3A_2570 = arith.mulf %mul3A_2569, %get3A_2467 : vector<16xf32>
        %add3A_2571 = arith.addf %add3A_2419, %mul3A_2570 : vector<16xf32>
        %add3A_2572 = arith.constant 12 : i32
        %add3A_2573 = arith.addi %mul3A_725, %add3A_2572 : i32
        %get3A_2574 = arith.index_cast %add3A_2573 : i32 to index
        %get3A_2575 = arith.constant 0 : index
        %get3A_2576 = tpu.vector_load %arg7[%get3A_2574, %get3A_2575] {strides = array<i32>} : memref<128x128xf32, #tpu.memory_space<vmem>>, vector<1x16xf32>,
        %get3A_2577 = vector.shape_cast %get3A_2576 : vector<1x16xf32> to vector<16xf32>
        %add3A_2578 = arith.constant 12 : i32
        %add3A_2579 = arith.addi %mul3A_725, %add3A_2578 : i32
        %get3A_2580 = arith.index_cast %add3A_2579 : i32 to index
        %get3A_2581 = arith.constant 16 : index
        %get3A_2582 = tpu.vector_load %arg7[%get3A_2580, %get3A_2581] {strides = array<i32>} : memref<128x128xf32, #tpu.memory_space<vmem>>, vector<1x16xf32>,
        %get3A_2583 = vector.shape_cast %get3A_2582 : vector<1x16xf32> to vector<16xf32>
        %add3A_2584 = arith.constant 12 : i32
        %add3A_2585 = arith.addi %mul3A_725, %add3A_2584 : i32
        %get3A_2586 = arith.index_cast %add3A_2585 : i32 to index
        %get3A_2587 = arith.constant 32 : index
        %get3A_2588 = tpu.vector_load %arg7[%get3A_2586, %get3A_2587] {strides = array<i32>} : memref<128x128xf32, #tpu.memory_space<vmem>>, vector<1x16xf32>,
        %get3A_2589 = vector.shape_cast %get3A_2588 : vector<1x16xf32> to vector<16xf32>
        %add3A_2590 = arith.constant 12 : i32
        %add3A_2591 = arith.addi %mul3A_725, %add3A_2590 : i32
        %get3A_2592 = arith.index_cast %add3A_2591 : i32 to index
        %get3A_2593 = arith.constant 48 : index
        %get3A_2594 = tpu.vector_load %arg7[%get3A_2592, %get3A_2593] {strides = array<i32>} : memref<128x128xf32, #tpu.memory_space<vmem>>, vector<1x16xf32>,
        %get3A_2595 = vector.shape_cast %get3A_2594 : vector<1x16xf32> to vector<16xf32>
        %add3A_2596 = arith.constant 12 : i32
        %add3A_2597 = arith.addi %mul3A_725, %add3A_2596 : i32
        %get3A_2598 = arith.index_cast %add3A_2597 : i32 to index
        %get3A_2599 = arith.constant 64 : index
        %get3A_2600 = tpu.vector_load %arg7[%get3A_2598, %get3A_2599] {strides = array<i32>} : memref<128x128xf32, #tpu.memory_space<vmem>>, vector<1x16xf32>,
        %get3A_2601 = vector.shape_cast %get3A_2600 : vector<1x16xf32> to vector<16xf32>
        %add3A_2602 = arith.constant 12 : i32
        %add3A_2603 = arith.addi %mul3A_725, %add3A_2602 : i32
        %get3A_2604 = arith.index_cast %add3A_2603 : i32 to index
        %get3A_2605 = arith.constant 80 : index
        %get3A_2606 = tpu.vector_load %arg7[%get3A_2604, %get3A_2605] {strides = array<i32>} : memref<128x128xf32, #tpu.memory_space<vmem>>, vector<1x16xf32>,
        %get3A_2607 = vector.shape_cast %get3A_2606 : vector<1x16xf32> to vector<16xf32>
        %add3A_2608 = arith.constant 12 : i32
        %add3A_2609 = arith.addi %mul3A_725, %add3A_2608 : i32
        %get3A_2610 = arith.index_cast %add3A_2609 : i32 to index
        %get3A_2611 = arith.constant 96 : index
        %get3A_2612 = tpu.vector_load %arg7[%get3A_2610, %get3A_2611] {strides = array<i32>} : memref<128x128xf32, #tpu.memory_space<vmem>>, vector<1x16xf32>,
        %get3A_2613 = vector.shape_cast %get3A_2612 : vector<1x16xf32> to vector<16xf32>
        %add3A_2614 = arith.constant 12 : i32
        %add3A_2615 = arith.addi %mul3A_725, %add3A_2614 : i32
        %get3A_2616 = arith.index_cast %add3A_2615 : i32 to index
        %get3A_2617 = arith.constant 112 : index
        %get3A_2618 = tpu.vector_load %arg7[%get3A_2616, %get3A_2617] {strides = array<i32>} : memref<128x128xf32, #tpu.memory_space<vmem>>, vector<1x16xf32>,
        %get3A_2619 = vector.shape_cast %get3A_2618 : vector<1x16xf32> to vector<16xf32>
        %slice3A_2620 = vector.extract_strided_slice %get3A_731 {offsets = [12], sizes = [1], strides = [1]} : vector<16xf32> to vector<1xf32>
        %squeeze3A_2621 = vector.extract %slice3A_2620[0] : f32 from vector<1xf32>
        %mul3A_2622 = vector.broadcast %squeeze3A_2621 : f32 to vector<16xf32>
        %mul3A_2623 = arith.mulf %mul3A_2622, %get3A_2577 : vector<16xf32>
        %add3A_2624 = arith.addf %add3A_2472, %mul3A_2623 : vector<16xf32>
        %mul3A_2625 = vector.broadcast %squeeze3A_2621 : f32 to vector<16xf32>
        %mul3A_2626 = arith.mulf %mul3A_2625, %get3A_2583 : vector<16xf32>
        %add3A_2627 = arith.addf %add3A_2475, %mul3A_2626 : vector<16xf32>
        %mul3A_2628 = vector.broadcast %squeeze3A_2621 : f32 to vector<16xf32>
        %mul3A_2629 = arith.mulf %mul3A_2628, %get3A_2589 : vector<16xf32>
        %add3A_2630 = arith.addf %add3A_2478, %mul3A_2629 : vector<16xf32>
        %mul3A_2631 = vector.broadcast %squeeze3A_2621 : f32 to vector<16xf32>
        %mul3A_2632 = arith.mulf %mul3A_2631, %get3A_2595 : vector<16xf32>
        %add3A_2633 = arith.addf %add3A_2481, %mul3A_2632 : vector<16xf32>
        %mul3A_2634 = vector.broadcast %squeeze3A_2621 : f32 to vector<16xf32>
        %mul3A_2635 = arith.mulf %mul3A_2634, %get3A_2601 : vector<16xf32>
        %add3A_2636 = arith.addf %add3A_2484, %mul3A_2635 : vector<16xf32>
        %mul3A_2637 = vector.broadcast %squeeze3A_2621 : f32 to vector<16xf32>
        %mul3A_2638 = arith.mulf %mul3A_2637, %get3A_2607 : vector<16xf32>
        %add3A_2639 = arith.addf %add3A_2487, %mul3A_2638 : vector<16xf32>
        %mul3A_2640 = vector.broadcast %squeeze3A_2621 : f32 to vector<16xf32>
        %mul3A_2641 = arith.mulf %mul3A_2640, %get3A_2613 : vector<16xf32>
        %add3A_2642 = arith.addf %add3A_2490, %mul3A_2641 : vector<16xf32>
        %mul3A_2643 = vector.broadcast %squeeze3A_2621 : f32 to vector<16xf32>
        %mul3A_2644 = arith.mulf %mul3A_2643, %get3A_2619 : vector<16xf32>
        %add3A_2645 = arith.addf %add3A_2493, %mul3A_2644 : vector<16xf32>
        %slice3A_2646 = vector.extract_strided_slice %get3A_737 {offsets = [12], sizes = [1], strides = [1]} : vector<16xf32> to vector<1xf32>
        %squeeze3A_2647 = vector.extract %slice3A_2646[0] : f32 from vector<1xf32>
        %mul3A_2648 = vector.broadcast %squeeze3A_2647 : f32 to vector<16xf32>
        %mul3A_2649 = arith.mulf %mul3A_2648, %get3A_2577 : vector<16xf32>
        %add3A_2650 = arith.addf %add3A_2498, %mul3A_2649 : vector<16xf32>
        %mul3A_2651 = vector.broadcast %squeeze3A_2647 : f32 to vector<16xf32>
        %mul3A_2652 = arith.mulf %mul3A_2651, %get3A_2583 : vector<16xf32>
        %add3A_2653 = arith.addf %add3A_2501, %mul3A_2652 : vector<16xf32>
        %mul3A_2654 = vector.broadcast %squeeze3A_2647 : f32 to vector<16xf32>
        %mul3A_2655 = arith.mulf %mul3A_2654, %get3A_2589 : vector<16xf32>
        %add3A_2656 = arith.addf %add3A_2504, %mul3A_2655 : vector<16xf32>
        %mul3A_2657 = vector.broadcast %squeeze3A_2647 : f32 to vector<16xf32>
        %mul3A_2658 = arith.mulf %mul3A_2657, %get3A_2595 : vector<16xf32>
        %add3A_2659 = arith.addf %add3A_2507, %mul3A_2658 : vector<16xf32>
        %mul3A_2660 = vector.broadcast %squeeze3A_2647 : f32 to vector<16xf32>
        %mul3A_2661 = arith.mulf %mul3A_2660, %get3A_2601 : vector<16xf32>
        %add3A_2662 = arith.addf %add3A_2510, %mul3A_2661 : vector<16xf32>
        %mul3A_2663 = vector.broadcast %squeeze3A_2647 : f32 to vector<16xf32>
        %mul3A_2664 = arith.mulf %mul3A_2663, %get3A_2607 : vector<16xf32>
        %add3A_2665 = arith.addf %add3A_2513, %mul3A_2664 : vector<16xf32>
        %mul3A_2666 = vector.broadcast %squeeze3A_2647 : f32 to vector<16xf32>
        %mul3A_2667 = arith.mulf %mul3A_2666, %get3A_2613 : vector<16xf32>
        %add3A_2668 = arith.addf %add3A_2516, %mul3A_2667 : vector<16xf32>
        %mul3A_2669 = vector.broadcast %squeeze3A_2647 : f32 to vector<16xf32>
        %mul3A_2670 = arith.mulf %mul3A_2669, %get3A_2619 : vector<16xf32>
        %add3A_2671 = arith.addf %add3A_2519, %mul3A_2670 : vector<16xf32>
        %slice3A_2672 = vector.extract_strided_slice %get3A_743 {offsets = [12], sizes = [1], strides = [1]} : vector<16xf32> to vector<1xf32>
        %squeeze3A_2673 = vector.extract %slice3A_2672[0] : f32 from vector<1xf32>
        %mul3A_2674 = vector.broadcast %squeeze3A_2673 : f32 to vector<16xf32>
        %mul3A_2675 = arith.mulf %mul3A_2674, %get3A_2577 : vector<16xf32>
        %add3A_2676 = arith.addf %add3A_2524, %mul3A_2675 : vector<16xf32>
        %mul3A_2677 = vector.broadcast %squeeze3A_2673 : f32 to vector<16xf32>
        %mul3A_2678 = arith.mulf %mul3A_2677, %get3A_2583 : vector<16xf32>
        %add3A_2679 = arith.addf %add3A_2527, %mul3A_2678 : vector<16xf32>
        %mul3A_2680 = vector.broadcast %squeeze3A_2673 : f32 to vector<16xf32>
        %mul3A_2681 = arith.mulf %mul3A_2680, %get3A_2589 : vector<16xf32>
        %add3A_2682 = arith.addf %add3A_2530, %mul3A_2681 : vector<16xf32>
        %mul3A_2683 = vector.broadcast %squeeze3A_2673 : f32 to vector<16xf32>
        %mul3A_2684 = arith.mulf %mul3A_2683, %get3A_2595 : vector<16xf32>
        %add3A_2685 = arith.addf %add3A_2533, %mul3A_2684 : vector<16xf32>
        %mul3A_2686 = vector.broadcast %squeeze3A_2673 : f32 to vector<16xf32>
        %mul3A_2687 = arith.mulf %mul3A_2686, %get3A_2601 : vector<16xf32>
        %add3A_2688 = arith.addf %add3A_2536, %mul3A_2687 : vector<16xf32>
        %mul3A_2689 = vector.broadcast %squeeze3A_2673 : f32 to vector<16xf32>
        %mul3A_2690 = arith.mulf %mul3A_2689, %get3A_2607 : vector<16xf32>
        %add3A_2691 = arith.addf %add3A_2539, %mul3A_2690 : vector<16xf32>
        %mul3A_2692 = vector.broadcast %squeeze3A_2673 : f32 to vector<16xf32>
        %mul3A_2693 = arith.mulf %mul3A_2692, %get3A_2613 : vector<16xf32>
        %add3A_2694 = arith.addf %add3A_2542, %mul3A_2693 : vector<16xf32>
        %mul3A_2695 = vector.broadcast %squeeze3A_2673 : f32 to vector<16xf32>
        %mul3A_2696 = arith.mulf %mul3A_2695, %get3A_2619 : vector<16xf32>
        %add3A_2697 = arith.addf %add3A_2545, %mul3A_2696 : vector<16xf32>
        %slice3A_2698 = vector.extract_strided_slice %get3A_749 {offsets = [12], sizes = [1], strides = [1]} : vector<16xf32> to vector<1xf32>
        %squeeze3A_2699 = vector.extract %slice3A_2698[0] : f32 from vector<1xf32>
        %mul3A_2700 = vector.broadcast %squeeze3A_2699 : f32 to vector<16xf32>
        %mul3A_2701 = arith.mulf %mul3A_2700, %get3A_2577 : vector<16xf32>
        %add3A_2702 = arith.addf %add3A_2550, %mul3A_2701 : vector<16xf32>
        %mul3A_2703 = vector.broadcast %squeeze3A_2699 : f32 to vector<16xf32>
        %mul3A_2704 = arith.mulf %mul3A_2703, %get3A_2583 : vector<16xf32>
        %add3A_2705 = arith.addf %add3A_2553, %mul3A_2704 : vector<16xf32>
        %mul3A_2706 = vector.broadcast %squeeze3A_2699 : f32 to vector<16xf32>
        %mul3A_2707 = arith.mulf %mul3A_2706, %get3A_2589 : vector<16xf32>
        %add3A_2708 = arith.addf %add3A_2556, %mul3A_2707 : vector<16xf32>
        %mul3A_2709 = vector.broadcast %squeeze3A_2699 : f32 to vector<16xf32>
        %mul3A_2710 = arith.mulf %mul3A_2709, %get3A_2595 : vector<16xf32>
        %add3A_2711 = arith.addf %add3A_2559, %mul3A_2710 : vector<16xf32>
        %mul3A_2712 = vector.broadcast %squeeze3A_2699 : f32 to vector<16xf32>
        %mul3A_2713 = arith.mulf %mul3A_2712, %get3A_2601 : vector<16xf32>
        %add3A_2714 = arith.addf %add3A_2562, %mul3A_2713 : vector<16xf32>
        %mul3A_2715 = vector.broadcast %squeeze3A_2699 : f32 to vector<16xf32>
        %mul3A_2716 = arith.mulf %mul3A_2715, %get3A_2607 : vector<16xf32>
        %add3A_2717 = arith.addf %add3A_2565, %mul3A_2716 : vector<16xf32>
        %mul3A_2718 = vector.broadcast %squeeze3A_2699 : f32 to vector<16xf32>
        %mul3A_2719 = arith.mulf %mul3A_2718, %get3A_2613 : vector<16xf32>
        %add3A_2720 = arith.addf %add3A_2568, %mul3A_2719 : vector<16xf32>
        %mul3A_2721 = vector.broadcast %squeeze3A_2699 : f32 to vector<16xf32>
        %mul3A_2722 = arith.mulf %mul3A_2721, %get3A_2619 : vector<16xf32>
        %add3A_2723 = arith.addf %add3A_2571, %mul3A_2722 : vector<16xf32>
        %add3A_2724 = arith.constant 13 : i32
        %add3A_2725 = arith.addi %mul3A_725, %add3A_2724 : i32
        %get3A_2726 = arith.index_cast %add3A_2725 : i32 to index
        %get3A_2727 = arith.constant 0 : index
        %get3A_2728 = tpu.vector_load %arg7[%get3A_2726, %get3A_2727] {strides = array<i32>} : memref<128x128xf32, #tpu.memory_space<vmem>>, vector<1x16xf32>,
        %get3A_2729 = vector.shape_cast %get3A_2728 : vector<1x16xf32> to vector<16xf32>
        %add3A_2730 = arith.constant 13 : i32
        %add3A_2731 = arith.addi %mul3A_725, %add3A_2730 : i32
        %get3A_2732 = arith.index_cast %add3A_2731 : i32 to index
        %get3A_2733 = arith.constant 16 : index
        %get3A_2734 = tpu.vector_load %arg7[%get3A_2732, %get3A_2733] {strides = array<i32>} : memref<128x128xf32, #tpu.memory_space<vmem>>, vector<1x16xf32>,
        %get3A_2735 = vector.shape_cast %get3A_2734 : vector<1x16xf32> to vector<16xf32>
        %add3A_2736 = arith.constant 13 : i32
        %add3A_2737 = arith.addi %mul3A_725, %add3A_2736 : i32
        %get3A_2738 = arith.index_cast %add3A_2737 : i32 to index
        %get3A_2739 = arith.constant 32 : index
        %get3A_2740 = tpu.vector_load %arg7[%get3A_2738, %get3A_2739] {strides = array<i32>} : memref<128x128xf32, #tpu.memory_space<vmem>>, vector<1x16xf32>,
        %get3A_2741 = vector.shape_cast %get3A_2740 : vector<1x16xf32> to vector<16xf32>
        %add3A_2742 = arith.constant 13 : i32
        %add3A_2743 = arith.addi %mul3A_725, %add3A_2742 : i32
        %get3A_2744 = arith.index_cast %add3A_2743 : i32 to index
        %get3A_2745 = arith.constant 48 : index
        %get3A_2746 = tpu.vector_load %arg7[%get3A_2744, %get3A_2745] {strides = array<i32>} : memref<128x128xf32, #tpu.memory_space<vmem>>, vector<1x16xf32>,
        %get3A_2747 = vector.shape_cast %get3A_2746 : vector<1x16xf32> to vector<16xf32>
        %add3A_2748 = arith.constant 13 : i32
        %add3A_2749 = arith.addi %mul3A_725, %add3A_2748 : i32
        %get3A_2750 = arith.index_cast %add3A_2749 : i32 to index
        %get3A_2751 = arith.constant 64 : index
        %get3A_2752 = tpu.vector_load %arg7[%get3A_2750, %get3A_2751] {strides = array<i32>} : memref<128x128xf32, #tpu.memory_space<vmem>>, vector<1x16xf32>,
        %get3A_2753 = vector.shape_cast %get3A_2752 : vector<1x16xf32> to vector<16xf32>
        %add3A_2754 = arith.constant 13 : i32
        %add3A_2755 = arith.addi %mul3A_725, %add3A_2754 : i32
        %get3A_2756 = arith.index_cast %add3A_2755 : i32 to index
        %get3A_2757 = arith.constant 80 : index
        %get3A_2758 = tpu.vector_load %arg7[%get3A_2756, %get3A_2757] {strides = array<i32>} : memref<128x128xf32, #tpu.memory_space<vmem>>, vector<1x16xf32>,
        %get3A_2759 = vector.shape_cast %get3A_2758 : vector<1x16xf32> to vector<16xf32>
        %add3A_2760 = arith.constant 13 : i32
        %add3A_2761 = arith.addi %mul3A_725, %add3A_2760 : i32
        %get3A_2762 = arith.index_cast %add3A_2761 : i32 to index
        %get3A_2763 = arith.constant 96 : index
        %get3A_2764 = tpu.vector_load %arg7[%get3A_2762, %get3A_2763] {strides = array<i32>} : memref<128x128xf32, #tpu.memory_space<vmem>>, vector<1x16xf32>,
        %get3A_2765 = vector.shape_cast %get3A_2764 : vector<1x16xf32> to vector<16xf32>
        %add3A_2766 = arith.constant 13 : i32
        %add3A_2767 = arith.addi %mul3A_725, %add3A_2766 : i32
        %get3A_2768 = arith.index_cast %add3A_2767 : i32 to index
        %get3A_2769 = arith.constant 112 : index
        %get3A_2770 = tpu.vector_load %arg7[%get3A_2768, %get3A_2769] {strides = array<i32>} : memref<128x128xf32, #tpu.memory_space<vmem>>, vector<1x16xf32>,
        %get3A_2771 = vector.shape_cast %get3A_2770 : vector<1x16xf32> to vector<16xf32>
        %slice3A_2772 = vector.extract_strided_slice %get3A_731 {offsets = [13], sizes = [1], strides = [1]} : vector<16xf32> to vector<1xf32>
        %squeeze3A_2773 = vector.extract %slice3A_2772[0] : f32 from vector<1xf32>
        %mul3A_2774 = vector.broadcast %squeeze3A_2773 : f32 to vector<16xf32>
        %mul3A_2775 = arith.mulf %mul3A_2774, %get3A_2729 : vector<16xf32>
        %add3A_2776 = arith.addf %add3A_2624, %mul3A_2775 : vector<16xf32>
        %mul3A_2777 = vector.broadcast %squeeze3A_2773 : f32 to vector<16xf32>
        %mul3A_2778 = arith.mulf %mul3A_2777, %get3A_2735 : vector<16xf32>
        %add3A_2779 = arith.addf %add3A_2627, %mul3A_2778 : vector<16xf32>
        %mul3A_2780 = vector.broadcast %squeeze3A_2773 : f32 to vector<16xf32>
        %mul3A_2781 = arith.mulf %mul3A_2780, %get3A_2741 : vector<16xf32>
        %add3A_2782 = arith.addf %add3A_2630, %mul3A_2781 : vector<16xf32>
        %mul3A_2783 = vector.broadcast %squeeze3A_2773 : f32 to vector<16xf32>
        %mul3A_2784 = arith.mulf %mul3A_2783, %get3A_2747 : vector<16xf32>
        %add3A_2785 = arith.addf %add3A_2633, %mul3A_2784 : vector<16xf32>
        %mul3A_2786 = vector.broadcast %squeeze3A_2773 : f32 to vector<16xf32>
        %mul3A_2787 = arith.mulf %mul3A_2786, %get3A_2753 : vector<16xf32>
        %add3A_2788 = arith.addf %add3A_2636, %mul3A_2787 : vector<16xf32>
        %mul3A_2789 = vector.broadcast %squeeze3A_2773 : f32 to vector<16xf32>
        %mul3A_2790 = arith.mulf %mul3A_2789, %get3A_2759 : vector<16xf32>
        %add3A_2791 = arith.addf %add3A_2639, %mul3A_2790 : vector<16xf32>
        %mul3A_2792 = vector.broadcast %squeeze3A_2773 : f32 to vector<16xf32>
        %mul3A_2793 = arith.mulf %mul3A_2792, %get3A_2765 : vector<16xf32>
        %add3A_2794 = arith.addf %add3A_2642, %mul3A_2793 : vector<16xf32>
        %mul3A_2795 = vector.broadcast %squeeze3A_2773 : f32 to vector<16xf32>
        %mul3A_2796 = arith.mulf %mul3A_2795, %get3A_2771 : vector<16xf32>
        %add3A_2797 = arith.addf %add3A_2645, %mul3A_2796 : vector<16xf32>
        %slice3A_2798 = vector.extract_strided_slice %get3A_737 {offsets = [13], sizes = [1], strides = [1]} : vector<16xf32> to vector<1xf32>
        %squeeze3A_2799 = vector.extract %slice3A_2798[0] : f32 from vector<1xf32>
        %mul3A_2800 = vector.broadcast %squeeze3A_2799 : f32 to vector<16xf32>
        %mul3A_2801 = arith.mulf %mul3A_2800, %get3A_2729 : vector<16xf32>
        %add3A_2802 = arith.addf %add3A_2650, %mul3A_2801 : vector<16xf32>
        %mul3A_2803 = vector.broadcast %squeeze3A_2799 : f32 to vector<16xf32>
        %mul3A_2804 = arith.mulf %mul3A_2803, %get3A_2735 : vector<16xf32>
        %add3A_2805 = arith.addf %add3A_2653, %mul3A_2804 : vector<16xf32>
        %mul3A_2806 = vector.broadcast %squeeze3A_2799 : f32 to vector<16xf32>
        %mul3A_2807 = arith.mulf %mul3A_2806, %get3A_2741 : vector<16xf32>
        %add3A_2808 = arith.addf %add3A_2656, %mul3A_2807 : vector<16xf32>
        %mul3A_2809 = vector.broadcast %squeeze3A_2799 : f32 to vector<16xf32>
        %mul3A_2810 = arith.mulf %mul3A_2809, %get3A_2747 : vector<16xf32>
        %add3A_2811 = arith.addf %add3A_2659, %mul3A_2810 : vector<16xf32>
        %mul3A_2812 = vector.broadcast %squeeze3A_2799 : f32 to vector<16xf32>
        %mul3A_2813 = arith.mulf %mul3A_2812, %get3A_2753 : vector<16xf32>
        %add3A_2814 = arith.addf %add3A_2662, %mul3A_2813 : vector<16xf32>
        %mul3A_2815 = vector.broadcast %squeeze3A_2799 : f32 to vector<16xf32>
        %mul3A_2816 = arith.mulf %mul3A_2815, %get3A_2759 : vector<16xf32>
        %add3A_2817 = arith.addf %add3A_2665, %mul3A_2816 : vector<16xf32>
        %mul3A_2818 = vector.broadcast %squeeze3A_2799 : f32 to vector<16xf32>
        %mul3A_2819 = arith.mulf %mul3A_2818, %get3A_2765 : vector<16xf32>
        %add3A_2820 = arith.addf %add3A_2668, %mul3A_2819 : vector<16xf32>
        %mul3A_2821 = vector.broadcast %squeeze3A_2799 : f32 to vector<16xf32>
        %mul3A_2822 = arith.mulf %mul3A_2821, %get3A_2771 : vector<16xf32>
        %add3A_2823 = arith.addf %add3A_2671, %mul3A_2822 : vector<16xf32>
        %slice3A_2824 = vector.extract_strided_slice %get3A_743 {offsets = [13], sizes = [1], strides = [1]} : vector<16xf32> to vector<1xf32>
        %squeeze3A_2825 = vector.extract %slice3A_2824[0] : f32 from vector<1xf32>
        %mul3A_2826 = vector.broadcast %squeeze3A_2825 : f32 to vector<16xf32>
        %mul3A_2827 = arith.mulf %mul3A_2826, %get3A_2729 : vector<16xf32>
        %add3A_2828 = arith.addf %add3A_2676, %mul3A_2827 : vector<16xf32>
        %mul3A_2829 = vector.broadcast %squeeze3A_2825 : f32 to vector<16xf32>
        %mul3A_2830 = arith.mulf %mul3A_2829, %get3A_2735 : vector<16xf32>
        %add3A_2831 = arith.addf %add3A_2679, %mul3A_2830 : vector<16xf32>
        %mul3A_2832 = vector.broadcast %squeeze3A_2825 : f32 to vector<16xf32>
        %mul3A_2833 = arith.mulf %mul3A_2832, %get3A_2741 : vector<16xf32>
        %add3A_2834 = arith.addf %add3A_2682, %mul3A_2833 : vector<16xf32>
        %mul3A_2835 = vector.broadcast %squeeze3A_2825 : f32 to vector<16xf32>
        %mul3A_2836 = arith.mulf %mul3A_2835, %get3A_2747 : vector<16xf32>
        %add3A_2837 = arith.addf %add3A_2685, %mul3A_2836 : vector<16xf32>
        %mul3A_2838 = vector.broadcast %squeeze3A_2825 : f32 to vector<16xf32>
        %mul3A_2839 = arith.mulf %mul3A_2838, %get3A_2753 : vector<16xf32>
        %add3A_2840 = arith.addf %add3A_2688, %mul3A_2839 : vector<16xf32>
        %mul3A_2841 = vector.broadcast %squeeze3A_2825 : f32 to vector<16xf32>
        %mul3A_2842 = arith.mulf %mul3A_2841, %get3A_2759 : vector<16xf32>
        %add3A_2843 = arith.addf %add3A_2691, %mul3A_2842 : vector<16xf32>
        %mul3A_2844 = vector.broadcast %squeeze3A_2825 : f32 to vector<16xf32>
        %mul3A_2845 = arith.mulf %mul3A_2844, %get3A_2765 : vector<16xf32>
        %add3A_2846 = arith.addf %add3A_2694, %mul3A_2845 : vector<16xf32>
        %mul3A_2847 = vector.broadcast %squeeze3A_2825 : f32 to vector<16xf32>
        %mul3A_2848 = arith.mulf %mul3A_2847, %get3A_2771 : vector<16xf32>
        %add3A_2849 = arith.addf %add3A_2697, %mul3A_2848 : vector<16xf32>
        %slice3A_2850 = vector.extract_strided_slice %get3A_749 {offsets = [13], sizes = [1], strides = [1]} : vector<16xf32> to vector<1xf32>
        %squeeze3A_2851 = vector.extract %slice3A_2850[0] : f32 from vector<1xf32>
        %mul3A_2852 = vector.broadcast %squeeze3A_2851 : f32 to vector<16xf32>
        %mul3A_2853 = arith.mulf %mul3A_2852, %get3A_2729 : vector<16xf32>
        %add3A_2854 = arith.addf %add3A_2702, %mul3A_2853 : vector<16xf32>
        %mul3A_2855 = vector.broadcast %squeeze3A_2851 : f32 to vector<16xf32>
        %mul3A_2856 = arith.mulf %mul3A_2855, %get3A_2735 : vector<16xf32>
        %add3A_2857 = arith.addf %add3A_2705, %mul3A_2856 : vector<16xf32>
        %mul3A_2858 = vector.broadcast %squeeze3A_2851 : f32 to vector<16xf32>
        %mul3A_2859 = arith.mulf %mul3A_2858, %get3A_2741 : vector<16xf32>
        %add3A_2860 = arith.addf %add3A_2708, %mul3A_2859 : vector<16xf32>
        %mul3A_2861 = vector.broadcast %squeeze3A_2851 : f32 to vector<16xf32>
        %mul3A_2862 = arith.mulf %mul3A_2861, %get3A_2747 : vector<16xf32>
        %add3A_2863 = arith.addf %add3A_2711, %mul3A_2862 : vector<16xf32>
        %mul3A_2864 = vector.broadcast %squeeze3A_2851 : f32 to vector<16xf32>
        %mul3A_2865 = arith.mulf %mul3A_2864, %get3A_2753 : vector<16xf32>
        %add3A_2866 = arith.addf %add3A_2714, %mul3A_2865 : vector<16xf32>
        %mul3A_2867 = vector.broadcast %squeeze3A_2851 : f32 to vector<16xf32>
        %mul3A_2868 = arith.mulf %mul3A_2867, %get3A_2759 : vector<16xf32>
        %add3A_2869 = arith.addf %add3A_2717, %mul3A_2868 : vector<16xf32>
        %mul3A_2870 = vector.broadcast %squeeze3A_2851 : f32 to vector<16xf32>
        %mul3A_2871 = arith.mulf %mul3A_2870, %get3A_2765 : vector<16xf32>
        %add3A_2872 = arith.addf %add3A_2720, %mul3A_2871 : vector<16xf32>
        %mul3A_2873 = vector.broadcast %squeeze3A_2851 : f32 to vector<16xf32>
        %mul3A_2874 = arith.mulf %mul3A_2873, %get3A_2771 : vector<16xf32>
        %add3A_2875 = arith.addf %add3A_2723, %mul3A_2874 : vector<16xf32>
        %add3A_2876 = arith.constant 14 : i32
        %add3A_2877 = arith.addi %mul3A_725, %add3A_2876 : i32
        %get3A_2878 = arith.index_cast %add3A_2877 : i32 to index
        %get3A_2879 = arith.constant 0 : index
        %get3A_2880 = tpu.vector_load %arg7[%get3A_2878, %get3A_2879] {strides = array<i32>} : memref<128x128xf32, #tpu.memory_space<vmem>>, vector<1x16xf32>,
        %get3A_2881 = vector.shape_cast %get3A_2880 : vector<1x16xf32> to vector<16xf32>
        %add3A_2882 = arith.constant 14 : i32
        %add3A_2883 = arith.addi %mul3A_725, %add3A_2882 : i32
        %get3A_2884 = arith.index_cast %add3A_2883 : i32 to index
        %get3A_2885 = arith.constant 16 : index
        %get3A_2886 = tpu.vector_load %arg7[%get3A_2884, %get3A_2885] {strides = array<i32>} : memref<128x128xf32, #tpu.memory_space<vmem>>, vector<1x16xf32>,
        %get3A_2887 = vector.shape_cast %get3A_2886 : vector<1x16xf32> to vector<16xf32>
        %add3A_2888 = arith.constant 14 : i32
        %add3A_2889 = arith.addi %mul3A_725, %add3A_2888 : i32
        %get3A_2890 = arith.index_cast %add3A_2889 : i32 to index
        %get3A_2891 = arith.constant 32 : index
        %get3A_2892 = tpu.vector_load %arg7[%get3A_2890, %get3A_2891] {strides = array<i32>} : memref<128x128xf32, #tpu.memory_space<vmem>>, vector<1x16xf32>,
        %get3A_2893 = vector.shape_cast %get3A_2892 : vector<1x16xf32> to vector<16xf32>
        %add3A_2894 = arith.constant 14 : i32
        %add3A_2895 = arith.addi %mul3A_725, %add3A_2894 : i32
        %get3A_2896 = arith.index_cast %add3A_2895 : i32 to index
        %get3A_2897 = arith.constant 48 : index
        %get3A_2898 = tpu.vector_load %arg7[%get3A_2896, %get3A_2897] {strides = array<i32>} : memref<128x128xf32, #tpu.memory_space<vmem>>, vector<1x16xf32>,
        %get3A_2899 = vector.shape_cast %get3A_2898 : vector<1x16xf32> to vector<16xf32>
        %add3A_2900 = arith.constant 14 : i32
        %add3A_2901 = arith.addi %mul3A_725, %add3A_2900 : i32
        %get3A_2902 = arith.index_cast %add3A_2901 : i32 to index
        %get3A_2903 = arith.constant 64 : index
        %get3A_2904 = tpu.vector_load %arg7[%get3A_2902, %get3A_2903] {strides = array<i32>} : memref<128x128xf32, #tpu.memory_space<vmem>>, vector<1x16xf32>,
        %get3A_2905 = vector.shape_cast %get3A_2904 : vector<1x16xf32> to vector<16xf32>
        %add3A_2906 = arith.constant 14 : i32
        %add3A_2907 = arith.addi %mul3A_725, %add3A_2906 : i32
        %get3A_2908 = arith.index_cast %add3A_2907 : i32 to index
        %get3A_2909 = arith.constant 80 : index
        %get3A_2910 = tpu.vector_load %arg7[%get3A_2908, %get3A_2909] {strides = array<i32>} : memref<128x128xf32, #tpu.memory_space<vmem>>, vector<1x16xf32>,
        %get3A_2911 = vector.shape_cast %get3A_2910 : vector<1x16xf32> to vector<16xf32>
        %add3A_2912 = arith.constant 14 : i32
        %add3A_2913 = arith.addi %mul3A_725, %add3A_2912 : i32
        %get3A_2914 = arith.index_cast %add3A_2913 : i32 to index
        %get3A_2915 = arith.constant 96 : index
        %get3A_2916 = tpu.vector_load %arg7[%get3A_2914, %get3A_2915] {strides = array<i32>} : memref<128x128xf32, #tpu.memory_space<vmem>>, vector<1x16xf32>,
        %get3A_2917 = vector.shape_cast %get3A_2916 : vector<1x16xf32> to vector<16xf32>
        %add3A_2918 = arith.constant 14 : i32
        %add3A_2919 = arith.addi %mul3A_725, %add3A_2918 : i32
        %get3A_2920 = arith.index_cast %add3A_2919 : i32 to index
        %get3A_2921 = arith.constant 112 : index
        %get3A_2922 = tpu.vector_load %arg7[%get3A_2920, %get3A_2921] {strides = array<i32>} : memref<128x128xf32, #tpu.memory_space<vmem>>, vector<1x16xf32>,
        %get3A_2923 = vector.shape_cast %get3A_2922 : vector<1x16xf32> to vector<16xf32>
        %slice3A_2924 = vector.extract_strided_slice %get3A_731 {offsets = [14], sizes = [1], strides = [1]} : vector<16xf32> to vector<1xf32>
        %squeeze3A_2925 = vector.extract %slice3A_2924[0] : f32 from vector<1xf32>
        %mul3A_2926 = vector.broadcast %squeeze3A_2925 : f32 to vector<16xf32>
        %mul3A_2927 = arith.mulf %mul3A_2926, %get3A_2881 : vector<16xf32>
        %add3A_2928 = arith.addf %add3A_2776, %mul3A_2927 : vector<16xf32>
        %mul3A_2929 = vector.broadcast %squeeze3A_2925 : f32 to vector<16xf32>
        %mul3A_2930 = arith.mulf %mul3A_2929, %get3A_2887 : vector<16xf32>
        %add3A_2931 = arith.addf %add3A_2779, %mul3A_2930 : vector<16xf32>
        %mul3A_2932 = vector.broadcast %squeeze3A_2925 : f32 to vector<16xf32>
        %mul3A_2933 = arith.mulf %mul3A_2932, %get3A_2893 : vector<16xf32>
        %add3A_2934 = arith.addf %add3A_2782, %mul3A_2933 : vector<16xf32>
        %mul3A_2935 = vector.broadcast %squeeze3A_2925 : f32 to vector<16xf32>
        %mul3A_2936 = arith.mulf %mul3A_2935, %get3A_2899 : vector<16xf32>
        %add3A_2937 = arith.addf %add3A_2785, %mul3A_2936 : vector<16xf32>
        %mul3A_2938 = vector.broadcast %squeeze3A_2925 : f32 to vector<16xf32>
        %mul3A_2939 = arith.mulf %mul3A_2938, %get3A_2905 : vector<16xf32>
        %add3A_2940 = arith.addf %add3A_2788, %mul3A_2939 : vector<16xf32>
        %mul3A_2941 = vector.broadcast %squeeze3A_2925 : f32 to vector<16xf32>
        %mul3A_2942 = arith.mulf %mul3A_2941, %get3A_2911 : vector<16xf32>
        %add3A_2943 = arith.addf %add3A_2791, %mul3A_2942 : vector<16xf32>
        %mul3A_2944 = vector.broadcast %squeeze3A_2925 : f32 to vector<16xf32>
        %mul3A_2945 = arith.mulf %mul3A_2944, %get3A_2917 : vector<16xf32>
        %add3A_2946 = arith.addf %add3A_2794, %mul3A_2945 : vector<16xf32>
        %mul3A_2947 = vector.broadcast %squeeze3A_2925 : f32 to vector<16xf32>
        %mul3A_2948 = arith.mulf %mul3A_2947, %get3A_2923 : vector<16xf32>
        %add3A_2949 = arith.addf %add3A_2797, %mul3A_2948 : vector<16xf32>
        %slice3A_2950 = vector.extract_strided_slice %get3A_737 {offsets = [14], sizes = [1], strides = [1]} : vector<16xf32> to vector<1xf32>
        %squeeze3A_2951 = vector.extract %slice3A_2950[0] : f32 from vector<1xf32>
        %mul3A_2952 = vector.broadcast %squeeze3A_2951 : f32 to vector<16xf32>
        %mul3A_2953 = arith.mulf %mul3A_2952, %get3A_2881 : vector<16xf32>
        %add3A_2954 = arith.addf %add3A_2802, %mul3A_2953 : vector<16xf32>
        %mul3A_2955 = vector.broadcast %squeeze3A_2951 : f32 to vector<16xf32>
        %mul3A_2956 = arith.mulf %mul3A_2955, %get3A_2887 : vector<16xf32>
        %add3A_2957 = arith.addf %add3A_2805, %mul3A_2956 : vector<16xf32>
        %mul3A_2958 = vector.broadcast %squeeze3A_2951 : f32 to vector<16xf32>
        %mul3A_2959 = arith.mulf %mul3A_2958, %get3A_2893 : vector<16xf32>
        %add3A_2960 = arith.addf %add3A_2808, %mul3A_2959 : vector<16xf32>
        %mul3A_2961 = vector.broadcast %squeeze3A_2951 : f32 to vector<16xf32>
        %mul3A_2962 = arith.mulf %mul3A_2961, %get3A_2899 : vector<16xf32>
        %add3A_2963 = arith.addf %add3A_2811, %mul3A_2962 : vector<16xf32>
        %mul3A_2964 = vector.broadcast %squeeze3A_2951 : f32 to vector<16xf32>
        %mul3A_2965 = arith.mulf %mul3A_2964, %get3A_2905 : vector<16xf32>
        %add3A_2966 = arith.addf %add3A_2814, %mul3A_2965 : vector<16xf32>
        %mul3A_2967 = vector.broadcast %squeeze3A_2951 : f32 to vector<16xf32>
        %mul3A_2968 = arith.mulf %mul3A_2967, %get3A_2911 : vector<16xf32>
        %add3A_2969 = arith.addf %add3A_2817, %mul3A_2968 : vector<16xf32>
        %mul3A_2970 = vector.broadcast %squeeze3A_2951 : f32 to vector<16xf32>
        %mul3A_2971 = arith.mulf %mul3A_2970, %get3A_2917 : vector<16xf32>
        %add3A_2972 = arith.addf %add3A_2820, %mul3A_2971 : vector<16xf32>
        %mul3A_2973 = vector.broadcast %squeeze3A_2951 : f32 to vector<16xf32>
        %mul3A_2974 = arith.mulf %mul3A_2973, %get3A_2923 : vector<16xf32>
        %add3A_2975 = arith.addf %add3A_2823, %mul3A_2974 : vector<16xf32>
        %slice3A_2976 = vector.extract_strided_slice %get3A_743 {offsets = [14], sizes = [1], strides = [1]} : vector<16xf32> to vector<1xf32>
        %squeeze3A_2977 = vector.extract %slice3A_2976[0] : f32 from vector<1xf32>
        %mul3A_2978 = vector.broadcast %squeeze3A_2977 : f32 to vector<16xf32>
        %mul3A_2979 = arith.mulf %mul3A_2978, %get3A_2881 : vector<16xf32>
        %add3A_2980 = arith.addf %add3A_2828, %mul3A_2979 : vector<16xf32>
        %mul3A_2981 = vector.broadcast %squeeze3A_2977 : f32 to vector<16xf32>
        %mul3A_2982 = arith.mulf %mul3A_2981, %get3A_2887 : vector<16xf32>
        %add3A_2983 = arith.addf %add3A_2831, %mul3A_2982 : vector<16xf32>
        %mul3A_2984 = vector.broadcast %squeeze3A_2977 : f32 to vector<16xf32>
        %mul3A_2985 = arith.mulf %mul3A_2984, %get3A_2893 : vector<16xf32>
        %add3A_2986 = arith.addf %add3A_2834, %mul3A_2985 : vector<16xf32>
        %mul3A_2987 = vector.broadcast %squeeze3A_2977 : f32 to vector<16xf32>
        %mul3A_2988 = arith.mulf %mul3A_2987, %get3A_2899 : vector<16xf32>
        %add3A_2989 = arith.addf %add3A_2837, %mul3A_2988 : vector<16xf32>
        %mul3A_2990 = vector.broadcast %squeeze3A_2977 : f32 to vector<16xf32>
        %mul3A_2991 = arith.mulf %mul3A_2990, %get3A_2905 : vector<16xf32>
        %add3A_2992 = arith.addf %add3A_2840, %mul3A_2991 : vector<16xf32>
        %mul3A_2993 = vector.broadcast %squeeze3A_2977 : f32 to vector<16xf32>
        %mul3A_2994 = arith.mulf %mul3A_2993, %get3A_2911 : vector<16xf32>
        %add3A_2995 = arith.addf %add3A_2843, %mul3A_2994 : vector<16xf32>
        %mul3A_2996 = vector.broadcast %squeeze3A_2977 : f32 to vector<16xf32>
        %mul3A_2997 = arith.mulf %mul3A_2996, %get3A_2917 : vector<16xf32>
        %add3A_2998 = arith.addf %add3A_2846, %mul3A_2997 : vector<16xf32>
        %mul3A_2999 = vector.broadcast %squeeze3A_2977 : f32 to vector<16xf32>
        %mul3A_3000 = arith.mulf %mul3A_2999, %get3A_2923 : vector<16xf32>
        %add3A_3001 = arith.addf %add3A_2849, %mul3A_3000 : vector<16xf32>
        %slice3A_3002 = vector.extract_strided_slice %get3A_749 {offsets = [14], sizes = [1], strides = [1]} : vector<16xf32> to vector<1xf32>
        %squeeze3A_3003 = vector.extract %slice3A_3002[0] : f32 from vector<1xf32>
        %mul3A_3004 = vector.broadcast %squeeze3A_3003 : f32 to vector<16xf32>
        %mul3A_3005 = arith.mulf %mul3A_3004, %get3A_2881 : vector<16xf32>
        %add3A_3006 = arith.addf %add3A_2854, %mul3A_3005 : vector<16xf32>
        %mul3A_3007 = vector.broadcast %squeeze3A_3003 : f32 to vector<16xf32>
        %mul3A_3008 = arith.mulf %mul3A_3007, %get3A_2887 : vector<16xf32>
        %add3A_3009 = arith.addf %add3A_2857, %mul3A_3008 : vector<16xf32>
        %mul3A_3010 = vector.broadcast %squeeze3A_3003 : f32 to vector<16xf32>
        %mul3A_3011 = arith.mulf %mul3A_3010, %get3A_2893 : vector<16xf32>
        %add3A_3012 = arith.addf %add3A_2860, %mul3A_3011 : vector<16xf32>
        %mul3A_3013 = vector.broadcast %squeeze3A_3003 : f32 to vector<16xf32>
        %mul3A_3014 = arith.mulf %mul3A_3013, %get3A_2899 : vector<16xf32>
        %add3A_3015 = arith.addf %add3A_2863, %mul3A_3014 : vector<16xf32>
        %mul3A_3016 = vector.broadcast %squeeze3A_3003 : f32 to vector<16xf32>
        %mul3A_3017 = arith.mulf %mul3A_3016, %get3A_2905 : vector<16xf32>
        %add3A_3018 = arith.addf %add3A_2866, %mul3A_3017 : vector<16xf32>
        %mul3A_3019 = vector.broadcast %squeeze3A_3003 : f32 to vector<16xf32>
        %mul3A_3020 = arith.mulf %mul3A_3019, %get3A_2911 : vector<16xf32>
        %add3A_3021 = arith.addf %add3A_2869, %mul3A_3020 : vector<16xf32>
        %mul3A_3022 = vector.broadcast %squeeze3A_3003 : f32 to vector<16xf32>
        %mul3A_3023 = arith.mulf %mul3A_3022, %get3A_2917 : vector<16xf32>
        %add3A_3024 = arith.addf %add3A_2872, %mul3A_3023 : vector<16xf32>
        %mul3A_3025 = vector.broadcast %squeeze3A_3003 : f32 to vector<16xf32>
        %mul3A_3026 = arith.mulf %mul3A_3025, %get3A_2923 : vector<16xf32>
        %add3A_3027 = arith.addf %add3A_2875, %mul3A_3026 : vector<16xf32>
        %add3A_3028 = arith.constant 15 : i32
        %add3A_3029 = arith.addi %mul3A_725, %add3A_3028 : i32
        %get3A_3030 = arith.index_cast %add3A_3029 : i32 to index
        %get3A_3031 = arith.constant 0 : index
        %get3A_3032 = tpu.vector_load %arg7[%get3A_3030, %get3A_3031] {strides = array<i32>} : memref<128x128xf32, #tpu.memory_space<vmem>>, vector<1x16xf32>,
        %get3A_3033 = vector.shape_cast %get3A_3032 : vector<1x16xf32> to vector<16xf32>
        %add3A_3034 = arith.constant 15 : i32
        %add3A_3035 = arith.addi %mul3A_725, %add3A_3034 : i32
        %get3A_3036 = arith.index_cast %add3A_3035 : i32 to index
        %get3A_3037 = arith.constant 16 : index
        %get3A_3038 = tpu.vector_load %arg7[%get3A_3036, %get3A_3037] {strides = array<i32>} : memref<128x128xf32, #tpu.memory_space<vmem>>, vector<1x16xf32>,
        %get3A_3039 = vector.shape_cast %get3A_3038 : vector<1x16xf32> to vector<16xf32>
        %add3A_3040 = arith.constant 15 : i32
        %add3A_3041 = arith.addi %mul3A_725, %add3A_3040 : i32
        %get3A_3042 = arith.index_cast %add3A_3041 : i32 to index
        %get3A_3043 = arith.constant 32 : index
        %get3A_3044 = tpu.vector_load %arg7[%get3A_3042, %get3A_3043] {strides = array<i32>} : memref<128x128xf32, #tpu.memory_space<vmem>>, vector<1x16xf32>,
        %get3A_3045 = vector.shape_cast %get3A_3044 : vector<1x16xf32> to vector<16xf32>
        %add3A_3046 = arith.constant 15 : i32
        %add3A_3047 = arith.addi %mul3A_725, %add3A_3046 : i32
        %get3A_3048 = arith.index_cast %add3A_3047 : i32 to index
        %get3A_3049 = arith.constant 48 : index
        %get3A_3050 = tpu.vector_load %arg7[%get3A_3048, %get3A_3049] {strides = array<i32>} : memref<128x128xf32, #tpu.memory_space<vmem>>, vector<1x16xf32>,
        %get3A_3051 = vector.shape_cast %get3A_3050 : vector<1x16xf32> to vector<16xf32>
        %add3A_3052 = arith.constant 15 : i32
        %add3A_3053 = arith.addi %mul3A_725, %add3A_3052 : i32
        %get3A_3054 = arith.index_cast %add3A_3053 : i32 to index
        %get3A_3055 = arith.constant 64 : index
        %get3A_3056 = tpu.vector_load %arg7[%get3A_3054, %get3A_3055] {strides = array<i32>} : memref<128x128xf32, #tpu.memory_space<vmem>>, vector<1x16xf32>,
        %get3A_3057 = vector.shape_cast %get3A_3056 : vector<1x16xf32> to vector<16xf32>
        %add3A_3058 = arith.constant 15 : i32
        %add3A_3059 = arith.addi %mul3A_725, %add3A_3058 : i32
        %get3A_3060 = arith.index_cast %add3A_3059 : i32 to index
        %get3A_3061 = arith.constant 80 : index
        %get3A_3062 = tpu.vector_load %arg7[%get3A_3060, %get3A_3061] {strides = array<i32>} : memref<128x128xf32, #tpu.memory_space<vmem>>, vector<1x16xf32>,
        %get3A_3063 = vector.shape_cast %get3A_3062 : vector<1x16xf32> to vector<16xf32>
        %add3A_3064 = arith.constant 15 : i32
        %add3A_3065 = arith.addi %mul3A_725, %add3A_3064 : i32
        %get3A_3066 = arith.index_cast %add3A_3065 : i32 to index
        %get3A_3067 = arith.constant 96 : index
        %get3A_3068 = tpu.vector_load %arg7[%get3A_3066, %get3A_3067] {strides = array<i32>} : memref<128x128xf32, #tpu.memory_space<vmem>>, vector<1x16xf32>,
        %get3A_3069 = vector.shape_cast %get3A_3068 : vector<1x16xf32> to vector<16xf32>
        %add3A_3070 = arith.constant 15 : i32
        %add3A_3071 = arith.addi %mul3A_725, %add3A_3070 : i32
        %get3A_3072 = arith.index_cast %add3A_3071 : i32 to index
        %get3A_3073 = arith.constant 112 : index
        %get3A_3074 = tpu.vector_load %arg7[%get3A_3072, %get3A_3073] {strides = array<i32>} : memref<128x128xf32, #tpu.memory_space<vmem>>, vector<1x16xf32>,
        %get3A_3075 = vector.shape_cast %get3A_3074 : vector<1x16xf32> to vector<16xf32>
        %slice3A_3076 = vector.extract_strided_slice %get3A_731 {offsets = [15], sizes = [1], strides = [1]} : vector<16xf32> to vector<1xf32>
        %squeeze3A_3077 = vector.extract %slice3A_3076[0] : f32 from vector<1xf32>
        %mul3A_3078 = vector.broadcast %squeeze3A_3077 : f32 to vector<16xf32>
        %mul3A_3079 = arith.mulf %mul3A_3078, %get3A_3033 : vector<16xf32>
        %add3A_3080 = arith.addf %add3A_2928, %mul3A_3079 : vector<16xf32>
        %mul3A_3081 = vector.broadcast %squeeze3A_3077 : f32 to vector<16xf32>
        %mul3A_3082 = arith.mulf %mul3A_3081, %get3A_3039 : vector<16xf32>
        %add3A_3083 = arith.addf %add3A_2931, %mul3A_3082 : vector<16xf32>
        %mul3A_3084 = vector.broadcast %squeeze3A_3077 : f32 to vector<16xf32>
        %mul3A_3085 = arith.mulf %mul3A_3084, %get3A_3045 : vector<16xf32>
        %add3A_3086 = arith.addf %add3A_2934, %mul3A_3085 : vector<16xf32>
        %mul3A_3087 = vector.broadcast %squeeze3A_3077 : f32 to vector<16xf32>
        %mul3A_3088 = arith.mulf %mul3A_3087, %get3A_3051 : vector<16xf32>
        %add3A_3089 = arith.addf %add3A_2937, %mul3A_3088 : vector<16xf32>
        %mul3A_3090 = vector.broadcast %squeeze3A_3077 : f32 to vector<16xf32>
        %mul3A_3091 = arith.mulf %mul3A_3090, %get3A_3057 : vector<16xf32>
        %add3A_3092 = arith.addf %add3A_2940, %mul3A_3091 : vector<16xf32>
        %mul3A_3093 = vector.broadcast %squeeze3A_3077 : f32 to vector<16xf32>
        %mul3A_3094 = arith.mulf %mul3A_3093, %get3A_3063 : vector<16xf32>
        %add3A_3095 = arith.addf %add3A_2943, %mul3A_3094 : vector<16xf32>
        %mul3A_3096 = vector.broadcast %squeeze3A_3077 : f32 to vector<16xf32>
        %mul3A_3097 = arith.mulf %mul3A_3096, %get3A_3069 : vector<16xf32>
        %add3A_3098 = arith.addf %add3A_2946, %mul3A_3097 : vector<16xf32>
        %mul3A_3099 = vector.broadcast %squeeze3A_3077 : f32 to vector<16xf32>
        %mul3A_3100 = arith.mulf %mul3A_3099, %get3A_3075 : vector<16xf32>
        %add3A_3101 = arith.addf %add3A_2949, %mul3A_3100 : vector<16xf32>
        %slice3A_3102 = vector.extract_strided_slice %get3A_737 {offsets = [15], sizes = [1], strides = [1]} : vector<16xf32> to vector<1xf32>
        %squeeze3A_3103 = vector.extract %slice3A_3102[0] : f32 from vector<1xf32>
        %mul3A_3104 = vector.broadcast %squeeze3A_3103 : f32 to vector<16xf32>
        %mul3A_3105 = arith.mulf %mul3A_3104, %get3A_3033 : vector<16xf32>
        %add3A_3106 = arith.addf %add3A_2954, %mul3A_3105 : vector<16xf32>
        %mul3A_3107 = vector.broadcast %squeeze3A_3103 : f32 to vector<16xf32>
        %mul3A_3108 = arith.mulf %mul3A_3107, %get3A_3039 : vector<16xf32>
        %add3A_3109 = arith.addf %add3A_2957, %mul3A_3108 : vector<16xf32>
        %mul3A_3110 = vector.broadcast %squeeze3A_3103 : f32 to vector<16xf32>
        %mul3A_3111 = arith.mulf %mul3A_3110, %get3A_3045 : vector<16xf32>
        %add3A_3112 = arith.addf %add3A_2960, %mul3A_3111 : vector<16xf32>
        %mul3A_3113 = vector.broadcast %squeeze3A_3103 : f32 to vector<16xf32>
        %mul3A_3114 = arith.mulf %mul3A_3113, %get3A_3051 : vector<16xf32>
        %add3A_3115 = arith.addf %add3A_2963, %mul3A_3114 : vector<16xf32>
        %mul3A_3116 = vector.broadcast %squeeze3A_3103 : f32 to vector<16xf32>
        %mul3A_3117 = arith.mulf %mul3A_3116, %get3A_3057 : vector<16xf32>
        %add3A_3118 = arith.addf %add3A_2966, %mul3A_3117 : vector<16xf32>
        %mul3A_3119 = vector.broadcast %squeeze3A_3103 : f32 to vector<16xf32>
        %mul3A_3120 = arith.mulf %mul3A_3119, %get3A_3063 : vector<16xf32>
        %add3A_3121 = arith.addf %add3A_2969, %mul3A_3120 : vector<16xf32>
        %mul3A_3122 = vector.broadcast %squeeze3A_3103 : f32 to vector<16xf32>
        %mul3A_3123 = arith.mulf %mul3A_3122, %get3A_3069 : vector<16xf32>
        %add3A_3124 = arith.addf %add3A_2972, %mul3A_3123 : vector<16xf32>
        %mul3A_3125 = vector.broadcast %squeeze3A_3103 : f32 to vector<16xf32>
        %mul3A_3126 = arith.mulf %mul3A_3125, %get3A_3075 : vector<16xf32>
        %add3A_3127 = arith.addf %add3A_2975, %mul3A_3126 : vector<16xf32>
        %slice3A_3128 = vector.extract_strided_slice %get3A_743 {offsets = [15], sizes = [1], strides = [1]} : vector<16xf32> to vector<1xf32>
        %squeeze3A_3129 = vector.extract %slice3A_3128[0] : f32 from vector<1xf32>
        %mul3A_3130 = vector.broadcast %squeeze3A_3129 : f32 to vector<16xf32>
        %mul3A_3131 = arith.mulf %mul3A_3130, %get3A_3033 : vector<16xf32>
        %add3A_3132 = arith.addf %add3A_2980, %mul3A_3131 : vector<16xf32>
        %mul3A_3133 = vector.broadcast %squeeze3A_3129 : f32 to vector<16xf32>
        %mul3A_3134 = arith.mulf %mul3A_3133, %get3A_3039 : vector<16xf32>
        %add3A_3135 = arith.addf %add3A_2983, %mul3A_3134 : vector<16xf32>
        %mul3A_3136 = vector.broadcast %squeeze3A_3129 : f32 to vector<16xf32>
        %mul3A_3137 = arith.mulf %mul3A_3136, %get3A_3045 : vector<16xf32>
        %add3A_3138 = arith.addf %add3A_2986, %mul3A_3137 : vector<16xf32>
        %mul3A_3139 = vector.broadcast %squeeze3A_3129 : f32 to vector<16xf32>
        %mul3A_3140 = arith.mulf %mul3A_3139, %get3A_3051 : vector<16xf32>
        %add3A_3141 = arith.addf %add3A_2989, %mul3A_3140 : vector<16xf32>
        %mul3A_3142 = vector.broadcast %squeeze3A_3129 : f32 to vector<16xf32>
        %mul3A_3143 = arith.mulf %mul3A_3142, %get3A_3057 : vector<16xf32>
        %add3A_3144 = arith.addf %add3A_2992, %mul3A_3143 : vector<16xf32>
        %mul3A_3145 = vector.broadcast %squeeze3A_3129 : f32 to vector<16xf32>
        %mul3A_3146 = arith.mulf %mul3A_3145, %get3A_3063 : vector<16xf32>
        %add3A_3147 = arith.addf %add3A_2995, %mul3A_3146 : vector<16xf32>
        %mul3A_3148 = vector.broadcast %squeeze3A_3129 : f32 to vector<16xf32>
        %mul3A_3149 = arith.mulf %mul3A_3148, %get3A_3069 : vector<16xf32>
        %add3A_3150 = arith.addf %add3A_2998, %mul3A_3149 : vector<16xf32>
        %mul3A_3151 = vector.broadcast %squeeze3A_3129 : f32 to vector<16xf32>
        %mul3A_3152 = arith.mulf %mul3A_3151, %get3A_3075 : vector<16xf32>
        %add3A_3153 = arith.addf %add3A_3001, %mul3A_3152 : vector<16xf32>
        %slice3A_3154 = vector.extract_strided_slice %get3A_749 {offsets = [15], sizes = [1], strides = [1]} : vector<16xf32> to vector<1xf32>
        %squeeze3A_3155 = vector.extract %slice3A_3154[0] : f32 from vector<1xf32>
        %mul3A_3156 = vector.broadcast %squeeze3A_3155 : f32 to vector<16xf32>
        %mul3A_3157 = arith.mulf %mul3A_3156, %get3A_3033 : vector<16xf32>
        %add3A_3158 = arith.addf %add3A_3006, %mul3A_3157 : vector<16xf32>
        %mul3A_3159 = vector.broadcast %squeeze3A_3155 : f32 to vector<16xf32>
        %mul3A_3160 = arith.mulf %mul3A_3159, %get3A_3039 : vector<16xf32>
        %add3A_3161 = arith.addf %add3A_3009, %mul3A_3160 : vector<16xf32>
        %mul3A_3162 = vector.broadcast %squeeze3A_3155 : f32 to vector<16xf32>
        %mul3A_3163 = arith.mulf %mul3A_3162, %get3A_3045 : vector<16xf32>
        %add3A_3164 = arith.addf %add3A_3012, %mul3A_3163 : vector<16xf32>
        %mul3A_3165 = vector.broadcast %squeeze3A_3155 : f32 to vector<16xf32>
        %mul3A_3166 = arith.mulf %mul3A_3165, %get3A_3051 : vector<16xf32>
        %add3A_3167 = arith.addf %add3A_3015, %mul3A_3166 : vector<16xf32>
        %mul3A_3168 = vector.broadcast %squeeze3A_3155 : f32 to vector<16xf32>
        %mul3A_3169 = arith.mulf %mul3A_3168, %get3A_3057 : vector<16xf32>
        %add3A_3170 = arith.addf %add3A_3018, %mul3A_3169 : vector<16xf32>
        %mul3A_3171 = vector.broadcast %squeeze3A_3155 : f32 to vector<16xf32>
        %mul3A_3172 = arith.mulf %mul3A_3171, %get3A_3063 : vector<16xf32>
        %add3A_3173 = arith.addf %add3A_3021, %mul3A_3172 : vector<16xf32>
        %mul3A_3174 = vector.broadcast %squeeze3A_3155 : f32 to vector<16xf32>
        %mul3A_3175 = arith.mulf %mul3A_3174, %get3A_3069 : vector<16xf32>
        %add3A_3176 = arith.addf %add3A_3024, %mul3A_3175 : vector<16xf32>
        %mul3A_3177 = vector.broadcast %squeeze3A_3155 : f32 to vector<16xf32>
        %mul3A_3178 = arith.mulf %mul3A_3177, %get3A_3075 : vector<16xf32>
        %add3A_3179 = arith.addf %add3A_3027, %mul3A_3178 : vector<16xf32>
        scf.yield %add3A_3080, %add3A_3083, %add3A_3086, %add3A_3089, %add3A_3092, %add3A_3095, %add3A_3098, %add3A_3101, %add3A_3106, %add3A_3109, %add3A_3112, %add3A_3115, %add3A_3118, %add3A_3121, %add3A_3124, %add3A_3127, %add3A_3132, %add3A_3135, %add3A_3138, %add3A_3141, %add3A_3144, %add3A_3147, %add3A_3150, %add3A_3153, %add3A_3158, %add3A_3161, %add3A_3164, %add3A_3167, %add3A_3170, %add3A_3173, %add3A_3176, %add3A_3179 : vector<16xf32>, vector<16xf32>, vector<16xf32>, vector<16xf32>, vector<16xf32>, vector<16xf32>, vector<16xf32>, vector<16xf32>, vector<16xf32>, vector<16xf32>, vector<16xf32>, vector<16xf32>, vector<16xf32>, vector<16xf32>, vector<16xf32>, vector<16xf32>, vector<16xf32>, vector<16xf32>, vector<16xf32>, vector<16xf32>, vector<16xf32>, vector<16xf32>, vector<16xf32>, vector<16xf32>, vector<16xf32>, vector<16xf32>, vector<16xf32>, vector<16xf32>, vector<16xf32>, vector<16xf32>, vector<16xf32>, vector<16xf32>
      }
      %scan3A_19 = arith.constant 8 : i32
      %add3A_20 = arith.constant 0 : i32
      %add3A_21 = arith.addi %mul3A_12, %add3A_20 : i32
      %get3A = arith.index_cast %add3A_21 : i32 to index
      %get3A_22 = arith.constant 0 : index
      %get3A_23 = tpu.vector_load %arg6[%get3A, %get3A_22] {strides = array<i32>} : memref<8x128xf32, #tpu.memory_space<vmem>>, vector<1x16xf32>,
      %get3A_24 = vector.shape_cast %get3A_23 : vector<1x16xf32> to vector<16xf32>
      %get3A_25 = arith.constant 0 : index
      %get3A_26 = tpu.vector_load %arg8[%get3A_25] {strides = array<i32>} : memref<128xf32, #tpu.memory_space<vmem>>, vector<16xf32>,
      %get3A_27 = vector.shape_cast %get3A_26 : vector<16xf32> to vector<16xf32>
      %mul3A_28 = arith.constant 5.000000e-01 : f32
      %mul3A_29 = vector.broadcast %mul3A_28 : f32 to vector<16xf32>
      %mul3A_30 = arith.mulf %mul3A_29, %scan3A_18#0 : vector<16xf32>
      %add3A_31 = arith.addf %get3A_27, %mul3A_30 : vector<16xf32>
      %mul3A_32 = arith.mulf %get3A_24, %add3A_31 : vector<16xf32>
      %add3A_33 = arith.constant 0 : i32
      %add3A_34 = arith.addi %mul3A_12, %add3A_33 : i32
      %swap3A = arith.index_cast %add3A_34 : i32 to index
      %swap3A_35 = arith.constant 0 : index
      %swap3A_36 = tpu.vector_load %arg9[%swap3A, %swap3A_35] {strides = array<i32>} : memref<8x128xf32, #tpu.memory_space<vmem>>, vector<1x16xf32>,
      %swap3A_37 = vector.shape_cast %swap3A_36 : vector<1x16xf32> to vector<16xf32>
      %swap3A_38 = vector.shape_cast %mul3A_32 : vector<16xf32> to vector<1x16xf32>
      tpu.vector_store %arg9[%swap3A, %swap3A_35], %swap3A_38 {strides = array<i32>} : memref<8x128xf32, #tpu.memory_space<vmem>>, vector<1x16xf32>,
      %add3A_39 = arith.constant 0 : i32
      %add3A_40 = arith.addi %mul3A_12, %add3A_39 : i32
      %get3A_41 = arith.index_cast %add3A_40 : i32 to index
      %get3A_42 = arith.constant 16 : index
      %get3A_43 = tpu.vector_load %arg6[%get3A_41, %get3A_42] {strides = array<i32>} : memref<8x128xf32, #tpu.memory_space<vmem>>, vector<1x16xf32>,
      %get3A_44 = vector.shape_cast %get3A_43 : vector<1x16xf32> to vector<16xf32>
      %get3A_45 = arith.constant 16 : index
      %get3A_46 = tpu.vector_load %arg8[%get3A_45] {strides = array<i32>} : memref<128xf32, #tpu.memory_space<vmem>>, vector<16xf32>,
      %get3A_47 = vector.shape_cast %get3A_46 : vector<16xf32> to vector<16xf32>
      %mul3A_48 = arith.constant 5.000000e-01 : f32
      %mul3A_49 = vector.broadcast %mul3A_48 : f32 to vector<16xf32>
      %mul3A_50 = arith.mulf %mul3A_49, %scan3A_18#1 : vector<16xf32>
      %add3A_51 = arith.addf %get3A_47, %mul3A_50 : vector<16xf32>
      %mul3A_52 = arith.mulf %get3A_44, %add3A_51 : vector<16xf32>
      %add3A_53 = arith.constant 0 : i32
      %add3A_54 = arith.addi %mul3A_12, %add3A_53 : i32
      %swap3A_55 = arith.index_cast %add3A_54 : i32 to index
      %swap3A_56 = arith.constant 16 : index
      %swap3A_57 = tpu.vector_load %arg9[%swap3A_55, %swap3A_56] {strides = array<i32>} : memref<8x128xf32, #tpu.memory_space<vmem>>, vector<1x16xf32>,
      %swap3A_58 = vector.shape_cast %swap3A_57 : vector<1x16xf32> to vector<16xf32>
      %swap3A_59 = vector.shape_cast %mul3A_52 : vector<16xf32> to vector<1x16xf32>
      tpu.vector_store %arg9[%swap3A_55, %swap3A_56], %swap3A_59 {strides = array<i32>} : memref<8x128xf32, #tpu.memory_space<vmem>>, vector<1x16xf32>,
      %add3A_60 = arith.constant 0 : i32
      %add3A_61 = arith.addi %mul3A_12, %add3A_60 : i32
      %get3A_62 = arith.index_cast %add3A_61 : i32 to index
      %get3A_63 = arith.constant 32 : index
      %get3A_64 = tpu.vector_load %arg6[%get3A_62, %get3A_63] {strides = array<i32>} : memref<8x128xf32, #tpu.memory_space<vmem>>, vector<1x16xf32>,
      %get3A_65 = vector.shape_cast %get3A_64 : vector<1x16xf32> to vector<16xf32>
      %get3A_66 = arith.constant 32 : index
      %get3A_67 = tpu.vector_load %arg8[%get3A_66] {strides = array<i32>} : memref<128xf32, #tpu.memory_space<vmem>>, vector<16xf32>,
      %get3A_68 = vector.shape_cast %get3A_67 : vector<16xf32> to vector<16xf32>
      %mul3A_69 = arith.constant 5.000000e-01 : f32
      %mul3A_70 = vector.broadcast %mul3A_69 : f32 to vector<16xf32>
      %mul3A_71 = arith.mulf %mul3A_70, %scan3A_18#2 : vector<16xf32>
      %add3A_72 = arith.addf %get3A_68, %mul3A_71 : vector<16xf32>
      %mul3A_73 = arith.mulf %get3A_65, %add3A_72 : vector<16xf32>
      %add3A_74 = arith.constant 0 : i32
      %add3A_75 = arith.addi %mul3A_12, %add3A_74 : i32
      %swap3A_76 = arith.index_cast %add3A_75 : i32 to index
      %swap3A_77 = arith.constant 32 : index
      %swap3A_78 = tpu.vector_load %arg9[%swap3A_76, %swap3A_77] {strides = array<i32>} : memref<8x128xf32, #tpu.memory_space<vmem>>, vector<1x16xf32>,
      %swap3A_79 = vector.shape_cast %swap3A_78 : vector<1x16xf32> to vector<16xf32>
      %swap3A_80 = vector.shape_cast %mul3A_73 : vector<16xf32> to vector<1x16xf32>
      tpu.vector_store %arg9[%swap3A_76, %swap3A_77], %swap3A_80 {strides = array<i32>} : memref<8x128xf32, #tpu.memory_space<vmem>>, vector<1x16xf32>,
      %add3A_81 = arith.constant 0 : i32
      %add3A_82 = arith.addi %mul3A_12, %add3A_81 : i32
      %get3A_83 = arith.index_cast %add3A_82 : i32 to index
      %get3A_84 = arith.constant 48 : index
      %get3A_85 = tpu.vector_load %arg6[%get3A_83, %get3A_84] {strides = array<i32>} : memref<8x128xf32, #tpu.memory_space<vmem>>, vector<1x16xf32>,
      %get3A_86 = vector.shape_cast %get3A_85 : vector<1x16xf32> to vector<16xf32>
      %get3A_87 = arith.constant 48 : index
      %get3A_88 = tpu.vector_load %arg8[%get3A_87] {strides = array<i32>} : memref<128xf32, #tpu.memory_space<vmem>>, vector<16xf32>,
      %get3A_89 = vector.shape_cast %get3A_88 : vector<16xf32> to vector<16xf32>
      %mul3A_90 = arith.constant 5.000000e-01 : f32
      %mul3A_91 = vector.broadcast %mul3A_90 : f32 to vector<16xf32>
      %mul3A_92 = arith.mulf %mul3A_91, %scan3A_18#3 : vector<16xf32>
      %add3A_93 = arith.addf %get3A_89, %mul3A_92 : vector<16xf32>
      %mul3A_94 = arith.mulf %get3A_86, %add3A_93 : vector<16xf32>
      %add3A_95 = arith.constant 0 : i32
      %add3A_96 = arith.addi %mul3A_12, %add3A_95 : i32
      %swap3A_97 = arith.index_cast %add3A_96 : i32 to index
      %swap3A_98 = arith.constant 48 : index
      %swap3A_99 = tpu.vector_load %arg9[%swap3A_97, %swap3A_98] {strides = array<i32>} : memref<8x128xf32, #tpu.memory_space<vmem>>, vector<1x16xf32>,
      %swap3A_100 = vector.shape_cast %swap3A_99 : vector<1x16xf32> to vector<16xf32>
      %swap3A_101 = vector.shape_cast %mul3A_94 : vector<16xf32> to vector<1x16xf32>
      tpu.vector_store %arg9[%swap3A_97, %swap3A_98], %swap3A_101 {strides = array<i32>} : memref<8x128xf32, #tpu.memory_space<vmem>>, vector<1x16xf32>,
      %add3A_102 = arith.constant 0 : i32
      %add3A_103 = arith.addi %mul3A_12, %add3A_102 : i32
      %get3A_104 = arith.index_cast %add3A_103 : i32 to index
      %get3A_105 = arith.constant 64 : index
      %get3A_106 = tpu.vector_load %arg6[%get3A_104, %get3A_105] {strides = array<i32>} : memref<8x128xf32, #tpu.memory_space<vmem>>, vector<1x16xf32>,
      %get3A_107 = vector.shape_cast %get3A_106 : vector<1x16xf32> to vector<16xf32>
      %get3A_108 = arith.constant 64 : index
      %get3A_109 = tpu.vector_load %arg8[%get3A_108] {strides = array<i32>} : memref<128xf32, #tpu.memory_space<vmem>>, vector<16xf32>,
      %get3A_110 = vector.shape_cast %get3A_109 : vector<16xf32> to vector<16xf32>
      %mul3A_111 = arith.constant 5.000000e-01 : f32
      %mul3A_112 = vector.broadcast %mul3A_111 : f32 to vector<16xf32>
      %mul3A_113 = arith.mulf %mul3A_112, %scan3A_18#4 : vector<16xf32>
      %add3A_114 = arith.addf %get3A_110, %mul3A_113 : vector<16xf32>
      %mul3A_115 = arith.mulf %get3A_107, %add3A_114 : vector<16xf32>
      %add3A_116 = arith.constant 0 : i32
      %add3A_117 = arith.addi %mul3A_12, %add3A_116 : i32
      %swap3A_118 = arith.index_cast %add3A_117 : i32 to index
      %swap3A_119 = arith.constant 64 : index
      %swap3A_120 = tpu.vector_load %arg9[%swap3A_118, %swap3A_119] {strides = array<i32>} : memref<8x128xf32, #tpu.memory_space<vmem>>, vector<1x16xf32>,
      %swap3A_121 = vector.shape_cast %swap3A_120 : vector<1x16xf32> to vector<16xf32>
      %swap3A_122 = vector.shape_cast %mul3A_115 : vector<16xf32> to vector<1x16xf32>
      tpu.vector_store %arg9[%swap3A_118, %swap3A_119], %swap3A_122 {strides = array<i32>} : memref<8x128xf32, #tpu.memory_space<vmem>>, vector<1x16xf32>,
      %add3A_123 = arith.constant 0 : i32
      %add3A_124 = arith.addi %mul3A_12, %add3A_123 : i32
      %get3A_125 = arith.index_cast %add3A_124 : i32 to index
      %get3A_126 = arith.constant 80 : index
      %get3A_127 = tpu.vector_load %arg6[%get3A_125, %get3A_126] {strides = array<i32>} : memref<8x128xf32, #tpu.memory_space<vmem>>, vector<1x16xf32>,
      %get3A_128 = vector.shape_cast %get3A_127 : vector<1x16xf32> to vector<16xf32>
      %get3A_129 = arith.constant 80 : index
      %get3A_130 = tpu.vector_load %arg8[%get3A_129] {strides = array<i32>} : memref<128xf32, #tpu.memory_space<vmem>>, vector<16xf32>,
      %get3A_131 = vector.shape_cast %get3A_130 : vector<16xf32> to vector<16xf32>
      %mul3A_132 = arith.constant 5.000000e-01 : f32
      %mul3A_133 = vector.broadcast %mul3A_132 : f32 to vector<16xf32>
      %mul3A_134 = arith.mulf %mul3A_133, %scan3A_18#5 : vector<16xf32>
      %add3A_135 = arith.addf %get3A_131, %mul3A_134 : vector<16xf32>
      %mul3A_136 = arith.mulf %get3A_128, %add3A_135 : vector<16xf32>
      %add3A_137 = arith.constant 0 : i32
      %add3A_138 = arith.addi %mul3A_12, %add3A_137 : i32
      %swap3A_139 = arith.index_cast %add3A_138 : i32 to index
      %swap3A_140 = arith.constant 80 : index
      %swap3A_141 = tpu.vector_load %arg9[%swap3A_139, %swap3A_140] {strides = array<i32>} : memref<8x128xf32, #tpu.memory_space<vmem>>, vector<1x16xf32>,
      %swap3A_142 = vector.shape_cast %swap3A_141 : vector<1x16xf32> to vector<16xf32>
      %swap3A_143 = vector.shape_cast %mul3A_136 : vector<16xf32> to vector<1x16xf32>
      tpu.vector_store %arg9[%swap3A_139, %swap3A_140], %swap3A_143 {strides = array<i32>} : memref<8x128xf32, #tpu.memory_space<vmem>>, vector<1x16xf32>,
      %add3A_144 = arith.constant 0 : i32
      %add3A_145 = arith.addi %mul3A_12, %add3A_144 : i32
      %get3A_146 = arith.index_cast %add3A_145 : i32 to index
      %get3A_147 = arith.constant 96 : index
      %get3A_148 = tpu.vector_load %arg6[%get3A_146, %get3A_147] {strides = array<i32>} : memref<8x128xf32, #tpu.memory_space<vmem>>, vector<1x16xf32>,
      %get3A_149 = vector.shape_cast %get3A_148 : vector<1x16xf32> to vector<16xf32>
      %get3A_150 = arith.constant 96 : index
      %get3A_151 = tpu.vector_load %arg8[%get3A_150] {strides = array<i32>} : memref<128xf32, #tpu.memory_space<vmem>>, vector<16xf32>,
      %get3A_152 = vector.shape_cast %get3A_151 : vector<16xf32> to vector<16xf32>
      %mul3A_153 = arith.constant 5.000000e-01 : f32
      %mul3A_154 = vector.broadcast %mul3A_153 : f32 to vector<16xf32>
      %mul3A_155 = arith.mulf %mul3A_154, %scan3A_18#6 : vector<16xf32>
      %add3A_156 = arith.addf %get3A_152, %mul3A_155 : vector<16xf32>
      %mul3A_157 = arith.mulf %get3A_149, %add3A_156 : vector<16xf32>
      %add3A_158 = arith.constant 0 : i32
      %add3A_159 = arith.addi %mul3A_12, %add3A_158 : i32
      %swap3A_160 = arith.index_cast %add3A_159 : i32 to index
      %swap3A_161 = arith.constant 96 : index
      %swap3A_162 = tpu.vector_load %arg9[%swap3A_160, %swap3A_161] {strides = array<i32>} : memref<8x128xf32, #tpu.memory_space<vmem>>, vector<1x16xf32>,
      %swap3A_163 = vector.shape_cast %swap3A_162 : vector<1x16xf32> to vector<16xf32>
      %swap3A_164 = vector.shape_cast %mul3A_157 : vector<16xf32> to vector<1x16xf32>
      tpu.vector_store %arg9[%swap3A_160, %swap3A_161], %swap3A_164 {strides = array<i32>} : memref<8x128xf32, #tpu.memory_space<vmem>>, vector<1x16xf32>,
      %add3A_165 = arith.constant 0 : i32
      %add3A_166 = arith.addi %mul3A_12, %add3A_165 : i32
      %get3A_167 = arith.index_cast %add3A_166 : i32 to index
      %get3A_168 = arith.constant 112 : index
      %get3A_169 = tpu.vector_load %arg6[%get3A_167, %get3A_168] {strides = array<i32>} : memref<8x128xf32, #tpu.memory_space<vmem>>, vector<1x16xf32>,
      %get3A_170 = vector.shape_cast %get3A_169 : vector<1x16xf32> to vector<16xf32>
      %get3A_171 = arith.constant 112 : index
      %get3A_172 = tpu.vector_load %arg8[%get3A_171] {strides = array<i32>} : memref<128xf32, #tpu.memory_space<vmem>>, vector<16xf32>,
      %get3A_173 = vector.shape_cast %get3A_172 : vector<16xf32> to vector<16xf32>
      %mul3A_174 = arith.constant 5.000000e-01 : f32
      %mul3A_175 = vector.broadcast %mul3A_174 : f32 to vector<16xf32>
      %mul3A_176 = arith.mulf %mul3A_175, %scan3A_18#7 : vector<16xf32>
      %add3A_177 = arith.addf %get3A_173, %mul3A_176 : vector<16xf32>
      %mul3A_178 = arith.mulf %get3A_170, %add3A_177 : vector<16xf32>
      %add3A_179 = arith.constant 0 : i32
      %add3A_180 = arith.addi %mul3A_12, %add3A_179 : i32
      %swap3A_181 = arith.index_cast %add3A_180 : i32 to index
      %swap3A_182 = arith.constant 112 : index
      %swap3A_183 = tpu.vector_load %arg9[%swap3A_181, %swap3A_182] {strides = array<i32>} : memref<8x128xf32, #tpu.memory_space<vmem>>, vector<1x16xf32>,
      %swap3A_184 = vector.shape_cast %swap3A_183 : vector<1x16xf32> to vector<16xf32>
      %swap3A_185 = vector.shape_cast %mul3A_178 : vector<16xf32> to vector<1x16xf32>
      tpu.vector_store %arg9[%swap3A_181, %swap3A_182], %swap3A_185 {strides = array<i32>} : memref<8x128xf32, #tpu.memory_space<vmem>>, vector<1x16xf32>,
      %add3A_186 = arith.constant 1 : i32
      %add3A_187 = arith.addi %mul3A_12, %add3A_186 : i32
      %get3A_188 = arith.index_cast %add3A_187 : i32 to index
      %get3A_189 = arith.constant 0 : index
      %get3A_190 = tpu.vector_load %arg6[%get3A_188, %get3A_189] {strides = array<i32>} : memref<8x128xf32, #tpu.memory_space<vmem>>, vector<1x16xf32>,
      %get3A_191 = vector.shape_cast %get3A_190 : vector<1x16xf32> to vector<16xf32>
      %get3A_192 = arith.constant 0 : index
      %get3A_193 = tpu.vector_load %arg8[%get3A_192] {strides = array<i32>} : memref<128xf32, #tpu.memory_space<vmem>>, vector<16xf32>,
      %get3A_194 = vector.shape_cast %get3A_193 : vector<16xf32> to vector<16xf32>
      %mul3A_195 = arith.constant 5.000000e-01 : f32
      %mul3A_196 = vector.broadcast %mul3A_195 : f32 to vector<16xf32>
      %mul3A_197 = arith.mulf %mul3A_196, %scan3A_18#8 : vector<16xf32>
      %add3A_198 = arith.addf %get3A_194, %mul3A_197 : vector<16xf32>
      %mul3A_199 = arith.mulf %get3A_191, %add3A_198 : vector<16xf32>
      %add3A_200 = arith.constant 1 : i32
      %add3A_201 = arith.addi %mul3A_12, %add3A_200 : i32
      %swap3A_202 = arith.index_cast %add3A_201 : i32 to index
      %swap3A_203 = arith.constant 0 : index
      %swap3A_204 = tpu.vector_load %arg9[%swap3A_202, %swap3A_203] {strides = array<i32>} : memref<8x128xf32, #tpu.memory_space<vmem>>, vector<1x16xf32>,
      %swap3A_205 = vector.shape_cast %swap3A_204 : vector<1x16xf32> to vector<16xf32>
      %swap3A_206 = vector.shape_cast %mul3A_199 : vector<16xf32> to vector<1x16xf32>
      tpu.vector_store %arg9[%swap3A_202, %swap3A_203], %swap3A_206 {strides = array<i32>} : memref<8x128xf32, #tpu.memory_space<vmem>>, vector<1x16xf32>,
      %add3A_207 = arith.constant 1 : i32
      %add3A_208 = arith.addi %mul3A_12, %add3A_207 : i32
      %get3A_209 = arith.index_cast %add3A_208 : i32 to index
      %get3A_210 = arith.constant 16 : index
      %get3A_211 = tpu.vector_load %arg6[%get3A_209, %get3A_210] {strides = array<i32>} : memref<8x128xf32, #tpu.memory_space<vmem>>, vector<1x16xf32>,
      %get3A_212 = vector.shape_cast %get3A_211 : vector<1x16xf32> to vector<16xf32>
      %get3A_213 = arith.constant 16 : index
      %get3A_214 = tpu.vector_load %arg8[%get3A_213] {strides = array<i32>} : memref<128xf32, #tpu.memory_space<vmem>>, vector<16xf32>,
      %get3A_215 = vector.shape_cast %get3A_214 : vector<16xf32> to vector<16xf32>
      %mul3A_216 = arith.constant 5.000000e-01 : f32
      %mul3A_217 = vector.broadcast %mul3A_216 : f32 to vector<16xf32>
      %mul3A_218 = arith.mulf %mul3A_217, %scan3A_18#9 : vector<16xf32>
      %add3A_219 = arith.addf %get3A_215, %mul3A_218 : vector<16xf32>
      %mul3A_220 = arith.mulf %get3A_212, %add3A_219 : vector<16xf32>
      %add3A_221 = arith.constant 1 : i32
      %add3A_222 = arith.addi %mul3A_12, %add3A_221 : i32
      %swap3A_223 = arith.index_cast %add3A_222 : i32 to index
      %swap3A_224 = arith.constant 16 : index
      %swap3A_225 = tpu.vector_load %arg9[%swap3A_223, %swap3A_224] {strides = array<i32>} : memref<8x128xf32, #tpu.memory_space<vmem>>, vector<1x16xf32>,
      %swap3A_226 = vector.shape_cast %swap3A_225 : vector<1x16xf32> to vector<16xf32>
      %swap3A_227 = vector.shape_cast %mul3A_220 : vector<16xf32> to vector<1x16xf32>
      tpu.vector_store %arg9[%swap3A_223, %swap3A_224], %swap3A_227 {strides = array<i32>} : memref<8x128xf32, #tpu.memory_space<vmem>>, vector<1x16xf32>,
      %add3A_228 = arith.constant 1 : i32
      %add3A_229 = arith.addi %mul3A_12, %add3A_228 : i32
      %get3A_230 = arith.index_cast %add3A_229 : i32 to index
      %get3A_231 = arith.constant 32 : index
      %get3A_232 = tpu.vector_load %arg6[%get3A_230, %get3A_231] {strides = array<i32>} : memref<8x128xf32, #tpu.memory_space<vmem>>, vector<1x16xf32>,
      %get3A_233 = vector.shape_cast %get3A_232 : vector<1x16xf32> to vector<16xf32>
      %get3A_234 = arith.constant 32 : index
      %get3A_235 = tpu.vector_load %arg8[%get3A_234] {strides = array<i32>} : memref<128xf32, #tpu.memory_space<vmem>>, vector<16xf32>,
      %get3A_236 = vector.shape_cast %get3A_235 : vector<16xf32> to vector<16xf32>
      %mul3A_237 = arith.constant 5.000000e-01 : f32
      %mul3A_238 = vector.broadcast %mul3A_237 : f32 to vector<16xf32>
      %mul3A_239 = arith.mulf %mul3A_238, %scan3A_18#10 : vector<16xf32>
      %add3A_240 = arith.addf %get3A_236, %mul3A_239 : vector<16xf32>
      %mul3A_241 = arith.mulf %get3A_233, %add3A_240 : vector<16xf32>
      %add3A_242 = arith.constant 1 : i32
      %add3A_243 = arith.addi %mul3A_12, %add3A_242 : i32
      %swap3A_244 = arith.index_cast %add3A_243 : i32 to index
      %swap3A_245 = arith.constant 32 : index
      %swap3A_246 = tpu.vector_load %arg9[%swap3A_244, %swap3A_245] {strides = array<i32>} : memref<8x128xf32, #tpu.memory_space<vmem>>, vector<1x16xf32>,
      %swap3A_247 = vector.shape_cast %swap3A_246 : vector<1x16xf32> to vector<16xf32>
      %swap3A_248 = vector.shape_cast %mul3A_241 : vector<16xf32> to vector<1x16xf32>
      tpu.vector_store %arg9[%swap3A_244, %swap3A_245], %swap3A_248 {strides = array<i32>} : memref<8x128xf32, #tpu.memory_space<vmem>>, vector<1x16xf32>,
      %add3A_249 = arith.constant 1 : i32
      %add3A_250 = arith.addi %mul3A_12, %add3A_249 : i32
      %get3A_251 = arith.index_cast %add3A_250 : i32 to index
      %get3A_252 = arith.constant 48 : index
      %get3A_253 = tpu.vector_load %arg6[%get3A_251, %get3A_252] {strides = array<i32>} : memref<8x128xf32, #tpu.memory_space<vmem>>, vector<1x16xf32>,
      %get3A_254 = vector.shape_cast %get3A_253 : vector<1x16xf32> to vector<16xf32>
      %get3A_255 = arith.constant 48 : index
      %get3A_256 = tpu.vector_load %arg8[%get3A_255] {strides = array<i32>} : memref<128xf32, #tpu.memory_space<vmem>>, vector<16xf32>,
      %get3A_257 = vector.shape_cast %get3A_256 : vector<16xf32> to vector<16xf32>
      %mul3A_258 = arith.constant 5.000000e-01 : f32
      %mul3A_259 = vector.broadcast %mul3A_258 : f32 to vector<16xf32>
      %mul3A_260 = arith.mulf %mul3A_259, %scan3A_18#11 : vector<16xf32>
      %add3A_261 = arith.addf %get3A_257, %mul3A_260 : vector<16xf32>
      %mul3A_262 = arith.mulf %get3A_254, %add3A_261 : vector<16xf32>
      %add3A_263 = arith.constant 1 : i32
      %add3A_264 = arith.addi %mul3A_12, %add3A_263 : i32
      %swap3A_265 = arith.index_cast %add3A_264 : i32 to index
      %swap3A_266 = arith.constant 48 : index
      %swap3A_267 = tpu.vector_load %arg9[%swap3A_265, %swap3A_266] {strides = array<i32>} : memref<8x128xf32, #tpu.memory_space<vmem>>, vector<1x16xf32>,
      %swap3A_268 = vector.shape_cast %swap3A_267 : vector<1x16xf32> to vector<16xf32>
      %swap3A_269 = vector.shape_cast %mul3A_262 : vector<16xf32> to vector<1x16xf32>
      tpu.vector_store %arg9[%swap3A_265, %swap3A_266], %swap3A_269 {strides = array<i32>} : memref<8x128xf32, #tpu.memory_space<vmem>>, vector<1x16xf32>,
      %add3A_270 = arith.constant 1 : i32
      %add3A_271 = arith.addi %mul3A_12, %add3A_270 : i32
      %get3A_272 = arith.index_cast %add3A_271 : i32 to index
      %get3A_273 = arith.constant 64 : index
      %get3A_274 = tpu.vector_load %arg6[%get3A_272, %get3A_273] {strides = array<i32>} : memref<8x128xf32, #tpu.memory_space<vmem>>, vector<1x16xf32>,
      %get3A_275 = vector.shape_cast %get3A_274 : vector<1x16xf32> to vector<16xf32>
      %get3A_276 = arith.constant 64 : index
      %get3A_277 = tpu.vector_load %arg8[%get3A_276] {strides = array<i32>} : memref<128xf32, #tpu.memory_space<vmem>>, vector<16xf32>,
      %get3A_278 = vector.shape_cast %get3A_277 : vector<16xf32> to vector<16xf32>
      %mul3A_279 = arith.constant 5.000000e-01 : f32
      %mul3A_280 = vector.broadcast %mul3A_279 : f32 to vector<16xf32>
      %mul3A_281 = arith.mulf %mul3A_280, %scan3A_18#12 : vector<16xf32>
      %add3A_282 = arith.addf %get3A_278, %mul3A_281 : vector<16xf32>
      %mul3A_283 = arith.mulf %get3A_275, %add3A_282 : vector<16xf32>
      %add3A_284 = arith.constant 1 : i32
      %add3A_285 = arith.addi %mul3A_12, %add3A_284 : i32
      %swap3A_286 = arith.index_cast %add3A_285 : i32 to index
      %swap3A_287 = arith.constant 64 : index
      %swap3A_288 = tpu.vector_load %arg9[%swap3A_286, %swap3A_287] {strides = array<i32>} : memref<8x128xf32, #tpu.memory_space<vmem>>, vector<1x16xf32>,
      %swap3A_289 = vector.shape_cast %swap3A_288 : vector<1x16xf32> to vector<16xf32>
      %swap3A_290 = vector.shape_cast %mul3A_283 : vector<16xf32> to vector<1x16xf32>
      tpu.vector_store %arg9[%swap3A_286, %swap3A_287], %swap3A_290 {strides = array<i32>} : memref<8x128xf32, #tpu.memory_space<vmem>>, vector<1x16xf32>,
      %add3A_291 = arith.constant 1 : i32
      %add3A_292 = arith.addi %mul3A_12, %add3A_291 : i32
      %get3A_293 = arith.index_cast %add3A_292 : i32 to index
      %get3A_294 = arith.constant 80 : index
      %get3A_295 = tpu.vector_load %arg6[%get3A_293, %get3A_294] {strides = array<i32>} : memref<8x128xf32, #tpu.memory_space<vmem>>, vector<1x16xf32>,
      %get3A_296 = vector.shape_cast %get3A_295 : vector<1x16xf32> to vector<16xf32>
      %get3A_297 = arith.constant 80 : index
      %get3A_298 = tpu.vector_load %arg8[%get3A_297] {strides = array<i32>} : memref<128xf32, #tpu.memory_space<vmem>>, vector<16xf32>,
      %get3A_299 = vector.shape_cast %get3A_298 : vector<16xf32> to vector<16xf32>
      %mul3A_300 = arith.constant 5.000000e-01 : f32
      %mul3A_301 = vector.broadcast %mul3A_300 : f32 to vector<16xf32>
      %mul3A_302 = arith.mulf %mul3A_301, %scan3A_18#13 : vector<16xf32>
      %add3A_303 = arith.addf %get3A_299, %mul3A_302 : vector<16xf32>
      %mul3A_304 = arith.mulf %get3A_296, %add3A_303 : vector<16xf32>
      %add3A_305 = arith.constant 1 : i32
      %add3A_306 = arith.addi %mul3A_12, %add3A_305 : i32
      %swap3A_307 = arith.index_cast %add3A_306 : i32 to index
      %swap3A_308 = arith.constant 80 : index
      %swap3A_309 = tpu.vector_load %arg9[%swap3A_307, %swap3A_308] {strides = array<i32>} : memref<8x128xf32, #tpu.memory_space<vmem>>, vector<1x16xf32>,
      %swap3A_310 = vector.shape_cast %swap3A_309 : vector<1x16xf32> to vector<16xf32>
      %swap3A_311 = vector.shape_cast %mul3A_304 : vector<16xf32> to vector<1x16xf32>
      tpu.vector_store %arg9[%swap3A_307, %swap3A_308], %swap3A_311 {strides = array<i32>} : memref<8x128xf32, #tpu.memory_space<vmem>>, vector<1x16xf32>,
      %add3A_312 = arith.constant 1 : i32
      %add3A_313 = arith.addi %mul3A_12, %add3A_312 : i32
      %get3A_314 = arith.index_cast %add3A_313 : i32 to index
      %get3A_315 = arith.constant 96 : index
      %get3A_316 = tpu.vector_load %arg6[%get3A_314, %get3A_315] {strides = array<i32>} : memref<8x128xf32, #tpu.memory_space<vmem>>, vector<1x16xf32>,
      %get3A_317 = vector.shape_cast %get3A_316 : vector<1x16xf32> to vector<16xf32>
      %get3A_318 = arith.constant 96 : index
      %get3A_319 = tpu.vector_load %arg8[%get3A_318] {strides = array<i32>} : memref<128xf32, #tpu.memory_space<vmem>>, vector<16xf32>,
      %get3A_320 = vector.shape_cast %get3A_319 : vector<16xf32> to vector<16xf32>
      %mul3A_321 = arith.constant 5.000000e-01 : f32
      %mul3A_322 = vector.broadcast %mul3A_321 : f32 to vector<16xf32>
      %mul3A_323 = arith.mulf %mul3A_322, %scan3A_18#14 : vector<16xf32>
      %add3A_324 = arith.addf %get3A_320, %mul3A_323 : vector<16xf32>
      %mul3A_325 = arith.mulf %get3A_317, %add3A_324 : vector<16xf32>
      %add3A_326 = arith.constant 1 : i32
      %add3A_327 = arith.addi %mul3A_12, %add3A_326 : i32
      %swap3A_328 = arith.index_cast %add3A_327 : i32 to index
      %swap3A_329 = arith.constant 96 : index
      %swap3A_330 = tpu.vector_load %arg9[%swap3A_328, %swap3A_329] {strides = array<i32>} : memref<8x128xf32, #tpu.memory_space<vmem>>, vector<1x16xf32>,
      %swap3A_331 = vector.shape_cast %swap3A_330 : vector<1x16xf32> to vector<16xf32>
      %swap3A_332 = vector.shape_cast %mul3A_325 : vector<16xf32> to vector<1x16xf32>
      tpu.vector_store %arg9[%swap3A_328, %swap3A_329], %swap3A_332 {strides = array<i32>} : memref<8x128xf32, #tpu.memory_space<vmem>>, vector<1x16xf32>,
      %add3A_333 = arith.constant 1 : i32
      %add3A_334 = arith.addi %mul3A_12, %add3A_333 : i32
      %get3A_335 = arith.index_cast %add3A_334 : i32 to index
      %get3A_336 = arith.constant 112 : index
      %get3A_337 = tpu.vector_load %arg6[%get3A_335, %get3A_336] {strides = array<i32>} : memref<8x128xf32, #tpu.memory_space<vmem>>, vector<1x16xf32>,
      %get3A_338 = vector.shape_cast %get3A_337 : vector<1x16xf32> to vector<16xf32>
      %get3A_339 = arith.constant 112 : index
      %get3A_340 = tpu.vector_load %arg8[%get3A_339] {strides = array<i32>} : memref<128xf32, #tpu.memory_space<vmem>>, vector<16xf32>,
      %get3A_341 = vector.shape_cast %get3A_340 : vector<16xf32> to vector<16xf32>
      %mul3A_342 = arith.constant 5.000000e-01 : f32
      %mul3A_343 = vector.broadcast %mul3A_342 : f32 to vector<16xf32>
      %mul3A_344 = arith.mulf %mul3A_343, %scan3A_18#15 : vector<16xf32>
      %add3A_345 = arith.addf %get3A_341, %mul3A_344 : vector<16xf32>
      %mul3A_346 = arith.mulf %get3A_338, %add3A_345 : vector<16xf32>
      %add3A_347 = arith.constant 1 : i32
      %add3A_348 = arith.addi %mul3A_12, %add3A_347 : i32
      %swap3A_349 = arith.index_cast %add3A_348 : i32 to index
      %swap3A_350 = arith.constant 112 : index
      %swap3A_351 = tpu.vector_load %arg9[%swap3A_349, %swap3A_350] {strides = array<i32>} : memref<8x128xf32, #tpu.memory_space<vmem>>, vector<1x16xf32>,
      %swap3A_352 = vector.shape_cast %swap3A_351 : vector<1x16xf32> to vector<16xf32>
      %swap3A_353 = vector.shape_cast %mul3A_346 : vector<16xf32> to vector<1x16xf32>
      tpu.vector_store %arg9[%swap3A_349, %swap3A_350], %swap3A_353 {strides = array<i32>} : memref<8x128xf32, #tpu.memory_space<vmem>>, vector<1x16xf32>,
      %add3A_354 = arith.constant 2 : i32
      %add3A_355 = arith.addi %mul3A_12, %add3A_354 : i32
      %get3A_356 = arith.index_cast %add3A_355 : i32 to index
      %get3A_357 = arith.constant 0 : index
      %get3A_358 = tpu.vector_load %arg6[%get3A_356, %get3A_357] {strides = array<i32>} : memref<8x128xf32, #tpu.memory_space<vmem>>, vector<1x16xf32>,
      %get3A_359 = vector.shape_cast %get3A_358 : vector<1x16xf32> to vector<16xf32>
      %get3A_360 = arith.constant 0 : index
      %get3A_361 = tpu.vector_load %arg8[%get3A_360] {strides = array<i32>} : memref<128xf32, #tpu.memory_space<vmem>>, vector<16xf32>,
      %get3A_362 = vector.shape_cast %get3A_361 : vector<16xf32> to vector<16xf32>
      %mul3A_363 = arith.constant 5.000000e-01 : f32
      %mul3A_364 = vector.broadcast %mul3A_363 : f32 to vector<16xf32>
      %mul3A_365 = arith.mulf %mul3A_364, %scan3A_18#16 : vector<16xf32>
      %add3A_366 = arith.addf %get3A_362, %mul3A_365 : vector<16xf32>
      %mul3A_367 = arith.mulf %get3A_359, %add3A_366 : vector<16xf32>
      %add3A_368 = arith.constant 2 : i32
      %add3A_369 = arith.addi %mul3A_12, %add3A_368 : i32
      %swap3A_370 = arith.index_cast %add3A_369 : i32 to index
      %swap3A_371 = arith.constant 0 : index
      %swap3A_372 = tpu.vector_load %arg9[%swap3A_370, %swap3A_371] {strides = array<i32>} : memref<8x128xf32, #tpu.memory_space<vmem>>, vector<1x16xf32>,
      %swap3A_373 = vector.shape_cast %swap3A_372 : vector<1x16xf32> to vector<16xf32>
      %swap3A_374 = vector.shape_cast %mul3A_367 : vector<16xf32> to vector<1x16xf32>
      tpu.vector_store %arg9[%swap3A_370, %swap3A_371], %swap3A_374 {strides = array<i32>} : memref<8x128xf32, #tpu.memory_space<vmem>>, vector<1x16xf32>,
      %add3A_375 = arith.constant 2 : i32
      %add3A_376 = arith.addi %mul3A_12, %add3A_375 : i32
      %get3A_377 = arith.index_cast %add3A_376 : i32 to index
      %get3A_378 = arith.constant 16 : index
      %get3A_379 = tpu.vector_load %arg6[%get3A_377, %get3A_378] {strides = array<i32>} : memref<8x128xf32, #tpu.memory_space<vmem>>, vector<1x16xf32>,
      %get3A_380 = vector.shape_cast %get3A_379 : vector<1x16xf32> to vector<16xf32>
      %get3A_381 = arith.constant 16 : index
      %get3A_382 = tpu.vector_load %arg8[%get3A_381] {strides = array<i32>} : memref<128xf32, #tpu.memory_space<vmem>>, vector<16xf32>,
      %get3A_383 = vector.shape_cast %get3A_382 : vector<16xf32> to vector<16xf32>
      %mul3A_384 = arith.constant 5.000000e-01 : f32
      %mul3A_385 = vector.broadcast %mul3A_384 : f32 to vector<16xf32>
      %mul3A_386 = arith.mulf %mul3A_385, %scan3A_18#17 : vector<16xf32>
      %add3A_387 = arith.addf %get3A_383, %mul3A_386 : vector<16xf32>
      %mul3A_388 = arith.mulf %get3A_380, %add3A_387 : vector<16xf32>
      %add3A_389 = arith.constant 2 : i32
      %add3A_390 = arith.addi %mul3A_12, %add3A_389 : i32
      %swap3A_391 = arith.index_cast %add3A_390 : i32 to index
      %swap3A_392 = arith.constant 16 : index
      %swap3A_393 = tpu.vector_load %arg9[%swap3A_391, %swap3A_392] {strides = array<i32>} : memref<8x128xf32, #tpu.memory_space<vmem>>, vector<1x16xf32>,
      %swap3A_394 = vector.shape_cast %swap3A_393 : vector<1x16xf32> to vector<16xf32>
      %swap3A_395 = vector.shape_cast %mul3A_388 : vector<16xf32> to vector<1x16xf32>
      tpu.vector_store %arg9[%swap3A_391, %swap3A_392], %swap3A_395 {strides = array<i32>} : memref<8x128xf32, #tpu.memory_space<vmem>>, vector<1x16xf32>,
      %add3A_396 = arith.constant 2 : i32
      %add3A_397 = arith.addi %mul3A_12, %add3A_396 : i32
      %get3A_398 = arith.index_cast %add3A_397 : i32 to index
      %get3A_399 = arith.constant 32 : index
      %get3A_400 = tpu.vector_load %arg6[%get3A_398, %get3A_399] {strides = array<i32>} : memref<8x128xf32, #tpu.memory_space<vmem>>, vector<1x16xf32>,
      %get3A_401 = vector.shape_cast %get3A_400 : vector<1x16xf32> to vector<16xf32>
      %get3A_402 = arith.constant 32 : index
      %get3A_403 = tpu.vector_load %arg8[%get3A_402] {strides = array<i32>} : memref<128xf32, #tpu.memory_space<vmem>>, vector<16xf32>,
      %get3A_404 = vector.shape_cast %get3A_403 : vector<16xf32> to vector<16xf32>
      %mul3A_405 = arith.constant 5.000000e-01 : f32
      %mul3A_406 = vector.broadcast %mul3A_405 : f32 to vector<16xf32>
      %mul3A_407 = arith.mulf %mul3A_406, %scan3A_18#18 : vector<16xf32>
      %add3A_408 = arith.addf %get3A_404, %mul3A_407 : vector<16xf32>
      %mul3A_409 = arith.mulf %get3A_401, %add3A_408 : vector<16xf32>
      %add3A_410 = arith.constant 2 : i32
      %add3A_411 = arith.addi %mul3A_12, %add3A_410 : i32
      %swap3A_412 = arith.index_cast %add3A_411 : i32 to index
      %swap3A_413 = arith.constant 32 : index
      %swap3A_414 = tpu.vector_load %arg9[%swap3A_412, %swap3A_413] {strides = array<i32>} : memref<8x128xf32, #tpu.memory_space<vmem>>, vector<1x16xf32>,
      %swap3A_415 = vector.shape_cast %swap3A_414 : vector<1x16xf32> to vector<16xf32>
      %swap3A_416 = vector.shape_cast %mul3A_409 : vector<16xf32> to vector<1x16xf32>
      tpu.vector_store %arg9[%swap3A_412, %swap3A_413], %swap3A_416 {strides = array<i32>} : memref<8x128xf32, #tpu.memory_space<vmem>>, vector<1x16xf32>,
      %add3A_417 = arith.constant 2 : i32
      %add3A_418 = arith.addi %mul3A_12, %add3A_417 : i32
      %get3A_419 = arith.index_cast %add3A_418 : i32 to index
      %get3A_420 = arith.constant 48 : index
      %get3A_421 = tpu.vector_load %arg6[%get3A_419, %get3A_420] {strides = array<i32>} : memref<8x128xf32, #tpu.memory_space<vmem>>, vector<1x16xf32>,
      %get3A_422 = vector.shape_cast %get3A_421 : vector<1x16xf32> to vector<16xf32>
      %get3A_423 = arith.constant 48 : index
      %get3A_424 = tpu.vector_load %arg8[%get3A_423] {strides = array<i32>} : memref<128xf32, #tpu.memory_space<vmem>>, vector<16xf32>,
      %get3A_425 = vector.shape_cast %get3A_424 : vector<16xf32> to vector<16xf32>
      %mul3A_426 = arith.constant 5.000000e-01 : f32
      %mul3A_427 = vector.broadcast %mul3A_426 : f32 to vector<16xf32>
      %mul3A_428 = arith.mulf %mul3A_427, %scan3A_18#19 : vector<16xf32>
      %add3A_429 = arith.addf %get3A_425, %mul3A_428 : vector<16xf32>
      %mul3A_430 = arith.mulf %get3A_422, %add3A_429 : vector<16xf32>
      %add3A_431 = arith.constant 2 : i32
      %add3A_432 = arith.addi %mul3A_12, %add3A_431 : i32
      %swap3A_433 = arith.index_cast %add3A_432 : i32 to index
      %swap3A_434 = arith.constant 48 : index
      %swap3A_435 = tpu.vector_load %arg9[%swap3A_433, %swap3A_434] {strides = array<i32>} : memref<8x128xf32, #tpu.memory_space<vmem>>, vector<1x16xf32>,
      %swap3A_436 = vector.shape_cast %swap3A_435 : vector<1x16xf32> to vector<16xf32>
      %swap3A_437 = vector.shape_cast %mul3A_430 : vector<16xf32> to vector<1x16xf32>
      tpu.vector_store %arg9[%swap3A_433, %swap3A_434], %swap3A_437 {strides = array<i32>} : memref<8x128xf32, #tpu.memory_space<vmem>>, vector<1x16xf32>,
      %add3A_438 = arith.constant 2 : i32
      %add3A_439 = arith.addi %mul3A_12, %add3A_438 : i32
      %get3A_440 = arith.index_cast %add3A_439 : i32 to index
      %get3A_441 = arith.constant 64 : index
      %get3A_442 = tpu.vector_load %arg6[%get3A_440, %get3A_441] {strides = array<i32>} : memref<8x128xf32, #tpu.memory_space<vmem>>, vector<1x16xf32>,
      %get3A_443 = vector.shape_cast %get3A_442 : vector<1x16xf32> to vector<16xf32>
      %get3A_444 = arith.constant 64 : index
      %get3A_445 = tpu.vector_load %arg8[%get3A_444] {strides = array<i32>} : memref<128xf32, #tpu.memory_space<vmem>>, vector<16xf32>,
      %get3A_446 = vector.shape_cast %get3A_445 : vector<16xf32> to vector<16xf32>
      %mul3A_447 = arith.constant 5.000000e-01 : f32
      %mul3A_448 = vector.broadcast %mul3A_447 : f32 to vector<16xf32>
      %mul3A_449 = arith.mulf %mul3A_448, %scan3A_18#20 : vector<16xf32>
      %add3A_450 = arith.addf %get3A_446, %mul3A_449 : vector<16xf32>
      %mul3A_451 = arith.mulf %get3A_443, %add3A_450 : vector<16xf32>
      %add3A_452 = arith.constant 2 : i32
      %add3A_453 = arith.addi %mul3A_12, %add3A_452 : i32
      %swap3A_454 = arith.index_cast %add3A_453 : i32 to index
      %swap3A_455 = arith.constant 64 : index
      %swap3A_456 = tpu.vector_load %arg9[%swap3A_454, %swap3A_455] {strides = array<i32>} : memref<8x128xf32, #tpu.memory_space<vmem>>, vector<1x16xf32>,
      %swap3A_457 = vector.shape_cast %swap3A_456 : vector<1x16xf32> to vector<16xf32>
      %swap3A_458 = vector.shape_cast %mul3A_451 : vector<16xf32> to vector<1x16xf32>
      tpu.vector_store %arg9[%swap3A_454, %swap3A_455], %swap3A_458 {strides = array<i32>} : memref<8x128xf32, #tpu.memory_space<vmem>>, vector<1x16xf32>,
      %add3A_459 = arith.constant 2 : i32
      %add3A_460 = arith.addi %mul3A_12, %add3A_459 : i32
      %get3A_461 = arith.index_cast %add3A_460 : i32 to index
      %get3A_462 = arith.constant 80 : index
      %get3A_463 = tpu.vector_load %arg6[%get3A_461, %get3A_462] {strides = array<i32>} : memref<8x128xf32, #tpu.memory_space<vmem>>, vector<1x16xf32>,
      %get3A_464 = vector.shape_cast %get3A_463 : vector<1x16xf32> to vector<16xf32>
      %get3A_465 = arith.constant 80 : index
      %get3A_466 = tpu.vector_load %arg8[%get3A_465] {strides = array<i32>} : memref<128xf32, #tpu.memory_space<vmem>>, vector<16xf32>,
      %get3A_467 = vector.shape_cast %get3A_466 : vector<16xf32> to vector<16xf32>
      %mul3A_468 = arith.constant 5.000000e-01 : f32
      %mul3A_469 = vector.broadcast %mul3A_468 : f32 to vector<16xf32>
      %mul3A_470 = arith.mulf %mul3A_469, %scan3A_18#21 : vector<16xf32>
      %add3A_471 = arith.addf %get3A_467, %mul3A_470 : vector<16xf32>
      %mul3A_472 = arith.mulf %get3A_464, %add3A_471 : vector<16xf32>
      %add3A_473 = arith.constant 2 : i32
      %add3A_474 = arith.addi %mul3A_12, %add3A_473 : i32
      %swap3A_475 = arith.index_cast %add3A_474 : i32 to index
      %swap3A_476 = arith.constant 80 : index
      %swap3A_477 = tpu.vector_load %arg9[%swap3A_475, %swap3A_476] {strides = array<i32>} : memref<8x128xf32, #tpu.memory_space<vmem>>, vector<1x16xf32>,
      %swap3A_478 = vector.shape_cast %swap3A_477 : vector<1x16xf32> to vector<16xf32>
      %swap3A_479 = vector.shape_cast %mul3A_472 : vector<16xf32> to vector<1x16xf32>
      tpu.vector_store %arg9[%swap3A_475, %swap3A_476], %swap3A_479 {strides = array<i32>} : memref<8x128xf32, #tpu.memory_space<vmem>>, vector<1x16xf32>,
      %add3A_480 = arith.constant 2 : i32
      %add3A_481 = arith.addi %mul3A_12, %add3A_480 : i32
      %get3A_482 = arith.index_cast %add3A_481 : i32 to index
      %get3A_483 = arith.constant 96 : index
      %get3A_484 = tpu.vector_load %arg6[%get3A_482, %get3A_483] {strides = array<i32>} : memref<8x128xf32, #tpu.memory_space<vmem>>, vector<1x16xf32>,
      %get3A_485 = vector.shape_cast %get3A_484 : vector<1x16xf32> to vector<16xf32>
      %get3A_486 = arith.constant 96 : index
      %get3A_487 = tpu.vector_load %arg8[%get3A_486] {strides = array<i32>} : memref<128xf32, #tpu.memory_space<vmem>>, vector<16xf32>,
      %get3A_488 = vector.shape_cast %get3A_487 : vector<16xf32> to vector<16xf32>
      %mul3A_489 = arith.constant 5.000000e-01 : f32
      %mul3A_490 = vector.broadcast %mul3A_489 : f32 to vector<16xf32>
      %mul3A_491 = arith.mulf %mul3A_490, %scan3A_18#22 : vector<16xf32>
      %add3A_492 = arith.addf %get3A_488, %mul3A_491 : vector<16xf32>
      %mul3A_493 = arith.mulf %get3A_485, %add3A_492 : vector<16xf32>
      %add3A_494 = arith.constant 2 : i32
      %add3A_495 = arith.addi %mul3A_12, %add3A_494 : i32
      %swap3A_496 = arith.index_cast %add3A_495 : i32 to index
      %swap3A_497 = arith.constant 96 : index
      %swap3A_498 = tpu.vector_load %arg9[%swap3A_496, %swap3A_497] {strides = array<i32>} : memref<8x128xf32, #tpu.memory_space<vmem>>, vector<1x16xf32>,
      %swap3A_499 = vector.shape_cast %swap3A_498 : vector<1x16xf32> to vector<16xf32>
      %swap3A_500 = vector.shape_cast %mul3A_493 : vector<16xf32> to vector<1x16xf32>
      tpu.vector_store %arg9[%swap3A_496, %swap3A_497], %swap3A_500 {strides = array<i32>} : memref<8x128xf32, #tpu.memory_space<vmem>>, vector<1x16xf32>,
      %add3A_501 = arith.constant 2 : i32
      %add3A_502 = arith.addi %mul3A_12, %add3A_501 : i32
      %get3A_503 = arith.index_cast %add3A_502 : i32 to index
      %get3A_504 = arith.constant 112 : index
      %get3A_505 = tpu.vector_load %arg6[%get3A_503, %get3A_504] {strides = array<i32>} : memref<8x128xf32, #tpu.memory_space<vmem>>, vector<1x16xf32>,
      %get3A_506 = vector.shape_cast %get3A_505 : vector<1x16xf32> to vector<16xf32>
      %get3A_507 = arith.constant 112 : index
      %get3A_508 = tpu.vector_load %arg8[%get3A_507] {strides = array<i32>} : memref<128xf32, #tpu.memory_space<vmem>>, vector<16xf32>,
      %get3A_509 = vector.shape_cast %get3A_508 : vector<16xf32> to vector<16xf32>
      %mul3A_510 = arith.constant 5.000000e-01 : f32
      %mul3A_511 = vector.broadcast %mul3A_510 : f32 to vector<16xf32>
      %mul3A_512 = arith.mulf %mul3A_511, %scan3A_18#23 : vector<16xf32>
      %add3A_513 = arith.addf %get3A_509, %mul3A_512 : vector<16xf32>
      %mul3A_514 = arith.mulf %get3A_506, %add3A_513 : vector<16xf32>
      %add3A_515 = arith.constant 2 : i32
      %add3A_516 = arith.addi %mul3A_12, %add3A_515 : i32
      %swap3A_517 = arith.index_cast %add3A_516 : i32 to index
      %swap3A_518 = arith.constant 112 : index
      %swap3A_519 = tpu.vector_load %arg9[%swap3A_517, %swap3A_518] {strides = array<i32>} : memref<8x128xf32, #tpu.memory_space<vmem>>, vector<1x16xf32>,
      %swap3A_520 = vector.shape_cast %swap3A_519 : vector<1x16xf32> to vector<16xf32>
      %swap3A_521 = vector.shape_cast %mul3A_514 : vector<16xf32> to vector<1x16xf32>
      tpu.vector_store %arg9[%swap3A_517, %swap3A_518], %swap3A_521 {strides = array<i32>} : memref<8x128xf32, #tpu.memory_space<vmem>>, vector<1x16xf32>,
      %add3A_522 = arith.constant 3 : i32
      %add3A_523 = arith.addi %mul3A_12, %add3A_522 : i32
      %get3A_524 = arith.index_cast %add3A_523 : i32 to index
      %get3A_525 = arith.constant 0 : index
      %get3A_526 = tpu.vector_load %arg6[%get3A_524, %get3A_525] {strides = array<i32>} : memref<8x128xf32, #tpu.memory_space<vmem>>, vector<1x16xf32>,
      %get3A_527 = vector.shape_cast %get3A_526 : vector<1x16xf32> to vector<16xf32>
      %get3A_528 = arith.constant 0 : index
      %get3A_529 = tpu.vector_load %arg8[%get3A_528] {strides = array<i32>} : memref<128xf32, #tpu.memory_space<vmem>>, vector<16xf32>,
      %get3A_530 = vector.shape_cast %get3A_529 : vector<16xf32> to vector<16xf32>
      %mul3A_531 = arith.constant 5.000000e-01 : f32
      %mul3A_532 = vector.broadcast %mul3A_531 : f32 to vector<16xf32>
      %mul3A_533 = arith.mulf %mul3A_532, %scan3A_18#24 : vector<16xf32>
      %add3A_534 = arith.addf %get3A_530, %mul3A_533 : vector<16xf32>
      %mul3A_535 = arith.mulf %get3A_527, %add3A_534 : vector<16xf32>
      %add3A_536 = arith.constant 3 : i32
      %add3A_537 = arith.addi %mul3A_12, %add3A_536 : i32
      %swap3A_538 = arith.index_cast %add3A_537 : i32 to index
      %swap3A_539 = arith.constant 0 : index
      %swap3A_540 = tpu.vector_load %arg9[%swap3A_538, %swap3A_539] {strides = array<i32>} : memref<8x128xf32, #tpu.memory_space<vmem>>, vector<1x16xf32>,
      %swap3A_541 = vector.shape_cast %swap3A_540 : vector<1x16xf32> to vector<16xf32>
      %swap3A_542 = vector.shape_cast %mul3A_535 : vector<16xf32> to vector<1x16xf32>
      tpu.vector_store %arg9[%swap3A_538, %swap3A_539], %swap3A_542 {strides = array<i32>} : memref<8x128xf32, #tpu.memory_space<vmem>>, vector<1x16xf32>,
      %add3A_543 = arith.constant 3 : i32
      %add3A_544 = arith.addi %mul3A_12, %add3A_543 : i32
      %get3A_545 = arith.index_cast %add3A_544 : i32 to index
      %get3A_546 = arith.constant 16 : index
      %get3A_547 = tpu.vector_load %arg6[%get3A_545, %get3A_546] {strides = array<i32>} : memref<8x128xf32, #tpu.memory_space<vmem>>, vector<1x16xf32>,
      %get3A_548 = vector.shape_cast %get3A_547 : vector<1x16xf32> to vector<16xf32>
      %get3A_549 = arith.constant 16 : index
      %get3A_550 = tpu.vector_load %arg8[%get3A_549] {strides = array<i32>} : memref<128xf32, #tpu.memory_space<vmem>>, vector<16xf32>,
      %get3A_551 = vector.shape_cast %get3A_550 : vector<16xf32> to vector<16xf32>
      %mul3A_552 = arith.constant 5.000000e-01 : f32
      %mul3A_553 = vector.broadcast %mul3A_552 : f32 to vector<16xf32>
      %mul3A_554 = arith.mulf %mul3A_553, %scan3A_18#25 : vector<16xf32>
      %add3A_555 = arith.addf %get3A_551, %mul3A_554 : vector<16xf32>
      %mul3A_556 = arith.mulf %get3A_548, %add3A_555 : vector<16xf32>
      %add3A_557 = arith.constant 3 : i32
      %add3A_558 = arith.addi %mul3A_12, %add3A_557 : i32
      %swap3A_559 = arith.index_cast %add3A_558 : i32 to index
      %swap3A_560 = arith.constant 16 : index
      %swap3A_561 = tpu.vector_load %arg9[%swap3A_559, %swap3A_560] {strides = array<i32>} : memref<8x128xf32, #tpu.memory_space<vmem>>, vector<1x16xf32>,
      %swap3A_562 = vector.shape_cast %swap3A_561 : vector<1x16xf32> to vector<16xf32>
      %swap3A_563 = vector.shape_cast %mul3A_556 : vector<16xf32> to vector<1x16xf32>
      tpu.vector_store %arg9[%swap3A_559, %swap3A_560], %swap3A_563 {strides = array<i32>} : memref<8x128xf32, #tpu.memory_space<vmem>>, vector<1x16xf32>,
      %add3A_564 = arith.constant 3 : i32
      %add3A_565 = arith.addi %mul3A_12, %add3A_564 : i32
      %get3A_566 = arith.index_cast %add3A_565 : i32 to index
      %get3A_567 = arith.constant 32 : index
      %get3A_568 = tpu.vector_load %arg6[%get3A_566, %get3A_567] {strides = array<i32>} : memref<8x128xf32, #tpu.memory_space<vmem>>, vector<1x16xf32>,
      %get3A_569 = vector.shape_cast %get3A_568 : vector<1x16xf32> to vector<16xf32>
      %get3A_570 = arith.constant 32 : index
      %get3A_571 = tpu.vector_load %arg8[%get3A_570] {strides = array<i32>} : memref<128xf32, #tpu.memory_space<vmem>>, vector<16xf32>,
      %get3A_572 = vector.shape_cast %get3A_571 : vector<16xf32> to vector<16xf32>
      %mul3A_573 = arith.constant 5.000000e-01 : f32
      %mul3A_574 = vector.broadcast %mul3A_573 : f32 to vector<16xf32>
      %mul3A_575 = arith.mulf %mul3A_574, %scan3A_18#26 : vector<16xf32>
      %add3A_576 = arith.addf %get3A_572, %mul3A_575 : vector<16xf32>
      %mul3A_577 = arith.mulf %get3A_569, %add3A_576 : vector<16xf32>
      %add3A_578 = arith.constant 3 : i32
      %add3A_579 = arith.addi %mul3A_12, %add3A_578 : i32
      %swap3A_580 = arith.index_cast %add3A_579 : i32 to index
      %swap3A_581 = arith.constant 32 : index
      %swap3A_582 = tpu.vector_load %arg9[%swap3A_580, %swap3A_581] {strides = array<i32>} : memref<8x128xf32, #tpu.memory_space<vmem>>, vector<1x16xf32>,
      %swap3A_583 = vector.shape_cast %swap3A_582 : vector<1x16xf32> to vector<16xf32>
      %swap3A_584 = vector.shape_cast %mul3A_577 : vector<16xf32> to vector<1x16xf32>
      tpu.vector_store %arg9[%swap3A_580, %swap3A_581], %swap3A_584 {strides = array<i32>} : memref<8x128xf32, #tpu.memory_space<vmem>>, vector<1x16xf32>,
      %add3A_585 = arith.constant 3 : i32
      %add3A_586 = arith.addi %mul3A_12, %add3A_585 : i32
      %get3A_587 = arith.index_cast %add3A_586 : i32 to index
      %get3A_588 = arith.constant 48 : index
      %get3A_589 = tpu.vector_load %arg6[%get3A_587, %get3A_588] {strides = array<i32>} : memref<8x128xf32, #tpu.memory_space<vmem>>, vector<1x16xf32>,
      %get3A_590 = vector.shape_cast %get3A_589 : vector<1x16xf32> to vector<16xf32>
      %get3A_591 = arith.constant 48 : index
      %get3A_592 = tpu.vector_load %arg8[%get3A_591] {strides = array<i32>} : memref<128xf32, #tpu.memory_space<vmem>>, vector<16xf32>,
      %get3A_593 = vector.shape_cast %get3A_592 : vector<16xf32> to vector<16xf32>
      %mul3A_594 = arith.constant 5.000000e-01 : f32
      %mul3A_595 = vector.broadcast %mul3A_594 : f32 to vector<16xf32>
      %mul3A_596 = arith.mulf %mul3A_595, %scan3A_18#27 : vector<16xf32>
      %add3A_597 = arith.addf %get3A_593, %mul3A_596 : vector<16xf32>
      %mul3A_598 = arith.mulf %get3A_590, %add3A_597 : vector<16xf32>
      %add3A_599 = arith.constant 3 : i32
      %add3A_600 = arith.addi %mul3A_12, %add3A_599 : i32
      %swap3A_601 = arith.index_cast %add3A_600 : i32 to index
      %swap3A_602 = arith.constant 48 : index
      %swap3A_603 = tpu.vector_load %arg9[%swap3A_601, %swap3A_602] {strides = array<i32>} : memref<8x128xf32, #tpu.memory_space<vmem>>, vector<1x16xf32>,
      %swap3A_604 = vector.shape_cast %swap3A_603 : vector<1x16xf32> to vector<16xf32>
      %swap3A_605 = vector.shape_cast %mul3A_598 : vector<16xf32> to vector<1x16xf32>
      tpu.vector_store %arg9[%swap3A_601, %swap3A_602], %swap3A_605 {strides = array<i32>} : memref<8x128xf32, #tpu.memory_space<vmem>>, vector<1x16xf32>,
      %add3A_606 = arith.constant 3 : i32
      %add3A_607 = arith.addi %mul3A_12, %add3A_606 : i32
      %get3A_608 = arith.index_cast %add3A_607 : i32 to index
      %get3A_609 = arith.constant 64 : index
      %get3A_610 = tpu.vector_load %arg6[%get3A_608, %get3A_609] {strides = array<i32>} : memref<8x128xf32, #tpu.memory_space<vmem>>, vector<1x16xf32>,
      %get3A_611 = vector.shape_cast %get3A_610 : vector<1x16xf32> to vector<16xf32>
      %get3A_612 = arith.constant 64 : index
      %get3A_613 = tpu.vector_load %arg8[%get3A_612] {strides = array<i32>} : memref<128xf32, #tpu.memory_space<vmem>>, vector<16xf32>,
      %get3A_614 = vector.shape_cast %get3A_613 : vector<16xf32> to vector<16xf32>
      %mul3A_615 = arith.constant 5.000000e-01 : f32
      %mul3A_616 = vector.broadcast %mul3A_615 : f32 to vector<16xf32>
      %mul3A_617 = arith.mulf %mul3A_616, %scan3A_18#28 : vector<16xf32>
      %add3A_618 = arith.addf %get3A_614, %mul3A_617 : vector<16xf32>
      %mul3A_619 = arith.mulf %get3A_611, %add3A_618 : vector<16xf32>
      %add3A_620 = arith.constant 3 : i32
      %add3A_621 = arith.addi %mul3A_12, %add3A_620 : i32
      %swap3A_622 = arith.index_cast %add3A_621 : i32 to index
      %swap3A_623 = arith.constant 64 : index
      %swap3A_624 = tpu.vector_load %arg9[%swap3A_622, %swap3A_623] {strides = array<i32>} : memref<8x128xf32, #tpu.memory_space<vmem>>, vector<1x16xf32>,
      %swap3A_625 = vector.shape_cast %swap3A_624 : vector<1x16xf32> to vector<16xf32>
      %swap3A_626 = vector.shape_cast %mul3A_619 : vector<16xf32> to vector<1x16xf32>
      tpu.vector_store %arg9[%swap3A_622, %swap3A_623], %swap3A_626 {strides = array<i32>} : memref<8x128xf32, #tpu.memory_space<vmem>>, vector<1x16xf32>,
      %add3A_627 = arith.constant 3 : i32
      %add3A_628 = arith.addi %mul3A_12, %add3A_627 : i32
      %get3A_629 = arith.index_cast %add3A_628 : i32 to index
      %get3A_630 = arith.constant 80 : index
      %get3A_631 = tpu.vector_load %arg6[%get3A_629, %get3A_630] {strides = array<i32>} : memref<8x128xf32, #tpu.memory_space<vmem>>, vector<1x16xf32>,
      %get3A_632 = vector.shape_cast %get3A_631 : vector<1x16xf32> to vector<16xf32>
      %get3A_633 = arith.constant 80 : index
      %get3A_634 = tpu.vector_load %arg8[%get3A_633] {strides = array<i32>} : memref<128xf32, #tpu.memory_space<vmem>>, vector<16xf32>,
      %get3A_635 = vector.shape_cast %get3A_634 : vector<16xf32> to vector<16xf32>
      %mul3A_636 = arith.constant 5.000000e-01 : f32
      %mul3A_637 = vector.broadcast %mul3A_636 : f32 to vector<16xf32>
      %mul3A_638 = arith.mulf %mul3A_637, %scan3A_18#29 : vector<16xf32>
      %add3A_639 = arith.addf %get3A_635, %mul3A_638 : vector<16xf32>
      %mul3A_640 = arith.mulf %get3A_632, %add3A_639 : vector<16xf32>
      %add3A_641 = arith.constant 3 : i32
      %add3A_642 = arith.addi %mul3A_12, %add3A_641 : i32
      %swap3A_643 = arith.index_cast %add3A_642 : i32 to index
      %swap3A_644 = arith.constant 80 : index
      %swap3A_645 = tpu.vector_load %arg9[%swap3A_643, %swap3A_644] {strides = array<i32>} : memref<8x128xf32, #tpu.memory_space<vmem>>, vector<1x16xf32>,
      %swap3A_646 = vector.shape_cast %swap3A_645 : vector<1x16xf32> to vector<16xf32>
      %swap3A_647 = vector.shape_cast %mul3A_640 : vector<16xf32> to vector<1x16xf32>
      tpu.vector_store %arg9[%swap3A_643, %swap3A_644], %swap3A_647 {strides = array<i32>} : memref<8x128xf32, #tpu.memory_space<vmem>>, vector<1x16xf32>,
      %add3A_648 = arith.constant 3 : i32
      %add3A_649 = arith.addi %mul3A_12, %add3A_648 : i32
      %get3A_650 = arith.index_cast %add3A_649 : i32 to index
      %get3A_651 = arith.constant 96 : index
      %get3A_652 = tpu.vector_load %arg6[%get3A_650, %get3A_651] {strides = array<i32>} : memref<8x128xf32, #tpu.memory_space<vmem>>, vector<1x16xf32>,
      %get3A_653 = vector.shape_cast %get3A_652 : vector<1x16xf32> to vector<16xf32>
      %get3A_654 = arith.constant 96 : index
      %get3A_655 = tpu.vector_load %arg8[%get3A_654] {strides = array<i32>} : memref<128xf32, #tpu.memory_space<vmem>>, vector<16xf32>,
      %get3A_656 = vector.shape_cast %get3A_655 : vector<16xf32> to vector<16xf32>
      %mul3A_657 = arith.constant 5.000000e-01 : f32
      %mul3A_658 = vector.broadcast %mul3A_657 : f32 to vector<16xf32>
      %mul3A_659 = arith.mulf %mul3A_658, %scan3A_18#30 : vector<16xf32>
      %add3A_660 = arith.addf %get3A_656, %mul3A_659 : vector<16xf32>
      %mul3A_661 = arith.mulf %get3A_653, %add3A_660 : vector<16xf32>
      %add3A_662 = arith.constant 3 : i32
      %add3A_663 = arith.addi %mul3A_12, %add3A_662 : i32
      %swap3A_664 = arith.index_cast %add3A_663 : i32 to index
      %swap3A_665 = arith.constant 96 : index
      %swap3A_666 = tpu.vector_load %arg9[%swap3A_664, %swap3A_665] {strides = array<i32>} : memref<8x128xf32, #tpu.memory_space<vmem>>, vector<1x16xf32>,
      %swap3A_667 = vector.shape_cast %swap3A_666 : vector<1x16xf32> to vector<16xf32>
      %swap3A_668 = vector.shape_cast %mul3A_661 : vector<16xf32> to vector<1x16xf32>
      tpu.vector_store %arg9[%swap3A_664, %swap3A_665], %swap3A_668 {strides = array<i32>} : memref<8x128xf32, #tpu.memory_space<vmem>>, vector<1x16xf32>,
      %add3A_669 = arith.constant 3 : i32
      %add3A_670 = arith.addi %mul3A_12, %add3A_669 : i32
      %get3A_671 = arith.index_cast %add3A_670 : i32 to index
      %get3A_672 = arith.constant 112 : index
      %get3A_673 = tpu.vector_load %arg6[%get3A_671, %get3A_672] {strides = array<i32>} : memref<8x128xf32, #tpu.memory_space<vmem>>, vector<1x16xf32>,
      %get3A_674 = vector.shape_cast %get3A_673 : vector<1x16xf32> to vector<16xf32>
      %get3A_675 = arith.constant 112 : index
      %get3A_676 = tpu.vector_load %arg8[%get3A_675] {strides = array<i32>} : memref<128xf32, #tpu.memory_space<vmem>>, vector<16xf32>,
      %get3A_677 = vector.shape_cast %get3A_676 : vector<16xf32> to vector<16xf32>
      %mul3A_678 = arith.constant 5.000000e-01 : f32
      %mul3A_679 = vector.broadcast %mul3A_678 : f32 to vector<16xf32>
      %mul3A_680 = arith.mulf %mul3A_679, %scan3A_18#31 : vector<16xf32>
      %add3A_681 = arith.addf %get3A_677, %mul3A_680 : vector<16xf32>
      %mul3A_682 = arith.mulf %get3A_674, %add3A_681 : vector<16xf32>
      %add3A_683 = arith.constant 3 : i32
      %add3A_684 = arith.addi %mul3A_12, %add3A_683 : i32
      %swap3A_685 = arith.index_cast %add3A_684 : i32 to index
      %swap3A_686 = arith.constant 112 : index
      %swap3A_687 = tpu.vector_load %arg9[%swap3A_685, %swap3A_686] {strides = array<i32>} : memref<8x128xf32, #tpu.memory_space<vmem>>, vector<1x16xf32>,
      %swap3A_688 = vector.shape_cast %swap3A_687 : vector<1x16xf32> to vector<16xf32>
      %swap3A_689 = vector.shape_cast %mul3A_682 : vector<16xf32> to vector<1x16xf32>
      tpu.vector_store %arg9[%swap3A_685, %swap3A_686], %swap3A_689 {strides = array<i32>} : memref<8x128xf32, #tpu.memory_space<vmem>>, vector<1x16xf32>,
      %scan3A_690 = arith.constant 0 : i32
      scf.yield %scan3A_690 : i32
    }
    %scan3A_8 = arith.constant 2 : i32
    "tpu.region"() ({
      %run_scoped3A = tpu.sem_alloc : memref<!tpu.dma_semaphore, #tpu.memory_space<semaphore_mem>>
      %dma_start3A = arith.constant 0 : i32
      %dma_start3A_9 = tpu.memref_slice %arg5[%mul3A_2, %dma_start3A] : memref<256x128xf32, #tpu.memory_space<hbm>> -> memref<8x128xf32, #tpu.memory_space<hbm>>
      %dma_start3A_10 = arith.constant 0 : i32
      %dma_start3A_11 = tpu.memref_slice %arg5[%mul3A_2, %dma_start3A_10] : memref<256x128xf32, #tpu.memory_space<hbm>> -> memref<8x128xf32, #tpu.memory_space<hbm>>
      tpu.enqueue_dma source(%arg9 : memref<8x128xf32, #tpu.memory_space<vmem>>) target(%dma_start3A_11 : memref<8x128xf32, #tpu.memory_space<hbm>>) target_semaphore(%run_scoped3A : memref<!tpu.dma_semaphore, #tpu.memory_space<semaphore_mem>>)
      %dma_wait3A = arith.constant 0 : i32
      %dma_wait3A_12 = tpu.memref_slice %arg5[%mul3A_2, %dma_wait3A] : memref<256x128xf32, #tpu.memory_space<hbm>> -> memref<8x128xf32, #tpu.memory_space<hbm>>
      %dma_wait3A_13 = arith.constant 0 : i32
      %dma_wait3A_14 = tpu.memref_slice %arg5[%mul3A_2, %dma_wait3A_13] : memref<256x128xf32, #tpu.memory_space<hbm>> -> memref<8x128xf32, #tpu.memory_space<hbm>>
      tpu.wait_dma2 semaphore(%run_scoped3A : memref<!tpu.dma_semaphore, #tpu.memory_space<semaphore_mem>>) src(%arg9 : memref<8x128xf32, #tpu.memory_space<vmem>>) dst(%dma_wait3A_14 : memref<8x128xf32, #tpu.memory_space<hbm>>)
      tpu.yield
    }) : () -> ()
    return
  }
}

module attributes {stable_mosaic.version = 14 : i64} {
  func.func @_tc_body(%arg0: i32, %arg1: memref<1792x128xf32, #tpu.memory_space<vmem>>, %arg2: memref<1x128xf32, #tpu.memory_space<vmem>>, %arg3: memref<128x128xf32, #tpu.memory_space<vmem>>, %arg4: memref<1792x128xf32, #tpu.memory_space<vmem>>) attributes {dimension_semantics = [#tpu.dimension_semantics<arbitrary>], iteration_bounds = array<i64: 1>, scalar_prefetch = 0 : i64, scratch_operands = 0 : i64, tpu.core_type = #tpu.core_type<tc>, window_params = [{pipeline_mode = #tpu.pipeline_mode<synchronous>, transform_indices = @transform_0, window_bounds = array<i64: 1792, 128>}, {pipeline_mode = #tpu.pipeline_mode<synchronous>, transform_indices = @transform_1, window_bounds = array<i64: 1, 128>}, {pipeline_mode = #tpu.pipeline_mode<synchronous>, transform_indices = @transform_2, window_bounds = array<i64: 128, 128>}, {pipeline_mode = #tpu.pipeline_mode<synchronous>, transform_indices = @transform_3, window_bounds = array<i64: 1792, 128>}]} {
    %get3A = arith.constant 0 : index
    %get3A_0 = arith.constant 0 : index
    %get3A_1 = vector.load %arg1[%get3A, %get3A_0] : memref<1792x128xf32, #tpu.memory_space<vmem>>, vector<1792x128xf32>
    %get3A_2 = arith.constant 0 : index
    %get3A_3 = arith.constant 0 : index
    %get3A_4 = vector.load %arg3[%get3A_2, %get3A_3] : memref<128x128xf32, #tpu.memory_space<vmem>>, vector<128x128xf32>
    %dot_general3A = arith.constant dense<0.000000e+00> : vector<1792x128xf32>
    %dot_general3A_5 = tpu.matmul %get3A_1, %get3A_4, %dot_general3A {dimension_numbers = #tpu.dot_dimension_numbers<[1], [1], [0], [0], [0, 0, 1, 0], [], []>, transpose_lhs_hint = false} : vector<1792x128xf32>, vector<128x128xf32>, vector<1792x128xf32> -> vector<1792x128xf32>
    %get3A_6 = arith.constant 0 : index
    %get3A_7 = arith.constant 0 : index
    %get3A_8 = vector.load %arg2[%get3A_6, %get3A_7] : memref<1x128xf32, #tpu.memory_space<vmem>>, vector<1x128xf32>
    %mul3A = arith.constant 5.000000e-01 : f32
    %mul3A_9 = vector.broadcast %mul3A : f32 to vector<1792x128xf32>
    %mul3A_10 = arith.mulf %mul3A_9, %dot_general3A_5 : vector<1792x128xf32>
    %add3A = vector.broadcast %get3A_8 : vector<1x128xf32> to vector<1792x128xf32>
    %add3A_11 = arith.addf %add3A, %mul3A_10 : vector<1792x128xf32>
    %mul3A_12 = arith.mulf %get3A_1, %add3A_11 : vector<1792x128xf32>
    %swap3A = arith.constant 0 : index
    %swap3A_13 = arith.constant 0 : index
    %swap3A_14 = vector.load %arg4[%swap3A, %swap3A_13] : memref<1792x128xf32, #tpu.memory_space<vmem>>, vector<1792x128xf32>
    tpu.vector_store %arg4[%swap3A, %swap3A_13], %mul3A_12 {strides = array<i32>} : memref<1792x128xf32, #tpu.memory_space<vmem>>, vector<1792x128xf32>,
    return
  }
  func.func @transform_0(%arg0: i32) -> (i32, i32) {
    %c0_i32 = arith.constant 0 : i32
    %c0_i32_0 = arith.constant 0 : i32
    %c0_i32_1 = arith.constant 0 : i32
    return %c0_i32, %c0_i32_0 : i32, i32
  }
  func.func @transform_1(%arg0: i32) -> (i32, i32) {
    %c0_i32 = arith.constant 0 : i32
    %c0_i32_0 = arith.constant 0 : i32
    %c0_i32_1 = arith.constant 0 : i32
    return %c0_i32, %c0_i32_0 : i32, i32
  }
  func.func @transform_2(%arg0: i32) -> (i32, i32) {
    %c0_i32 = arith.constant 0 : i32
    %c0_i32_0 = arith.constant 0 : i32
    %c0_i32_1 = arith.constant 0 : i32
    return %c0_i32, %c0_i32_0 : i32, i32
  }
  func.func @transform_3(%arg0: i32) -> (i32, i32) {
    %c0_i32 = arith.constant 0 : i32
    %c0_i32_0 = arith.constant 0 : i32
    %c0_i32_1 = arith.constant 0 : i32
    return %c0_i32, %c0_i32_0 : i32, i32
  }
}

</mosaic_0001>

<sc_bundles>
// kernel: kernel.4.cloned.1.call-start
scs
__scs_entry_jumppad:
0x0: {  	(pc) =	sbr.rel $0x88, $3  }
0x1: {  	(tag) =	ssettag $0x0;
	lr =	simm.s32 $0x1  }
0x2: {  	[smem:$0x3F9E] =	sst lr;
	_ =	strace $0xD0000000  }
0x3: {  	_ = 	snop  }
0x4: {  	_ = 	snop  }
0x5: {  	_ = 	snop  }
0x6: {  	_ = 	snop  }
0x7: {  	_ = 	snop  }
__scs_overlays_trampoline_lowered:
0x8: {  	[smem:$0x3FAD] =	sst s0  }
0x9: {  	[smem:$0x3FAE] =	sst s1  }
0xa: {  	[smem:$0x3FAF] =	sst s2  }
0xb: {  	[smem:$0x3FB0] =	sst s3  }
0xc: {  	[smem:$0x3FB1] =	sst s4  }
0xd: {  	[smem:$0x3FB2] =	sst s5  }
0xe: {  	[smem:$0x3FB3] =	sst s6  }
0xf: {  	[smem:$0x3FB4] =	sst s7  }
0x10: {  	[smem:$0x3FB5] =	sst s8  }
0x11: {  	[smem:$0x3FB6] =	sst s9;
	s0 =	simm.s32 @!p0 $0x0  }
0x12: {  	s1 =	sld [smem:$0x3F9C];
	s0 =	simm.s32 @p0 $0x1  }
0x13: {  	[smem:$0x3FB7] =	sst s0;
	s0 =	simm.s32 @!p1 $0x0  }
0x14: {  	s2 =	sld [smem:$0x3F9B];
	s0 =	simm.s32 @p1 $0x1  }
0x15: {  	[smem:$0x3FB8] =	sst s0;
	s0 =	simm.s32 @!p2 $0x0  }
0x16: {  	s3 =	sld [smem:$0x3FDB];
	s0 =	simm.s32 @p2 $0x1  }
0x17: {  	s4 =	simm.s32 $0x1BF5;
	[smem:$0x3FBA] =	sst s0  }
0x18: {  	s0 =	sld [smem:$0x3F9D];
	_ =	swait.ge [sflag:s4], $0x0  }
0x19: {  	s7 =	sld [smem:$0x3F9E]  }
0x1a: {  	s8 =	sadd.s32 $0xFFFFE003, lr  }
0x1b: {  	s9 =	sadd.s32 $0xFFFFFEF7, lr;
	s5 =	simm.s32 $0xFFFFFFFF;
	p2 =	slt.u32 s8, $0xFFFFF086  }
0x1c: {  	p1 =	slt.u32 s9, $0xF7A;
	s5 =	simm.s32 @!p2 $0x0  }
0x1d: {  	s5 =	simm.s32 @p1 $0x1;
	p0 =	seq.s32 s7, s2  }
0x1e: {  	s7 =	smul.u32 @!p0 $0xF7A, s2;
	p2 =	seq.s32 @!p0 s5, $0x0  }
0x1f: {  	s9 =	smul.u32 $0xF7A, s1;
	s8 =	simm.s32 @!p0 $0x1BF5;
	p2 =	por !p2, p0  }
0x20: {  	[sflag:s8] =	ssyncset.s32 @!p0 $0xFFFFF086;
	s6 =	sadd.s32 @!p0 s3, s7;
	s7 =	simm.s32 @!p0 $0x108  }
0x21: {  	s3 =	sadd.s32 s3, s9;
	s6 =	sadd.s32 @!p0 $0x88, s6;
	s7 =	simm.s32 @p2 $0x1082  }
0x22: {  	[simem:s7], [sflag:s8] =	dma.local @!p0 [hbm:s6], $0xF7A  }
0x23: {  	s9 =	sor.u32 $0xD0000000, s2;
	s6 =	simm.s32 $0x108;
	_ =	swait.ge @!p0 [sflag:s8], $0x0  }
0x24: {  	s3 =	sadd.s32 $0x88, s3;
	s6 =	simm.s32 @!p1 $0x1082;
	[sflag:s4] =	ssyncset.s32 $0xFFFFF086  }
0x25: {  	[simem:s6], [sflag:s4] =	dma.local [hbm:s3], $0xF7A  }
0x26: {  	[smem:$0x3F9E] =	sst s1;
	(tag) =	ssettag s2;
	_ =	strace s9  }
0x27: {  	s1 =	sld [smem:$0x3FAE]  }
0x28: {  	s2 =	sld [smem:$0x3FAF]  }
0x29: {  	s4 =	sld [smem:$0x3FB1]  }
0x2a: {  	p0 =	seq.s32 s5, $0x0;
	s5 =	sld [smem:$0x3FB2]  }
0x2b: {  	s6 =	sld [smem:$0x3FB3]  }
0x2c: {  	s7 =	sld [smem:$0x3FB4]  }
0x2d: {  	s3 =	simm.s32 $0x108;
	s8 =	sld [smem:$0x3FB5]  }
0x2e: {  	s3 =	simm.s32 @!p0 $0x1082;
	s9 =	sld [smem:$0x3FB6]  }
0x2f: {  	lr =	sadd.s32 s0, s3;
	s0 =	sld [smem:$0x3FAD]  }
0x30: {  	s3 =	sld [smem:$0x3FB0]  }
0x31: {  	[smem:$0x3FB9] =	sst s10  }
0x32: {  	s10 =	sld [smem:$0x3FB7];
	_ =	sdelay $0x3  }
0x33: {  	p0 =	seq.s32 s10, $0x1;
	s10 =	sld [smem:$0x3FB9];
	_ =	sdelay $0x3  }
0x34: {  	[smem:$0x3FB9] =	sst s10  }
0x35: {  	s10 =	sld [smem:$0x3FB8];
	_ =	sdelay $0x3  }
0x36: {  	p1 =	seq.s32 s10, $0x1;
	s10 =	sld [smem:$0x3FB9];
	_ =	sdelay $0x3  }
0x37: {  	[smem:$0x3FB9] =	sst s10  }
0x38: {  	s10 =	sld [smem:$0x3FBA]  }
0x39: {  	_ = 	snop;
	(pc) =	sbr.ind lr, $3  }
0x3a: {  	_ = 	snop  }
0x3b: {  	_ = 	snop  }
0x3c: {  	p2 =	seq.s32 s10, $0x1;
	s10 =	sld [smem:$0x3FB9]  }
0x3d: {  	_ =	shalt  }
0x3e: {  	_ =	shalt  }
0x3f: {  	_ =	shalt  }
0x40: {  	_ =	shalt  }
0x41: {  	_ =	shalt  }
0x42: {  	_ =	shalt  }
0x43: {  	_ =	shalt  }
0x44: {  	_ =	shalt  }
0x45: {  	_ =	shalt  }
0x46: {  	_ =	shalt  }
0x47: {  	_ =	shalt  }
0x48: {  	_ =	shalt  }
0x49: {  	_ =	shalt  }
0x4a: {  	_ =	shalt  }
0x4b: {  	_ =	shalt  }
0x4c: {  	_ =	shalt  }
0x4d: {  	_ =	shalt  }
0x4e: {  	_ =	shalt  }
0x4f: {  	_ =	shalt  }
0x50: {  	_ =	shalt  }
0x51: {  	_ =	shalt  }
0x52: {  	_ =	shalt  }
0x53: {  	_ =	shalt  }
0x54: {  	_ =	shalt  }
0x55: {  	_ =	shalt  }
0x56: {  	_ =	shalt  }
0x57: {  	_ =	shalt  }
0x58: {  	_ =	shalt  }
0x59: {  	_ =	shalt  }
0x5a: {  	_ =	shalt  }
0x5b: {  	_ =	shalt  }
0x5c: {  	_ =	shalt  }
0x5d: {  	_ =	shalt  }
0x5e: {  	_ =	shalt  }
0x5f: {  	_ =	shalt  }
0x60: {  	_ =	shalt  }
0x61: {  	_ =	shalt  }
0x62: {  	_ =	shalt  }
0x63: {  	_ =	shalt  }
0x64: {  	_ =	shalt  }
0x65: {  	_ =	shalt  }
0x66: {  	_ =	shalt  }
0x67: {  	_ =	shalt  }
0x68: {  	_ =	shalt  }
0x69: {  	_ =	shalt  }
0x6a: {  	_ =	shalt  }
0x6b: {  	_ =	shalt  }
0x6c: {  	_ =	shalt  }
0x6d: {  	_ =	shalt  }
0x6e: {  	_ =	shalt  }
0x6f: {  	_ =	shalt  }
0x70: {  	_ =	shalt  }
0x71: {  	_ =	shalt  }
0x72: {  	_ =	shalt  }
0x73: {  	_ =	shalt  }
0x74: {  	_ =	shalt  }
0x75: {  	_ =	shalt  }
0x76: {  	_ =	shalt  }
0x77: {  	_ =	shalt  }
0x78: {  	_ =	shalt  }
0x79: {  	_ =	shalt  }
0x7a: {  	_ =	shalt  }
0x7b: {  	_ =	shalt  }
0x7c: {  	_ =	shalt  }
0x7d: {  	_ =	shalt  }
0x7e: {  	_ =	shalt  }
0x7f: {  	_ =	shalt  }
0x80: {  	_ =	shalt  }
0x81: {  	_ =	shalt  }
0x82: {  	_ =	shalt  }
0x83: {  	_ =	shalt  }
0x84: {  	_ =	shalt  }
0x85: {  	_ =	shalt  }
0x86: {  	_ =	shalt  }
0x87: {  	_ =	shalt  }
.Lfunc_end0:
.L_simem_size_0:
called_computation_lowered:
.L_overlay_start_0:
0x88: {  	s2 =	sld [smem:$0x3FD9]  }
0x89: {  	s3 =	sld [smem:$0x3FFE];
	_ =	sdelay $0x1  }
0x8a: {  	s1 =	srdreg.scid  }
0x8b: {  	s0 =	sand.u32 $0x1, s1  }
0x8c: {  	s17 =	sshll.u32 s0, $0xA;
	s2 =	sadd.s32 s3, s2  }
0x8d: {  	s2 =	sadd.s32 s2, s17  }
0x8e: {  	[smem:$0x3FC5] =	sst s2  }
0x8f: {  	_ = 	snop  }
0x90: {  	s2 =	sld [smem:$0x3FC8]  }
0x91: {  	s18 =	sld [smem:$0x3FD0];
	(tm) =	ssettm $0x1  }
0x92: {  	s4 =	sld [smem:$0x3FFB];
	_ =	sdelay $0x3  }
0x93: {  	_ =	strace s4  }
0x94: {  	s4 =	sld [smem:$0x3FFC];
	_ =	sdelay $0x3  }
0x95: {  	_ =	strace s4  }
0x96: {  	s4 =	sld [smem:$0x3FFD];
	_ =	sdelay $0x3  }
0x97: {  	_ =	strace s4  }
0x98: {  	_ =	strace $0x8FFFFFFF  }
0x99: {  	s19 =	sld [smem:$0x3FDB];
	_ =	sdelay $0x1  }
0x9a: {  	s5 =	simm.s32 $_scs_section_size  }
0x9b: {  	s6 =	simm.s32 $_size__tile_overlayer_lowered;
	s7 =	simm.s32 $_tile_overlayer_lowered  }
0x9c: {  	s22 =	simm.s32 $0x1BFF;
	s21 =	sshll.u32 s7, $0x1;
	s4 =	sadd.s32 s5, s19  }
0x9d: {  	s8 =	simm.s32 $0x0;
	s20 =	sshll.u32 s6, $0x1;
	s6 =	sadd.s32 s21, s4  }
0x9e: {  	[timem:s8], [sflag:s22] =	dma.local [hbm:s6], s20  }
0x9f: {  	_ =	swait.ge [sflag:s22], s20  }
0xa0: {  	s5 =	ssub.s32 $0x0, s20;
	[sflag:s22] =	ssyncset.done $0x0  }
0xa1: {  	[sflag:s22] =	ssyncadd.s32 s5;
	_ =	sdelay $0x1  }
0xa2: {  	s23 =	simm.s32 $0x1B8B  }
0xa3: {  	_ =	swait.ge [sflag:s23], $0x1  }
0xa4: {  	[sflag:s23] =	ssyncset.done $0x0  }
0xa5: {  	s25 =	simm.s32 $0x1B8E;
	s24 =	sld [smem:$0x3FFE];
	[sflag:s23] =	ssyncadd.s32 $0xFFFFFFFF  }
0xa6: {  	s26 =	simm.s32 $execute0_lowered;
	[smem:$0x3FD2] =	sst s25  }
0xa7: {  	s6 =	sshll.u32 s26, $0x1;
	_ =	strace $0x80000046;
	[dreg:$0x1] =	wrdreg $0xFFFFFFFF  }
0xa8: {  	s28 =	simm.s32 $_size_execute0_lowered;
	s4 =	sadd.s32 s4, s6;
	[dreg:$0x0] =	wrdreg $0x0  }
0xa9: {  	s6 =	sshll.u32 s28, $0x1;
	[dreg:$0x2] =	wrdreg s4  }
0xaa: {  	[dreg:$0x3] =	wrdreg s6  }
0xab: {  	[dreg:$0x4] =	wrdreg $0xC0  }
0xac: {  	_ =	task [dreg:s8], $0x5FFFF  }
0xad: {  	[dreg:$0x1] =	wrdreg $0xFFFFFFFF  }
0xae: {  	[dreg:$0x0] =	wrdreg $0x60  }
0xaf: {  	[dreg:$0x2] =	wrdreg s18  }
0xb0: {  	[dreg:$0x3] =	wrdreg s2  }
0xb1: {  	[dreg:$0x4] =	wrdreg s24  }
0xb2: {  	[dreg:$0x5] =	wrdreg $0x9  }
0xb3: {  	_ =	task.clear_ibuf [dreg:s8], $0x6FFFF;
	_ =	strace $0x90000046  }
0xb4: {  	s29 =	simm.s32 $0x9;
	_ =	strace $0x80000048  }
0xb5: {  	_ =	swait.ge [sflag:s29], $0x1  }
0xb6: {  	[sflag:s29] =	ssyncadd.s32 $0xFFFFFFFF  }
0xb7: {  	_ =	strace $0x90000048  }
0xb8: {  	_ =	sfence  }
0xb9: {  	s30 =	sld [smem:$0x0];
	_ =	sdelay $0x2  }
0xba: {  	s31 =	sshll.u32 s1, $0xD;
	s1 =	sshrl.u32 s1, $0x2  }
0xbb: {  	s3 =	sand.u32 $0x4000, s31;
	s1 =	sadd.s32 s1, s30  }
0xbc: {  	s0 =	sor.u32 s3, s0;
	s1 =	sshll.u32 s1, $0x11  }
0xbd: {  	s0 =	sor.u32 s1, s0  }
0xbe: {  	s0 =	sadd.s32 $0x8F2B, s0  }
0xbf: {  	[sflag:s0] =	ssyncadd.remote.s32 $0x1  }
0xc0: {  	_ =	sfence.sel $0xFFFF  }
0xc1: {  	[dreg:$0x0] =	wrdreg $0xFFFFFFFF;
	(pc) =	sbr.abs _section_cstart, $3  }
0xc2: {  	[dreg:$0x1] =	wrdreg $0xFFFFFFFF  }
0xc3: {  	_ =	task.clear_ibuf [dreg:s8], $0x2FFFF;
	_ =	strace $0x9FFFFFFF  }
0xc4: {  	(tm) =	ssettm $0x7FFFFFFF  }
0xc5: {  	_ =	shalt  }
tec
execute0_lowered:
.L_overlay_start_1:
0x0: {  	(tag) =	ssettag $0x1  }
0x1: {  	s5 =	rddreg [dreg:$0x0]  }
0x2: {  	s1 =	rddreg [dreg:$0x1]  }
0x3: {  	s6 =	rddreg [dreg:$0x2]  }
0x4: {  	s0 =	rddreg [dreg:$0x3];
	s4 =	srdreg.scid  }
0x5: {  	s3 =	simm.s32 $0x0;
	s2 =	stileid.u32;
	s10 =	simm.s32 $0x4400  }
0x6: {  	s11 =	simm.s32 $0x4480;
	s12 =	simm.s32 $0x0;
	s4 =	sand.u32 $0x1, s4  }
0x7: {  	[smem:$0x7FF] =	sst s3;
	s7 =	sshll.u32 s2, $0x8;
	s8 =	sshll.u32 s4, $0x7  }
0x8: {  	_ =	strace $0x80000047;
	s31 =	ssub.s32 $0x2, s4;
	s7 =	sor.u32 s8, s7  }
0x9: {  	s4 =	sadd.s32 $0xA00, s6;
	s9 =	sshrl.u32 s31, $0x1;
	s6 =	sadd.s32 s7, s6  }
0xa: {  	s8 =	ssub.s32 s31, s9;
	s5 =	sadd.s32 s5, s7;
	s9 =	simm.s32 $0x400  }
0xb: {  	s6 =	sadd.s32 $0x1200, s6;
	s7 =	smax.u32 s8, $0x1;
	s8 =	simm.s32 $0x1  }
.LBB2_1:
0xc: {  	[tilespmem:s3], [sflag:$0x1] =	stream.linear.gather [hbm4b:s5+s3], $0x400, $0x38;
	[tilespmem:$0x4880] =	vst v63  }
0xd: {  	_ =	swait.ge [sflag:s8], $0x400  }
0xe: {  	[sflag:s8] =	ssyncset.done $0x0  }
0xf: {  	[sflag:s8] =	ssyncadd.s32 $0xFFFFFC00  }
0x10: {  	[tilespmem:s9], [sflag:$0x1] =	stream.linear.gather [hbm4b:s4+s3], $0x4000, $0x38;
	[tilespmem:$0x4880] =	vst v63  }
0x11: {  	_ =	swait.ge [sflag:s8], $0x4000  }
0x12: {  	[sflag:s8] =	ssyncset.done $0x0  }
0x13: {  	[sflag:s8] =	ssyncadd.s32 $0xFFFFC000  }
0x14: {  	[tilespmem:s10], [sflag:$0x1] =	stream.linear.gather [hbm4b:s1+s3], $0x80, $0x38;
	[tilespmem:$0x4880] =	vst v63  }
0x15: {  	_ =	swait.ge [sflag:s8], $0x80  }
0x16: {  	[sflag:s8] =	ssyncset.done $0x0  }
0x17: {  	p1 =	por $0x1, $0x1;
	s13 =	simm.s32 $0x0;
	[sflag:s8] =	ssyncadd.s32 $0xFFFFFF80  }
.LBB2_2:
0x18: {  	v5 =	vimm.f32 $0.0e+00;
	v6 =	vimm.f32 $0.0e+00;
	v7 =	vimm.f32 $0.0e+00  }
0x19: {  	v8 =	vimm.f32 $0.0e+00;
	v9 =	vimm.f32 $0.0e+00;
	v10 =	vimm.f32 $0.0e+00  }
0x1a: {  	v11 =	vimm.f32 $0.0e+00;
	v12 =	vimm.f32 $0.0e+00;
	v13 =	vimm.f32 $0.0e+00  }
0x1b: {  	v14 =	vimm.f32 $0.0e+00;
	v15 =	vimm.f32 $0.0e+00;
	v16 =	vimm.f32 $0.0e+00  }
0x1c: {  	v17 =	vimm.f32 $0.0e+00;
	v18 =	vimm.f32 $0.0e+00;
	v19 =	vimm.f32 $0.0e+00  }
0x1d: {  	v20 =	vimm.f32 $0.0e+00;
	v21 =	vimm.f32 $0.0e+00;
	v22 =	vimm.f32 $0.0e+00  }
0x1e: {  	v23 =	vimm.f32 $0.0e+00;
	v24 =	vimm.f32 $0.0e+00;
	v25 =	vimm.f32 $0.0e+00  }
0x1f: {  	s13 =	sshll.u32 s13, $0x9;
	v26 =	vimm.f32 $0.0e+00;
	v27 =	vimm.f32 $0.0e+00;
	v28 =	vimm.f32 $0.0e+00  }
0x20: {  	v29 =	vimm.f32 $0.0e+00;
	v30 =	vimm.f32 $0.0e+00;
	v31 =	vimm.f32 $0.0e+00;
	s14 =	sand.u32 $0x3FFFFE00, s13  }
0x21: {  	v32 =	vimm.f32 $0.0e+00;
	v33 =	vimm.f32 $0.0e+00;
	v34 =	vimm.f32 $0.0e+00;
	s14 =	sor.u32 $0x100, s14  }
0x22: {  	p0 =	por p1, p1;
	s15 =	simm.s32 $0x800;
	v35 =	vimm.f32 $0.0e+00;
	v36 =	vimm.f32 $0.0e+00;
	v0 =	vmov s14;
	s14 =	simm.s32 $0xFFFFFE00  }
.LBB2_3:
0x23: {  	v37 =	vld [tilespmem:s15+$0xFFFFFC00]  }
0x24: {  	v38 =	vld [tilespmem:s15+$0xFFFFFC10]  }
0x25: {  	v39 =	vld [tilespmem:s15+$0xFFFFFC20]  }
0x26: {  	s16 =	sshra.s32 s14, $0x2;
	v40 =	vld [tilespmem:s15+$0xFFFFFC30]  }
0x27: {  	v4 =	vld.idx.msk [tilespmem:v0+s16+$0xFFFFFF80 ss:$0x1], $0xffff  }
0x28: {  	v1 =	vld.idx.msk [tilespmem:v0+s16+$0x0 ss:$0x1], $0xffff  }
0x29: {  	v41 =	vld [tilespmem:s15+$0xFFFFFC40]  }
0x2a: {  	v42 =	vld [tilespmem:s15+$0xFFFFFC50]  }
0x2b: {  	v43 =	vld [tilespmem:s15+$0xFFFFFC60]  }
0x2c: {  	v44 =	vld [tilespmem:s15+$0xFFFFFC70];
	v3 =	vbroadcast v4, $0x0  }
0x2d: {  	v47 =	vbroadcast v1, $0x0  }
0x2e: {  	v2 =	vmul.f32 v37, v3;
	v45 =	vmul.f32 v38, v3  }
0x2f: {  	v46 =	vmul.f32 v39, v3;
	v54 =	vmul.f32 v40, v3  }
0x30: {  	v55 =	vmul.f32 v41, v3;
	v56 =	vmul.f32 v42, v3  }
0x31: {  	v48 =	vmul.f32 v43, v3;
	v3 =	vmul.f32 v44, v3  }
0x32: {  	v57 =	vmul.f32 v37, v47;
	v58 =	vmul.f32 v38, v47;
	v36 =	vadd.f32 v2, v36;
	v2 =	vld.idx.msk [tilespmem:v0+s16+$0x80 ss:$0x1], $0xffff  }
0x33: {  	v59 =	vmul.f32 v40, v47;
	v60 =	vmul.f32 v41, v47;
	v35 =	vadd.f32 v45, v35  }
0x34: {  	v61 =	vmul.f32 v42, v47;
	v34 =	vadd.f32 v46, v34;
	v33 =	vadd.f32 v54, v33  }
0x35: {  	v32 =	vadd.f32 v55, v32;
	v29 =	vadd.f32 v3, v29;
	v3 =	vmul.f32 v39, v47  }
0x36: {  	v63 =	vmul.f32 v44, v47;
	v31 =	vadd.f32 v56, v31;
	v30 =	vadd.f32 v48, v30  }
0x37: {  	v28 =	vadd.f32 v57, v28;
	v26 =	vadd.f32 v3, v26;
	v3 =	vld.idx.msk [tilespmem:v0+s16+$0x100 ss:$0x1], $0xffff;
	v49 =	vbroadcast v2, $0x0  }
0x38: {  	v62 =	vmul.f32 v43, v47;
	v27 =	vadd.f32 v58, v27;
	v25 =	vadd.f32 v59, v25  }
0x39: {  	v21 =	vadd.f32 v63, v21;
	v63 =	vbroadcast v4, $0x1;
	v52 =	vmul.f32 v37, v49  }
0x3a: {  	v24 =	vadd.f32 v60, v24;
	v53 =	vmul.f32 v38, v49;
	v54 =	vmul.f32 v39, v49  }
0x3b: {  	v23 =	vadd.f32 v61, v23;
	v55 =	vmul.f32 v40, v49;
	v56 =	vmul.f32 v41, v49  }
0x3c: {  	v22 =	vadd.f32 v62, v22;
	v57 =	vmul.f32 v42, v49;
	v58 =	vbroadcast v3, $0x0  }
0x3d: {  	v59 =	vmul.f32 v43, v49;
	v20 =	vadd.f32 v52, v20;
	v19 =	vadd.f32 v53, v19  }
0x3e: {  	v46 =	vld [tilespmem:s15+$0xFFFFFC90];
	v60 =	vmul.f32 v44, v49;
	v18 =	vadd.f32 v54, v18;
	v17 =	vadd.f32 v55, v17  }
0x3f: {  	v16 =	vadd.f32 v56, v16;
	v37 =	vmul.f32 v37, v58;
	v38 =	vmul.f32 v38, v58  }
0x40: {  	v45 =	vld [tilespmem:s15+$0xFFFFFCA0];
	v15 =	vadd.f32 v57, v15;
	v39 =	vmul.f32 v39, v58;
	v61 =	vmul.f32 v40, v58  }
0x41: {  	v49 =	vld [tilespmem:s15+$0xFFFFFC80];
	v14 =	vadd.f32 v59, v14;
	v62 =	vmul.f32 v41, v58;
	v50 =	vmul.f32 v42, v58  }
0x42: {  	v13 =	vadd.f32 v60, v13;
	v40 =	vld [tilespmem:s15+$0xFFFFFCC0];
	v51 =	vmul.f32 v43, v58;
	v52 =	vmul.f32 v44, v58  }
0x43: {  	v43 =	vld [tilespmem:s15+$0xFFFFFCD0];
	v54 =	vmul.f32 v46, v63;
	v12 =	vadd.f32 v37, v12;
	v11 =	vadd.f32 v38, v11  }
0x44: {  	v44 =	vld [tilespmem:s15+$0xFFFFFCE0];
	v59 =	vbroadcast v1, $0x1;
	v10 =	vadd.f32 v39, v10;
	v9 =	vadd.f32 v61, v9  }
0x45: {  	v55 =	vmul.f32 v45, v63;
	v8 =	vadd.f32 v62, v8;
	v7 =	vadd.f32 v50, v7  }
0x46: {  	v6 =	vadd.f32 v51, v6;
	v5 =	vadd.f32 v52, v5;
	v50 =	vmul.f32 v45, v59  }
0x47: {  	v38 =	vld [tilespmem:s15+$0xFFFFFCB0];
	v35 =	vadd.f32 v54, v35;
	v54 =	vbroadcast v2, $0x1;
	v53 =	vmul.f32 v49, v63  }
0x48: {  	v37 =	vld [tilespmem:s15+$0xFFFFFCF0];
	v34 =	vadd.f32 v55, v34;
	v62 =	vmul.f32 v49, v59;
	v57 =	vmul.f32 v40, v63  }
0x49: {  	v26 =	vadd.f32 v50, v26;
	v58 =	vmul.f32 v43, v63;
	v60 =	vmul.f32 v44, v63  }
0x4a: {  	v36 =	vadd.f32 v53, v36;
	v52 =	vmul.f32 v40, v59;
	v53 =	vmul.f32 v43, v59  }
0x4b: {  	v28 =	vadd.f32 v62, v28;
	v55 =	vmul.f32 v44, v59;
	v62 =	vbroadcast v3, $0x1  }
0x4c: {  	v56 =	vmul.f32 v38, v63;
	v32 =	vadd.f32 v57, v32;
	v31 =	vadd.f32 v58, v31  }
0x4d: {  	v61 =	vmul.f32 v37, v63;
	v30 =	vadd.f32 v60, v30;
	v63 =	vmul.f32 v46, v59  }
0x4e: {  	v51 =	vmul.f32 v38, v59;
	v24 =	vadd.f32 v52, v24;
	v57 =	vmul.f32 v49, v54  }
0x4f: {  	v23 =	vadd.f32 v53, v23;
	v58 =	vmul.f32 v46, v54;
	v60 =	vmul.f32 v38, v54  }
0x50: {  	v22 =	vadd.f32 v55, v22;
	v52 =	vmul.f32 v44, v54;
	v53 =	vmul.f32 v37, v54  }
0x51: {  	v55 =	vmul.f32 v46, v62;
	v33 =	vadd.f32 v56, v33;
	v29 =	vadd.f32 v61, v29  }
0x52: {  	v38 =	vmul.f32 v38, v62;
	v27 =	vadd.f32 v63, v27;
	v25 =	vadd.f32 v51, v25  }
0x53: {  	v56 =	vmul.f32 v37, v59;
	v59 =	vmul.f32 v45, v54;
	v20 =	vadd.f32 v57, v20  }
0x54: {  	v42 =	vld [tilespmem:s15+$0xFFFFFD30];
	v19 =	vadd.f32 v58, v19;
	v61 =	vmul.f32 v40, v54;
	v17 =	vadd.f32 v60, v17  }
0x55: {  	v41 =	vld [tilespmem:s15+$0xFFFFFD70];
	v63 =	vmul.f32 v43, v54;
	v54 =	vmul.f32 v49, v62;
	v14 =	vadd.f32 v52, v14  }
0x56: {  	v50 =	vld [tilespmem:s15+$0xFFFFFD00];
	v13 =	vadd.f32 v53, v13;
	v11 =	vadd.f32 v55, v11;
	v57 =	vmul.f32 v40, v62  }
0x57: {  	v39 =	vld [tilespmem:s15+$0xFFFFFD60];
	v58 =	vmul.f32 v43, v62;
	v9 =	vadd.f32 v38, v9;
	v60 =	vmul.f32 v44, v62  }
0x58: {  	v46 =	vld [tilespmem:s15+$0xFFFFFD20];
	v37 =	vmul.f32 v37, v62;
	v21 =	vadd.f32 v56, v21;
	v18 =	vadd.f32 v59, v18  }
0x59: {  	v49 =	vld [tilespmem:s15+$0xFFFFFD10];
	v52 =	vbroadcast v1, $0x2;
	v16 =	vadd.f32 v61, v16;
	v15 =	vadd.f32 v63, v15  }
0x5a: {  	v40 =	vld [tilespmem:s15+$0xFFFFFD40];
	v12 =	vadd.f32 v54, v12;
	v56 =	vmul.f32 v45, v62;
	v59 =	vbroadcast v4, $0x2  }
0x5b: {  	v43 =	vld [tilespmem:s15+$0xFFFFFD50];
	v8 =	vadd.f32 v57, v8;
	v7 =	vadd.f32 v58, v7;
	v54 =	vmul.f32 v50, v52  }
0x5c: {  	v6 =	vadd.f32 v60, v6;
	v57 =	vmul.f32 v42, v52;
	v61 =	vmul.f32 v50, v59  }
0x5d: {  	v5 =	vadd.f32 v37, v5;
	v63 =	vmul.f32 v46, v59;
	v44 =	vmul.f32 v42, v59  }
0x5e: {  	v10 =	vadd.f32 v56, v10;
	v53 =	vmul.f32 v39, v59;
	v45 =	vmul.f32 v41, v59  }
0x5f: {  	v56 =	vmul.f32 v46, v52;
	v28 =	vadd.f32 v54, v28;
	v62 =	vmul.f32 v49, v59  }
0x60: {  	v25 =	vadd.f32 v57, v25;
	v48 =	vmul.f32 v40, v59;
	v51 =	vmul.f32 v43, v59  }
0x61: {  	v55 =	vmul.f32 v49, v52;
	v58 =	vmul.f32 v40, v52;
	v36 =	vadd.f32 v61, v36  }
0x62: {  	v59 =	vbroadcast v2, $0x2;
	v34 =	vadd.f32 v63, v34;
	v33 =	vadd.f32 v44, v33  }
0x63: {  	v60 =	vmul.f32 v43, v52;
	v30 =	vadd.f32 v53, v30;
	v29 =	vadd.f32 v45, v29  }
0x64: {  	v26 =	vadd.f32 v56, v26;
	v61 =	vmul.f32 v39, v52;
	v35 =	vadd.f32 v62, v35  }
0x65: {  	v32 =	vadd.f32 v48, v32;
	v31 =	vadd.f32 v51, v31;
	v62 =	vmul.f32 v41, v52  }
0x66: {  	v27 =	vadd.f32 v55, v27;
	v63 =	vmul.f32 v50, v59;
	v48 =	vmul.f32 v49, v59  }
0x67: {  	v24 =	vadd.f32 v58, v24;
	v51 =	vmul.f32 v46, v59;
	v52 =	vmul.f32 v42, v59  }
0x68: {  	v23 =	vadd.f32 v60, v23;
	v53 =	vmul.f32 v40, v59;
	v54 =	vmul.f32 v43, v59  }
0x69: {  	v55 =	vbroadcast v3, $0x2;
	v22 =	vadd.f32 v61, v22;
	v21 =	vadd.f32 v62, v21  }
0x6a: {  	v38 =	vld [tilespmem:s15+$0xFFFFFDF0];
	v56 =	vmul.f32 v39, v59;
	v20 =	vadd.f32 v63, v20;
	v19 =	vadd.f32 v48, v19  }
0x6b: {  	v44 =	vld [tilespmem:s15+$0xFFFFFD80];
	v57 =	vmul.f32 v41, v59;
	v18 =	vadd.f32 v51, v18;
	v17 =	vadd.f32 v52, v17  }
0x6c: {  	v16 =	vadd.f32 v53, v16;
	v58 =	vmul.f32 v50, v55;
	v48 =	vld [tilespmem:s15+$0xFFFFFD90];
	v59 =	vmul.f32 v49, v55  }
0x6d: {  	v15 =	vadd.f32 v54, v15;
	v46 =	vmul.f32 v46, v55;
	v49 =	vld [tilespmem:s15+$0xFFFFFDA0];
	v60 =	vmul.f32 v42, v55  }
0x6e: {  	v14 =	vadd.f32 v56, v14;
	v42 =	vld [tilespmem:s15+$0xFFFFFDB0];
	v61 =	vmul.f32 v40, v55;
	v62 =	vmul.f32 v43, v55  }
0x6f: {  	v13 =	vadd.f32 v57, v13;
	v40 =	vld [tilespmem:s15+$0xFFFFFDC0];
	v63 =	vbroadcast v4, $0x3;
	v50 =	vmul.f32 v39, v55  }
0x70: {  	v43 =	vld [tilespmem:s15+$0xFFFFFDD0];
	v51 =	vmul.f32 v41, v55;
	v12 =	vadd.f32 v58, v12;
	v11 =	vadd.f32 v59, v11  }
0x71: {  	v41 =	vld [tilespmem:s15+$0xFFFFFDE0];
	v57 =	vbroadcast v1, $0x3;
	v10 =	vadd.f32 v46, v10;
	v9 =	vadd.f32 v60, v9  }
0x72: {  	v8 =	vadd.f32 v61, v8;
	v7 =	vadd.f32 v62, v7;
	v52 =	vmul.f32 v44, v63  }
0x73: {  	v6 =	vadd.f32 v50, v6;
	v60 =	vmul.f32 v38, v63;
	v61 =	vmul.f32 v44, v57  }
0x74: {  	v5 =	vadd.f32 v51, v5;
	v53 =	vmul.f32 v48, v63;
	v54 =	vmul.f32 v49, v63  }
0x75: {  	v36 =	vadd.f32 v52, v36;
	v55 =	vmul.f32 v42, v63;
	v56 =	vmul.f32 v40, v63  }
0x76: {  	v29 =	vadd.f32 v60, v29;
	v58 =	vmul.f32 v43, v63;
	v59 =	vmul.f32 v41, v63  }
0x77: {  	v28 =	vadd.f32 v61, v28;
	v62 =	vmul.f32 v48, v57;
	v63 =	vmul.f32 v49, v57  }
0x78: {  	v50 =	vmul.f32 v42, v57;
	v35 =	vadd.f32 v53, v35;
	v34 =	vadd.f32 v54, v34  }
0x79: {  	v51 =	vmul.f32 v40, v57;
	v33 =	vadd.f32 v55, v33;
	v32 =	vadd.f32 v56, v32  }
0x7a: {  	v52 =	vmul.f32 v43, v57;
	v31 =	vadd.f32 v58, v31;
	v30 =	vadd.f32 v59, v30  }
0x7b: {  	v27 =	vadd.f32 v62, v27;
	v53 =	vbroadcast v2, $0x3;
	v54 =	vmul.f32 v41, v57  }
0x7c: {  	v26 =	vadd.f32 v63, v26;
	v55 =	vmul.f32 v38, v57;
	v62 =	vbroadcast v3, $0x3  }
0x7d: {  	v25 =	vadd.f32 v50, v25;
	v56 =	vmul.f32 v44, v53;
	v57 =	vmul.f32 v48, v53  }
0x7e: {  	v24 =	vadd.f32 v51, v24;
	v58 =	vmul.f32 v49, v53;
	v59 =	vmul.f32 v42, v53  }
0x7f: {  	v23 =	vadd.f32 v52, v23;
	v60 =	vmul.f32 v40, v53;
	v61 =	vmul.f32 v43, v53  }
0x80: {  	v22 =	vadd.f32 v54, v22;
	v63 =	vmul.f32 v41, v53;
	v52 =	vmul.f32 v38, v53  }
0x81: {  	v21 =	vadd.f32 v55, v21;
	v53 =	vmul.f32 v44, v62;
	v54 =	vmul.f32 v48, v62  }
0x82: {  	v55 =	vmul.f32 v49, v62;
	v20 =	vadd.f32 v56, v20;
	v19 =	vadd.f32 v57, v19  }
0x83: {  	v47 =	vld [tilespmem:s15+$0xFFFFFE00];
	v41 =	vmul.f32 v41, v62;
	v18 =	vadd.f32 v58, v18;
	v17 =	vadd.f32 v59, v17  }
0x84: {  	v39 =	vld [tilespmem:s15+$0xFFFFFE60];
	v38 =	vmul.f32 v38, v62;
	v16 =	vadd.f32 v60, v16;
	v15 =	vadd.f32 v61, v15  }
0x85: {  	v46 =	vld [tilespmem:s15+$0xFFFFFE20];
	v49 =	vbroadcast v1, $0x5;
	v14 =	vadd.f32 v63, v14;
	v13 =	vadd.f32 v52, v13  }
0x86: {  	v37 =	vld [tilespmem:s15+$0xFFFFFE70];
	v12 =	vadd.f32 v53, v12;
	v11 =	vadd.f32 v54, v11;
	v56 =	vmul.f32 v42, v62  }
0x87: {  	v48 =	vld [tilespmem:s15+$0xFFFFFE10];
	v10 =	vadd.f32 v55, v10;
	v57 =	vmul.f32 v40, v62;
	v58 =	vbroadcast v4, $0x4  }
0x88: {  	v42 =	vld [tilespmem:s15+$0xFFFFFE30];
	v59 =	vmul.f32 v43, v62;
	v6 =	vadd.f32 v41, v6;
	v5 =	vadd.f32 v38, v5  }
0x89: {  	v40 =	vld [tilespmem:s15+$0xFFFFFE40];
	v54 =	vbroadcast v1, $0x4;
	v9 =	vadd.f32 v56, v9;
	v60 =	vmul.f32 v47, v58  }
0x8a: {  	v43 =	vld [tilespmem:s15+$0xFFFFFE50];
	v8 =	vadd.f32 v57, v8;
	v62 =	vmul.f32 v46, v58;
	v55 =	vmul.f32 v39, v58  }
0x8b: {  	v7 =	vadd.f32 v59, v7;
	v56 =	vmul.f32 v37, v58;
	v57 =	vmul.f32 v47, v54  }
0x8c: {  	v59 =	vmul.f32 v46, v54;
	v36 =	vadd.f32 v60, v36;
	v34 =	vadd.f32 v62, v34  }
0x8d: {  	v61 =	vmul.f32 v48, v58;
	v30 =	vadd.f32 v55, v30;
	v29 =	vadd.f32 v56, v29  }
0x8e: {  	v26 =	vadd.f32 v59, v26;
	v59 =	vbroadcast v3, $0x4;
	v63 =	vmul.f32 v42, v58  }
0x8f: {  	v28 =	vadd.f32 v57, v28;
	v52 =	vmul.f32 v40, v58;
	v53 =	vmul.f32 v43, v58  }
0x90: {  	v35 =	vadd.f32 v61, v35;
	v58 =	vmul.f32 v48, v54;
	v60 =	vmul.f32 v42, v54  }
0x91: {  	v61 =	vmul.f32 v40, v54;
	v62 =	vmul.f32 v43, v54;
	v33 =	vadd.f32 v63, v33  }
0x92: {  	v32 =	vadd.f32 v52, v32;
	v31 =	vadd.f32 v53, v31;
	v63 =	vbroadcast v2, $0x4  }
0x93: {  	v27 =	vadd.f32 v58, v27;
	v25 =	vadd.f32 v60, v25;
	v52 =	vmul.f32 v39, v54  }
0x94: {  	v24 =	vadd.f32 v61, v24;
	v53 =	vmul.f32 v37, v54;
	v54 =	vmul.f32 v47, v63  }
0x95: {  	v23 =	vadd.f32 v62, v23;
	v55 =	vmul.f32 v48, v63;
	v56 =	vmul.f32 v46, v63  }
0x96: {  	v22 =	vadd.f32 v52, v22;
	v57 =	vmul.f32 v42, v63;
	v58 =	vmul.f32 v40, v63  }
0x97: {  	v21 =	vadd.f32 v53, v21;
	v60 =	vmul.f32 v43, v63;
	v61 =	vmul.f32 v39, v63  }
0x98: {  	v62 =	vmul.f32 v37, v63;
	v63 =	vmul.f32 v47, v59;
	v20 =	vadd.f32 v54, v20  }
0x99: {  	v52 =	vmul.f32 v48, v59;
	v19 =	vadd.f32 v55, v19;
	v18 =	vadd.f32 v56, v18  }
0x9a: {  	v50 =	vld [tilespmem:s15+$0xFFFFFE80];
	v53 =	vmul.f32 v46, v59;
	v17 =	vadd.f32 v57, v17;
	v16 =	vadd.f32 v58, v16  }
0x9b: {  	v44 =	vld [tilespmem:s15+$0xFFFFFEB0];
	v40 =	vmul.f32 v40, v59;
	v15 =	vadd.f32 v60, v15;
	v14 =	vadd.f32 v61, v14  }
0x9c: {  	v47 =	vld [tilespmem:s15+$0xFFFFFE90];
	v37 =	vmul.f32 v37, v59;
	v13 =	vadd.f32 v62, v13;
	v12 =	vadd.f32 v63, v12  }
0x9d: {  	v48 =	vld [tilespmem:s15+$0xFFFFFEA0];
	v11 =	vadd.f32 v52, v11;
	v54 =	vmul.f32 v42, v59;
	v10 =	vadd.f32 v53, v10  }
0x9e: {  	v42 =	vld [tilespmem:s15+$0xFFFFFEC0];
	v55 =	vmul.f32 v43, v59;
	v56 =	vbroadcast v4, $0x5;
	v8 =	vadd.f32 v40, v8  }
0x9f: {  	v43 =	vld [tilespmem:s15+$0xFFFFFED0];
	v57 =	vmul.f32 v39, v59;
	v5 =	vadd.f32 v37, v5;
	v53 =	vmul.f32 v50, v49  }
0xa0: {  	v39 =	vld [tilespmem:s15+$0xFFFFFEE0];
	v9 =	vadd.f32 v54, v9;
	v7 =	vadd.f32 v55, v7;
	v58 =	vmul.f32 v50, v56  }
0xa1: {  	v40 =	vld [tilespmem:s15+$0xFFFFFEF0];
	v61 =	vmul.f32 v44, v56;
	v28 =	vadd.f32 v53, v28;
	v53 =	vbroadcast v3, $0x5  }
0xa2: {  	v6 =	vadd.f32 v57, v6;
	v59 =	vmul.f32 v47, v56;
	v60 =	vmul.f32 v48, v56  }
0xa3: {  	v54 =	vmul.f32 v47, v49;
	v55 =	vmul.f32 v48, v49;
	v36 =	vadd.f32 v58, v36  }
0xa4: {  	v33 =	vadd.f32 v61, v33;
	v58 =	vbroadcast v2, $0x5;
	v62 =	vmul.f32 v42, v56  }
0xa5: {  	v35 =	vadd.f32 v59, v35;
	v63 =	vmul.f32 v43, v56;
	v51 =	vmul.f32 v39, v56  }
0xa6: {  	v34 =	vadd.f32 v60, v34;
	v52 =	vmul.f32 v40, v56;
	v56 =	vmul.f32 v44, v49  }
0xa7: {  	v27 =	vadd.f32 v54, v27;
	v57 =	vmul.f32 v42, v49;
	v59 =	vmul.f32 v43, v49  }
0xa8: {  	v26 =	vadd.f32 v55, v26;
	v60 =	vmul.f32 v39, v49;
	v61 =	vmul.f32 v40, v49  }
0xa9: {  	v46 =	vmul.f32 v48, v58;
	v49 =	vmul.f32 v44, v58;
	v32 =	vadd.f32 v62, v32  }
0xaa: {  	v54 =	vmul.f32 v39, v58;
	v31 =	vadd.f32 v63, v31;
	v30 =	vadd.f32 v51, v30  }
0xab: {  	v55 =	vmul.f32 v40, v58;
	v29 =	vadd.f32 v52, v29;
	v25 =	vadd.f32 v56, v25  }
0xac: {  	v24 =	vadd.f32 v57, v24;
	v62 =	vmul.f32 v50, v58;
	v23 =	vadd.f32 v59, v23  }
0xad: {  	v22 =	vadd.f32 v60, v22;
	v63 =	vmul.f32 v47, v58;
	v51 =	vmul.f32 v42, v58  }
0xae: {  	v41 =	vld [tilespmem:s15+$0xFFFFFF00];
	v21 =	vadd.f32 v61, v21;
	v52 =	vmul.f32 v43, v58;
	v56 =	vmul.f32 v50, v53  }
0xaf: {  	v38 =	vld [tilespmem:s15+$0xFFFFFF70];
	v57 =	vmul.f32 v47, v53;
	v58 =	vmul.f32 v48, v53;
	v18 =	vadd.f32 v46, v18  }
0xb0: {  	v48 =	vld [tilespmem:s15+$0xFFFFFF20];
	v59 =	vmul.f32 v44, v53;
	v17 =	vadd.f32 v49, v17;
	v14 =	vadd.f32 v54, v14  }
0xb1: {  	v44 =	vld [tilespmem:s15+$0xFFFFFF30];
	v60 =	vmul.f32 v42, v53;
	v13 =	vadd.f32 v55, v13;
	v20 =	vadd.f32 v62, v20  }
0xb2: {  	v42 =	vld [tilespmem:s15+$0xFFFFFF40];
	v61 =	vmul.f32 v43, v53;
	v19 =	vadd.f32 v63, v19;
	v16 =	vadd.f32 v51, v16  }
0xb3: {  	v43 =	vld [tilespmem:s15+$0xFFFFFF50];
	v50 =	vmul.f32 v40, v53;
	v15 =	vadd.f32 v52, v15;
	v12 =	vadd.f32 v56, v12  }
0xb4: {  	v40 =	vld [tilespmem:s15+$0xFFFFFF60];
	v11 =	vadd.f32 v57, v11;
	v10 =	vadd.f32 v58, v10;
	v62 =	vbroadcast v4, $0x6  }
0xb5: {  	v9 =	vadd.f32 v59, v9;
	v63 =	vmul.f32 v39, v53;
	v56 =	vbroadcast v1, $0x6  }
0xb6: {  	v49 =	vld [tilespmem:s15+$0xFFFFFF10];
	v8 =	vadd.f32 v60, v8;
	v51 =	vmul.f32 v41, v62;
	v59 =	vmul.f32 v38, v62  }
0xb7: {  	v7 =	vadd.f32 v61, v7;
	v60 =	vmul.f32 v41, v56;
	v53 =	vmul.f32 v48, v62  }
0xb8: {  	v5 =	vadd.f32 v50, v5;
	v54 =	vmul.f32 v44, v62;
	v55 =	vmul.f32 v42, v62  }
0xb9: {  	v6 =	vadd.f32 v63, v6;
	v57 =	vmul.f32 v43, v62;
	v58 =	vmul.f32 v40, v62  }
0xba: {  	v63 =	vmul.f32 v44, v56;
	v50 =	vmul.f32 v42, v56;
	v36 =	vadd.f32 v51, v36  }
0xbb: {  	v52 =	vmul.f32 v49, v62;
	v29 =	vadd.f32 v59, v29;
	v28 =	vadd.f32 v60, v28  }
0xbc: {  	v61 =	vmul.f32 v49, v56;
	v34 =	vadd.f32 v53, v34;
	v33 =	vadd.f32 v54, v33  }
0xbd: {  	v62 =	vmul.f32 v48, v56;
	v32 =	vadd.f32 v55, v32;
	v31 =	vadd.f32 v57, v31  }
0xbe: {  	v51 =	vmul.f32 v43, v56;
	v30 =	vadd.f32 v58, v30;
	v25 =	vadd.f32 v63, v25  }
0xbf: {  	v24 =	vadd.f32 v50, v24;
	v35 =	vadd.f32 v52, v35;
	v52 =	vbroadcast v2, $0x6  }
0xc0: {  	v53 =	vmul.f32 v40, v56;
	v54 =	vmul.f32 v38, v56;
	v27 =	vadd.f32 v61, v27  }
0xc1: {  	v26 =	vadd.f32 v62, v26;
	v61 =	vbroadcast v3, $0x6;
	v55 =	vmul.f32 v41, v52  }
0xc2: {  	v23 =	vadd.f32 v51, v23;
	v56 =	vmul.f32 v49, v52;
	v57 =	vmul.f32 v48, v52  }
0xc3: {  	v22 =	vadd.f32 v53, v22;
	v58 =	vmul.f32 v44, v52;
	v59 =	vmul.f32 v42, v52  }
0xc4: {  	v21 =	vadd.f32 v54, v21;
	v60 =	vmul.f32 v43, v52;
	v62 =	vmul.f32 v40, v52  }
0xc5: {  	v63 =	vmul.f32 v38, v52;
	v52 =	vmul.f32 v41, v61;
	v20 =	vadd.f32 v55, v20  }
0xc6: {  	v37 =	vld [tilespmem:s15+$0xFFFFFFF0];
	v53 =	vmul.f32 v49, v61;
	v19 =	vadd.f32 v56, v19;
	v18 =	vadd.f32 v57, v18  }
0xc7: {  	v47 =	vld [tilespmem:s15+$0xFFFFFF80];
	v54 =	vmul.f32 v48, v61;
	v17 =	vadd.f32 v58, v17;
	v16 =	vadd.f32 v59, v16  }
0xc8: {  	v46 =	vld [tilespmem:s15+$0xFFFFFFA0];
	v40 =	vmul.f32 v40, v61;
	v15 =	vadd.f32 v60, v15;
	v14 =	vadd.f32 v62, v14  }
0xc9: {  	v39 =	vld [tilespmem:s15+$0xFFFFFFE0];
	v38 =	vmul.f32 v38, v61;
	v13 =	vadd.f32 v63, v13;
	v12 =	vadd.f32 v52, v12  }
0xca: {  	v11 =	vadd.f32 v53, v11;
	v55 =	vmul.f32 v44, v61;
	v56 =	vmul.f32 v42, v61  }
0xcb: {  	v49 =	vld [tilespmem:s15+$0xFFFFFF90];
	v10 =	vadd.f32 v54, v10;
	v57 =	vbroadcast v4, $0x7;
	v58 =	vmul.f32 v43, v61  }
0xcc: {  	v41 =	vld [tilespmem:s15+$0xFFFFFFB0];
	v6 =	vadd.f32 v40, v6;
	v5 =	vadd.f32 v38, v5;
	v53 =	vbroadcast v1, $0x7  }
0xcd: {  	v42 =	vld [tilespmem:s15+$0xFFFFFFC0];
	v9 =	vadd.f32 v55, v9;
	v59 =	vmul.f32 v47, v57;
	v61 =	vmul.f32 v46, v57  }
0xce: {  	v43 =	vld [tilespmem:s15+$0xFFFFFFD0];
	v8 =	vadd.f32 v56, v8;
	v54 =	vmul.f32 v39, v57;
	v55 =	vmul.f32 v37, v57  }
0xcf: {  	v7 =	vadd.f32 v58, v7;
	v56 =	vmul.f32 v47, v53;
	v58 =	vmul.f32 v46, v53  }
0xd0: {  	v60 =	vmul.f32 v49, v57;
	v36 =	vadd.f32 v59, v36;
	v34 =	vadd.f32 v61, v34  }
0xd1: {  	v62 =	vmul.f32 v41, v57;
	v30 =	vadd.f32 v54, v30;
	v29 =	vadd.f32 v55, v29  }
0xd2: {  	v59 =	vmul.f32 v41, v53;
	v26 =	vadd.f32 v58, v26;
	v58 =	vbroadcast v3, $0x7  }
0xd3: {  	v28 =	vadd.f32 v56, v28;
	v63 =	vmul.f32 v42, v57;
	v52 =	vmul.f32 v43, v57  }
0xd4: {  	v35 =	vadd.f32 v60, v35;
	v57 =	vmul.f32 v49, v53;
	v60 =	vmul.f32 v42, v53  }
0xd5: {  	v33 =	vadd.f32 v62, v33;
	v61 =	vmul.f32 v43, v53;
	v62 =	vbroadcast v2, $0x7  }
0xd6: {  	v25 =	vadd.f32 v59, v25;
	v32 =	vadd.f32 v63, v32;
	v63 =	vmul.f32 v39, v53  }
0xd7: {  	v31 =	vadd.f32 v52, v31;
	v52 =	vmul.f32 v37, v53;
	v53 =	vmul.f32 v47, v62  }
0xd8: {  	v27 =	vadd.f32 v57, v27;
	v54 =	vmul.f32 v49, v62;
	v55 =	vmul.f32 v46, v62  }
0xd9: {  	v24 =	vadd.f32 v60, v24;
	v56 =	vmul.f32 v41, v62;
	v57 =	vmul.f32 v42, v62  }
0xda: {  	v23 =	vadd.f32 v61, v23;
	v59 =	vmul.f32 v43, v62;
	v60 =	vmul.f32 v39, v62  }
0xdb: {  	v61 =	vmul.f32 v37, v62;
	v22 =	vadd.f32 v63, v22;
	v21 =	vadd.f32 v52, v21  }
0xdc: {  	v62 =	vmul.f32 v47, v58;
	v20 =	vadd.f32 v53, v20;
	v19 =	vadd.f32 v54, v19  }
0xdd: {  	v50 =	vld [tilespmem:s15+$0x0];
	v37 =	vmul.f32 v37, v58;
	v18 =	vadd.f32 v55, v18;
	v17 =	vadd.f32 v56, v17  }
0xde: {  	v48 =	vld [tilespmem:s15+$0x20];
	v16 =	vadd.f32 v57, v16;
	v15 =	vadd.f32 v59, v15;
	v63 =	vmul.f32 v49, v58  }
0xdf: {  	v44 =	vld [tilespmem:s15+$0x30];
	v14 =	vadd.f32 v60, v14;
	v52 =	vmul.f32 v46, v58;
	v53 =	vmul.f32 v41, v58  }
0xe0: {  	v40 =	vld [tilespmem:s15+$0x70];
	v13 =	vadd.f32 v61, v13;
	v54 =	vmul.f32 v42, v58;
	v55 =	vmul.f32 v43, v58  }
0xe1: {  	v47 =	vld [tilespmem:s15+$0x10];
	v12 =	vadd.f32 v62, v12;
	v56 =	vbroadcast v4, $0x8;
	v57 =	vmul.f32 v39, v58  }
0xe2: {  	v5 =	vadd.f32 v37, v5;
	v49 =	vbroadcast v1, $0x8;
	v11 =	vadd.f32 v63, v11  }
0xe3: {  	v42 =	vld [tilespmem:s15+$0x40];
	v10 =	vadd.f32 v52, v10;
	v9 =	vadd.f32 v53, v9;
	v58 =	vmul.f32 v50, v56  }
0xe4: {  	v43 =	vld [tilespmem:s15+$0x50];
	v8 =	vadd.f32 v54, v8;
	v60 =	vmul.f32 v48, v56;
	v61 =	vmul.f32 v44, v56  }
0xe5: {  	v39 =	vld [tilespmem:s15+$0x60];
	v7 =	vadd.f32 v55, v7;
	v52 =	vmul.f32 v40, v56;
	v53 =	vmul.f32 v50, v49  }
0xe6: {  	v6 =	vadd.f32 v57, v6;
	v55 =	vmul.f32 v48, v49;
	v59 =	vmul.f32 v47, v56  }
0xe7: {  	v54 =	vmul.f32 v47, v49;
	v36 =	vadd.f32 v58, v36;
	v34 =	vadd.f32 v60, v34  }
0xe8: {  	v33 =	vadd.f32 v61, v33;
	v58 =	vbroadcast v2, $0x8;
	v61 =	vmul.f32 v40, v49  }
0xe9: {  	v28 =	vadd.f32 v53, v28;
	v53 =	vbroadcast v3, $0x8;
	v62 =	vmul.f32 v42, v56  }
0xea: {  	v29 =	vadd.f32 v52, v29;
	v63 =	vmul.f32 v43, v56;
	v51 =	vmul.f32 v39, v56  }
0xeb: {  	v26 =	vadd.f32 v55, v26;
	v56 =	vmul.f32 v44, v49;
	v57 =	vmul.f32 v42, v49  }
0xec: {  	v35 =	vadd.f32 v59, v35;
	v59 =	vmul.f32 v43, v49;
	v60 =	vmul.f32 v39, v49  }
0xed: {  	v27 =	vadd.f32 v54, v27;
	v46 =	vmul.f32 v48, v58;
	v49 =	vmul.f32 v44, v58  }
0xee: {  	v21 =	vadd.f32 v61, v21;
	v52 =	vmul.f32 v43, v58;
	v54 =	vmul.f32 v39, v58  }
0xef: {  	v55 =	vmul.f32 v40, v58;
	v32 =	vadd.f32 v62, v32;
	v31 =	vadd.f32 v63, v31  }
0xf0: {  	v61 =	vmul.f32 v43, v53;
	v30 =	vadd.f32 v51, v30;
	v25 =	vadd.f32 v56, v25  }
0xf1: {  	v24 =	vadd.f32 v57, v24;
	v62 =	vmul.f32 v50, v58;
	v23 =	vadd.f32 v59, v23  }
0xf2: {  	v38 =	vld [tilespmem:s15+$0xF0];
	v22 =	vadd.f32 v60, v22;
	v63 =	vmul.f32 v47, v58;
	v51 =	vmul.f32 v42, v58  }
0xf3: {  	v41 =	vld [tilespmem:s15+$0x80];
	v56 =	vmul.f32 v50, v53;
	v57 =	vmul.f32 v47, v53;
	v18 =	vadd.f32 v46, v18  }
0xf4: {  	v43 =	vld [tilespmem:s15+$0xD0];
	v58 =	vmul.f32 v48, v53;
	v17 =	vadd.f32 v49, v17;
	v15 =	vadd.f32 v52, v15  }
0xf5: {  	v48 =	vld [tilespmem:s15+$0xA0];
	v59 =	vmul.f32 v44, v53;
	v14 =	vadd.f32 v54, v14;
	v13 =	vadd.f32 v55, v13  }
0xf6: {  	v44 =	vld [tilespmem:s15+$0xB0];
	v60 =	vmul.f32 v42, v53;
	v7 =	vadd.f32 v61, v7;
	v20 =	vadd.f32 v62, v20  }
0xf7: {  	v42 =	vld [tilespmem:s15+$0xC0];
	v50 =	vmul.f32 v40, v53;
	v19 =	vadd.f32 v63, v19;
	v16 =	vadd.f32 v51, v16  }
0xf8: {  	v40 =	vld [tilespmem:s15+$0xE0];
	v12 =	vadd.f32 v56, v12;
	v11 =	vadd.f32 v57, v11;
	v62 =	vbroadcast v4, $0x9  }
0xf9: {  	v10 =	vadd.f32 v58, v10;
	v63 =	vmul.f32 v39, v53;
	v56 =	vbroadcast v1, $0x9  }
0xfa: {  	v49 =	vld [tilespmem:s15+$0x90];
	v9 =	vadd.f32 v59, v9;
	v51 =	vmul.f32 v41, v62;
	v57 =	vmul.f32 v43, v62  }
0xfb: {  	v8 =	vadd.f32 v60, v8;
	v59 =	vmul.f32 v38, v62;
	v60 =	vmul.f32 v41, v56  }
0xfc: {  	v5 =	vadd.f32 v50, v5;
	v53 =	vmul.f32 v48, v62;
	v54 =	vmul.f32 v44, v62  }
0xfd: {  	v6 =	vadd.f32 v63, v6;
	v55 =	vmul.f32 v42, v62;
	v58 =	vmul.f32 v40, v62  }
0xfe: {  	v63 =	vmul.f32 v44, v56;
	v50 =	vmul.f32 v42, v56;
	v36 =	vadd.f32 v51, v36  }
0xff: {  	v52 =	vmul.f32 v49, v62;
	v31 =	vadd.f32 v57, v31;
	v29 =	vadd.f32 v59, v29  }
0x100: {  	v61 =	vmul.f32 v49, v56;
	v28 =	vadd.f32 v60, v28;
	v34 =	vadd.f32 v53, v34  }
0x101: {  	v62 =	vmul.f32 v48, v56;
	v33 =	vadd.f32 v54, v33;
	v32 =	vadd.f32 v55, v32  }
0x102: {  	v51 =	vmul.f32 v43, v56;
	v30 =	vadd.f32 v58, v30;
	v25 =	vadd.f32 v63, v25  }
0x103: {  	v24 =	vadd.f32 v50, v24;
	v35 =	vadd.f32 v52, v35;
	v52 =	vbroadcast v2, $0x9  }
0x104: {  	v53 =	vmul.f32 v40, v56;
	v54 =	vmul.f32 v38, v56;
	v27 =	vadd.f32 v61, v27  }
0x105: {  	v26 =	vadd.f32 v62, v26;
	v61 =	vbroadcast v3, $0x9;
	v55 =	vmul.f32 v41, v52  }
0x106: {  	v23 =	vadd.f32 v51, v23;
	v56 =	vmul.f32 v49, v52;
	v57 =	vmul.f32 v48, v52  }
0x107: {  	v22 =	vadd.f32 v53, v22;
	v58 =	vmul.f32 v44, v52;
	v59 =	vmul.f32 v42, v52  }
0x108: {  	v21 =	vadd.f32 v54, v21;
	v60 =	vmul.f32 v43, v52;
	v62 =	vmul.f32 v40, v52  }
0x109: {  	v63 =	vmul.f32 v38, v52;
	v52 =	vmul.f32 v41, v61;
	v20 =	vadd.f32 v55, v20  }
0x10a: {  	v37 =	vld [tilespmem:s15+$0x170];
	v53 =	vmul.f32 v49, v61;
	v19 =	vadd.f32 v56, v19;
	v18 =	vadd.f32 v57, v18  }
0x10b: {  	v47 =	vld [tilespmem:s15+$0x100];
	v54 =	vmul.f32 v48, v61;
	v17 =	vadd.f32 v58, v17;
	v16 =	vadd.f32 v59, v16  }
0x10c: {  	v46 =	vld [tilespmem:s15+$0x120];
	v40 =	vmul.f32 v40, v61;
	v15 =	vadd.f32 v60, v15;
	v14 =	vadd.f32 v62, v14  }
0x10d: {  	v39 =	vld [tilespmem:s15+$0x160];
	v38 =	vmul.f32 v38, v61;
	v13 =	vadd.f32 v63, v13;
	v12 =	vadd.f32 v52, v12  }
0x10e: {  	v11 =	vadd.f32 v53, v11;
	v55 =	vmul.f32 v44, v61;
	v56 =	vmul.f32 v42, v61  }
0x10f: {  	v49 =	vld [tilespmem:s15+$0x110];
	v10 =	vadd.f32 v54, v10;
	v57 =	vbroadcast v4, $0xA;
	v58 =	vmul.f32 v43, v61  }
0x110: {  	v41 =	vld [tilespmem:s15+$0x130];
	v6 =	vadd.f32 v40, v6;
	v5 =	vadd.f32 v38, v5;
	v53 =	vbroadcast v1, $0xA  }
0x111: {  	v42 =	vld [tilespmem:s15+$0x140];
	v9 =	vadd.f32 v55, v9;
	v59 =	vmul.f32 v47, v57;
	v61 =	vmul.f32 v46, v57  }
0x112: {  	v43 =	vld [tilespmem:s15+$0x150];
	v8 =	vadd.f32 v56, v8;
	v54 =	vmul.f32 v39, v57;
	v55 =	vmul.f32 v37, v57  }
0x113: {  	v7 =	vadd.f32 v58, v7;
	v56 =	vmul.f32 v47, v53;
	v58 =	vmul.f32 v46, v53  }
0x114: {  	v60 =	vmul.f32 v49, v57;
	v36 =	vadd.f32 v59, v36;
	v34 =	vadd.f32 v61, v34  }
0x115: {  	v62 =	vmul.f32 v41, v57;
	v30 =	vadd.f32 v54, v30;
	v29 =	vadd.f32 v55, v29  }
0x116: {  	v59 =	vmul.f32 v41, v53;
	v26 =	vadd.f32 v58, v26;
	v58 =	vbroadcast v3, $0xA  }
0x117: {  	v28 =	vadd.f32 v56, v28;
	v63 =	vmul.f32 v42, v57;
	v52 =	vmul.f32 v43, v57  }
0x118: {  	v35 =	vadd.f32 v60, v35;
	v57 =	vmul.f32 v49, v53;
	v60 =	vmul.f32 v42, v53  }
0x119: {  	v33 =	vadd.f32 v62, v33;
	v61 =	vmul.f32 v43, v53;
	v62 =	vbroadcast v2, $0xA  }
0x11a: {  	v25 =	vadd.f32 v59, v25;
	v32 =	vadd.f32 v63, v32;
	v63 =	vmul.f32 v39, v53  }
0x11b: {  	v31 =	vadd.f32 v52, v31;
	v52 =	vmul.f32 v37, v53;
	v53 =	vmul.f32 v47, v62  }
0x11c: {  	v27 =	vadd.f32 v57, v27;
	v54 =	vmul.f32 v49, v62;
	v55 =	vmul.f32 v46, v62  }
0x11d: {  	v24 =	vadd.f32 v60, v24;
	v56 =	vmul.f32 v41, v62;
	v57 =	vmul.f32 v42, v62  }
0x11e: {  	v23 =	vadd.f32 v61, v23;
	v59 =	vmul.f32 v43, v62;
	v60 =	vmul.f32 v39, v62  }
0x11f: {  	v61 =	vmul.f32 v37, v62;
	v22 =	vadd.f32 v63, v22;
	v21 =	vadd.f32 v52, v21  }
0x120: {  	v62 =	vmul.f32 v47, v58;
	v20 =	vadd.f32 v53, v20;
	v19 =	vadd.f32 v54, v19  }
0x121: {  	v50 =	vld [tilespmem:s15+$0x180];
	v37 =	vmul.f32 v37, v58;
	v18 =	vadd.f32 v55, v18;
	v17 =	vadd.f32 v56, v17  }
0x122: {  	v48 =	vld [tilespmem:s15+$0x1A0];
	v16 =	vadd.f32 v57, v16;
	v15 =	vadd.f32 v59, v15;
	v63 =	vmul.f32 v49, v58  }
0x123: {  	v44 =	vld [tilespmem:s15+$0x1B0];
	v14 =	vadd.f32 v60, v14;
	v52 =	vmul.f32 v46, v58;
	v53 =	vmul.f32 v41, v58  }
0x124: {  	v40 =	vld [tilespmem:s15+$0x1F0];
	v13 =	vadd.f32 v61, v13;
	v54 =	vmul.f32 v42, v58;
	v55 =	vmul.f32 v43, v58  }
0x125: {  	v47 =	vld [tilespmem:s15+$0x190];
	v12 =	vadd.f32 v62, v12;
	v56 =	vbroadcast v4, $0xB;
	v57 =	vmul.f32 v39, v58  }
0x126: {  	v5 =	vadd.f32 v37, v5;
	v49 =	vbroadcast v1, $0xB;
	v11 =	vadd.f32 v63, v11  }
0x127: {  	v42 =	vld [tilespmem:s15+$0x1C0];
	v10 =	vadd.f32 v52, v10;
	v9 =	vadd.f32 v53, v9;
	v58 =	vmul.f32 v50, v56  }
0x128: {  	v43 =	vld [tilespmem:s15+$0x1D0];
	v8 =	vadd.f32 v54, v8;
	v60 =	vmul.f32 v48, v56;
	v61 =	vmul.f32 v44, v56  }
0x129: {  	v39 =	vld [tilespmem:s15+$0x1E0];
	v7 =	vadd.f32 v55, v7;
	v52 =	vmul.f32 v40, v56;
	v53 =	vmul.f32 v50, v49  }
0x12a: {  	v6 =	vadd.f32 v57, v6;
	v55 =	vmul.f32 v48, v49;
	v59 =	vmul.f32 v47, v56  }
0x12b: {  	v54 =	vmul.f32 v47, v49;
	v36 =	vadd.f32 v58, v36;
	v34 =	vadd.f32 v60, v34  }
0x12c: {  	v33 =	vadd.f32 v61, v33;
	v58 =	vbroadcast v2, $0xB;
	v61 =	vmul.f32 v40, v49  }
0x12d: {  	v28 =	vadd.f32 v53, v28;
	v53 =	vbroadcast v3, $0xB;
	v62 =	vmul.f32 v42, v56  }
0x12e: {  	v29 =	vadd.f32 v52, v29;
	v63 =	vmul.f32 v43, v56;
	v51 =	vmul.f32 v39, v56  }
0x12f: {  	v26 =	vadd.f32 v55, v26;
	v56 =	vmul.f32 v44, v49;
	v57 =	vmul.f32 v42, v49  }
0x130: {  	v35 =	vadd.f32 v59, v35;
	v59 =	vmul.f32 v43, v49;
	v60 =	vmul.f32 v39, v49  }
0x131: {  	v27 =	vadd.f32 v54, v27;
	v46 =	vmul.f32 v48, v58;
	v49 =	vmul.f32 v44, v58  }
0x132: {  	v21 =	vadd.f32 v61, v21;
	v52 =	vmul.f32 v43, v58;
	v54 =	vmul.f32 v39, v58  }
0x133: {  	v55 =	vmul.f32 v40, v58;
	v32 =	vadd.f32 v62, v32;
	v31 =	vadd.f32 v63, v31  }
0x134: {  	v61 =	vmul.f32 v43, v53;
	v30 =	vadd.f32 v51, v30;
	v25 =	vadd.f32 v56, v25  }
0x135: {  	v24 =	vadd.f32 v57, v24;
	v62 =	vmul.f32 v50, v58;
	v23 =	vadd.f32 v59, v23  }
0x136: {  	v38 =	vld [tilespmem:s15+$0x270];
	v22 =	vadd.f32 v60, v22;
	v63 =	vmul.f32 v47, v58;
	v51 =	vmul.f32 v42, v58  }
0x137: {  	v41 =	vld [tilespmem:s15+$0x200];
	v56 =	vmul.f32 v50, v53;
	v57 =	vmul.f32 v47, v53;
	v18 =	vadd.f32 v46, v18  }
0x138: {  	v43 =	vld [tilespmem:s15+$0x250];
	v58 =	vmul.f32 v48, v53;
	v17 =	vadd.f32 v49, v17;
	v15 =	vadd.f32 v52, v15  }
0x139: {  	v48 =	vld [tilespmem:s15+$0x220];
	v59 =	vmul.f32 v44, v53;
	v14 =	vadd.f32 v54, v14;
	v13 =	vadd.f32 v55, v13  }
0x13a: {  	v44 =	vld [tilespmem:s15+$0x230];
	v60 =	vmul.f32 v42, v53;
	v7 =	vadd.f32 v61, v7;
	v20 =	vadd.f32 v62, v20  }
0x13b: {  	v42 =	vld [tilespmem:s15+$0x240];
	v50 =	vmul.f32 v40, v53;
	v19 =	vadd.f32 v63, v19;
	v16 =	vadd.f32 v51, v16  }
0x13c: {  	v40 =	vld [tilespmem:s15+$0x260];
	v12 =	vadd.f32 v56, v12;
	v11 =	vadd.f32 v57, v11;
	v62 =	vbroadcast v4, $0xC  }
0x13d: {  	v10 =	vadd.f32 v58, v10;
	v63 =	vmul.f32 v39, v53;
	v56 =	vbroadcast v1, $0xC  }
0x13e: {  	v49 =	vld [tilespmem:s15+$0x210];
	v9 =	vadd.f32 v59, v9;
	v51 =	vmul.f32 v41, v62;
	v57 =	vmul.f32 v43, v62  }
0x13f: {  	v8 =	vadd.f32 v60, v8;
	v59 =	vmul.f32 v38, v62;
	v60 =	vmul.f32 v41, v56  }
0x140: {  	v5 =	vadd.f32 v50, v5;
	v53 =	vmul.f32 v48, v62;
	v54 =	vmul.f32 v44, v62  }
0x141: {  	v6 =	vadd.f32 v63, v6;
	v55 =	vmul.f32 v42, v62;
	v58 =	vmul.f32 v40, v62  }
0x142: {  	v63 =	vmul.f32 v44, v56;
	v50 =	vmul.f32 v42, v56;
	v36 =	vadd.f32 v51, v36  }
0x143: {  	v52 =	vmul.f32 v49, v62;
	v31 =	vadd.f32 v57, v31;
	v29 =	vadd.f32 v59, v29  }
0x144: {  	v61 =	vmul.f32 v49, v56;
	v28 =	vadd.f32 v60, v28;
	v34 =	vadd.f32 v53, v34  }
0x145: {  	v62 =	vmul.f32 v48, v56;
	v33 =	vadd.f32 v54, v33;
	v32 =	vadd.f32 v55, v32  }
0x146: {  	v51 =	vmul.f32 v43, v56;
	v30 =	vadd.f32 v58, v30;
	v25 =	vadd.f32 v63, v25  }
0x147: {  	v24 =	vadd.f32 v50, v24;
	v35 =	vadd.f32 v52, v35;
	v52 =	vbroadcast v2, $0xC  }
0x148: {  	v53 =	vmul.f32 v40, v56;
	v54 =	vmul.f32 v38, v56;
	v27 =	vadd.f32 v61, v27  }
0x149: {  	v26 =	vadd.f32 v62, v26;
	v61 =	vbroadcast v3, $0xC;
	v55 =	vmul.f32 v41, v52  }
0x14a: {  	v23 =	vadd.f32 v51, v23;
	v56 =	vmul.f32 v49, v52;
	v57 =	vmul.f32 v48, v52  }
0x14b: {  	v22 =	vadd.f32 v53, v22;
	v58 =	vmul.f32 v44, v52;
	v59 =	vmul.f32 v42, v52  }
0x14c: {  	v21 =	vadd.f32 v54, v21;
	v60 =	vmul.f32 v43, v52;
	v62 =	vmul.f32 v40, v52  }
0x14d: {  	v63 =	vmul.f32 v38, v52;
	v52 =	vmul.f32 v41, v61;
	v20 =	vadd.f32 v55, v20  }
0x14e: {  	v37 =	vld [tilespmem:s15+$0x2F0];
	v53 =	vmul.f32 v49, v61;
	v19 =	vadd.f32 v56, v19;
	v18 =	vadd.f32 v57, v18  }
0x14f: {  	v47 =	vld [tilespmem:s15+$0x280];
	v54 =	vmul.f32 v48, v61;
	v17 =	vadd.f32 v58, v17;
	v16 =	vadd.f32 v59, v16  }
0x150: {  	v46 =	vld [tilespmem:s15+$0x2A0];
	v40 =	vmul.f32 v40, v61;
	v15 =	vadd.f32 v60, v15;
	v14 =	vadd.f32 v62, v14  }
0x151: {  	v39 =	vld [tilespmem:s15+$0x2E0];
	v38 =	vmul.f32 v38, v61;
	v13 =	vadd.f32 v63, v13;
	v12 =	vadd.f32 v52, v12  }
0x152: {  	v11 =	vadd.f32 v53, v11;
	v55 =	vmul.f32 v44, v61;
	v56 =	vmul.f32 v42, v61  }
0x153: {  	v49 =	vld [tilespmem:s15+$0x290];
	v10 =	vadd.f32 v54, v10;
	v57 =	vbroadcast v4, $0xD;
	v58 =	vmul.f32 v43, v61  }
0x154: {  	v41 =	vld [tilespmem:s15+$0x2B0];
	v6 =	vadd.f32 v40, v6;
	v5 =	vadd.f32 v38, v5;
	v53 =	vbroadcast v1, $0xD  }
0x155: {  	v42 =	vld [tilespmem:s15+$0x2C0];
	v9 =	vadd.f32 v55, v9;
	v59 =	vmul.f32 v47, v57;
	v61 =	vmul.f32 v46, v57  }
0x156: {  	v43 =	vld [tilespmem:s15+$0x2D0];
	v8 =	vadd.f32 v56, v8;
	v54 =	vmul.f32 v39, v57;
	v55 =	vmul.f32 v37, v57  }
0x157: {  	v7 =	vadd.f32 v58, v7;
	v56 =	vmul.f32 v47, v53;
	v58 =	vmul.f32 v46, v53  }
0x158: {  	v60 =	vmul.f32 v49, v57;
	v36 =	vadd.f32 v59, v36;
	v34 =	vadd.f32 v61, v34  }
0x159: {  	v62 =	vmul.f32 v41, v57;
	v30 =	vadd.f32 v54, v30;
	v29 =	vadd.f32 v55, v29  }
0x15a: {  	v59 =	vmul.f32 v41, v53;
	v26 =	vadd.f32 v58, v26;
	v58 =	vbroadcast v3, $0xD  }
0x15b: {  	v28 =	vadd.f32 v56, v28;
	v63 =	vmul.f32 v42, v57;
	v52 =	vmul.f32 v43, v57  }
0x15c: {  	v35 =	vadd.f32 v60, v35;
	v57 =	vmul.f32 v49, v53;
	v60 =	vmul.f32 v42, v53  }
0x15d: {  	v33 =	vadd.f32 v62, v33;
	v61 =	vmul.f32 v43, v53;
	v62 =	vbroadcast v2, $0xD  }
0x15e: {  	v25 =	vadd.f32 v59, v25;
	v51 =	vmul.f32 v41, v58;
	v32 =	vadd.f32 v63, v32  }
0x15f: {  	v31 =	vadd.f32 v52, v31;
	v63 =	vmul.f32 v39, v53;
	v52 =	vmul.f32 v37, v53  }
0x160: {  	v27 =	vadd.f32 v57, v27;
	v53 =	vmul.f32 v47, v62;
	v54 =	vmul.f32 v49, v62  }
0x161: {  	v24 =	vadd.f32 v60, v24;
	v55 =	vmul.f32 v46, v62;
	v56 =	vmul.f32 v41, v62  }
0x162: {  	v23 =	vadd.f32 v61, v23;
	v57 =	vmul.f32 v42, v62;
	v59 =	vmul.f32 v43, v62  }
0x163: {  	v60 =	vmul.f32 v39, v62;
	v9 =	vadd.f32 v51, v9;
	v22 =	vadd.f32 v63, v22  }
0x164: {  	v61 =	vmul.f32 v37, v62;
	v21 =	vadd.f32 v52, v21;
	v20 =	vadd.f32 v53, v20  }
0x165: {  	v62 =	vmul.f32 v47, v58;
	v19 =	vadd.f32 v54, v19;
	v18 =	vadd.f32 v55, v18  }
0x166: {  	v50 =	vld [tilespmem:s15+$0x300];
	v37 =	vmul.f32 v37, v58;
	v17 =	vadd.f32 v56, v17;
	v16 =	vadd.f32 v57, v16  }
0x167: {  	v48 =	vld [tilespmem:s15+$0x320];
	v15 =	vadd.f32 v59, v15;
	v14 =	vadd.f32 v60, v14;
	v63 =	vmul.f32 v49, v58  }
0x168: {  	v44 =	vld [tilespmem:s15+$0x330];
	v13 =	vadd.f32 v61, v13;
	v49 =	vmul.f32 v46, v58;
	v52 =	vmul.f32 v42, v58  }
0x169: {  	v40 =	vld [tilespmem:s15+$0x370];
	v12 =	vadd.f32 v62, v12;
	v53 =	vmul.f32 v43, v58;
	v54 =	vbroadcast v4, $0xE  }
0x16a: {  	v47 =	vld [tilespmem:s15+$0x310];
	v55 =	vmul.f32 v39, v58;
	v5 =	vadd.f32 v37, v5;
	v62 =	vbroadcast v1, $0xE  }
0x16b: {  	v4 =	vbroadcast v4, $0xF;
	v1 =	vbroadcast v1, $0xF;
	v11 =	vadd.f32 v63, v11  }
0x16c: {  	v42 =	vld [tilespmem:s15+$0x340];
	v10 =	vadd.f32 v49, v10;
	v8 =	vadd.f32 v52, v8;
	v56 =	vmul.f32 v50, v54  }
0x16d: {  	v43 =	vld [tilespmem:s15+$0x350];
	v7 =	vadd.f32 v53, v7;
	v58 =	vmul.f32 v48, v54;
	v59 =	vmul.f32 v44, v54  }
0x16e: {  	v39 =	vld [tilespmem:s15+$0x360];
	v6 =	vadd.f32 v55, v6;
	v49 =	vmul.f32 v40, v54;
	v51 =	vmul.f32 v50, v62  }
0x16f: {  	v53 =	vmul.f32 v48, v62;
	v57 =	vmul.f32 v47, v54;
	v36 =	vadd.f32 v56, v36  }
0x170: {  	v52 =	vmul.f32 v47, v62;
	v34 =	vadd.f32 v58, v34;
	v33 =	vadd.f32 v59, v33  }
0x171: {  	v29 =	vadd.f32 v49, v29;
	v56 =	vbroadcast v2, $0xE;
	v59 =	vmul.f32 v40, v62  }
0x172: {  	v28 =	vadd.f32 v51, v28;
	v2 =	vbroadcast v2, $0xF;
	v60 =	vmul.f32 v42, v54  }
0x173: {  	v26 =	vadd.f32 v53, v26;
	v61 =	vmul.f32 v43, v54;
	v63 =	vmul.f32 v39, v54  }
0x174: {  	v35 =	vadd.f32 v57, v35;
	v54 =	vmul.f32 v44, v62;
	v55 =	vmul.f32 v42, v62  }
0x175: {  	v27 =	vadd.f32 v52, v27;
	v57 =	vmul.f32 v43, v62;
	v58 =	vmul.f32 v39, v62  }
0x176: {  	v52 =	vbroadcast v3, $0xE;
	v3 =	vbroadcast v3, $0xF;
	v21 =	vadd.f32 v59, v21  }
0x177: {  	v62 =	vmul.f32 v48, v56;
	v49 =	vmul.f32 v42, v56;
	v32 =	vadd.f32 v60, v32  }
0x178: {  	v51 =	vmul.f32 v43, v56;
	v31 =	vadd.f32 v61, v31;
	v30 =	vadd.f32 v63, v30  }
0x179: {  	v53 =	vmul.f32 v39, v56;
	v25 =	vadd.f32 v54, v25;
	v24 =	vadd.f32 v55, v24  }
0x17a: {  	v60 =	vmul.f32 v50, v56;
	v23 =	vadd.f32 v57, v23;
	v61 =	vmul.f32 v47, v56  }
0x17b: {  	v22 =	vadd.f32 v58, v22;
	v63 =	vmul.f32 v44, v56;
	v54 =	vmul.f32 v40, v56  }
0x17c: {  	v41 =	vld [tilespmem:s15+$0x380];
	v55 =	vmul.f32 v50, v52;
	v56 =	vmul.f32 v47, v52;
	v18 =	vadd.f32 v62, v18  }
0x17d: {  	v57 =	vmul.f32 v48, v52;
	v48 =	vld [tilespmem:s15+$0x3A0];
	v16 =	vadd.f32 v49, v16;
	v15 =	vadd.f32 v51, v15  }
0x17e: {  	v58 =	vmul.f32 v44, v52;
	v44 =	vld [tilespmem:s15+$0x3B0];
	v14 =	vadd.f32 v53, v14;
	v20 =	vadd.f32 v60, v20  }
0x17f: {  	v59 =	vmul.f32 v42, v52;
	v42 =	vld [tilespmem:s15+$0x3C0];
	v19 =	vadd.f32 v61, v19;
	v17 =	vadd.f32 v63, v17  }
0x180: {  	v38 =	vld [tilespmem:s15+$0x3F0];
	v62 =	vmul.f32 v40, v52;
	v13 =	vadd.f32 v54, v13;
	v12 =	vadd.f32 v55, v12  }
0x181: {  	v49 =	vld [tilespmem:s15+$0x390];
	v11 =	vadd.f32 v56, v11;
	v10 =	vadd.f32 v57, v10;
	v60 =	vmul.f32 v43, v52  }
0x182: {  	v40 =	vld [tilespmem:s15+$0x3E0];
	v9 =	vadd.f32 v58, v9;
	v61 =	vmul.f32 v39, v52;
	v63 =	vmul.f32 v41, v4  }
0x183: {  	v43 =	vld [tilespmem:s15+$0x3D0];
	v8 =	vadd.f32 v59, v8;
	v56 =	vmul.f32 v41, v1;
	v51 =	vmul.f32 v48, v4  }
0x184: {  	v5 =	vadd.f32 v62, v5;
	v52 =	vmul.f32 v44, v4;
	v53 =	vmul.f32 v42, v4  }
0x185: {  	v7 =	vadd.f32 v60, v7;
	v58 =	vmul.f32 v44, v1;
	v59 =	vmul.f32 v42, v1  }
0x186: {  	v6 =	vadd.f32 v61, v6;
	v62 =	vmul.f32 v48, v2;
	v50 =	vmul.f32 v49, v4  }
0x187: {  	v36 =	vadd.f32 v63, v36;
	v55 =	vmul.f32 v40, v4;
	v57 =	vmul.f32 v49, v1  }
0x188: {  	v28 =	vadd.f32 v56, v28;
	v54 =	vmul.f32 v43, v4;
	v4 =	vmul.f32 v38, v4  }
0x189: {  	v60 =	vmul.f32 v40, v1;
	v61 =	vmul.f32 v49, v2;
	v34 =	vadd.f32 v51, v34  }
0x18a: {  	v33 =	vadd.f32 v52, v33;
	v29 =	vadd.f32 v4, v29;
	v4 =	vmul.f32 v48, v1  }
0x18b: {  	v63 =	vmul.f32 v49, v3;
	v32 =	vadd.f32 v53, v32;
	v25 =	vadd.f32 v58, v25  }
0x18c: {  	v24 =	vadd.f32 v59, v24;
	v26 =	vadd.f32 v4, v26;
	v4 =	vmul.f32 v43, v1  }
0x18d: {  	v18 =	vadd.f32 v62, v18;
	v35 =	vadd.f32 v50, v35;
	v1 =	vmul.f32 v38, v1  }
0x18e: {  	v30 =	vadd.f32 v55, v30;
	v23 =	vadd.f32 v4, v23;
	v4 =	vmul.f32 v41, v2  }
0x18f: {  	v27 =	vadd.f32 v57, v27;
	v21 =	vadd.f32 v1, v21;
	v1 =	vmul.f32 v44, v2  }
0x190: {  	v22 =	vadd.f32 v60, v22;
	v20 =	vadd.f32 v4, v20;
	v4 =	vmul.f32 v42, v2  }
0x191: {  	v19 =	vadd.f32 v61, v19;
	v17 =	vadd.f32 v1, v17;
	v1 =	vmul.f32 v43, v2  }
0x192: {  	v16 =	vadd.f32 v4, v16;
	v4 =	vmul.f32 v40, v2;
	v2 =	vmul.f32 v38, v2  }
0x193: {  	v11 =	vadd.f32 v63, v11;
	v15 =	vadd.f32 v1, v15;
	v1 =	vmul.f32 v41, v3  }
0x194: {  	p1 =	sne.s32 s14, $0xFFFFFFC0;
	v31 =	vadd.f32 v54, v31;
	v13 =	vadd.f32 v2, v13;
	v2 =	vmul.f32 v48, v3  }
.Ltmp0:
0x195: {  	v14 =	vadd.f32 v4, v14;
	v12 =	vadd.f32 v1, v12;
	v1 =	vmul.f32 v44, v3;
	(pc) =	sbr.rel @p1 .LBB2_3-.Ltmp0, $4  }
0x196: {  	v4 =	vmul.f32 v43, v3;
	v10 =	vadd.f32 v2, v10;
	v2 =	vmul.f32 v42, v3  }
0x197: {  	v9 =	vadd.f32 v1, v9;
	v1 =	vmul.f32 v40, v3;
	v3 =	vmul.f32 v38, v3  }
0x198: {  	v7 =	vadd.f32 v4, v7;
	v8 =	vadd.f32 v2, v8  }
0x199: {  	s14 =	sadd.s32 $0x40, s14;
	s15 =	sadd.s32 $0x800, s15;
	v6 =	vadd.f32 v1, v6;
	v5 =	vadd.f32 v3, v5  }
0x19a: {  	v0 =	vld [tilespmem:$0x4400];
	_ =	sdelay $0x1  }
0x19b: {  	v1 =	vld [tilespmem:s13+$0x0]  }
0x19c: {  	v2 =	vmul.f32 $5.000000000e-01, v36;
	_ =	sdelay $0x1  }
0x19d: {  	v0 =	vadd.f32 v0, v2;
	_ =	sdelay $0x1  }
0x19e: {  	v0 =	vmul.f32 v0, v1;
	_ =	sdelay $0x1  }
0x19f: {  	[tilespmem:s13+$0x4480] =	vst v0  }
0x1a0: {  	v0 =	vld [tilespmem:$0x4410];
	_ =	sdelay $0x1  }
0x1a1: {  	v42 =	vld [tilespmem:s13+$0x10]  }
0x1a2: {  	v43 =	vmul.f32 $5.000000000e-01, v35;
	_ =	sdelay $0x1  }
0x1a3: {  	v0 =	vadd.f32 v0, v43;
	_ =	sdelay $0x1  }
0x1a4: {  	v0 =	vmul.f32 v0, v42;
	_ =	sdelay $0x1  }
0x1a5: {  	[tilespmem:s13+$0x4490] =	vst v0  }
0x1a6: {  	v0 =	vld [tilespmem:$0x4420];
	_ =	sdelay $0x1  }
0x1a7: {  	v44 =	vld [tilespmem:s13+$0x20]  }
0x1a8: {  	v45 =	vmul.f32 $5.000000000e-01, v34;
	_ =	sdelay $0x1  }
0x1a9: {  	v0 =	vadd.f32 v0, v45;
	_ =	sdelay $0x1  }
0x1aa: {  	v0 =	vmul.f32 v0, v44;
	_ =	sdelay $0x1  }
0x1ab: {  	[tilespmem:s13+$0x44A0] =	vst v0  }
0x1ac: {  	v0 =	vld [tilespmem:$0x4430];
	_ =	sdelay $0x1  }
0x1ad: {  	v46 =	vld [tilespmem:s13+$0x30]  }
0x1ae: {  	v47 =	vmul.f32 $5.000000000e-01, v33;
	_ =	sdelay $0x1  }
0x1af: {  	v0 =	vadd.f32 v0, v47;
	_ =	sdelay $0x1  }
0x1b0: {  	v0 =	vmul.f32 v0, v46;
	_ =	sdelay $0x1  }
0x1b1: {  	[tilespmem:s13+$0x44B0] =	vst v0  }
0x1b2: {  	v0 =	vld [tilespmem:$0x4440];
	_ =	sdelay $0x1  }
0x1b3: {  	v48 =	vld [tilespmem:s13+$0x40]  }
0x1b4: {  	v49 =	vmul.f32 $5.000000000e-01, v32;
	_ =	sdelay $0x1  }
0x1b5: {  	v0 =	vadd.f32 v0, v49;
	_ =	sdelay $0x1  }
0x1b6: {  	v0 =	vmul.f32 v0, v48;
	_ =	sdelay $0x1  }
0x1b7: {  	[tilespmem:s13+$0x44C0] =	vst v0  }
0x1b8: {  	v0 =	vld [tilespmem:$0x4450];
	_ =	sdelay $0x1  }
0x1b9: {  	v50 =	vld [tilespmem:s13+$0x50]  }
0x1ba: {  	v51 =	vmul.f32 $5.000000000e-01, v31;
	_ =	sdelay $0x1  }
0x1bb: {  	v0 =	vadd.f32 v0, v51;
	_ =	sdelay $0x1  }
0x1bc: {  	v0 =	vmul.f32 v0, v50;
	_ =	sdelay $0x1  }
0x1bd: {  	[tilespmem:s13+$0x44D0] =	vst v0  }
0x1be: {  	v0 =	vld [tilespmem:$0x4460];
	_ =	sdelay $0x1  }
0x1bf: {  	v52 =	vld [tilespmem:s13+$0x60]  }
0x1c0: {  	v53 =	vmul.f32 $5.000000000e-01, v30;
	_ =	sdelay $0x1  }
0x1c1: {  	v0 =	vadd.f32 v0, v53;
	_ =	sdelay $0x1  }
0x1c2: {  	v0 =	vmul.f32 v0, v52;
	_ =	sdelay $0x1  }
0x1c3: {  	[tilespmem:s13+$0x44E0] =	vst v0  }
0x1c4: {  	v0 =	vld [tilespmem:$0x4470];
	_ =	sdelay $0x1  }
0x1c5: {  	v54 =	vld [tilespmem:s13+$0x70]  }
0x1c6: {  	v55 =	vmul.f32 $5.000000000e-01, v29;
	_ =	sdelay $0x1  }
0x1c7: {  	v0 =	vadd.f32 v0, v55;
	_ =	sdelay $0x1  }
0x1c8: {  	v0 =	vmul.f32 v0, v54;
	_ =	sdelay $0x1  }
0x1c9: {  	[tilespmem:s13+$0x44F0] =	vst v0  }
0x1ca: {  	v0 =	vld [tilespmem:$0x4400];
	_ =	sdelay $0x1  }
0x1cb: {  	v56 =	vld [tilespmem:s13+$0x80]  }
0x1cc: {  	v57 =	vmul.f32 $5.000000000e-01, v28;
	_ =	sdelay $0x1  }
0x1cd: {  	v0 =	vadd.f32 v0, v57;
	_ =	sdelay $0x1  }
0x1ce: {  	v0 =	vmul.f32 v0, v56;
	_ =	sdelay $0x1  }
0x1cf: {  	[tilespmem:s13+$0x4500] =	vst v0  }
0x1d0: {  	v0 =	vld [tilespmem:$0x4410];
	_ =	sdelay $0x1  }
0x1d1: {  	v58 =	vld [tilespmem:s13+$0x90]  }
0x1d2: {  	v59 =	vmul.f32 $5.000000000e-01, v27;
	_ =	sdelay $0x1  }
0x1d3: {  	v0 =	vadd.f32 v0, v59;
	_ =	sdelay $0x1  }
0x1d4: {  	v0 =	vmul.f32 v0, v58;
	_ =	sdelay $0x1  }
0x1d5: {  	[tilespmem:s13+$0x4510] =	vst v0  }
0x1d6: {  	v0 =	vld [tilespmem:$0x4420];
	_ =	sdelay $0x1  }
0x1d7: {  	v60 =	vld [tilespmem:s13+$0xA0]  }
0x1d8: {  	v61 =	vmul.f32 $5.000000000e-01, v26;
	_ =	sdelay $0x1  }
0x1d9: {  	v0 =	vadd.f32 v0, v61;
	_ =	sdelay $0x1  }
0x1da: {  	v0 =	vmul.f32 v0, v60;
	_ =	sdelay $0x1  }
0x1db: {  	[tilespmem:s13+$0x4520] =	vst v0  }
0x1dc: {  	v0 =	vld [tilespmem:$0x4430];
	_ =	sdelay $0x1  }
0x1dd: {  	v62 =	vld [tilespmem:s13+$0xB0]  }
0x1de: {  	v63 =	vmul.f32 $5.000000000e-01, v25;
	_ =	sdelay $0x1  }
0x1df: {  	v0 =	vadd.f32 v0, v63;
	_ =	sdelay $0x1  }
0x1e0: {  	v0 =	vmul.f32 v0, v62;
	_ =	sdelay $0x1  }
0x1e1: {  	[tilespmem:s13+$0x4530] =	vst v0  }
0x1e2: {  	v0 =	vld [tilespmem:$0x4440];
	_ =	sdelay $0x1  }
0x1e3: {  	v4 =	vld [tilespmem:s13+$0xC0]  }
0x1e4: {  	v25 =	vmul.f32 $5.000000000e-01, v24;
	_ =	sdelay $0x1  }
0x1e5: {  	v0 =	vadd.f32 v0, v25;
	_ =	sdelay $0x1  }
0x1e6: {  	v0 =	vmul.f32 v0, v4;
	_ =	sdelay $0x1  }
0x1e7: {  	[tilespmem:s13+$0x4540] =	vst v0  }
0x1e8: {  	v0 =	vld [tilespmem:$0x4450];
	_ =	sdelay $0x1  }
0x1e9: {  	v26 =	vld [tilespmem:s13+$0xD0]  }
0x1ea: {  	v27 =	vmul.f32 $5.000000000e-01, v23;
	_ =	sdelay $0x1  }
0x1eb: {  	v0 =	vadd.f32 v0, v27;
	_ =	sdelay $0x1  }
0x1ec: {  	v0 =	vmul.f32 v0, v26;
	_ =	sdelay $0x1  }
0x1ed: {  	[tilespmem:s13+$0x4550] =	vst v0  }
0x1ee: {  	v0 =	vld [tilespmem:$0x4460];
	_ =	sdelay $0x1  }
0x1ef: {  	v28 =	vld [tilespmem:s13+$0xE0]  }
0x1f0: {  	v29 =	vmul.f32 $5.000000000e-01, v22;
	_ =	sdelay $0x1  }
0x1f1: {  	v0 =	vadd.f32 v0, v29;
	_ =	sdelay $0x1  }
0x1f2: {  	v0 =	vmul.f32 v0, v28;
	_ =	sdelay $0x1  }
0x1f3: {  	[tilespmem:s13+$0x4560] =	vst v0  }
0x1f4: {  	v0 =	vld [tilespmem:$0x4470];
	_ =	sdelay $0x1  }
0x1f5: {  	v30 =	vld [tilespmem:s13+$0xF0]  }
0x1f6: {  	v31 =	vmul.f32 $5.000000000e-01, v21;
	_ =	sdelay $0x1  }
0x1f7: {  	v0 =	vadd.f32 v0, v31;
	_ =	sdelay $0x1  }
0x1f8: {  	v0 =	vmul.f32 v0, v30;
	_ =	sdelay $0x1  }
0x1f9: {  	[tilespmem:s13+$0x4570] =	vst v0  }
0x1fa: {  	v0 =	vld [tilespmem:$0x4400];
	_ =	sdelay $0x1  }
0x1fb: {  	v32 =	vld [tilespmem:s13+$0x100]  }
0x1fc: {  	v33 =	vmul.f32 $5.000000000e-01, v20;
	_ =	sdelay $0x1  }
0x1fd: {  	v0 =	vadd.f32 v0, v33;
	_ =	sdelay $0x1  }
0x1fe: {  	v0 =	vmul.f32 v0, v32;
	_ =	sdelay $0x1  }
0x1ff: {  	[tilespmem:s13+$0x4580] =	vst v0  }
0x200: {  	v0 =	vld [tilespmem:$0x4410];
	_ =	sdelay $0x1  }
0x201: {  	v34 =	vld [tilespmem:s13+$0x110]  }
0x202: {  	v35 =	vmul.f32 $5.000000000e-01, v19;
	_ =	sdelay $0x1  }
0x203: {  	v0 =	vadd.f32 v0, v35;
	_ =	sdelay $0x1  }
0x204: {  	v0 =	vmul.f32 v0, v34;
	_ =	sdelay $0x1  }
0x205: {  	[tilespmem:s13+$0x4590] =	vst v0  }
0x206: {  	v0 =	vld [tilespmem:$0x4420];
	_ =	sdelay $0x1  }
0x207: {  	v36 =	vld [tilespmem:s13+$0x120]  }
0x208: {  	v37 =	vmul.f32 $5.000000000e-01, v18;
	_ =	sdelay $0x1  }
0x209: {  	v0 =	vadd.f32 v0, v37;
	_ =	sdelay $0x1  }
0x20a: {  	v0 =	vmul.f32 v0, v36;
	_ =	sdelay $0x1  }
0x20b: {  	[tilespmem:s13+$0x45A0] =	vst v0  }
0x20c: {  	v0 =	vld [tilespmem:$0x4430];
	_ =	sdelay $0x1  }
0x20d: {  	v38 =	vld [tilespmem:s13+$0x130]  }
0x20e: {  	v39 =	vmul.f32 $5.000000000e-01, v17;
	_ =	sdelay $0x1  }
0x20f: {  	v0 =	vadd.f32 v0, v39;
	_ =	sdelay $0x1  }
0x210: {  	v0 =	vmul.f32 v0, v38;
	_ =	sdelay $0x1  }
0x211: {  	[tilespmem:s13+$0x45B0] =	vst v0  }
0x212: {  	v0 =	vld [tilespmem:$0x4440];
	_ =	sdelay $0x1  }
0x213: {  	v40 =	vld [tilespmem:s13+$0x140]  }
0x214: {  	v41 =	vmul.f32 $5.000000000e-01, v16;
	_ =	sdelay $0x1  }
0x215: {  	v0 =	vadd.f32 v0, v41;
	_ =	sdelay $0x1  }
0x216: {  	v0 =	vmul.f32 v0, v40;
	_ =	sdelay $0x1  }
0x217: {  	[tilespmem:s13+$0x45C0] =	vst v0  }
0x218: {  	v0 =	vld [tilespmem:$0x4450];
	_ =	sdelay $0x1  }
0x219: {  	v42 =	vld [tilespmem:s13+$0x150]  }
0x21a: {  	v43 =	vmul.f32 $5.000000000e-01, v15;
	_ =	sdelay $0x1  }
0x21b: {  	v0 =	vadd.f32 v0, v43;
	_ =	sdelay $0x1  }
0x21c: {  	v0 =	vmul.f32 v0, v42;
	_ =	sdelay $0x1  }
0x21d: {  	[tilespmem:s13+$0x45D0] =	vst v0  }
0x21e: {  	v0 =	vld [tilespmem:$0x4460];
	_ =	sdelay $0x1  }
0x21f: {  	v44 =	vld [tilespmem:s13+$0x160]  }
0x220: {  	v45 =	vmul.f32 $5.000000000e-01, v14;
	_ =	sdelay $0x1  }
0x221: {  	v0 =	vadd.f32 v0, v45;
	_ =	sdelay $0x1  }
0x222: {  	v0 =	vmul.f32 v0, v44;
	_ =	sdelay $0x1  }
0x223: {  	[tilespmem:s13+$0x45E0] =	vst v0  }
0x224: {  	v0 =	vld [tilespmem:$0x4470];
	_ =	sdelay $0x1  }
0x225: {  	v46 =	vld [tilespmem:s13+$0x170]  }
0x226: {  	v47 =	vmul.f32 $5.000000000e-01, v13;
	_ =	sdelay $0x1  }
0x227: {  	v0 =	vadd.f32 v0, v47;
	_ =	sdelay $0x1  }
0x228: {  	v0 =	vmul.f32 v0, v46;
	_ =	sdelay $0x1  }
0x229: {  	[tilespmem:s13+$0x45F0] =	vst v0  }
0x22a: {  	v0 =	vld [tilespmem:$0x4400];
	_ =	sdelay $0x1  }
0x22b: {  	v48 =	vld [tilespmem:s13+$0x180]  }
0x22c: {  	v49 =	vmul.f32 $5.000000000e-01, v12;
	_ =	sdelay $0x1  }
0x22d: {  	v0 =	vadd.f32 v0, v49;
	_ =	sdelay $0x1  }
0x22e: {  	v0 =	vmul.f32 v0, v48;
	_ =	sdelay $0x1  }
0x22f: {  	[tilespmem:s13+$0x4600] =	vst v0  }
0x230: {  	v0 =	vld [tilespmem:$0x4410];
	_ =	sdelay $0x1  }
0x231: {  	v50 =	vld [tilespmem:s13+$0x190]  }
0x232: {  	v51 =	vmul.f32 $5.000000000e-01, v11;
	_ =	sdelay $0x1  }
0x233: {  	v0 =	vadd.f32 v0, v51;
	_ =	sdelay $0x1  }
0x234: {  	v0 =	vmul.f32 v0, v50;
	_ =	sdelay $0x1  }
0x235: {  	[tilespmem:s13+$0x4610] =	vst v0  }
0x236: {  	v0 =	vld [tilespmem:$0x4420];
	_ =	sdelay $0x1  }
0x237: {  	v52 =	vld [tilespmem:s13+$0x1A0]  }
0x238: {  	v53 =	vmul.f32 $5.000000000e-01, v10;
	_ =	sdelay $0x1  }
0x239: {  	v0 =	vadd.f32 v0, v53;
	_ =	sdelay $0x1  }
0x23a: {  	v0 =	vmul.f32 v0, v52;
	_ =	sdelay $0x1  }
0x23b: {  	[tilespmem:s13+$0x4620] =	vst v0  }
0x23c: {  	v0 =	vld [tilespmem:$0x4430];
	_ =	sdelay $0x1  }
0x23d: {  	v54 =	vld [tilespmem:s13+$0x1B0]  }
0x23e: {  	v55 =	vmul.f32 $5.000000000e-01, v9;
	_ =	sdelay $0x1  }
0x23f: {  	v0 =	vadd.f32 v0, v55;
	_ =	sdelay $0x1  }
0x240: {  	v0 =	vmul.f32 v0, v54;
	_ =	sdelay $0x1  }
0x241: {  	[tilespmem:s13+$0x4630] =	vst v0  }
0x242: {  	v0 =	vld [tilespmem:$0x4440];
	_ =	sdelay $0x1  }
0x243: {  	v56 =	vld [tilespmem:s13+$0x1C0]  }
0x244: {  	v57 =	vmul.f32 $5.000000000e-01, v8;
	_ =	sdelay $0x1  }
0x245: {  	v0 =	vadd.f32 v0, v57;
	_ =	sdelay $0x1  }
0x246: {  	v0 =	vmul.f32 v0, v56;
	_ =	sdelay $0x1  }
0x247: {  	[tilespmem:s13+$0x4640] =	vst v0  }
0x248: {  	v0 =	vld [tilespmem:$0x4450];
	_ =	sdelay $0x1  }
0x249: {  	v58 =	vld [tilespmem:s13+$0x1D0]  }
0x24a: {  	v59 =	vmul.f32 $5.000000000e-01, v7;
	_ =	sdelay $0x1  }
0x24b: {  	v0 =	vadd.f32 v0, v59;
	_ =	sdelay $0x1  }
0x24c: {  	v0 =	vmul.f32 v0, v58;
	_ =	sdelay $0x1  }
0x24d: {  	[tilespmem:s13+$0x4650] =	vst v0  }
0x24e: {  	v0 =	vld [tilespmem:$0x4460];
	_ =	sdelay $0x1  }
0x24f: {  	v60 =	vld [tilespmem:s13+$0x1E0]  }
0x250: {  	v61 =	vmul.f32 $5.000000000e-01, v6;
	_ =	sdelay $0x1  }
0x251: {  	v0 =	vadd.f32 v0, v61;
	_ =	sdelay $0x1  }
0x252: {  	v0 =	vmul.f32 v0, v60;
	_ =	sdelay $0x1  }
0x253: {  	[tilespmem:s13+$0x4660] =	vst v0  }
0x254: {  	v0 =	vld [tilespmem:$0x4470];
	_ =	sdelay $0x1  }
0x255: {  	v62 =	vld [tilespmem:s13+$0x1F0]  }
0x256: {  	v63 =	vmul.f32 $5.000000000e-01, v5;
	_ =	sdelay $0x1  }
.Ltmp1:
0x257: {  	v0 =	vadd.f32 v0, v63;
	(pc) =	sbr.rel @p0 .LBB2_2-.Ltmp1, $3  }
0x258: {  	_ = 	snop  }
0x259: {  	v0 =	vmul.f32 v0, v62;
	_ =	sdelay $0x1  }
0x25a: {  	p1 =	por $0x0, $0x0;
	[tilespmem:s13+$0x4670] =	vst v0;
	s13 =	simm.s32 $0x1  }
0x25b: {  	s12 =	sadd.s32 $0x1, s12  }
0x25c: {  	p0 =	sne.s32 s12, s7  }
.Ltmp2:
0x25d: {  	_ = 	snop;
	(pc) =	sbr.rel @p0 .LBB2_1-.Ltmp2, $4  }
0x25e: {  	[hbm4b:s6+s3] =	stream.linear.scatter [tilespmem:s11], [sflag:$0x1], $0x400, $0x38;
	[tilespmem:$0x4880] =	vst v63  }
0x25f: {  	_ =	swait.ge [sflag:s8], $0x400  }
0x260: {  	[sflag:s8] =	ssyncset.done $0x0  }
0x261: {  	[sflag:s8] =	ssyncadd.s32 $0xFFFFFC00  }
0x262: {  	_ =	sfence.sel $0x180000  }
0x263: {  	[bflag:$0x0] =	sbarrier.arrive $0xFFFF  }
0x264: {  	p0 =	sne.s32 s2, $0x0;
	_ =	strace $0x90000047  }
0x265: {  	s0 =	sadd.s32 @!p0 $0x100000, s0;
	[bflag:$0x2] =	sbarrier.arrive $0xFFFF  }
0x266: {  	[sflag:s0] =	ssyncadd.tile.s32 @!p0 $0x1;
	_ =	shalt  }
.Lfunc_end2:
_tile_overlayer_lowered:
.L_overlay_start_2:
0x267: {  	(tag) =	ssettag $0x2  }
0x268: {  	s0 =	rddreg [dreg:$0x0];
	s2 =	stileid.u32  }
0x269: {  	s1 =	rddreg [dreg:$0x1];
	p0 =	sne.s32 s2, $0x0  }
0x26a: {  	s3 =	rddreg [dreg:$0x2];
	[bflag:$0x3] =	sbarrier.arrive $0xFFFF;
	s2 =	simm.s32 @!p0 $0x1C01  }
0x26b: {  	[timem:s3], [sflag:s2] =	dma.local @!p0 [hbm:s0], s1  }
0x26c: {  	s0 =	simm.s32 @!p0 $0x1  }
0x26d: {  	_ =	swait.ge @!p0 [sflag:s0], s1  }
0x26e: {  	s1 =	ssub.s32 @!p0 $0x0, s1;
	[sflag:s0] =	ssyncset.done @!p0 $0x0  }
0x26f: {  	[sflag:s0] =	ssyncadd.s32 @!p0 s1  }
0x270: {  	[bflag:$0x3] =	sbarrier.arrive $0xFFFF  }
0x271: {  	_ =	shalt  }

</sc_bundles>
